<compile_context>
chip_gen: v7x
topology: tpu7x:2x2x1
jax: 0.10.2.dev20260603
libtpu: 0.0.44.dev20260713+nightly
codegen_flags: <defaults>
</compile_context>

<pallas_src>
import functools

import jax
import jax.numpy as jnp
from jax import lax
from jax.experimental import pallas as pl
from jax.experimental.pallas import tpu as pltpu
from jax.experimental.pallas import tpu_sc as plsc

N = 10000
E = 320000
D_IN = 128
D_HID = 256
D_OUT = 128

NPAD = 10240
NC, NS, L = 2, 16, 16
CH = 128
EPAD = 327680
CPT = EPAD // (NS * CH)
CPT_DEG = EPAD // (NC * NS * CH)
PAD_COL = N + 100
RPT = NPAD // NS

_mesh = plsc.VectorSubcoreMesh(core_axis_name="c", subcore_axis_name="s")


@functools.partial(
    pl.kernel,
    out_type=jax.ShapeDtypeStruct((NC * NPAD,), jnp.float32),
    mesh=_mesh,
    scratch_types=[
        pltpu.VMEM((CPT_DEG, CH), jnp.int32),
        pltpu.VMEM((CH,), jnp.float32),
        pltpu.VMEM((RPT,), jnp.float32),
        pltpu.VMEM_SHARED((NPAD,), jnp.float32),
    ],
    compiler_params=pltpu.CompilerParams(use_tc_tiling_on_sc=False),
)
def _deg_kernel(col_h, deg_h, icol, ones, zb, acc):
    c = lax.axis_index("c")
    s = lax.axis_index("s")

    def zf(i, _):
        zb[pl.ds(i * L, L)] = jnp.zeros((L,), jnp.float32)
        return 0

    lax.fori_loop(0, RPT // L, zf, 0)

    def of(i, _):
        ones[pl.ds(i * L, L)] = jnp.ones((L,), jnp.float32)
        return 0

    lax.fori_loop(0, CH // L, of, 0)

    pltpu.sync_copy(zb, acc.at[pl.ds(s * RPT, RPT)])
    plsc.subcore_barrier()

    t = c * NS + s
    pltpu.sync_copy(col_h.at[t], icol)

    def body(j, _):
        pltpu.sync_copy(ones, acc.at[icol.at[j]], add=True)
        return 0

    lax.fori_loop(0, CPT_DEG, body, 0)
    plsc.subcore_barrier()
    pltpu.sync_copy(acc.at[pl.ds(s * RPT, RPT)],
                    deg_h.at[pl.ds(c * NPAD + s * RPT, RPT)])


def _make_scatter(dh):

    @functools.partial(
        pl.kernel,
        out_type=jax.ShapeDtypeStruct((NC * NPAD, dh), jnp.float32),
        mesh=_mesh,
        scratch_types=[
            pltpu.VMEM((CPT, CH), jnp.int32),
            pltpu.VMEM((CPT, CH), jnp.int32),
            pltpu.VMEM((4, CH, dh), jnp.float32),
            pltpu.VMEM((64, dh), jnp.float32),
            pltpu.VMEM_SHARED((NPAD, dh), jnp.float32),
            pltpu.SemaphoreType.DMA,
            pltpu.SemaphoreType.DMA,
            pltpu.SemaphoreType.DMA,
            pltpu.SemaphoreType.DMA,
        ],
        compiler_params=pltpu.CompilerParams(use_tc_tiling_on_sc=False),
    )
    def _scat(zt_h, rowa_h, rowb_h, col_h, agg_h,
              irow, icol, gbuf, zb, acc, sem0, sem1, sem2, sem3):
        c = lax.axis_index("c")
        s = lax.axis_index("s")

        kk = dh // L

        def zf(i, _):
            zb[i // kk, pl.ds((i % kk) * L, L)] = jnp.zeros((L,), jnp.float32)
            return 0

        lax.fori_loop(0, 64 * kk, zf, 0)
        for k in range(RPT // 64):
            pltpu.sync_copy(zb, acc.at[pl.ds(s * RPT + k * 64, 64)])
        plsc.subcore_barrier()

        pltpu.sync_copy(col_h.at[s], icol)

        @pl.when(c == 0)
        def _():
            pltpu.sync_copy(rowa_h.at[s], irow)

        @pl.when(c != 0)
        def _():
            pltpu.sync_copy(rowb_h.at[s], irow)

        sems = (sem0, sem1, sem2, sem3)
        for b in range(4):
            pltpu.async_copy(zt_h.at[irow.at[b]], gbuf.at[b], sems[b])

        def body(it, _):
            for b in range(4):
                jj = it * 4 + b
                sem = sems[b]
                pltpu.make_async_copy(zt_h.at[irow.at[jj]], gbuf.at[b], sem).wait()
                pltpu.sync_copy(gbuf.at[b], acc.at[icol.at[jj]], add=True)

                @pl.when(jj + 4 < CPT)
                def _():
                    pltpu.async_copy(zt_h.at[irow.at[jj + 4]], gbuf.at[b], sem)

            return 0

        lax.fori_loop(0, CPT // 4, body, 0)
        plsc.subcore_barrier()
        pltpu.sync_copy(acc.at[pl.ds(s * RPT, RPT)],
                        agg_h.at[pl.ds(c * NPAD + s * RPT, RPT)])

    return _scat


_scatter64 = _make_scatter(64)


MB = 1024
G = NPAD // MB


def _tc1_body(x_ref, d0_ref, d1_ref, w_ref, z_ref, dv_ref):
    deg = d0_ref[...] + d1_ref[...] + 1.0
    dv = lax.rsqrt(deg)
    xs = x_ref[...] * dv
    z = jnp.dot(xs, w_ref[...], preferred_element_type=jnp.float32)
    for q in range(4):
        z_ref[q] = z[:, q * 64:(q + 1) * 64]
    dv_ref[...] = dv


def _tc1(x_pad, d0, d1, w1):
    return pl.pallas_call(
        _tc1_body,
        grid=(G,),
        in_specs=[
            pl.BlockSpec((MB, D_IN), lambda i: (i, 0)),
            pl.BlockSpec((MB, 1), lambda i: (i, 0)),
            pl.BlockSpec((MB, 1), lambda i: (i, 0)),
            pl.BlockSpec((D_IN, D_HID), lambda i: (0, 0)),
        ],
        out_specs=[
            pl.BlockSpec((4, MB, 64), lambda i: (0, i, 0)),
            pl.BlockSpec((MB, 1), lambda i: (i, 0)),
        ],
        out_shape=[
            jax.ShapeDtypeStruct((4, NPAD, 64), jnp.float32),
            jax.ShapeDtypeStruct((NPAD, 1), jnp.float32),
        ],
    )(x_pad, d0, d1, w1)


def _tc2_body(a01_ref, a23_ref, z_ref, dv_ref, b1_ref, w_ref, o_ref):
    dv = dv_ref[...]
    ts = []
    for q in range(4):
        a = a01_ref[q] if q < 2 else a23_ref[q - 2]
        ts.append(jnp.maximum((a + z_ref[q]) * dv + b1_ref[q, :][None, :], 0.0))
    hcat = jnp.concatenate(ts, axis=1)
    u = jnp.dot(hcat, w_ref[...], preferred_element_type=jnp.float32)
    zz = u * dv
    o_ref[0] = zz[:, : D_OUT // 2]
    o_ref[1] = zz[:, D_OUT // 2:]


def _tc2(agg_a, agg_b, z1s, dinv, b1r, w2):
    return pl.pallas_call(
        _tc2_body,
        grid=(G,),
        in_specs=[
            pl.BlockSpec((2, MB, 64), lambda i: (0, i, 0)),
            pl.BlockSpec((2, MB, 64), lambda i: (0, i, 0)),
            pl.BlockSpec((4, MB, 64), lambda i: (0, i, 0)),
            pl.BlockSpec((MB, 1), lambda i: (i, 0)),
            pl.BlockSpec((4, 64), lambda i: (0, 0)),
            pl.BlockSpec((D_HID, D_OUT), lambda i: (0, 0)),
        ],
        out_specs=pl.BlockSpec((2, MB, D_OUT // 2), lambda i: (0, i, 0)),
        out_shape=jax.ShapeDtypeStruct((2, NPAD, D_OUT // 2), jnp.float32),
    )(agg_a, agg_b, z1s, dinv, b1r, w2)


def _tc3_body(a_ref, z_ref, dv_ref, b2_ref, y_ref):
    dv = dv_ref[...]
    y0 = (a_ref[0] + z_ref[0]) * dv + b2_ref[0, :][None, :]
    y1 = (a_ref[1] + z_ref[1]) * dv + b2_ref[1, :][None, :]
    y_ref[...] = jnp.concatenate([y0, y1], axis=1)


def _tc3(agg2, z2s, dinv, b2r):
    return pl.pallas_call(
        _tc3_body,
        grid=(G,),
        in_specs=[
            pl.BlockSpec((2, MB, D_OUT // 2), lambda i: (0, i, 0)),
            pl.BlockSpec((2, MB, D_OUT // 2), lambda i: (0, i, 0)),
            pl.BlockSpec((MB, 1), lambda i: (i, 0)),
            pl.BlockSpec((2, D_OUT // 2), lambda i: (0, 0)),
        ],
        out_specs=pl.BlockSpec((MB, D_OUT), lambda i: (i, 0)),
        out_shape=jax.ShapeDtypeStruct((NPAD, D_OUT), jnp.float32),
    )(agg2, z2s, dinv, b2r)


def kernel(x, edge_index, W1, b1, W2, b2):
    row = edge_index[0].astype(jnp.int32)
    col = edge_index[1].astype(jnp.int32)
    npad_e = EPAD - E
    row_p = jnp.concatenate([row, jnp.zeros((npad_e,), jnp.int32)])
    col_p = jnp.concatenate([col, jnp.full((npad_e,), PAD_COL, jnp.int32)])
    rowb_p = row_p + NPAD

    col_deg = col_p.reshape(NC * NS, CPT_DEG, CH)
    row_sc = row_p.reshape(NS, CPT, CH)
    rowb_sc = rowb_p.reshape(NS, CPT, CH)
    col_sc = col_p.reshape(NS, CPT, CH)

    x_pad = jnp.pad(x, ((0, NPAD - N), (0, 0)))
    b1r = b1.reshape(4, 64)
    b2r = b2.reshape(2, D_OUT // 2)

    degp = _deg_kernel(col_deg)
    d0 = degp[:NPAD].reshape(NPAD, 1)
    d1 = degp[NPAD:].reshape(NPAD, 1)

    z1s, dinv = _tc1(x_pad, d0, d1, W1)
    agg_a = _scatter64(z1s[:2].reshape(NC * NPAD, 64),
                       row_sc, rowb_sc, col_sc)
    agg_b = _scatter64(z1s[2:].reshape(NC * NPAD, 64),
                       row_sc, rowb_sc, col_sc)
    z2s = _tc2(agg_a.reshape(NC, NPAD, 64), agg_b.reshape(NC, NPAD, 64),
               z1s, dinv, b1r, W2)
    agg2 = _scatter64(z2s.reshape(NC * NPAD, D_OUT // 2),
                      row_sc, rowb_sc, col_sc)
    y = _tc3(agg2.reshape(NC, NPAD, D_OUT // 2), z2s, dinv, b2r)
    return y[:N]

# --- scband reference (transcript-rebuilt; emitter-appended) ---
"""Pipeline reference for scband-gcncluster-29137058136185 (READ-ONLY COPY).

The authoritative reference and input builder live on the scoring server;
editing this copy changes nothing except your own understanding.
"""

import jax, jax.numpy as jnp
import numpy as np

N_NODES = 10000
N_EDGES = 320000
D_IN = 128
D_HID = 256
D_OUT = 128


def setup_inputs(seed: int = 0) -> dict:
    key = jax.random.key(seed)
    k1, k2, k3, k4, k5, k6 = jax.random.split(key, 6)
    x = jax.random.normal(k1, (N_NODES, D_IN), dtype=jnp.float32)
    edge_index = jax.random.randint(k2, (2, N_EDGES), 0, N_NODES, dtype=jnp.int64)
    # Glorot-style init for GCNConv linear weights (lin has bias=False; bias is separate, zero-init in PyG)
    s1 = float(np.sqrt(6.0 / (D_IN + D_HID)))
    W1 = jax.random.uniform(k3, (D_IN, D_HID), minval=-s1, maxval=s1, dtype=jnp.float32)
    b1 = jnp.zeros((D_HID,), dtype=jnp.float32)
    s2 = float(np.sqrt(6.0 / (D_HID + D_OUT)))
    W2 = jax.random.uniform(k4, (D_HID, D_OUT), minval=-s2, maxval=s2, dtype=jnp.float32)
    b2 = jnp.zeros((D_OUT,), dtype=jnp.float32)
    return {"x": x, "edge_index": edge_index, "W1": W1, "b1": b1, "W2": W2, "b2": b2}


def _gcn_conv(x, edge_index, W, b):
    # Faithful PyG GCNConv: add self-loops, symmetric normalization, aggregate, add bias
    n = x.shape[0]
    loop = jnp.arange(n, dtype=edge_index.dtype)
    row = jnp.concatenate([edge_index[0], loop])
    col = jnp.concatenate([edge_index[1], loop])
    ew = jnp.ones(row.shape[0], dtype=x.dtype)
    deg = jax.ops.segment_sum(ew, col, num_segments=n)
    deg_inv_sqrt = jnp.where(deg > 0, jax.lax.rsqrt(jnp.where(deg > 0, deg, 1.0)), 0.0)
    norm = deg_inv_sqrt[row] * deg_inv_sqrt[col]
    xw = x @ W
    msgs = norm[:, None] * jnp.take(xw, row, axis=0)
    out = jax.ops.segment_sum(msgs, col, num_segments=n)
    return out + b


def reference(x, edge_index, W1, b1, W2, b2):
    y = _gcn_conv(x, edge_index, W1, b1)
    y = jax.nn.relu(y)
    y = _gcn_conv(y, edge_index, W2, b2)
    return y

if __name__ == "__main__":
    import jax
    _d = setup_inputs()
    print(jax.jit(kernel)(*tuple(_d.values())))

</pallas_src>

<mosaic_0001>
#map = affine_map<(d0, d1) -> (0, 0, 0)>
#map1 = affine_map<(d0, d1) -> (0)>
module attributes {stable_mosaic.version = 14 : i64} {
  func.func @_deg_kernel(%arg0: i32, %arg1: i32, %arg2: memref<32x80x128xi32, #tpu.memory_space<hbm>>, %arg3: memref<20480xf32, #tpu.memory_space<hbm>>, %arg4: memref<80x128xi32, #tpu.memory_space<vmem>>, %arg5: memref<128xf32, #tpu.memory_space<vmem>>, %arg6: memref<640xf32, #tpu.memory_space<vmem>>, %arg7: memref<10240xf32, #tpu.memory_space<vmem_shared>>) attributes {dimension_semantics = [#tpu.dimension_semantics<core_parallel>, #tpu.dimension_semantics<subcore_parallel>], iteration_bounds = array<i64: 2, 16>, scalar_prefetch = 0 : i64, scratch_operands = 4 : i64, tpu.core_type = #tpu.core_type<sc_vector_subcore>, window_params = [{transform_indices = #map}, {transform_indices = #map1}]} {
    %scan3A = arith.constant 0 : i32
    %scan3A_0 = arith.constant 0 : i32
    %scan3A_1 = arith.constant 40 : i32
    %scan3A_2 = arith.addi %scan3A_0, %scan3A_1 : i32
    %scan3A_3 = arith.constant 1 : i32
    %scan3A_4 = scf.for %scan3A_31 = %scan3A_0 to %scan3A_2 step %scan3A_3 iter_args(%scan3A_32 = %scan3A) -> (i32)  : i32 {
      %broadcast_in_dim3A = arith.constant 0.000000e+00 : f32
      %broadcast_in_dim3A_33 = vector.broadcast %broadcast_in_dim3A : f32 to vector<16xf32>
      %mul3A_34 = arith.constant 16 : i32
      %mul3A_35 = arith.muli %scan3A_31, %mul3A_34 : i32
      %swap3A = arith.index_cast %mul3A_35 : i32 to index
      %swap3A_36 = tpu.vector_load %arg6[%swap3A] {strides = array<i32>} : memref<640xf32, #tpu.memory_space<vmem>>, vector<16xf32>,
      %swap3A_37 = vector.shape_cast %swap3A_36 : vector<16xf32> to vector<16xf32>
      %swap3A_38 = vector.shape_cast %broadcast_in_dim3A_33 : vector<16xf32> to vector<16xf32>
      tpu.vector_store %arg6[%swap3A], %swap3A_38 {strides = array<i32>} : memref<640xf32, #tpu.memory_space<vmem>>, vector<16xf32>,
      %scan3A_39 = arith.constant 0 : i32
      scf.yield %scan3A_39 : i32
    }
    %scan3A_5 = arith.constant 40 : i32
    %scan3A_6 = arith.constant 0 : i32
    %scan3A_7 = arith.constant 0 : i32
    %scan3A_8 = arith.constant 8 : i32
    %scan3A_9 = arith.addi %scan3A_7, %scan3A_8 : i32
    %scan3A_10 = arith.constant 1 : i32
    %scan3A_11 = scf.for %scan3A_31 = %scan3A_7 to %scan3A_9 step %scan3A_10 iter_args(%scan3A_32 = %scan3A_6) -> (i32)  : i32 {
      %broadcast_in_dim3A = arith.constant 1.000000e+00 : f32
      %broadcast_in_dim3A_33 = vector.broadcast %broadcast_in_dim3A : f32 to vector<16xf32>
      %mul3A_34 = arith.constant 16 : i32
      %mul3A_35 = arith.muli %scan3A_31, %mul3A_34 : i32
      %swap3A = arith.index_cast %mul3A_35 : i32 to index
      %swap3A_36 = tpu.vector_load %arg5[%swap3A] {strides = array<i32>} : memref<128xf32, #tpu.memory_space<vmem>>, vector<16xf32>,
      %swap3A_37 = vector.shape_cast %swap3A_36 : vector<16xf32> to vector<16xf32>
      %swap3A_38 = vector.shape_cast %broadcast_in_dim3A_33 : vector<16xf32> to vector<16xf32>
      tpu.vector_store %arg5[%swap3A], %swap3A_38 {strides = array<i32>} : memref<128xf32, #tpu.memory_space<vmem>>, vector<16xf32>,
      %scan3A_39 = arith.constant 0 : i32
      scf.yield %scan3A_39 : i32
    }
    %scan3A_12 = arith.constant 8 : i32
    %mul3A = arith.constant 640 : i32
    %mul3A_13 = arith.muli %arg1, %mul3A : i32
    "tpu.region"() ({
      %run_scoped3A = tpu.sem_alloc : memref<!tpu.dma_semaphore, #tpu.memory_space<semaphore_mem>>
      %dma_start3A = tpu.memref_slice %arg7[%mul3A_13] : memref<10240xf32, #tpu.memory_space<vmem_shared>> -> memref<640xf32, #tpu.memory_space<vmem_shared>>
      %dma_start3A_31 = tpu.memref_slice %arg7[%mul3A_13] : memref<10240xf32, #tpu.memory_space<vmem_shared>> -> memref<640xf32, #tpu.memory_space<vmem_shared>>
      tpu.enqueue_dma source(%arg6 : memref<640xf32, #tpu.memory_space<vmem>>) target(%dma_start3A_31 : memref<640xf32, #tpu.memory_space<vmem_shared>>) target_semaphore(%run_scoped3A : memref<!tpu.dma_semaphore, #tpu.memory_space<semaphore_mem>>)
      %dma_wait3A = tpu.memref_slice %arg7[%mul3A_13] : memref<10240xf32, #tpu.memory_space<vmem_shared>> -> memref<640xf32, #tpu.memory_space<vmem_shared>>
      %dma_wait3A_32 = tpu.memref_slice %arg7[%mul3A_13] : memref<10240xf32, #tpu.memory_space<vmem_shared>> -> memref<640xf32, #tpu.memory_space<vmem_shared>>
      tpu.wait_dma2 semaphore(%run_scoped3A : memref<!tpu.dma_semaphore, #tpu.memory_space<semaphore_mem>>) src(%arg6 : memref<640xf32, #tpu.memory_space<vmem>>) dst(%dma_wait3A_32 : memref<640xf32, #tpu.memory_space<vmem_shared>>)
      tpu.yield
    }) : () -> ()
    %barrier3A = arith.constant 0 : index
    tpu.barrier barrier_id(%barrier3A)
    %mul3A_14 = arith.constant 16 : i32
    %mul3A_15 = arith.muli %arg0, %mul3A_14 : i32
    %add3A = arith.addi %mul3A_15, %arg1 : i32
    "tpu.region"() ({
      %run_scoped3A = tpu.sem_alloc : memref<!tpu.dma_semaphore, #tpu.memory_space<semaphore_mem>>
      %dma_start3A = arith.constant 0 : i32
      %dma_start3A_31 = arith.constant 0 : i32
      %dma_start3A_32 = tpu.memref_slice %arg2[%add3A, %dma_start3A, %dma_start3A_31] : memref<32x80x128xi32, #tpu.memory_space<hbm>> -> memref<1x80x128xi32, #tpu.memory_space<hbm>>
      %dma_start3A_33 = tpu.memref_squeeze %dma_start3A_32 : memref<1x80x128xi32, #tpu.memory_space<hbm>> -> memref<80x128xi32, #tpu.memory_space<hbm>>
      %dma_start3A_34 = arith.constant 0 : i32
      %dma_start3A_35 = arith.constant 0 : i32
      %dma_start3A_36 = tpu.memref_slice %arg2[%add3A, %dma_start3A_34, %dma_start3A_35] : memref<32x80x128xi32, #tpu.memory_space<hbm>> -> memref<1x80x128xi32, #tpu.memory_space<hbm>>
      %dma_start3A_37 = tpu.memref_squeeze %dma_start3A_36 : memref<1x80x128xi32, #tpu.memory_space<hbm>> -> memref<80x128xi32, #tpu.memory_space<hbm>>
      tpu.enqueue_dma source(%dma_start3A_37 : memref<80x128xi32, #tpu.memory_space<hbm>>) target(%arg4 : memref<80x128xi32, #tpu.memory_space<vmem>>) target_semaphore(%run_scoped3A : memref<!tpu.dma_semaphore, #tpu.memory_space<semaphore_mem>>)
      %dma_wait3A = arith.constant 0 : i32
      %dma_wait3A_38 = arith.constant 0 : i32
      %dma_wait3A_39 = tpu.memref_slice %arg2[%add3A, %dma_wait3A, %dma_wait3A_38] : memref<32x80x128xi32, #tpu.memory_space<hbm>> -> memref<1x80x128xi32, #tpu.memory_space<hbm>>
      %dma_wait3A_40 = tpu.memref_squeeze %dma_wait3A_39 : memref<1x80x128xi32, #tpu.memory_space<hbm>> -> memref<80x128xi32, #tpu.memory_space<hbm>>
      %dma_wait3A_41 = arith.constant 0 : i32
      %dma_wait3A_42 = arith.constant 0 : i32
      %dma_wait3A_43 = tpu.memref_slice %arg2[%add3A, %dma_wait3A_41, %dma_wait3A_42] : memref<32x80x128xi32, #tpu.memory_space<hbm>> -> memref<1x80x128xi32, #tpu.memory_space<hbm>>
      %dma_wait3A_44 = tpu.memref_squeeze %dma_wait3A_43 : memref<1x80x128xi32, #tpu.memory_space<hbm>> -> memref<80x128xi32, #tpu.memory_space<hbm>>
      tpu.wait_dma2 semaphore(%run_scoped3A : memref<!tpu.dma_semaphore, #tpu.memory_space<semaphore_mem>>) src(%dma_wait3A_44 : memref<80x128xi32, #tpu.memory_space<hbm>>) dst(%arg4 : memref<80x128xi32, #tpu.memory_space<vmem>>)
      tpu.yield
    }) : () -> ()
    %scan3A_16 = arith.constant 0 : i32
    %scan3A_17 = arith.constant 0 : i32
    %scan3A_18 = arith.constant 80 : i32
    %scan3A_19 = arith.addi %scan3A_17, %scan3A_18 : i32
    %scan3A_20 = arith.constant 1 : i32
    %scan3A_21 = scf.for %scan3A_31 = %scan3A_17 to %scan3A_19 step %scan3A_20 iter_args(%scan3A_32 = %scan3A_16) -> (i32)  : i32 {
      "tpu.region"() ({
        %run_scoped3A = tpu.sem_alloc : memref<!tpu.dma_semaphore, #tpu.memory_space<semaphore_mem>>
        %dma_start3A = arith.constant 0 : i32
        %dma_start3A_34 = tpu.memref_slice %arg4[%scan3A_31, %dma_start3A] : memref<80x128xi32, #tpu.memory_space<vmem>> -> memref<1x128xi32, #tpu.memory_space<vmem>>
        %dma_start3A_35 = tpu.memref_squeeze %dma_start3A_34 : memref<1x128xi32, #tpu.memory_space<vmem>> -> memref<128xi32, #tpu.memory_space<vmem>>
        %dma_start3A_36 = arith.constant 0 : i32
        %dma_start3A_37 = tpu.memref_slice %arg7[%dma_start3A_36] : memref<10240xf32, #tpu.memory_space<vmem_shared>> -> memref<10240xf32, #tpu.memory_space<vmem_shared>>
        tpu.enqueue_indirect_dma source(%arg5 : memref<128xf32, #tpu.memory_space<vmem>>) target(%dma_start3A_37 : memref<10240xf32, #tpu.memory_space<vmem_shared>>) offsets(%dma_start3A_35 : memref<128xi32, #tpu.memory_space<vmem>>) semaphore(%run_scoped3A : memref<!tpu.dma_semaphore, #tpu.memory_space<semaphore_mem>>) {add = true}
        %dma_wait3A = arith.constant 0 : i32
        %dma_wait3A_38 = tpu.memref_slice %arg4[%scan3A_31, %dma_wait3A] : memref<80x128xi32, #tpu.memory_space<vmem>> -> memref<1x128xi32, #tpu.memory_space<vmem>>
        %dma_wait3A_39 = tpu.memref_squeeze %dma_wait3A_38 : memref<1x128xi32, #tpu.memory_space<vmem>> -> memref<128xi32, #tpu.memory_space<vmem>>
        %dma_wait3A_40 = arith.constant 0 : i32
        %dma_wait3A_41 = tpu.memref_slice %arg7[%dma_wait3A_40] : memref<10240xf32, #tpu.memory_space<vmem_shared>> -> memref<10240xf32, #tpu.memory_space<vmem_shared>>
        tpu.wait_indirect_dma semaphore(%run_scoped3A : memref<!tpu.dma_semaphore, #tpu.memory_space<semaphore_mem>>) src(%arg5 : memref<128xf32, #tpu.memory_space<vmem>>) dst(%dma_wait3A_41 : memref<10240xf32, #tpu.memory_space<vmem_shared>>)
        tpu.yield
      }) : () -> ()
      %scan3A_33 = arith.constant 0 : i32
      scf.yield %scan3A_33 : i32
    }
    %scan3A_22 = arith.constant 80 : i32
    %barrier3A_23 = arith.constant 0 : index
    tpu.barrier barrier_id(%barrier3A_23)
    %mul3A_24 = arith.constant 640 : i32
    %mul3A_25 = arith.muli %arg1, %mul3A_24 : i32
    %mul3A_26 = arith.constant 10240 : i32
    %mul3A_27 = arith.muli %arg0, %mul3A_26 : i32
    %mul3A_28 = arith.constant 640 : i32
    %mul3A_29 = arith.muli %arg1, %mul3A_28 : i32
    %add3A_30 = arith.addi %mul3A_27, %mul3A_29 : i32
    "tpu.region"() ({
      %run_scoped3A = tpu.sem_alloc : memref<!tpu.dma_semaphore, #tpu.memory_space<semaphore_mem>>
      %dma_start3A = tpu.memref_slice %arg3[%add3A_30] : memref<20480xf32, #tpu.memory_space<hbm>> -> memref<640xf32, #tpu.memory_space<hbm>>
      %dma_start3A_31 = tpu.memref_slice %arg7[%mul3A_25] : memref<10240xf32, #tpu.memory_space<vmem_shared>> -> memref<640xf32, #tpu.memory_space<vmem_shared>>
      tpu.enqueue_dma source(%dma_start3A_31 : memref<640xf32, #tpu.memory_space<vmem_shared>>) target(%dma_start3A : memref<640xf32, #tpu.memory_space<hbm>>) target_semaphore(%run_scoped3A : memref<!tpu.dma_semaphore, #tpu.memory_space<semaphore_mem>>)
      %dma_wait3A = tpu.memref_slice %arg3[%add3A_30] : memref<20480xf32, #tpu.memory_space<hbm>> -> memref<640xf32, #tpu.memory_space<hbm>>
      %dma_wait3A_32 = tpu.memref_slice %arg7[%mul3A_25] : memref<10240xf32, #tpu.memory_space<vmem_shared>> -> memref<640xf32, #tpu.memory_space<vmem_shared>>
      tpu.wait_dma2 semaphore(%run_scoped3A : memref<!tpu.dma_semaphore, #tpu.memory_space<semaphore_mem>>) src(%dma_wait3A_32 : memref<640xf32, #tpu.memory_space<vmem_shared>>) dst(%dma_wait3A : memref<640xf32, #tpu.memory_space<hbm>>)
      tpu.yield
    }) : () -> ()
    return
  }
}

#map = affine_map<(d0, d1) -> (0, 0)>
#map1 = affine_map<(d0, d1) -> (0, 0, 0)>
module attributes {stable_mosaic.version = 14 : i64} {
  func.func @_scat(%arg0: i32, %arg1: i32, %arg2: memref<20480x64xf32, #tpu.memory_space<hbm>>, %arg3: memref<16x160x128xi32, #tpu.memory_space<hbm>>, %arg4: memref<16x160x128xi32, #tpu.memory_space<hbm>>, %arg5: memref<16x160x128xi32, #tpu.memory_space<hbm>>, %arg6: memref<20480x64xf32, #tpu.memory_space<hbm>>, %arg7: memref<160x128xi32, #tpu.memory_space<vmem>>, %arg8: memref<160x128xi32, #tpu.memory_space<vmem>>, %arg9: memref<4x128x64xf32, #tpu.memory_space<vmem>>, %arg10: memref<64x64xf32, #tpu.memory_space<vmem>>, %arg11: memref<10240x64xf32, #tpu.memory_space<vmem_shared>>, %arg12: memref<!tpu.dma_semaphore, #tpu.memory_space<semaphore_mem>>, %arg13: memref<!tpu.dma_semaphore, #tpu.memory_space<semaphore_mem>>, %arg14: memref<!tpu.dma_semaphore, #tpu.memory_space<semaphore_mem>>, %arg15: memref<!tpu.dma_semaphore, #tpu.memory_space<semaphore_mem>>) attributes {dimension_semantics = [#tpu.dimension_semantics<core_parallel>, #tpu.dimension_semantics<subcore_parallel>], iteration_bounds = array<i64: 2, 16>, scalar_prefetch = 0 : i64, scratch_operands = 9 : i64, tpu.core_type = #tpu.core_type<sc_vector_subcore>, window_params = [{transform_indices = #map}, {transform_indices = #map1}, {transform_indices = #map1}, {transform_indices = #map1}, {transform_indices = #map}]} {
    %scan3A = arith.constant 0 : i32
    %scan3A_0 = arith.constant 0 : i32
    %scan3A_1 = arith.constant 256 : i32
    %scan3A_2 = arith.addi %scan3A_0, %scan3A_1 : i32
    %scan3A_3 = arith.constant 1 : i32
    %scan3A_4 = scf.for %scan3A_112 = %scan3A_0 to %scan3A_2 step %scan3A_3 iter_args(%scan3A_113 = %scan3A) -> (i32)  : i32 {
      %broadcast_in_dim3A = arith.constant 0.000000e+00 : f32
      %broadcast_in_dim3A_114 = vector.broadcast %broadcast_in_dim3A : f32 to vector<16xf32>
      %jit3A = arith.constant 4 : i32
      %div3A = arith.divsi %scan3A_112, %jit3A : i32
      %sign3A = arith.constant 0 : i32
      %sign3A_115 = arith.cmpi sgt, %scan3A_112, %sign3A : i32
      %sign3A_116 = arith.extui %sign3A_115 : i1 to i32
      %sign3A_117 = arith.constant 0 : i32
      %sign3A_118 = arith.cmpi slt, %scan3A_112, %sign3A_117 : i32
      %sign3A_119 = arith.extui %sign3A_118 : i1 to i32
      %sign3A_120 = arith.subi %sign3A_116, %sign3A_119 : i32
      %sign3A_121 = arith.constant 0 : i32
      %sign3A_122 = arith.cmpi sgt, %jit3A, %sign3A_121 : i32
      %sign3A_123 = arith.extui %sign3A_122 : i1 to i32
      %sign3A_124 = arith.constant 0 : i32
      %sign3A_125 = arith.cmpi slt, %jit3A, %sign3A_124 : i32
      %sign3A_126 = arith.extui %sign3A_125 : i1 to i32
      %sign3A_127 = arith.subi %sign3A_123, %sign3A_126 : i32
      %ne3A_128 = arith.cmpi ne, %sign3A_120, %sign3A_127 : i32
      %rem3A = arith.remsi %scan3A_112, %jit3A : i32
      %ne3A_129 = arith.constant 0 : i32
      %ne3A_130 = arith.cmpi ne, %rem3A, %ne3A_129 : i32
      %and3A = arith.andi %ne3A_128, %ne3A_130 : i1
      %sub3A = arith.constant 1 : i32
      %sub3A_131 = arith.subi %div3A, %sub3A : i32
      %select_n3A = arith.select %and3A, %sub3A_131, %div3A : i32
      %jit3A_132 = arith.constant 4 : i32
      %eq3A_133 = arith.constant 0 : i32
      %eq3A_134 = arith.cmpi eq, %jit3A_132, %eq3A_133 : i32
      %jit3A_135 = arith.constant 1 : i32
      %select_n3A_136 = arith.select %eq3A_134, %jit3A_135, %jit3A_132 : i32
      %rem3A_137 = arith.remsi %scan3A_112, %select_n3A_136 : i32
      %ne3A_138 = arith.constant 0 : i32
      %ne3A_139 = arith.cmpi ne, %rem3A_137, %ne3A_138 : i32
      %lt3A = arith.constant 0 : i32
      %lt3A_140 = arith.cmpi slt, %rem3A_137, %lt3A : i32
      %lt3A_141 = arith.constant 0 : i32
      %lt3A_142 = arith.cmpi slt, %select_n3A_136, %lt3A_141 : i32
      %ne3A_143 = arith.xori %lt3A_140, %lt3A_142 : i1
      %and3A_144 = arith.andi %ne3A_143, %ne3A_139 : i1
      %add3A_145 = arith.addi %rem3A_137, %select_n3A_136 : i32
      %select_n3A_146 = arith.select %and3A_144, %add3A_145, %rem3A_137 : i32
      %mul3A_147 = arith.constant 16 : i32
      %mul3A_148 = arith.muli %select_n3A_146, %mul3A_147 : i32
      %swap3A = arith.index_cast %select_n3A : i32 to index
      %swap3A_149 = arith.index_cast %mul3A_148 : i32 to index
      %swap3A_150 = tpu.vector_load %arg10[%swap3A, %swap3A_149] {strides = array<i32>} : memref<64x64xf32, #tpu.memory_space<vmem>>, vector<1x16xf32>,
      %swap3A_151 = vector.shape_cast %swap3A_150 : vector<1x16xf32> to vector<16xf32>
      %swap3A_152 = vector.shape_cast %broadcast_in_dim3A_114 : vector<16xf32> to vector<1x16xf32>
      tpu.vector_store %arg10[%swap3A, %swap3A_149], %swap3A_152 {strides = array<i32>} : memref<64x64xf32, #tpu.memory_space<vmem>>, vector<1x16xf32>,
      %scan3A_153 = arith.constant 0 : i32
      scf.yield %scan3A_153 : i32
    }
    %scan3A_5 = arith.constant 256 : i32
    %mul3A = arith.constant 640 : i32
    %mul3A_6 = arith.muli %arg1, %mul3A : i32
    %add3A = arith.constant 0 : i32
    %add3A_7 = arith.addi %mul3A_6, %add3A : i32
    "tpu.region"() ({
      %run_scoped3A = tpu.sem_alloc : memref<!tpu.dma_semaphore, #tpu.memory_space<semaphore_mem>>
      %dma_start3A_112 = arith.constant 0 : i32
      %dma_start3A_113 = tpu.memref_slice %arg11[%add3A_7, %dma_start3A_112] : memref<10240x64xf32, #tpu.memory_space<vmem_shared>> -> memref<64x64xf32, #tpu.memory_space<vmem_shared>>
      %dma_start3A_114 = arith.constant 0 : i32
      %dma_start3A_115 = tpu.memref_slice %arg11[%add3A_7, %dma_start3A_114] : memref<10240x64xf32, #tpu.memory_space<vmem_shared>> -> memref<64x64xf32, #tpu.memory_space<vmem_shared>>
      tpu.enqueue_dma source(%arg10 : memref<64x64xf32, #tpu.memory_space<vmem>>) target(%dma_start3A_115 : memref<64x64xf32, #tpu.memory_space<vmem_shared>>) target_semaphore(%run_scoped3A : memref<!tpu.dma_semaphore, #tpu.memory_space<semaphore_mem>>)
      %dma_wait3A = arith.constant 0 : i32
      %dma_wait3A_116 = tpu.memref_slice %arg11[%add3A_7, %dma_wait3A] : memref<10240x64xf32, #tpu.memory_space<vmem_shared>> -> memref<64x64xf32, #tpu.memory_space<vmem_shared>>
      %dma_wait3A_117 = arith.constant 0 : i32
      %dma_wait3A_118 = tpu.memref_slice %arg11[%add3A_7, %dma_wait3A_117] : memref<10240x64xf32, #tpu.memory_space<vmem_shared>> -> memref<64x64xf32, #tpu.memory_space<vmem_shared>>
      tpu.wait_dma2 semaphore(%run_scoped3A : memref<!tpu.dma_semaphore, #tpu.memory_space<semaphore_mem>>) src(%arg10 : memref<64x64xf32, #tpu.memory_space<vmem>>) dst(%dma_wait3A_118 : memref<64x64xf32, #tpu.memory_space<vmem_shared>>)
      tpu.yield
    }) : () -> ()
    %mul3A_8 = arith.constant 640 : i32
    %mul3A_9 = arith.muli %arg1, %mul3A_8 : i32
    %add3A_10 = arith.constant 64 : i32
    %add3A_11 = arith.addi %mul3A_9, %add3A_10 : i32
    "tpu.region"() ({
      %run_scoped3A = tpu.sem_alloc : memref<!tpu.dma_semaphore, #tpu.memory_space<semaphore_mem>>
      %dma_start3A_112 = arith.constant 0 : i32
      %dma_start3A_113 = tpu.memref_slice %arg11[%add3A_11, %dma_start3A_112] : memref<10240x64xf32, #tpu.memory_space<vmem_shared>> -> memref<64x64xf32, #tpu.memory_space<vmem_shared>>
      %dma_start3A_114 = arith.constant 0 : i32
      %dma_start3A_115 = tpu.memref_slice %arg11[%add3A_11, %dma_start3A_114] : memref<10240x64xf32, #tpu.memory_space<vmem_shared>> -> memref<64x64xf32, #tpu.memory_space<vmem_shared>>
      tpu.enqueue_dma source(%arg10 : memref<64x64xf32, #tpu.memory_space<vmem>>) target(%dma_start3A_115 : memref<64x64xf32, #tpu.memory_space<vmem_shared>>) target_semaphore(%run_scoped3A : memref<!tpu.dma_semaphore, #tpu.memory_space<semaphore_mem>>)
      %dma_wait3A = arith.constant 0 : i32
      %dma_wait3A_116 = tpu.memref_slice %arg11[%add3A_11, %dma_wait3A] : memref<10240x64xf32, #tpu.memory_space<vmem_shared>> -> memref<64x64xf32, #tpu.memory_space<vmem_shared>>
      %dma_wait3A_117 = arith.constant 0 : i32
      %dma_wait3A_118 = tpu.memref_slice %arg11[%add3A_11, %dma_wait3A_117] : memref<10240x64xf32, #tpu.memory_space<vmem_shared>> -> memref<64x64xf32, #tpu.memory_space<vmem_shared>>
      tpu.wait_dma2 semaphore(%run_scoped3A : memref<!tpu.dma_semaphore, #tpu.memory_space<semaphore_mem>>) src(%arg10 : memref<64x64xf32, #tpu.memory_space<vmem>>) dst(%dma_wait3A_118 : memref<64x64xf32, #tpu.memory_space<vmem_shared>>)
      tpu.yield
    }) : () -> ()
    %mul3A_12 = arith.constant 640 : i32
    %mul3A_13 = arith.muli %arg1, %mul3A_12 : i32
    %add3A_14 = arith.constant 128 : i32
    %add3A_15 = arith.addi %mul3A_13, %add3A_14 : i32
    "tpu.region"() ({
      %run_scoped3A = tpu.sem_alloc : memref<!tpu.dma_semaphore, #tpu.memory_space<semaphore_mem>>
      %dma_start3A_112 = arith.constant 0 : i32
      %dma_start3A_113 = tpu.memref_slice %arg11[%add3A_15, %dma_start3A_112] : memref<10240x64xf32, #tpu.memory_space<vmem_shared>> -> memref<64x64xf32, #tpu.memory_space<vmem_shared>>
      %dma_start3A_114 = arith.constant 0 : i32
      %dma_start3A_115 = tpu.memref_slice %arg11[%add3A_15, %dma_start3A_114] : memref<10240x64xf32, #tpu.memory_space<vmem_shared>> -> memref<64x64xf32, #tpu.memory_space<vmem_shared>>
      tpu.enqueue_dma source(%arg10 : memref<64x64xf32, #tpu.memory_space<vmem>>) target(%dma_start3A_115 : memref<64x64xf32, #tpu.memory_space<vmem_shared>>) target_semaphore(%run_scoped3A : memref<!tpu.dma_semaphore, #tpu.memory_space<semaphore_mem>>)
      %dma_wait3A = arith.constant 0 : i32
      %dma_wait3A_116 = tpu.memref_slice %arg11[%add3A_15, %dma_wait3A] : memref<10240x64xf32, #tpu.memory_space<vmem_shared>> -> memref<64x64xf32, #tpu.memory_space<vmem_shared>>
      %dma_wait3A_117 = arith.constant 0 : i32
      %dma_wait3A_118 = tpu.memref_slice %arg11[%add3A_15, %dma_wait3A_117] : memref<10240x64xf32, #tpu.memory_space<vmem_shared>> -> memref<64x64xf32, #tpu.memory_space<vmem_shared>>
      tpu.wait_dma2 semaphore(%run_scoped3A : memref<!tpu.dma_semaphore, #tpu.memory_space<semaphore_mem>>) src(%arg10 : memref<64x64xf32, #tpu.memory_space<vmem>>) dst(%dma_wait3A_118 : memref<64x64xf32, #tpu.memory_space<vmem_shared>>)
      tpu.yield
    }) : () -> ()
    %mul3A_16 = arith.constant 640 : i32
    %mul3A_17 = arith.muli %arg1, %mul3A_16 : i32
    %add3A_18 = arith.constant 192 : i32
    %add3A_19 = arith.addi %mul3A_17, %add3A_18 : i32
    "tpu.region"() ({
      %run_scoped3A = tpu.sem_alloc : memref<!tpu.dma_semaphore, #tpu.memory_space<semaphore_mem>>
      %dma_start3A_112 = arith.constant 0 : i32
      %dma_start3A_113 = tpu.memref_slice %arg11[%add3A_19, %dma_start3A_112] : memref<10240x64xf32, #tpu.memory_space<vmem_shared>> -> memref<64x64xf32, #tpu.memory_space<vmem_shared>>
      %dma_start3A_114 = arith.constant 0 : i32
      %dma_start3A_115 = tpu.memref_slice %arg11[%add3A_19, %dma_start3A_114] : memref<10240x64xf32, #tpu.memory_space<vmem_shared>> -> memref<64x64xf32, #tpu.memory_space<vmem_shared>>
      tpu.enqueue_dma source(%arg10 : memref<64x64xf32, #tpu.memory_space<vmem>>) target(%dma_start3A_115 : memref<64x64xf32, #tpu.memory_space<vmem_shared>>) target_semaphore(%run_scoped3A : memref<!tpu.dma_semaphore, #tpu.memory_space<semaphore_mem>>)
      %dma_wait3A = arith.constant 0 : i32
      %dma_wait3A_116 = tpu.memref_slice %arg11[%add3A_19, %dma_wait3A] : memref<10240x64xf32, #tpu.memory_space<vmem_shared>> -> memref<64x64xf32, #tpu.memory_space<vmem_shared>>
      %dma_wait3A_117 = arith.constant 0 : i32
      %dma_wait3A_118 = tpu.memref_slice %arg11[%add3A_19, %dma_wait3A_117] : memref<10240x64xf32, #tpu.memory_space<vmem_shared>> -> memref<64x64xf32, #tpu.memory_space<vmem_shared>>
      tpu.wait_dma2 semaphore(%run_scoped3A : memref<!tpu.dma_semaphore, #tpu.memory_space<semaphore_mem>>) src(%arg10 : memref<64x64xf32, #tpu.memory_space<vmem>>) dst(%dma_wait3A_118 : memref<64x64xf32, #tpu.memory_space<vmem_shared>>)
      tpu.yield
    }) : () -> ()
    %mul3A_20 = arith.constant 640 : i32
    %mul3A_21 = arith.muli %arg1, %mul3A_20 : i32
    %add3A_22 = arith.constant 256 : i32
    %add3A_23 = arith.addi %mul3A_21, %add3A_22 : i32
    "tpu.region"() ({
      %run_scoped3A = tpu.sem_alloc : memref<!tpu.dma_semaphore, #tpu.memory_space<semaphore_mem>>
      %dma_start3A_112 = arith.constant 0 : i32
      %dma_start3A_113 = tpu.memref_slice %arg11[%add3A_23, %dma_start3A_112] : memref<10240x64xf32, #tpu.memory_space<vmem_shared>> -> memref<64x64xf32, #tpu.memory_space<vmem_shared>>
      %dma_start3A_114 = arith.constant 0 : i32
      %dma_start3A_115 = tpu.memref_slice %arg11[%add3A_23, %dma_start3A_114] : memref<10240x64xf32, #tpu.memory_space<vmem_shared>> -> memref<64x64xf32, #tpu.memory_space<vmem_shared>>
      tpu.enqueue_dma source(%arg10 : memref<64x64xf32, #tpu.memory_space<vmem>>) target(%dma_start3A_115 : memref<64x64xf32, #tpu.memory_space<vmem_shared>>) target_semaphore(%run_scoped3A : memref<!tpu.dma_semaphore, #tpu.memory_space<semaphore_mem>>)
      %dma_wait3A = arith.constant 0 : i32
      %dma_wait3A_116 = tpu.memref_slice %arg11[%add3A_23, %dma_wait3A] : memref<10240x64xf32, #tpu.memory_space<vmem_shared>> -> memref<64x64xf32, #tpu.memory_space<vmem_shared>>
      %dma_wait3A_117 = arith.constant 0 : i32
      %dma_wait3A_118 = tpu.memref_slice %arg11[%add3A_23, %dma_wait3A_117] : memref<10240x64xf32, #tpu.memory_space<vmem_shared>> -> memref<64x64xf32, #tpu.memory_space<vmem_shared>>
      tpu.wait_dma2 semaphore(%run_scoped3A : memref<!tpu.dma_semaphore, #tpu.memory_space<semaphore_mem>>) src(%arg10 : memref<64x64xf32, #tpu.memory_space<vmem>>) dst(%dma_wait3A_118 : memref<64x64xf32, #tpu.memory_space<vmem_shared>>)
      tpu.yield
    }) : () -> ()
    %mul3A_24 = arith.constant 640 : i32
    %mul3A_25 = arith.muli %arg1, %mul3A_24 : i32
    %add3A_26 = arith.constant 320 : i32
    %add3A_27 = arith.addi %mul3A_25, %add3A_26 : i32
    "tpu.region"() ({
      %run_scoped3A = tpu.sem_alloc : memref<!tpu.dma_semaphore, #tpu.memory_space<semaphore_mem>>
      %dma_start3A_112 = arith.constant 0 : i32
      %dma_start3A_113 = tpu.memref_slice %arg11[%add3A_27, %dma_start3A_112] : memref<10240x64xf32, #tpu.memory_space<vmem_shared>> -> memref<64x64xf32, #tpu.memory_space<vmem_shared>>
      %dma_start3A_114 = arith.constant 0 : i32
      %dma_start3A_115 = tpu.memref_slice %arg11[%add3A_27, %dma_start3A_114] : memref<10240x64xf32, #tpu.memory_space<vmem_shared>> -> memref<64x64xf32, #tpu.memory_space<vmem_shared>>
      tpu.enqueue_dma source(%arg10 : memref<64x64xf32, #tpu.memory_space<vmem>>) target(%dma_start3A_115 : memref<64x64xf32, #tpu.memory_space<vmem_shared>>) target_semaphore(%run_scoped3A : memref<!tpu.dma_semaphore, #tpu.memory_space<semaphore_mem>>)
      %dma_wait3A = arith.constant 0 : i32
      %dma_wait3A_116 = tpu.memref_slice %arg11[%add3A_27, %dma_wait3A] : memref<10240x64xf32, #tpu.memory_space<vmem_shared>> -> memref<64x64xf32, #tpu.memory_space<vmem_shared>>
      %dma_wait3A_117 = arith.constant 0 : i32
      %dma_wait3A_118 = tpu.memref_slice %arg11[%add3A_27, %dma_wait3A_117] : memref<10240x64xf32, #tpu.memory_space<vmem_shared>> -> memref<64x64xf32, #tpu.memory_space<vmem_shared>>
      tpu.wait_dma2 semaphore(%run_scoped3A : memref<!tpu.dma_semaphore, #tpu.memory_space<semaphore_mem>>) src(%arg10 : memref<64x64xf32, #tpu.memory_space<vmem>>) dst(%dma_wait3A_118 : memref<64x64xf32, #tpu.memory_space<vmem_shared>>)
      tpu.yield
    }) : () -> ()
    %mul3A_28 = arith.constant 640 : i32
    %mul3A_29 = arith.muli %arg1, %mul3A_28 : i32
    %add3A_30 = arith.constant 384 : i32
    %add3A_31 = arith.addi %mul3A_29, %add3A_30 : i32
    "tpu.region"() ({
      %run_scoped3A = tpu.sem_alloc : memref<!tpu.dma_semaphore, #tpu.memory_space<semaphore_mem>>
      %dma_start3A_112 = arith.constant 0 : i32
      %dma_start3A_113 = tpu.memref_slice %arg11[%add3A_31, %dma_start3A_112] : memref<10240x64xf32, #tpu.memory_space<vmem_shared>> -> memref<64x64xf32, #tpu.memory_space<vmem_shared>>
      %dma_start3A_114 = arith.constant 0 : i32
      %dma_start3A_115 = tpu.memref_slice %arg11[%add3A_31, %dma_start3A_114] : memref<10240x64xf32, #tpu.memory_space<vmem_shared>> -> memref<64x64xf32, #tpu.memory_space<vmem_shared>>
      tpu.enqueue_dma source(%arg10 : memref<64x64xf32, #tpu.memory_space<vmem>>) target(%dma_start3A_115 : memref<64x64xf32, #tpu.memory_space<vmem_shared>>) target_semaphore(%run_scoped3A : memref<!tpu.dma_semaphore, #tpu.memory_space<semaphore_mem>>)
      %dma_wait3A = arith.constant 0 : i32
      %dma_wait3A_116 = tpu.memref_slice %arg11[%add3A_31, %dma_wait3A] : memref<10240x64xf32, #tpu.memory_space<vmem_shared>> -> memref<64x64xf32, #tpu.memory_space<vmem_shared>>
      %dma_wait3A_117 = arith.constant 0 : i32
      %dma_wait3A_118 = tpu.memref_slice %arg11[%add3A_31, %dma_wait3A_117] : memref<10240x64xf32, #tpu.memory_space<vmem_shared>> -> memref<64x64xf32, #tpu.memory_space<vmem_shared>>
      tpu.wait_dma2 semaphore(%run_scoped3A : memref<!tpu.dma_semaphore, #tpu.memory_space<semaphore_mem>>) src(%arg10 : memref<64x64xf32, #tpu.memory_space<vmem>>) dst(%dma_wait3A_118 : memref<64x64xf32, #tpu.memory_space<vmem_shared>>)
      tpu.yield
    }) : () -> ()
    %mul3A_32 = arith.constant 640 : i32
    %mul3A_33 = arith.muli %arg1, %mul3A_32 : i32
    %add3A_34 = arith.constant 448 : i32
    %add3A_35 = arith.addi %mul3A_33, %add3A_34 : i32
    "tpu.region"() ({
      %run_scoped3A = tpu.sem_alloc : memref<!tpu.dma_semaphore, #tpu.memory_space<semaphore_mem>>
      %dma_start3A_112 = arith.constant 0 : i32
      %dma_start3A_113 = tpu.memref_slice %arg11[%add3A_35, %dma_start3A_112] : memref<10240x64xf32, #tpu.memory_space<vmem_shared>> -> memref<64x64xf32, #tpu.memory_space<vmem_shared>>
      %dma_start3A_114 = arith.constant 0 : i32
      %dma_start3A_115 = tpu.memref_slice %arg11[%add3A_35, %dma_start3A_114] : memref<10240x64xf32, #tpu.memory_space<vmem_shared>> -> memref<64x64xf32, #tpu.memory_space<vmem_shared>>
      tpu.enqueue_dma source(%arg10 : memref<64x64xf32, #tpu.memory_space<vmem>>) target(%dma_start3A_115 : memref<64x64xf32, #tpu.memory_space<vmem_shared>>) target_semaphore(%run_scoped3A : memref<!tpu.dma_semaphore, #tpu.memory_space<semaphore_mem>>)
      %dma_wait3A = arith.constant 0 : i32
      %dma_wait3A_116 = tpu.memref_slice %arg11[%add3A_35, %dma_wait3A] : memref<10240x64xf32, #tpu.memory_space<vmem_shared>> -> memref<64x64xf32, #tpu.memory_space<vmem_shared>>
      %dma_wait3A_117 = arith.constant 0 : i32
      %dma_wait3A_118 = tpu.memref_slice %arg11[%add3A_35, %dma_wait3A_117] : memref<10240x64xf32, #tpu.memory_space<vmem_shared>> -> memref<64x64xf32, #tpu.memory_space<vmem_shared>>
      tpu.wait_dma2 semaphore(%run_scoped3A : memref<!tpu.dma_semaphore, #tpu.memory_space<semaphore_mem>>) src(%arg10 : memref<64x64xf32, #tpu.memory_space<vmem>>) dst(%dma_wait3A_118 : memref<64x64xf32, #tpu.memory_space<vmem_shared>>)
      tpu.yield
    }) : () -> ()
    %mul3A_36 = arith.constant 640 : i32
    %mul3A_37 = arith.muli %arg1, %mul3A_36 : i32
    %add3A_38 = arith.constant 512 : i32
    %add3A_39 = arith.addi %mul3A_37, %add3A_38 : i32
    "tpu.region"() ({
      %run_scoped3A = tpu.sem_alloc : memref<!tpu.dma_semaphore, #tpu.memory_space<semaphore_mem>>
      %dma_start3A_112 = arith.constant 0 : i32
      %dma_start3A_113 = tpu.memref_slice %arg11[%add3A_39, %dma_start3A_112] : memref<10240x64xf32, #tpu.memory_space<vmem_shared>> -> memref<64x64xf32, #tpu.memory_space<vmem_shared>>
      %dma_start3A_114 = arith.constant 0 : i32
      %dma_start3A_115 = tpu.memref_slice %arg11[%add3A_39, %dma_start3A_114] : memref<10240x64xf32, #tpu.memory_space<vmem_shared>> -> memref<64x64xf32, #tpu.memory_space<vmem_shared>>
      tpu.enqueue_dma source(%arg10 : memref<64x64xf32, #tpu.memory_space<vmem>>) target(%dma_start3A_115 : memref<64x64xf32, #tpu.memory_space<vmem_shared>>) target_semaphore(%run_scoped3A : memref<!tpu.dma_semaphore, #tpu.memory_space<semaphore_mem>>)
      %dma_wait3A = arith.constant 0 : i32
      %dma_wait3A_116 = tpu.memref_slice %arg11[%add3A_39, %dma_wait3A] : memref<10240x64xf32, #tpu.memory_space<vmem_shared>> -> memref<64x64xf32, #tpu.memory_space<vmem_shared>>
      %dma_wait3A_117 = arith.constant 0 : i32
      %dma_wait3A_118 = tpu.memref_slice %arg11[%add3A_39, %dma_wait3A_117] : memref<10240x64xf32, #tpu.memory_space<vmem_shared>> -> memref<64x64xf32, #tpu.memory_space<vmem_shared>>
      tpu.wait_dma2 semaphore(%run_scoped3A : memref<!tpu.dma_semaphore, #tpu.memory_space<semaphore_mem>>) src(%arg10 : memref<64x64xf32, #tpu.memory_space<vmem>>) dst(%dma_wait3A_118 : memref<64x64xf32, #tpu.memory_space<vmem_shared>>)
      tpu.yield
    }) : () -> ()
    %mul3A_40 = arith.constant 640 : i32
    %mul3A_41 = arith.muli %arg1, %mul3A_40 : i32
    %add3A_42 = arith.constant 576 : i32
    %add3A_43 = arith.addi %mul3A_41, %add3A_42 : i32
    "tpu.region"() ({
      %run_scoped3A = tpu.sem_alloc : memref<!tpu.dma_semaphore, #tpu.memory_space<semaphore_mem>>
      %dma_start3A_112 = arith.constant 0 : i32
      %dma_start3A_113 = tpu.memref_slice %arg11[%add3A_43, %dma_start3A_112] : memref<10240x64xf32, #tpu.memory_space<vmem_shared>> -> memref<64x64xf32, #tpu.memory_space<vmem_shared>>
      %dma_start3A_114 = arith.constant 0 : i32
      %dma_start3A_115 = tpu.memref_slice %arg11[%add3A_43, %dma_start3A_114] : memref<10240x64xf32, #tpu.memory_space<vmem_shared>> -> memref<64x64xf32, #tpu.memory_space<vmem_shared>>
      tpu.enqueue_dma source(%arg10 : memref<64x64xf32, #tpu.memory_space<vmem>>) target(%dma_start3A_115 : memref<64x64xf32, #tpu.memory_space<vmem_shared>>) target_semaphore(%run_scoped3A : memref<!tpu.dma_semaphore, #tpu.memory_space<semaphore_mem>>)
      %dma_wait3A = arith.constant 0 : i32
      %dma_wait3A_116 = tpu.memref_slice %arg11[%add3A_43, %dma_wait3A] : memref<10240x64xf32, #tpu.memory_space<vmem_shared>> -> memref<64x64xf32, #tpu.memory_space<vmem_shared>>
      %dma_wait3A_117 = arith.constant 0 : i32
      %dma_wait3A_118 = tpu.memref_slice %arg11[%add3A_43, %dma_wait3A_117] : memref<10240x64xf32, #tpu.memory_space<vmem_shared>> -> memref<64x64xf32, #tpu.memory_space<vmem_shared>>
      tpu.wait_dma2 semaphore(%run_scoped3A : memref<!tpu.dma_semaphore, #tpu.memory_space<semaphore_mem>>) src(%arg10 : memref<64x64xf32, #tpu.memory_space<vmem>>) dst(%dma_wait3A_118 : memref<64x64xf32, #tpu.memory_space<vmem_shared>>)
      tpu.yield
    }) : () -> ()
    %barrier3A = arith.constant 0 : index
    tpu.barrier barrier_id(%barrier3A)
    "tpu.region"() ({
      %run_scoped3A = tpu.sem_alloc : memref<!tpu.dma_semaphore, #tpu.memory_space<semaphore_mem>>
      %dma_start3A_112 = arith.constant 0 : i32
      %dma_start3A_113 = arith.constant 0 : i32
      %dma_start3A_114 = tpu.memref_slice %arg5[%arg1, %dma_start3A_112, %dma_start3A_113] : memref<16x160x128xi32, #tpu.memory_space<hbm>> -> memref<1x160x128xi32, #tpu.memory_space<hbm>>
      %dma_start3A_115 = tpu.memref_squeeze %dma_start3A_114 : memref<1x160x128xi32, #tpu.memory_space<hbm>> -> memref<160x128xi32, #tpu.memory_space<hbm>>
      %dma_start3A_116 = arith.constant 0 : i32
      %dma_start3A_117 = arith.constant 0 : i32
      %dma_start3A_118 = tpu.memref_slice %arg5[%arg1, %dma_start3A_116, %dma_start3A_117] : memref<16x160x128xi32, #tpu.memory_space<hbm>> -> memref<1x160x128xi32, #tpu.memory_space<hbm>>
      %dma_start3A_119 = tpu.memref_squeeze %dma_start3A_118 : memref<1x160x128xi32, #tpu.memory_space<hbm>> -> memref<160x128xi32, #tpu.memory_space<hbm>>
      tpu.enqueue_dma source(%dma_start3A_119 : memref<160x128xi32, #tpu.memory_space<hbm>>) target(%arg8 : memref<160x128xi32, #tpu.memory_space<vmem>>) target_semaphore(%run_scoped3A : memref<!tpu.dma_semaphore, #tpu.memory_space<semaphore_mem>>)
      %dma_wait3A = arith.constant 0 : i32
      %dma_wait3A_120 = arith.constant 0 : i32
      %dma_wait3A_121 = tpu.memref_slice %arg5[%arg1, %dma_wait3A, %dma_wait3A_120] : memref<16x160x128xi32, #tpu.memory_space<hbm>> -> memref<1x160x128xi32, #tpu.memory_space<hbm>>
      %dma_wait3A_122 = tpu.memref_squeeze %dma_wait3A_121 : memref<1x160x128xi32, #tpu.memory_space<hbm>> -> memref<160x128xi32, #tpu.memory_space<hbm>>
      %dma_wait3A_123 = arith.constant 0 : i32
      %dma_wait3A_124 = arith.constant 0 : i32
      %dma_wait3A_125 = tpu.memref_slice %arg5[%arg1, %dma_wait3A_123, %dma_wait3A_124] : memref<16x160x128xi32, #tpu.memory_space<hbm>> -> memref<1x160x128xi32, #tpu.memory_space<hbm>>
      %dma_wait3A_126 = tpu.memref_squeeze %dma_wait3A_125 : memref<1x160x128xi32, #tpu.memory_space<hbm>> -> memref<160x128xi32, #tpu.memory_space<hbm>>
      tpu.wait_dma2 semaphore(%run_scoped3A : memref<!tpu.dma_semaphore, #tpu.memory_space<semaphore_mem>>) src(%dma_wait3A_126 : memref<160x128xi32, #tpu.memory_space<hbm>>) dst(%arg8 : memref<160x128xi32, #tpu.memory_space<vmem>>)
      tpu.yield
    }) : () -> ()
    %eq3A = arith.constant 0 : i32
    %eq3A_44 = arith.cmpi eq, %arg0, %eq3A : i32
    %convert_element_type3A = arith.extui %eq3A_44 : i1 to i32
    %cond3A = arith.constant 0 : i32
    %cond3A_45 = arith.cmpi ne, %convert_element_type3A, %cond3A : i32
    scf.if %cond3A_45 {
      "tpu.region"() ({
        %run_scoped3A = tpu.sem_alloc : memref<!tpu.dma_semaphore, #tpu.memory_space<semaphore_mem>>
        %dma_start3A_112 = arith.constant 0 : i32
        %dma_start3A_113 = arith.constant 0 : i32
        %dma_start3A_114 = tpu.memref_slice %arg3[%arg1, %dma_start3A_112, %dma_start3A_113] : memref<16x160x128xi32, #tpu.memory_space<hbm>> -> memref<1x160x128xi32, #tpu.memory_space<hbm>>
        %dma_start3A_115 = tpu.memref_squeeze %dma_start3A_114 : memref<1x160x128xi32, #tpu.memory_space<hbm>> -> memref<160x128xi32, #tpu.memory_space<hbm>>
        %dma_start3A_116 = arith.constant 0 : i32
        %dma_start3A_117 = arith.constant 0 : i32
        %dma_start3A_118 = tpu.memref_slice %arg3[%arg1, %dma_start3A_116, %dma_start3A_117] : memref<16x160x128xi32, #tpu.memory_space<hbm>> -> memref<1x160x128xi32, #tpu.memory_space<hbm>>
        %dma_start3A_119 = tpu.memref_squeeze %dma_start3A_118 : memref<1x160x128xi32, #tpu.memory_space<hbm>> -> memref<160x128xi32, #tpu.memory_space<hbm>>
        tpu.enqueue_dma source(%dma_start3A_119 : memref<160x128xi32, #tpu.memory_space<hbm>>) target(%arg7 : memref<160x128xi32, #tpu.memory_space<vmem>>) target_semaphore(%run_scoped3A : memref<!tpu.dma_semaphore, #tpu.memory_space<semaphore_mem>>)
        %dma_wait3A = arith.constant 0 : i32
        %dma_wait3A_120 = arith.constant 0 : i32
        %dma_wait3A_121 = tpu.memref_slice %arg3[%arg1, %dma_wait3A, %dma_wait3A_120] : memref<16x160x128xi32, #tpu.memory_space<hbm>> -> memref<1x160x128xi32, #tpu.memory_space<hbm>>
        %dma_wait3A_122 = tpu.memref_squeeze %dma_wait3A_121 : memref<1x160x128xi32, #tpu.memory_space<hbm>> -> memref<160x128xi32, #tpu.memory_space<hbm>>
        %dma_wait3A_123 = arith.constant 0 : i32
        %dma_wait3A_124 = arith.constant 0 : i32
        %dma_wait3A_125 = tpu.memref_slice %arg3[%arg1, %dma_wait3A_123, %dma_wait3A_124] : memref<16x160x128xi32, #tpu.memory_space<hbm>> -> memref<1x160x128xi32, #tpu.memory_space<hbm>>
        %dma_wait3A_126 = tpu.memref_squeeze %dma_wait3A_125 : memref<1x160x128xi32, #tpu.memory_space<hbm>> -> memref<160x128xi32, #tpu.memory_space<hbm>>
        tpu.wait_dma2 semaphore(%run_scoped3A : memref<!tpu.dma_semaphore, #tpu.memory_space<semaphore_mem>>) src(%dma_wait3A_126 : memref<160x128xi32, #tpu.memory_space<hbm>>) dst(%arg7 : memref<160x128xi32, #tpu.memory_space<vmem>>)
        tpu.yield
      }) : () -> ()
    } else {
    }
    %ne3A = arith.constant 0 : i32
    %ne3A_46 = arith.cmpi ne, %arg0, %ne3A : i32
    %convert_element_type3A_47 = arith.extui %ne3A_46 : i1 to i32
    %cond3A_48 = arith.constant 0 : i32
    %cond3A_49 = arith.cmpi ne, %convert_element_type3A_47, %cond3A_48 : i32
    scf.if %cond3A_49 {
      "tpu.region"() ({
        %run_scoped3A = tpu.sem_alloc : memref<!tpu.dma_semaphore, #tpu.memory_space<semaphore_mem>>
        %dma_start3A_112 = arith.constant 0 : i32
        %dma_start3A_113 = arith.constant 0 : i32
        %dma_start3A_114 = tpu.memref_slice %arg4[%arg1, %dma_start3A_112, %dma_start3A_113] : memref<16x160x128xi32, #tpu.memory_space<hbm>> -> memref<1x160x128xi32, #tpu.memory_space<hbm>>
        %dma_start3A_115 = tpu.memref_squeeze %dma_start3A_114 : memref<1x160x128xi32, #tpu.memory_space<hbm>> -> memref<160x128xi32, #tpu.memory_space<hbm>>
        %dma_start3A_116 = arith.constant 0 : i32
        %dma_start3A_117 = arith.constant 0 : i32
        %dma_start3A_118 = tpu.memref_slice %arg4[%arg1, %dma_start3A_116, %dma_start3A_117] : memref<16x160x128xi32, #tpu.memory_space<hbm>> -> memref<1x160x128xi32, #tpu.memory_space<hbm>>
        %dma_start3A_119 = tpu.memref_squeeze %dma_start3A_118 : memref<1x160x128xi32, #tpu.memory_space<hbm>> -> memref<160x128xi32, #tpu.memory_space<hbm>>
        tpu.enqueue_dma source(%dma_start3A_119 : memref<160x128xi32, #tpu.memory_space<hbm>>) target(%arg7 : memref<160x128xi32, #tpu.memory_space<vmem>>) target_semaphore(%run_scoped3A : memref<!tpu.dma_semaphore, #tpu.memory_space<semaphore_mem>>)
        %dma_wait3A = arith.constant 0 : i32
        %dma_wait3A_120 = arith.constant 0 : i32
        %dma_wait3A_121 = tpu.memref_slice %arg4[%arg1, %dma_wait3A, %dma_wait3A_120] : memref<16x160x128xi32, #tpu.memory_space<hbm>> -> memref<1x160x128xi32, #tpu.memory_space<hbm>>
        %dma_wait3A_122 = tpu.memref_squeeze %dma_wait3A_121 : memref<1x160x128xi32, #tpu.memory_space<hbm>> -> memref<160x128xi32, #tpu.memory_space<hbm>>
        %dma_wait3A_123 = arith.constant 0 : i32
        %dma_wait3A_124 = arith.constant 0 : i32
        %dma_wait3A_125 = tpu.memref_slice %arg4[%arg1, %dma_wait3A_123, %dma_wait3A_124] : memref<16x160x128xi32, #tpu.memory_space<hbm>> -> memref<1x160x128xi32, #tpu.memory_space<hbm>>
        %dma_wait3A_126 = tpu.memref_squeeze %dma_wait3A_125 : memref<1x160x128xi32, #tpu.memory_space<hbm>> -> memref<160x128xi32, #tpu.memory_space<hbm>>
        tpu.wait_dma2 semaphore(%run_scoped3A : memref<!tpu.dma_semaphore, #tpu.memory_space<semaphore_mem>>) src(%dma_wait3A_126 : memref<160x128xi32, #tpu.memory_space<hbm>>) dst(%arg7 : memref<160x128xi32, #tpu.memory_space<vmem>>)
        tpu.yield
      }) : () -> ()
    } else {
    }
    %dma_start3A = arith.constant 0 : i32
    %dma_start3A_50 = arith.constant 0 : i32
    %dma_start3A_51 = arith.constant 0 : i32
    %dma_start3A_52 = arith.constant 0 : i32
    %dma_start3A_53 = tpu.memref_slice %arg9[%dma_start3A_50, %dma_start3A_51, %dma_start3A_52] : memref<4x128x64xf32, #tpu.memory_space<vmem>> -> memref<1x128x64xf32, #tpu.memory_space<vmem>>
    %dma_start3A_54 = tpu.memref_squeeze %dma_start3A_53 : memref<1x128x64xf32, #tpu.memory_space<vmem>> -> memref<128x64xf32, #tpu.memory_space<vmem>>
    %dma_start3A_55 = arith.constant 0 : i32
    %dma_start3A_56 = tpu.memref_slice %arg7[%dma_start3A, %dma_start3A_55] : memref<160x128xi32, #tpu.memory_space<vmem>> -> memref<1x128xi32, #tpu.memory_space<vmem>>
    %dma_start3A_57 = tpu.memref_squeeze %dma_start3A_56 : memref<1x128xi32, #tpu.memory_space<vmem>> -> memref<128xi32, #tpu.memory_space<vmem>>
    %dma_start3A_58 = arith.constant 0 : i32
    %dma_start3A_59 = arith.constant 0 : i32
    %dma_start3A_60 = tpu.memref_slice %arg2[%dma_start3A_58, %dma_start3A_59] : memref<20480x64xf32, #tpu.memory_space<hbm>> -> memref<20480x64xf32, #tpu.memory_space<hbm>>
    tpu.enqueue_indirect_dma source(%dma_start3A_60 : memref<20480x64xf32, #tpu.memory_space<hbm>>) target(%dma_start3A_54 : memref<128x64xf32, #tpu.memory_space<vmem>>) offsets(%dma_start3A_57 : memref<128xi32, #tpu.memory_space<vmem>>) semaphore(%arg12 : memref<!tpu.dma_semaphore, #tpu.memory_space<semaphore_mem>>)
    %dma_start3A_61 = arith.constant 1 : i32
    %dma_start3A_62 = arith.constant 1 : i32
    %dma_start3A_63 = arith.constant 0 : i32
    %dma_start3A_64 = arith.constant 0 : i32
    %dma_start3A_65 = tpu.memref_slice %arg9[%dma_start3A_62, %dma_start3A_63, %dma_start3A_64] : memref<4x128x64xf32, #tpu.memory_space<vmem>> -> memref<1x128x64xf32, #tpu.memory_space<vmem>>
    %dma_start3A_66 = tpu.memref_squeeze %dma_start3A_65 : memref<1x128x64xf32, #tpu.memory_space<vmem>> -> memref<128x64xf32, #tpu.memory_space<vmem>>
    %dma_start3A_67 = arith.constant 0 : i32
    %dma_start3A_68 = tpu.memref_slice %arg7[%dma_start3A_61, %dma_start3A_67] : memref<160x128xi32, #tpu.memory_space<vmem>> -> memref<1x128xi32, #tpu.memory_space<vmem>>
    %dma_start3A_69 = tpu.memref_squeeze %dma_start3A_68 : memref<1x128xi32, #tpu.memory_space<vmem>> -> memref<128xi32, #tpu.memory_space<vmem>>
    %dma_start3A_70 = arith.constant 0 : i32
    %dma_start3A_71 = arith.constant 0 : i32
    %dma_start3A_72 = tpu.memref_slice %arg2[%dma_start3A_70, %dma_start3A_71] : memref<20480x64xf32, #tpu.memory_space<hbm>> -> memref<20480x64xf32, #tpu.memory_space<hbm>>
    tpu.enqueue_indirect_dma source(%dma_start3A_72 : memref<20480x64xf32, #tpu.memory_space<hbm>>) target(%dma_start3A_66 : memref<128x64xf32, #tpu.memory_space<vmem>>) offsets(%dma_start3A_69 : memref<128xi32, #tpu.memory_space<vmem>>) semaphore(%arg13 : memref<!tpu.dma_semaphore, #tpu.memory_space<semaphore_mem>>)
    %dma_start3A_73 = arith.constant 2 : i32
    %dma_start3A_74 = arith.constant 2 : i32
    %dma_start3A_75 = arith.constant 0 : i32
    %dma_start3A_76 = arith.constant 0 : i32
    %dma_start3A_77 = tpu.memref_slice %arg9[%dma_start3A_74, %dma_start3A_75, %dma_start3A_76] : memref<4x128x64xf32, #tpu.memory_space<vmem>> -> memref<1x128x64xf32, #tpu.memory_space<vmem>>
    %dma_start3A_78 = tpu.memref_squeeze %dma_start3A_77 : memref<1x128x64xf32, #tpu.memory_space<vmem>> -> memref<128x64xf32, #tpu.memory_space<vmem>>
    %dma_start3A_79 = arith.constant 0 : i32
    %dma_start3A_80 = tpu.memref_slice %arg7[%dma_start3A_73, %dma_start3A_79] : memref<160x128xi32, #tpu.memory_space<vmem>> -> memref<1x128xi32, #tpu.memory_space<vmem>>
    %dma_start3A_81 = tpu.memref_squeeze %dma_start3A_80 : memref<1x128xi32, #tpu.memory_space<vmem>> -> memref<128xi32, #tpu.memory_space<vmem>>
    %dma_start3A_82 = arith.constant 0 : i32
    %dma_start3A_83 = arith.constant 0 : i32
    %dma_start3A_84 = tpu.memref_slice %arg2[%dma_start3A_82, %dma_start3A_83] : memref<20480x64xf32, #tpu.memory_space<hbm>> -> memref<20480x64xf32, #tpu.memory_space<hbm>>
    tpu.enqueue_indirect_dma source(%dma_start3A_84 : memref<20480x64xf32, #tpu.memory_space<hbm>>) target(%dma_start3A_78 : memref<128x64xf32, #tpu.memory_space<vmem>>) offsets(%dma_start3A_81 : memref<128xi32, #tpu.memory_space<vmem>>) semaphore(%arg14 : memref<!tpu.dma_semaphore, #tpu.memory_space<semaphore_mem>>)
    %dma_start3A_85 = arith.constant 3 : i32
    %dma_start3A_86 = arith.constant 3 : i32
    %dma_start3A_87 = arith.constant 0 : i32
    %dma_start3A_88 = arith.constant 0 : i32
    %dma_start3A_89 = tpu.memref_slice %arg9[%dma_start3A_86, %dma_start3A_87, %dma_start3A_88] : memref<4x128x64xf32, #tpu.memory_space<vmem>> -> memref<1x128x64xf32, #tpu.memory_space<vmem>>
    %dma_start3A_90 = tpu.memref_squeeze %dma_start3A_89 : memref<1x128x64xf32, #tpu.memory_space<vmem>> -> memref<128x64xf32, #tpu.memory_space<vmem>>
    %dma_start3A_91 = arith.constant 0 : i32
    %dma_start3A_92 = tpu.memref_slice %arg7[%dma_start3A_85, %dma_start3A_91] : memref<160x128xi32, #tpu.memory_space<vmem>> -> memref<1x128xi32, #tpu.memory_space<vmem>>
    %dma_start3A_93 = tpu.memref_squeeze %dma_start3A_92 : memref<1x128xi32, #tpu.memory_space<vmem>> -> memref<128xi32, #tpu.memory_space<vmem>>
    %dma_start3A_94 = arith.constant 0 : i32
    %dma_start3A_95 = arith.constant 0 : i32
    %dma_start3A_96 = tpu.memref_slice %arg2[%dma_start3A_94, %dma_start3A_95] : memref<20480x64xf32, #tpu.memory_space<hbm>> -> memref<20480x64xf32, #tpu.memory_space<hbm>>
    tpu.enqueue_indirect_dma source(%dma_start3A_96 : memref<20480x64xf32, #tpu.memory_space<hbm>>) target(%dma_start3A_90 : memref<128x64xf32, #tpu.memory_space<vmem>>) offsets(%dma_start3A_93 : memref<128xi32, #tpu.memory_space<vmem>>) semaphore(%arg15 : memref<!tpu.dma_semaphore, #tpu.memory_space<semaphore_mem>>)
    %scan3A_97 = arith.constant 0 : i32
    %scan3A_98 = arith.constant 0 : i32
    %scan3A_99 = arith.constant 40 : i32
    %scan3A_100 = arith.addi %scan3A_98, %scan3A_99 : i32
    %scan3A_101 = arith.constant 1 : i32
    %scan3A_102 = scf.for %scan3A_112 = %scan3A_98 to %scan3A_100 step %scan3A_101 iter_args(%scan3A_113 = %scan3A_97) -> (i32)  : i32 {
      %mul3A_114 = arith.constant 4 : i32
      %mul3A_115 = arith.muli %scan3A_112, %mul3A_114 : i32
      %add3A_116 = arith.constant 0 : i32
      %add3A_117 = arith.addi %mul3A_115, %add3A_116 : i32
      %dma_wait3A = arith.constant 0 : i32
      %dma_wait3A_118 = arith.constant 0 : i32
      %dma_wait3A_119 = arith.constant 0 : i32
      %dma_wait3A_120 = tpu.memref_slice %arg9[%dma_wait3A, %dma_wait3A_118, %dma_wait3A_119] : memref<4x128x64xf32, #tpu.memory_space<vmem>> -> memref<1x128x64xf32, #tpu.memory_space<vmem>>
      %dma_wait3A_121 = tpu.memref_squeeze %dma_wait3A_120 : memref<1x128x64xf32, #tpu.memory_space<vmem>> -> memref<128x64xf32, #tpu.memory_space<vmem>>
      %dma_wait3A_122 = arith.constant 0 : i32
      %dma_wait3A_123 = tpu.memref_slice %arg7[%add3A_117, %dma_wait3A_122] : memref<160x128xi32, #tpu.memory_space<vmem>> -> memref<1x128xi32, #tpu.memory_space<vmem>>
      %dma_wait3A_124 = tpu.memref_squeeze %dma_wait3A_123 : memref<1x128xi32, #tpu.memory_space<vmem>> -> memref<128xi32, #tpu.memory_space<vmem>>
      %dma_wait3A_125 = arith.constant 0 : i32
      %dma_wait3A_126 = arith.constant 0 : i32
      %dma_wait3A_127 = tpu.memref_slice %arg2[%dma_wait3A_125, %dma_wait3A_126] : memref<20480x64xf32, #tpu.memory_space<hbm>> -> memref<20480x64xf32, #tpu.memory_space<hbm>>
      tpu.wait_indirect_dma semaphore(%arg12 : memref<!tpu.dma_semaphore, #tpu.memory_space<semaphore_mem>>) src(%dma_wait3A_127 : memref<20480x64xf32, #tpu.memory_space<hbm>>) dst(%dma_wait3A_121 : memref<128x64xf32, #tpu.memory_space<vmem>>)
      %run_scoped3A = arith.constant 0 : i32
      "tpu.region"() ({
        %run_scoped3A_204 = tpu.sem_alloc : memref<!tpu.dma_semaphore, #tpu.memory_space<semaphore_mem>>
        %dma_start3A_205 = arith.constant 0 : i32
        %dma_start3A_206 = arith.constant 0 : i32
        %dma_start3A_207 = tpu.memref_slice %arg9[%run_scoped3A, %dma_start3A_205, %dma_start3A_206] : memref<4x128x64xf32, #tpu.memory_space<vmem>> -> memref<1x128x64xf32, #tpu.memory_space<vmem>>
        %dma_start3A_208 = tpu.memref_squeeze %dma_start3A_207 : memref<1x128x64xf32, #tpu.memory_space<vmem>> -> memref<128x64xf32, #tpu.memory_space<vmem>>
        %dma_start3A_209 = arith.constant 0 : i32
        %dma_start3A_210 = tpu.memref_slice %arg8[%add3A_117, %dma_start3A_209] : memref<160x128xi32, #tpu.memory_space<vmem>> -> memref<1x128xi32, #tpu.memory_space<vmem>>
        %dma_start3A_211 = tpu.memref_squeeze %dma_start3A_210 : memref<1x128xi32, #tpu.memory_space<vmem>> -> memref<128xi32, #tpu.memory_space<vmem>>
        %dma_start3A_212 = arith.constant 0 : i32
        %dma_start3A_213 = arith.constant 0 : i32
        %dma_start3A_214 = tpu.memref_slice %arg11[%dma_start3A_212, %dma_start3A_213] : memref<10240x64xf32, #tpu.memory_space<vmem_shared>> -> memref<10240x64xf32, #tpu.memory_space<vmem_shared>>
        tpu.enqueue_indirect_dma source(%dma_start3A_208 : memref<128x64xf32, #tpu.memory_space<vmem>>) target(%dma_start3A_214 : memref<10240x64xf32, #tpu.memory_space<vmem_shared>>) offsets(%dma_start3A_211 : memref<128xi32, #tpu.memory_space<vmem>>) semaphore(%run_scoped3A_204 : memref<!tpu.dma_semaphore, #tpu.memory_space<semaphore_mem>>) {add = true}
        %dma_wait3A_215 = arith.constant 0 : i32
        %dma_wait3A_216 = arith.constant 0 : i32
        %dma_wait3A_217 = tpu.memref_slice %arg9[%run_scoped3A, %dma_wait3A_215, %dma_wait3A_216] : memref<4x128x64xf32, #tpu.memory_space<vmem>> -> memref<1x128x64xf32, #tpu.memory_space<vmem>>
        %dma_wait3A_218 = tpu.memref_squeeze %dma_wait3A_217 : memref<1x128x64xf32, #tpu.memory_space<vmem>> -> memref<128x64xf32, #tpu.memory_space<vmem>>
        %dma_wait3A_219 = arith.constant 0 : i32
        %dma_wait3A_220 = tpu.memref_slice %arg8[%add3A_117, %dma_wait3A_219] : memref<160x128xi32, #tpu.memory_space<vmem>> -> memref<1x128xi32, #tpu.memory_space<vmem>>
        %dma_wait3A_221 = tpu.memref_squeeze %dma_wait3A_220 : memref<1x128xi32, #tpu.memory_space<vmem>> -> memref<128xi32, #tpu.memory_space<vmem>>
        %dma_wait3A_222 = arith.constant 0 : i32
        %dma_wait3A_223 = arith.constant 0 : i32
        %dma_wait3A_224 = tpu.memref_slice %arg11[%dma_wait3A_222, %dma_wait3A_223] : memref<10240x64xf32, #tpu.memory_space<vmem_shared>> -> memref<10240x64xf32, #tpu.memory_space<vmem_shared>>
        tpu.wait_indirect_dma semaphore(%run_scoped3A_204 : memref<!tpu.dma_semaphore, #tpu.memory_space<semaphore_mem>>) src(%dma_wait3A_218 : memref<128x64xf32, #tpu.memory_space<vmem>>) dst(%dma_wait3A_224 : memref<10240x64xf32, #tpu.memory_space<vmem_shared>>)
        tpu.yield
      }) : () -> ()
      %add3A_128 = arith.constant 4 : i32
      %add3A_129 = arith.addi %add3A_117, %add3A_128 : i32
      %lt3A = arith.constant 160 : i32
      %lt3A_130 = arith.cmpi slt, %add3A_129, %lt3A : i32
      %convert_element_type3A_131 = arith.extui %lt3A_130 : i1 to i32
      %cond3A_132 = arith.constant 0 : i32
      %cond3A_133 = arith.cmpi ne, %convert_element_type3A_131, %cond3A_132 : i32
      scf.if %cond3A_133 {
        %add3A_204 = arith.constant 4 : i32
        %add3A_205 = arith.addi %add3A_117, %add3A_204 : i32
        %dma_start3A_206 = arith.constant 0 : i32
        %dma_start3A_207 = arith.constant 0 : i32
        %dma_start3A_208 = arith.constant 0 : i32
        %dma_start3A_209 = tpu.memref_slice %arg9[%dma_start3A_206, %dma_start3A_207, %dma_start3A_208] : memref<4x128x64xf32, #tpu.memory_space<vmem>> -> memref<1x128x64xf32, #tpu.memory_space<vmem>>
        %dma_start3A_210 = tpu.memref_squeeze %dma_start3A_209 : memref<1x128x64xf32, #tpu.memory_space<vmem>> -> memref<128x64xf32, #tpu.memory_space<vmem>>
        %dma_start3A_211 = arith.constant 0 : i32
        %dma_start3A_212 = tpu.memref_slice %arg7[%add3A_205, %dma_start3A_211] : memref<160x128xi32, #tpu.memory_space<vmem>> -> memref<1x128xi32, #tpu.memory_space<vmem>>
        %dma_start3A_213 = tpu.memref_squeeze %dma_start3A_212 : memref<1x128xi32, #tpu.memory_space<vmem>> -> memref<128xi32, #tpu.memory_space<vmem>>
        %dma_start3A_214 = arith.constant 0 : i32
        %dma_start3A_215 = arith.constant 0 : i32
        %dma_start3A_216 = tpu.memref_slice %arg2[%dma_start3A_214, %dma_start3A_215] : memref<20480x64xf32, #tpu.memory_space<hbm>> -> memref<20480x64xf32, #tpu.memory_space<hbm>>
        tpu.enqueue_indirect_dma source(%dma_start3A_216 : memref<20480x64xf32, #tpu.memory_space<hbm>>) target(%dma_start3A_210 : memref<128x64xf32, #tpu.memory_space<vmem>>) offsets(%dma_start3A_213 : memref<128xi32, #tpu.memory_space<vmem>>) semaphore(%arg12 : memref<!tpu.dma_semaphore, #tpu.memory_space<semaphore_mem>>)
      } else {
      }
      %mul3A_134 = arith.constant 4 : i32
      %mul3A_135 = arith.muli %scan3A_112, %mul3A_134 : i32
      %add3A_136 = arith.constant 1 : i32
      %add3A_137 = arith.addi %mul3A_135, %add3A_136 : i32
      %dma_wait3A_138 = arith.constant 1 : i32
      %dma_wait3A_139 = arith.constant 0 : i32
      %dma_wait3A_140 = arith.constant 0 : i32
      %dma_wait3A_141 = tpu.memref_slice %arg9[%dma_wait3A_138, %dma_wait3A_139, %dma_wait3A_140] : memref<4x128x64xf32, #tpu.memory_space<vmem>> -> memref<1x128x64xf32, #tpu.memory_space<vmem>>
      %dma_wait3A_142 = tpu.memref_squeeze %dma_wait3A_141 : memref<1x128x64xf32, #tpu.memory_space<vmem>> -> memref<128x64xf32, #tpu.memory_space<vmem>>
      %dma_wait3A_143 = arith.constant 0 : i32
      %dma_wait3A_144 = tpu.memref_slice %arg7[%add3A_137, %dma_wait3A_143] : memref<160x128xi32, #tpu.memory_space<vmem>> -> memref<1x128xi32, #tpu.memory_space<vmem>>
      %dma_wait3A_145 = tpu.memref_squeeze %dma_wait3A_144 : memref<1x128xi32, #tpu.memory_space<vmem>> -> memref<128xi32, #tpu.memory_space<vmem>>
      %dma_wait3A_146 = arith.constant 0 : i32
      %dma_wait3A_147 = arith.constant 0 : i32
      %dma_wait3A_148 = tpu.memref_slice %arg2[%dma_wait3A_146, %dma_wait3A_147] : memref<20480x64xf32, #tpu.memory_space<hbm>> -> memref<20480x64xf32, #tpu.memory_space<hbm>>
      tpu.wait_indirect_dma semaphore(%arg13 : memref<!tpu.dma_semaphore, #tpu.memory_space<semaphore_mem>>) src(%dma_wait3A_148 : memref<20480x64xf32, #tpu.memory_space<hbm>>) dst(%dma_wait3A_142 : memref<128x64xf32, #tpu.memory_space<vmem>>)
      %run_scoped3A_149 = arith.constant 1 : i32
      "tpu.region"() ({
        %run_scoped3A_204 = tpu.sem_alloc : memref<!tpu.dma_semaphore, #tpu.memory_space<semaphore_mem>>
        %dma_start3A_205 = arith.constant 0 : i32
        %dma_start3A_206 = arith.constant 0 : i32
        %dma_start3A_207 = tpu.memref_slice %arg9[%run_scoped3A_149, %dma_start3A_205, %dma_start3A_206] : memref<4x128x64xf32, #tpu.memory_space<vmem>> -> memref<1x128x64xf32, #tpu.memory_space<vmem>>
        %dma_start3A_208 = tpu.memref_squeeze %dma_start3A_207 : memref<1x128x64xf32, #tpu.memory_space<vmem>> -> memref<128x64xf32, #tpu.memory_space<vmem>>
        %dma_start3A_209 = arith.constant 0 : i32
        %dma_start3A_210 = tpu.memref_slice %arg8[%add3A_137, %dma_start3A_209] : memref<160x128xi32, #tpu.memory_space<vmem>> -> memref<1x128xi32, #tpu.memory_space<vmem>>
        %dma_start3A_211 = tpu.memref_squeeze %dma_start3A_210 : memref<1x128xi32, #tpu.memory_space<vmem>> -> memref<128xi32, #tpu.memory_space<vmem>>
        %dma_start3A_212 = arith.constant 0 : i32
        %dma_start3A_213 = arith.constant 0 : i32
        %dma_start3A_214 = tpu.memref_slice %arg11[%dma_start3A_212, %dma_start3A_213] : memref<10240x64xf32, #tpu.memory_space<vmem_shared>> -> memref<10240x64xf32, #tpu.memory_space<vmem_shared>>
        tpu.enqueue_indirect_dma source(%dma_start3A_208 : memref<128x64xf32, #tpu.memory_space<vmem>>) target(%dma_start3A_214 : memref<10240x64xf32, #tpu.memory_space<vmem_shared>>) offsets(%dma_start3A_211 : memref<128xi32, #tpu.memory_space<vmem>>) semaphore(%run_scoped3A_204 : memref<!tpu.dma_semaphore, #tpu.memory_space<semaphore_mem>>) {add = true}
        %dma_wait3A_215 = arith.constant 0 : i32
        %dma_wait3A_216 = arith.constant 0 : i32
        %dma_wait3A_217 = tpu.memref_slice %arg9[%run_scoped3A_149, %dma_wait3A_215, %dma_wait3A_216] : memref<4x128x64xf32, #tpu.memory_space<vmem>> -> memref<1x128x64xf32, #tpu.memory_space<vmem>>
        %dma_wait3A_218 = tpu.memref_squeeze %dma_wait3A_217 : memref<1x128x64xf32, #tpu.memory_space<vmem>> -> memref<128x64xf32, #tpu.memory_space<vmem>>
        %dma_wait3A_219 = arith.constant 0 : i32
        %dma_wait3A_220 = tpu.memref_slice %arg8[%add3A_137, %dma_wait3A_219] : memref<160x128xi32, #tpu.memory_space<vmem>> -> memref<1x128xi32, #tpu.memory_space<vmem>>
        %dma_wait3A_221 = tpu.memref_squeeze %dma_wait3A_220 : memref<1x128xi32, #tpu.memory_space<vmem>> -> memref<128xi32, #tpu.memory_space<vmem>>
        %dma_wait3A_222 = arith.constant 0 : i32
        %dma_wait3A_223 = arith.constant 0 : i32
        %dma_wait3A_224 = tpu.memref_slice %arg11[%dma_wait3A_222, %dma_wait3A_223] : memref<10240x64xf32, #tpu.memory_space<vmem_shared>> -> memref<10240x64xf32, #tpu.memory_space<vmem_shared>>
        tpu.wait_indirect_dma semaphore(%run_scoped3A_204 : memref<!tpu.dma_semaphore, #tpu.memory_space<semaphore_mem>>) src(%dma_wait3A_218 : memref<128x64xf32, #tpu.memory_space<vmem>>) dst(%dma_wait3A_224 : memref<10240x64xf32, #tpu.memory_space<vmem_shared>>)
        tpu.yield
      }) : () -> ()
      %add3A_150 = arith.constant 4 : i32
      %add3A_151 = arith.addi %add3A_137, %add3A_150 : i32
      %lt3A_152 = arith.constant 160 : i32
      %lt3A_153 = arith.cmpi slt, %add3A_151, %lt3A_152 : i32
      %convert_element_type3A_154 = arith.extui %lt3A_153 : i1 to i32
      %cond3A_155 = arith.constant 0 : i32
      %cond3A_156 = arith.cmpi ne, %convert_element_type3A_154, %cond3A_155 : i32
      scf.if %cond3A_156 {
        %add3A_204 = arith.constant 4 : i32
        %add3A_205 = arith.addi %add3A_137, %add3A_204 : i32
        %dma_start3A_206 = arith.constant 1 : i32
        %dma_start3A_207 = arith.constant 0 : i32
        %dma_start3A_208 = arith.constant 0 : i32
        %dma_start3A_209 = tpu.memref_slice %arg9[%dma_start3A_206, %dma_start3A_207, %dma_start3A_208] : memref<4x128x64xf32, #tpu.memory_space<vmem>> -> memref<1x128x64xf32, #tpu.memory_space<vmem>>
        %dma_start3A_210 = tpu.memref_squeeze %dma_start3A_209 : memref<1x128x64xf32, #tpu.memory_space<vmem>> -> memref<128x64xf32, #tpu.memory_space<vmem>>
        %dma_start3A_211 = arith.constant 0 : i32
        %dma_start3A_212 = tpu.memref_slice %arg7[%add3A_205, %dma_start3A_211] : memref<160x128xi32, #tpu.memory_space<vmem>> -> memref<1x128xi32, #tpu.memory_space<vmem>>
        %dma_start3A_213 = tpu.memref_squeeze %dma_start3A_212 : memref<1x128xi32, #tpu.memory_space<vmem>> -> memref<128xi32, #tpu.memory_space<vmem>>
        %dma_start3A_214 = arith.constant 0 : i32
        %dma_start3A_215 = arith.constant 0 : i32
        %dma_start3A_216 = tpu.memref_slice %arg2[%dma_start3A_214, %dma_start3A_215] : memref<20480x64xf32, #tpu.memory_space<hbm>> -> memref<20480x64xf32, #tpu.memory_space<hbm>>
        tpu.enqueue_indirect_dma source(%dma_start3A_216 : memref<20480x64xf32, #tpu.memory_space<hbm>>) target(%dma_start3A_210 : memref<128x64xf32, #tpu.memory_space<vmem>>) offsets(%dma_start3A_213 : memref<128xi32, #tpu.memory_space<vmem>>) semaphore(%arg13 : memref<!tpu.dma_semaphore, #tpu.memory_space<semaphore_mem>>)
      } else {
      }
      %mul3A_157 = arith.constant 4 : i32
      %mul3A_158 = arith.muli %scan3A_112, %mul3A_157 : i32
      %add3A_159 = arith.constant 2 : i32
      %add3A_160 = arith.addi %mul3A_158, %add3A_159 : i32
      %dma_wait3A_161 = arith.constant 2 : i32
      %dma_wait3A_162 = arith.constant 0 : i32
      %dma_wait3A_163 = arith.constant 0 : i32
      %dma_wait3A_164 = tpu.memref_slice %arg9[%dma_wait3A_161, %dma_wait3A_162, %dma_wait3A_163] : memref<4x128x64xf32, #tpu.memory_space<vmem>> -> memref<1x128x64xf32, #tpu.memory_space<vmem>>
      %dma_wait3A_165 = tpu.memref_squeeze %dma_wait3A_164 : memref<1x128x64xf32, #tpu.memory_space<vmem>> -> memref<128x64xf32, #tpu.memory_space<vmem>>
      %dma_wait3A_166 = arith.constant 0 : i32
      %dma_wait3A_167 = tpu.memref_slice %arg7[%add3A_160, %dma_wait3A_166] : memref<160x128xi32, #tpu.memory_space<vmem>> -> memref<1x128xi32, #tpu.memory_space<vmem>>
      %dma_wait3A_168 = tpu.memref_squeeze %dma_wait3A_167 : memref<1x128xi32, #tpu.memory_space<vmem>> -> memref<128xi32, #tpu.memory_space<vmem>>
      %dma_wait3A_169 = arith.constant 0 : i32
      %dma_wait3A_170 = arith.constant 0 : i32
      %dma_wait3A_171 = tpu.memref_slice %arg2[%dma_wait3A_169, %dma_wait3A_170] : memref<20480x64xf32, #tpu.memory_space<hbm>> -> memref<20480x64xf32, #tpu.memory_space<hbm>>
      tpu.wait_indirect_dma semaphore(%arg14 : memref<!tpu.dma_semaphore, #tpu.memory_space<semaphore_mem>>) src(%dma_wait3A_171 : memref<20480x64xf32, #tpu.memory_space<hbm>>) dst(%dma_wait3A_165 : memref<128x64xf32, #tpu.memory_space<vmem>>)
      %run_scoped3A_172 = arith.constant 2 : i32
      "tpu.region"() ({
        %run_scoped3A_204 = tpu.sem_alloc : memref<!tpu.dma_semaphore, #tpu.memory_space<semaphore_mem>>
        %dma_start3A_205 = arith.constant 0 : i32
        %dma_start3A_206 = arith.constant 0 : i32
        %dma_start3A_207 = tpu.memref_slice %arg9[%run_scoped3A_172, %dma_start3A_205, %dma_start3A_206] : memref<4x128x64xf32, #tpu.memory_space<vmem>> -> memref<1x128x64xf32, #tpu.memory_space<vmem>>
        %dma_start3A_208 = tpu.memref_squeeze %dma_start3A_207 : memref<1x128x64xf32, #tpu.memory_space<vmem>> -> memref<128x64xf32, #tpu.memory_space<vmem>>
        %dma_start3A_209 = arith.constant 0 : i32
        %dma_start3A_210 = tpu.memref_slice %arg8[%add3A_160, %dma_start3A_209] : memref<160x128xi32, #tpu.memory_space<vmem>> -> memref<1x128xi32, #tpu.memory_space<vmem>>
        %dma_start3A_211 = tpu.memref_squeeze %dma_start3A_210 : memref<1x128xi32, #tpu.memory_space<vmem>> -> memref<128xi32, #tpu.memory_space<vmem>>
        %dma_start3A_212 = arith.constant 0 : i32
        %dma_start3A_213 = arith.constant 0 : i32
        %dma_start3A_214 = tpu.memref_slice %arg11[%dma_start3A_212, %dma_start3A_213] : memref<10240x64xf32, #tpu.memory_space<vmem_shared>> -> memref<10240x64xf32, #tpu.memory_space<vmem_shared>>
        tpu.enqueue_indirect_dma source(%dma_start3A_208 : memref<128x64xf32, #tpu.memory_space<vmem>>) target(%dma_start3A_214 : memref<10240x64xf32, #tpu.memory_space<vmem_shared>>) offsets(%dma_start3A_211 : memref<128xi32, #tpu.memory_space<vmem>>) semaphore(%run_scoped3A_204 : memref<!tpu.dma_semaphore, #tpu.memory_space<semaphore_mem>>) {add = true}
        %dma_wait3A_215 = arith.constant 0 : i32
        %dma_wait3A_216 = arith.constant 0 : i32
        %dma_wait3A_217 = tpu.memref_slice %arg9[%run_scoped3A_172, %dma_wait3A_215, %dma_wait3A_216] : memref<4x128x64xf32, #tpu.memory_space<vmem>> -> memref<1x128x64xf32, #tpu.memory_space<vmem>>
        %dma_wait3A_218 = tpu.memref_squeeze %dma_wait3A_217 : memref<1x128x64xf32, #tpu.memory_space<vmem>> -> memref<128x64xf32, #tpu.memory_space<vmem>>
        %dma_wait3A_219 = arith.constant 0 : i32
        %dma_wait3A_220 = tpu.memref_slice %arg8[%add3A_160, %dma_wait3A_219] : memref<160x128xi32, #tpu.memory_space<vmem>> -> memref<1x128xi32, #tpu.memory_space<vmem>>
        %dma_wait3A_221 = tpu.memref_squeeze %dma_wait3A_220 : memref<1x128xi32, #tpu.memory_space<vmem>> -> memref<128xi32, #tpu.memory_space<vmem>>
        %dma_wait3A_222 = arith.constant 0 : i32
        %dma_wait3A_223 = arith.constant 0 : i32
        %dma_wait3A_224 = tpu.memref_slice %arg11[%dma_wait3A_222, %dma_wait3A_223] : memref<10240x64xf32, #tpu.memory_space<vmem_shared>> -> memref<10240x64xf32, #tpu.memory_space<vmem_shared>>
        tpu.wait_indirect_dma semaphore(%run_scoped3A_204 : memref<!tpu.dma_semaphore, #tpu.memory_space<semaphore_mem>>) src(%dma_wait3A_218 : memref<128x64xf32, #tpu.memory_space<vmem>>) dst(%dma_wait3A_224 : memref<10240x64xf32, #tpu.memory_space<vmem_shared>>)
        tpu.yield
      }) : () -> ()
      %add3A_173 = arith.constant 4 : i32
      %add3A_174 = arith.addi %add3A_160, %add3A_173 : i32
      %lt3A_175 = arith.constant 160 : i32
      %lt3A_176 = arith.cmpi slt, %add3A_174, %lt3A_175 : i32
      %convert_element_type3A_177 = arith.extui %lt3A_176 : i1 to i32
      %cond3A_178 = arith.constant 0 : i32
      %cond3A_179 = arith.cmpi ne, %convert_element_type3A_177, %cond3A_178 : i32
      scf.if %cond3A_179 {
        %add3A_204 = arith.constant 4 : i32
        %add3A_205 = arith.addi %add3A_160, %add3A_204 : i32
        %dma_start3A_206 = arith.constant 2 : i32
        %dma_start3A_207 = arith.constant 0 : i32
        %dma_start3A_208 = arith.constant 0 : i32
        %dma_start3A_209 = tpu.memref_slice %arg9[%dma_start3A_206, %dma_start3A_207, %dma_start3A_208] : memref<4x128x64xf32, #tpu.memory_space<vmem>> -> memref<1x128x64xf32, #tpu.memory_space<vmem>>
        %dma_start3A_210 = tpu.memref_squeeze %dma_start3A_209 : memref<1x128x64xf32, #tpu.memory_space<vmem>> -> memref<128x64xf32, #tpu.memory_space<vmem>>
        %dma_start3A_211 = arith.constant 0 : i32
        %dma_start3A_212 = tpu.memref_slice %arg7[%add3A_205, %dma_start3A_211] : memref<160x128xi32, #tpu.memory_space<vmem>> -> memref<1x128xi32, #tpu.memory_space<vmem>>
        %dma_start3A_213 = tpu.memref_squeeze %dma_start3A_212 : memref<1x128xi32, #tpu.memory_space<vmem>> -> memref<128xi32, #tpu.memory_space<vmem>>
        %dma_start3A_214 = arith.constant 0 : i32
        %dma_start3A_215 = arith.constant 0 : i32
        %dma_start3A_216 = tpu.memref_slice %arg2[%dma_start3A_214, %dma_start3A_215] : memref<20480x64xf32, #tpu.memory_space<hbm>> -> memref<20480x64xf32, #tpu.memory_space<hbm>>
        tpu.enqueue_indirect_dma source(%dma_start3A_216 : memref<20480x64xf32, #tpu.memory_space<hbm>>) target(%dma_start3A_210 : memref<128x64xf32, #tpu.memory_space<vmem>>) offsets(%dma_start3A_213 : memref<128xi32, #tpu.memory_space<vmem>>) semaphore(%arg14 : memref<!tpu.dma_semaphore, #tpu.memory_space<semaphore_mem>>)
      } else {
      }
      %mul3A_180 = arith.constant 4 : i32
      %mul3A_181 = arith.muli %scan3A_112, %mul3A_180 : i32
      %add3A_182 = arith.constant 3 : i32
      %add3A_183 = arith.addi %mul3A_181, %add3A_182 : i32
      %dma_wait3A_184 = arith.constant 3 : i32
      %dma_wait3A_185 = arith.constant 0 : i32
      %dma_wait3A_186 = arith.constant 0 : i32
      %dma_wait3A_187 = tpu.memref_slice %arg9[%dma_wait3A_184, %dma_wait3A_185, %dma_wait3A_186] : memref<4x128x64xf32, #tpu.memory_space<vmem>> -> memref<1x128x64xf32, #tpu.memory_space<vmem>>
      %dma_wait3A_188 = tpu.memref_squeeze %dma_wait3A_187 : memref<1x128x64xf32, #tpu.memory_space<vmem>> -> memref<128x64xf32, #tpu.memory_space<vmem>>
      %dma_wait3A_189 = arith.constant 0 : i32
      %dma_wait3A_190 = tpu.memref_slice %arg7[%add3A_183, %dma_wait3A_189] : memref<160x128xi32, #tpu.memory_space<vmem>> -> memref<1x128xi32, #tpu.memory_space<vmem>>
      %dma_wait3A_191 = tpu.memref_squeeze %dma_wait3A_190 : memref<1x128xi32, #tpu.memory_space<vmem>> -> memref<128xi32, #tpu.memory_space<vmem>>
      %dma_wait3A_192 = arith.constant 0 : i32
      %dma_wait3A_193 = arith.constant 0 : i32
      %dma_wait3A_194 = tpu.memref_slice %arg2[%dma_wait3A_192, %dma_wait3A_193] : memref<20480x64xf32, #tpu.memory_space<hbm>> -> memref<20480x64xf32, #tpu.memory_space<hbm>>
      tpu.wait_indirect_dma semaphore(%arg15 : memref<!tpu.dma_semaphore, #tpu.memory_space<semaphore_mem>>) src(%dma_wait3A_194 : memref<20480x64xf32, #tpu.memory_space<hbm>>) dst(%dma_wait3A_188 : memref<128x64xf32, #tpu.memory_space<vmem>>)
      %run_scoped3A_195 = arith.constant 3 : i32
      "tpu.region"() ({
        %run_scoped3A_204 = tpu.sem_alloc : memref<!tpu.dma_semaphore, #tpu.memory_space<semaphore_mem>>
        %dma_start3A_205 = arith.constant 0 : i32
        %dma_start3A_206 = arith.constant 0 : i32
        %dma_start3A_207 = tpu.memref_slice %arg9[%run_scoped3A_195, %dma_start3A_205, %dma_start3A_206] : memref<4x128x64xf32, #tpu.memory_space<vmem>> -> memref<1x128x64xf32, #tpu.memory_space<vmem>>
        %dma_start3A_208 = tpu.memref_squeeze %dma_start3A_207 : memref<1x128x64xf32, #tpu.memory_space<vmem>> -> memref<128x64xf32, #tpu.memory_space<vmem>>
        %dma_start3A_209 = arith.constant 0 : i32
        %dma_start3A_210 = tpu.memref_slice %arg8[%add3A_183, %dma_start3A_209] : memref<160x128xi32, #tpu.memory_space<vmem>> -> memref<1x128xi32, #tpu.memory_space<vmem>>
        %dma_start3A_211 = tpu.memref_squeeze %dma_start3A_210 : memref<1x128xi32, #tpu.memory_space<vmem>> -> memref<128xi32, #tpu.memory_space<vmem>>
        %dma_start3A_212 = arith.constant 0 : i32
        %dma_start3A_213 = arith.constant 0 : i32
        %dma_start3A_214 = tpu.memref_slice %arg11[%dma_start3A_212, %dma_start3A_213] : memref<10240x64xf32, #tpu.memory_space<vmem_shared>> -> memref<10240x64xf32, #tpu.memory_space<vmem_shared>>
        tpu.enqueue_indirect_dma source(%dma_start3A_208 : memref<128x64xf32, #tpu.memory_space<vmem>>) target(%dma_start3A_214 : memref<10240x64xf32, #tpu.memory_space<vmem_shared>>) offsets(%dma_start3A_211 : memref<128xi32, #tpu.memory_space<vmem>>) semaphore(%run_scoped3A_204 : memref<!tpu.dma_semaphore, #tpu.memory_space<semaphore_mem>>) {add = true}
        %dma_wait3A_215 = arith.constant 0 : i32
        %dma_wait3A_216 = arith.constant 0 : i32
        %dma_wait3A_217 = tpu.memref_slice %arg9[%run_scoped3A_195, %dma_wait3A_215, %dma_wait3A_216] : memref<4x128x64xf32, #tpu.memory_space<vmem>> -> memref<1x128x64xf32, #tpu.memory_space<vmem>>
        %dma_wait3A_218 = tpu.memref_squeeze %dma_wait3A_217 : memref<1x128x64xf32, #tpu.memory_space<vmem>> -> memref<128x64xf32, #tpu.memory_space<vmem>>
        %dma_wait3A_219 = arith.constant 0 : i32
        %dma_wait3A_220 = tpu.memref_slice %arg8[%add3A_183, %dma_wait3A_219] : memref<160x128xi32, #tpu.memory_space<vmem>> -> memref<1x128xi32, #tpu.memory_space<vmem>>
        %dma_wait3A_221 = tpu.memref_squeeze %dma_wait3A_220 : memref<1x128xi32, #tpu.memory_space<vmem>> -> memref<128xi32, #tpu.memory_space<vmem>>
        %dma_wait3A_222 = arith.constant 0 : i32
        %dma_wait3A_223 = arith.constant 0 : i32
        %dma_wait3A_224 = tpu.memref_slice %arg11[%dma_wait3A_222, %dma_wait3A_223] : memref<10240x64xf32, #tpu.memory_space<vmem_shared>> -> memref<10240x64xf32, #tpu.memory_space<vmem_shared>>
        tpu.wait_indirect_dma semaphore(%run_scoped3A_204 : memref<!tpu.dma_semaphore, #tpu.memory_space<semaphore_mem>>) src(%dma_wait3A_218 : memref<128x64xf32, #tpu.memory_space<vmem>>) dst(%dma_wait3A_224 : memref<10240x64xf32, #tpu.memory_space<vmem_shared>>)
        tpu.yield
      }) : () -> ()
      %add3A_196 = arith.constant 4 : i32
      %add3A_197 = arith.addi %add3A_183, %add3A_196 : i32
      %lt3A_198 = arith.constant 160 : i32
      %lt3A_199 = arith.cmpi slt, %add3A_197, %lt3A_198 : i32
      %convert_element_type3A_200 = arith.extui %lt3A_199 : i1 to i32
      %cond3A_201 = arith.constant 0 : i32
      %cond3A_202 = arith.cmpi ne, %convert_element_type3A_200, %cond3A_201 : i32
      scf.if %cond3A_202 {
        %add3A_204 = arith.constant 4 : i32
        %add3A_205 = arith.addi %add3A_183, %add3A_204 : i32
        %dma_start3A_206 = arith.constant 3 : i32
        %dma_start3A_207 = arith.constant 0 : i32
        %dma_start3A_208 = arith.constant 0 : i32
        %dma_start3A_209 = tpu.memref_slice %arg9[%dma_start3A_206, %dma_start3A_207, %dma_start3A_208] : memref<4x128x64xf32, #tpu.memory_space<vmem>> -> memref<1x128x64xf32, #tpu.memory_space<vmem>>
        %dma_start3A_210 = tpu.memref_squeeze %dma_start3A_209 : memref<1x128x64xf32, #tpu.memory_space<vmem>> -> memref<128x64xf32, #tpu.memory_space<vmem>>
        %dma_start3A_211 = arith.constant 0 : i32
        %dma_start3A_212 = tpu.memref_slice %arg7[%add3A_205, %dma_start3A_211] : memref<160x128xi32, #tpu.memory_space<vmem>> -> memref<1x128xi32, #tpu.memory_space<vmem>>
        %dma_start3A_213 = tpu.memref_squeeze %dma_start3A_212 : memref<1x128xi32, #tpu.memory_space<vmem>> -> memref<128xi32, #tpu.memory_space<vmem>>
        %dma_start3A_214 = arith.constant 0 : i32
        %dma_start3A_215 = arith.constant 0 : i32
        %dma_start3A_216 = tpu.memref_slice %arg2[%dma_start3A_214, %dma_start3A_215] : memref<20480x64xf32, #tpu.memory_space<hbm>> -> memref<20480x64xf32, #tpu.memory_space<hbm>>
        tpu.enqueue_indirect_dma source(%dma_start3A_216 : memref<20480x64xf32, #tpu.memory_space<hbm>>) target(%dma_start3A_210 : memref<128x64xf32, #tpu.memory_space<vmem>>) offsets(%dma_start3A_213 : memref<128xi32, #tpu.memory_space<vmem>>) semaphore(%arg15 : memref<!tpu.dma_semaphore, #tpu.memory_space<semaphore_mem>>)
      } else {
      }
      %scan3A_203 = arith.constant 0 : i32
      scf.yield %scan3A_203 : i32
    }
    %scan3A_103 = arith.constant 40 : i32
    %barrier3A_104 = arith.constant 0 : index
    tpu.barrier barrier_id(%barrier3A_104)
    %mul3A_105 = arith.constant 640 : i32
    %mul3A_106 = arith.muli %arg1, %mul3A_105 : i32
    %mul3A_107 = arith.constant 10240 : i32
    %mul3A_108 = arith.muli %arg0, %mul3A_107 : i32
    %mul3A_109 = arith.constant 640 : i32
    %mul3A_110 = arith.muli %arg1, %mul3A_109 : i32
    %add3A_111 = arith.addi %mul3A_108, %mul3A_110 : i32
    "tpu.region"() ({
      %run_scoped3A = tpu.sem_alloc : memref<!tpu.dma_semaphore, #tpu.memory_space<semaphore_mem>>
      %dma_start3A_112 = arith.constant 0 : i32
      %dma_start3A_113 = tpu.memref_slice %arg6[%add3A_111, %dma_start3A_112] : memref<20480x64xf32, #tpu.memory_space<hbm>> -> memref<640x64xf32, #tpu.memory_space<hbm>>
      %dma_start3A_114 = arith.constant 0 : i32
      %dma_start3A_115 = tpu.memref_slice %arg11[%mul3A_106, %dma_start3A_114] : memref<10240x64xf32, #tpu.memory_space<vmem_shared>> -> memref<640x64xf32, #tpu.memory_space<vmem_shared>>
      tpu.enqueue_dma source(%dma_start3A_115 : memref<640x64xf32, #tpu.memory_space<vmem_shared>>) target(%dma_start3A_113 : memref<640x64xf32, #tpu.memory_space<hbm>>) target_semaphore(%run_scoped3A : memref<!tpu.dma_semaphore, #tpu.memory_space<semaphore_mem>>)
      %dma_wait3A = arith.constant 0 : i32
      %dma_wait3A_116 = tpu.memref_slice %arg6[%add3A_111, %dma_wait3A] : memref<20480x64xf32, #tpu.memory_space<hbm>> -> memref<640x64xf32, #tpu.memory_space<hbm>>
      %dma_wait3A_117 = arith.constant 0 : i32
      %dma_wait3A_118 = tpu.memref_slice %arg11[%mul3A_106, %dma_wait3A_117] : memref<10240x64xf32, #tpu.memory_space<vmem_shared>> -> memref<640x64xf32, #tpu.memory_space<vmem_shared>>
      tpu.wait_dma2 semaphore(%run_scoped3A : memref<!tpu.dma_semaphore, #tpu.memory_space<semaphore_mem>>) src(%dma_wait3A_118 : memref<640x64xf32, #tpu.memory_space<vmem_shared>>) dst(%dma_wait3A_116 : memref<640x64xf32, #tpu.memory_space<hbm>>)
      tpu.yield
    }) : () -> ()
    return
  }
}

#map = affine_map<(d0, d1) -> (0, 0)>
#map1 = affine_map<(d0, d1) -> (0, 0, 0)>
module attributes {stable_mosaic.version = 14 : i64} {
  func.func @_scat(%arg0: i32, %arg1: i32, %arg2: memref<20480x64xf32, #tpu.memory_space<hbm>>, %arg3: memref<16x160x128xi32, #tpu.memory_space<hbm>>, %arg4: memref<16x160x128xi32, #tpu.memory_space<hbm>>, %arg5: memref<16x160x128xi32, #tpu.memory_space<hbm>>, %arg6: memref<20480x64xf32, #tpu.memory_space<hbm>>, %arg7: memref<160x128xi32, #tpu.memory_space<vmem>>, %arg8: memref<160x128xi32, #tpu.memory_space<vmem>>, %arg9: memref<4x128x64xf32, #tpu.memory_space<vmem>>, %arg10: memref<64x64xf32, #tpu.memory_space<vmem>>, %arg11: memref<10240x64xf32, #tpu.memory_space<vmem_shared>>, %arg12: memref<!tpu.dma_semaphore, #tpu.memory_space<semaphore_mem>>, %arg13: memref<!tpu.dma_semaphore, #tpu.memory_space<semaphore_mem>>, %arg14: memref<!tpu.dma_semaphore, #tpu.memory_space<semaphore_mem>>, %arg15: memref<!tpu.dma_semaphore, #tpu.memory_space<semaphore_mem>>) attributes {dimension_semantics = [#tpu.dimension_semantics<core_parallel>, #tpu.dimension_semantics<subcore_parallel>], iteration_bounds = array<i64: 2, 16>, scalar_prefetch = 0 : i64, scratch_operands = 9 : i64, tpu.core_type = #tpu.core_type<sc_vector_subcore>, window_params = [{transform_indices = #map}, {transform_indices = #map1}, {transform_indices = #map1}, {transform_indices = #map1}, {transform_indices = #map}]} {
    %scan3A = arith.constant 0 : i32
    %scan3A_0 = arith.constant 0 : i32
    %scan3A_1 = arith.constant 256 : i32
    %scan3A_2 = arith.addi %scan3A_0, %scan3A_1 : i32
    %scan3A_3 = arith.constant 1 : i32
    %scan3A_4 = scf.for %scan3A_112 = %scan3A_0 to %scan3A_2 step %scan3A_3 iter_args(%scan3A_113 = %scan3A) -> (i32)  : i32 {
      %broadcast_in_dim3A = arith.constant 0.000000e+00 : f32
      %broadcast_in_dim3A_114 = vector.broadcast %broadcast_in_dim3A : f32 to vector<16xf32>
      %jit3A = arith.constant 4 : i32
      %div3A = arith.divsi %scan3A_112, %jit3A : i32
      %sign3A = arith.constant 0 : i32
      %sign3A_115 = arith.cmpi sgt, %scan3A_112, %sign3A : i32
      %sign3A_116 = arith.extui %sign3A_115 : i1 to i32
      %sign3A_117 = arith.constant 0 : i32
      %sign3A_118 = arith.cmpi slt, %scan3A_112, %sign3A_117 : i32
      %sign3A_119 = arith.extui %sign3A_118 : i1 to i32
      %sign3A_120 = arith.subi %sign3A_116, %sign3A_119 : i32
      %sign3A_121 = arith.constant 0 : i32
      %sign3A_122 = arith.cmpi sgt, %jit3A, %sign3A_121 : i32
      %sign3A_123 = arith.extui %sign3A_122 : i1 to i32
      %sign3A_124 = arith.constant 0 : i32
      %sign3A_125 = arith.cmpi slt, %jit3A, %sign3A_124 : i32
      %sign3A_126 = arith.extui %sign3A_125 : i1 to i32
      %sign3A_127 = arith.subi %sign3A_123, %sign3A_126 : i32
      %ne3A_128 = arith.cmpi ne, %sign3A_120, %sign3A_127 : i32
      %rem3A = arith.remsi %scan3A_112, %jit3A : i32
      %ne3A_129 = arith.constant 0 : i32
      %ne3A_130 = arith.cmpi ne, %rem3A, %ne3A_129 : i32
      %and3A = arith.andi %ne3A_128, %ne3A_130 : i1
      %sub3A = arith.constant 1 : i32
      %sub3A_131 = arith.subi %div3A, %sub3A : i32
      %select_n3A = arith.select %and3A, %sub3A_131, %div3A : i32
      %jit3A_132 = arith.constant 4 : i32
      %eq3A_133 = arith.constant 0 : i32
      %eq3A_134 = arith.cmpi eq, %jit3A_132, %eq3A_133 : i32
      %jit3A_135 = arith.constant 1 : i32
      %select_n3A_136 = arith.select %eq3A_134, %jit3A_135, %jit3A_132 : i32
      %rem3A_137 = arith.remsi %scan3A_112, %select_n3A_136 : i32
      %ne3A_138 = arith.constant 0 : i32
      %ne3A_139 = arith.cmpi ne, %rem3A_137, %ne3A_138 : i32
      %lt3A = arith.constant 0 : i32
      %lt3A_140 = arith.cmpi slt, %rem3A_137, %lt3A : i32
      %lt3A_141 = arith.constant 0 : i32
      %lt3A_142 = arith.cmpi slt, %select_n3A_136, %lt3A_141 : i32
      %ne3A_143 = arith.xori %lt3A_140, %lt3A_142 : i1
      %and3A_144 = arith.andi %ne3A_143, %ne3A_139 : i1
      %add3A_145 = arith.addi %rem3A_137, %select_n3A_136 : i32
      %select_n3A_146 = arith.select %and3A_144, %add3A_145, %rem3A_137 : i32
      %mul3A_147 = arith.constant 16 : i32
      %mul3A_148 = arith.muli %select_n3A_146, %mul3A_147 : i32
      %swap3A = arith.index_cast %select_n3A : i32 to index
      %swap3A_149 = arith.index_cast %mul3A_148 : i32 to index
      %swap3A_150 = tpu.vector_load %arg10[%swap3A, %swap3A_149] {strides = array<i32>} : memref<64x64xf32, #tpu.memory_space<vmem>>, vector<1x16xf32>,
      %swap3A_151 = vector.shape_cast %swap3A_150 : vector<1x16xf32> to vector<16xf32>
      %swap3A_152 = vector.shape_cast %broadcast_in_dim3A_114 : vector<16xf32> to vector<1x16xf32>
      tpu.vector_store %arg10[%swap3A, %swap3A_149], %swap3A_152 {strides = array<i32>} : memref<64x64xf32, #tpu.memory_space<vmem>>, vector<1x16xf32>,
      %scan3A_153 = arith.constant 0 : i32
      scf.yield %scan3A_153 : i32
    }
    %scan3A_5 = arith.constant 256 : i32
    %mul3A = arith.constant 640 : i32
    %mul3A_6 = arith.muli %arg1, %mul3A : i32
    %add3A = arith.constant 0 : i32
    %add3A_7 = arith.addi %mul3A_6, %add3A : i32
    "tpu.region"() ({
      %run_scoped3A = tpu.sem_alloc : memref<!tpu.dma_semaphore, #tpu.memory_space<semaphore_mem>>
      %dma_start3A_112 = arith.constant 0 : i32
      %dma_start3A_113 = tpu.memref_slice %arg11[%add3A_7, %dma_start3A_112] : memref<10240x64xf32, #tpu.memory_space<vmem_shared>> -> memref<64x64xf32, #tpu.memory_space<vmem_shared>>
      %dma_start3A_114 = arith.constant 0 : i32
      %dma_start3A_115 = tpu.memref_slice %arg11[%add3A_7, %dma_start3A_114] : memref<10240x64xf32, #tpu.memory_space<vmem_shared>> -> memref<64x64xf32, #tpu.memory_space<vmem_shared>>
      tpu.enqueue_dma source(%arg10 : memref<64x64xf32, #tpu.memory_space<vmem>>) target(%dma_start3A_115 : memref<64x64xf32, #tpu.memory_space<vmem_shared>>) target_semaphore(%run_scoped3A : memref<!tpu.dma_semaphore, #tpu.memory_space<semaphore_mem>>)
      %dma_wait3A = arith.constant 0 : i32
      %dma_wait3A_116 = tpu.memref_slice %arg11[%add3A_7, %dma_wait3A] : memref<10240x64xf32, #tpu.memory_space<vmem_shared>> -> memref<64x64xf32, #tpu.memory_space<vmem_shared>>
      %dma_wait3A_117 = arith.constant 0 : i32
      %dma_wait3A_118 = tpu.memref_slice %arg11[%add3A_7, %dma_wait3A_117] : memref<10240x64xf32, #tpu.memory_space<vmem_shared>> -> memref<64x64xf32, #tpu.memory_space<vmem_shared>>
      tpu.wait_dma2 semaphore(%run_scoped3A : memref<!tpu.dma_semaphore, #tpu.memory_space<semaphore_mem>>) src(%arg10 : memref<64x64xf32, #tpu.memory_space<vmem>>) dst(%dma_wait3A_118 : memref<64x64xf32, #tpu.memory_space<vmem_shared>>)
      tpu.yield
    }) : () -> ()
    %mul3A_8 = arith.constant 640 : i32
    %mul3A_9 = arith.muli %arg1, %mul3A_8 : i32
    %add3A_10 = arith.constant 64 : i32
    %add3A_11 = arith.addi %mul3A_9, %add3A_10 : i32
    "tpu.region"() ({
      %run_scoped3A = tpu.sem_alloc : memref<!tpu.dma_semaphore, #tpu.memory_space<semaphore_mem>>
      %dma_start3A_112 = arith.constant 0 : i32
      %dma_start3A_113 = tpu.memref_slice %arg11[%add3A_11, %dma_start3A_112] : memref<10240x64xf32, #tpu.memory_space<vmem_shared>> -> memref<64x64xf32, #tpu.memory_space<vmem_shared>>
      %dma_start3A_114 = arith.constant 0 : i32
      %dma_start3A_115 = tpu.memref_slice %arg11[%add3A_11, %dma_start3A_114] : memref<10240x64xf32, #tpu.memory_space<vmem_shared>> -> memref<64x64xf32, #tpu.memory_space<vmem_shared>>
      tpu.enqueue_dma source(%arg10 : memref<64x64xf32, #tpu.memory_space<vmem>>) target(%dma_start3A_115 : memref<64x64xf32, #tpu.memory_space<vmem_shared>>) target_semaphore(%run_scoped3A : memref<!tpu.dma_semaphore, #tpu.memory_space<semaphore_mem>>)
      %dma_wait3A = arith.constant 0 : i32
      %dma_wait3A_116 = tpu.memref_slice %arg11[%add3A_11, %dma_wait3A] : memref<10240x64xf32, #tpu.memory_space<vmem_shared>> -> memref<64x64xf32, #tpu.memory_space<vmem_shared>>
      %dma_wait3A_117 = arith.constant 0 : i32
      %dma_wait3A_118 = tpu.memref_slice %arg11[%add3A_11, %dma_wait3A_117] : memref<10240x64xf32, #tpu.memory_space<vmem_shared>> -> memref<64x64xf32, #tpu.memory_space<vmem_shared>>
      tpu.wait_dma2 semaphore(%run_scoped3A : memref<!tpu.dma_semaphore, #tpu.memory_space<semaphore_mem>>) src(%arg10 : memref<64x64xf32, #tpu.memory_space<vmem>>) dst(%dma_wait3A_118 : memref<64x64xf32, #tpu.memory_space<vmem_shared>>)
      tpu.yield
    }) : () -> ()
    %mul3A_12 = arith.constant 640 : i32
    %mul3A_13 = arith.muli %arg1, %mul3A_12 : i32
    %add3A_14 = arith.constant 128 : i32
    %add3A_15 = arith.addi %mul3A_13, %add3A_14 : i32
    "tpu.region"() ({
      %run_scoped3A = tpu.sem_alloc : memref<!tpu.dma_semaphore, #tpu.memory_space<semaphore_mem>>
      %dma_start3A_112 = arith.constant 0 : i32
      %dma_start3A_113 = tpu.memref_slice %arg11[%add3A_15, %dma_start3A_112] : memref<10240x64xf32, #tpu.memory_space<vmem_shared>> -> memref<64x64xf32, #tpu.memory_space<vmem_shared>>
      %dma_start3A_114 = arith.constant 0 : i32
      %dma_start3A_115 = tpu.memref_slice %arg11[%add3A_15, %dma_start3A_114] : memref<10240x64xf32, #tpu.memory_space<vmem_shared>> -> memref<64x64xf32, #tpu.memory_space<vmem_shared>>
      tpu.enqueue_dma source(%arg10 : memref<64x64xf32, #tpu.memory_space<vmem>>) target(%dma_start3A_115 : memref<64x64xf32, #tpu.memory_space<vmem_shared>>) target_semaphore(%run_scoped3A : memref<!tpu.dma_semaphore, #tpu.memory_space<semaphore_mem>>)
      %dma_wait3A = arith.constant 0 : i32
      %dma_wait3A_116 = tpu.memref_slice %arg11[%add3A_15, %dma_wait3A] : memref<10240x64xf32, #tpu.memory_space<vmem_shared>> -> memref<64x64xf32, #tpu.memory_space<vmem_shared>>
      %dma_wait3A_117 = arith.constant 0 : i32
      %dma_wait3A_118 = tpu.memref_slice %arg11[%add3A_15, %dma_wait3A_117] : memref<10240x64xf32, #tpu.memory_space<vmem_shared>> -> memref<64x64xf32, #tpu.memory_space<vmem_shared>>
      tpu.wait_dma2 semaphore(%run_scoped3A : memref<!tpu.dma_semaphore, #tpu.memory_space<semaphore_mem>>) src(%arg10 : memref<64x64xf32, #tpu.memory_space<vmem>>) dst(%dma_wait3A_118 : memref<64x64xf32, #tpu.memory_space<vmem_shared>>)
      tpu.yield
    }) : () -> ()
    %mul3A_16 = arith.constant 640 : i32
    %mul3A_17 = arith.muli %arg1, %mul3A_16 : i32
    %add3A_18 = arith.constant 192 : i32
    %add3A_19 = arith.addi %mul3A_17, %add3A_18 : i32
    "tpu.region"() ({
      %run_scoped3A = tpu.sem_alloc : memref<!tpu.dma_semaphore, #tpu.memory_space<semaphore_mem>>
      %dma_start3A_112 = arith.constant 0 : i32
      %dma_start3A_113 = tpu.memref_slice %arg11[%add3A_19, %dma_start3A_112] : memref<10240x64xf32, #tpu.memory_space<vmem_shared>> -> memref<64x64xf32, #tpu.memory_space<vmem_shared>>
      %dma_start3A_114 = arith.constant 0 : i32
      %dma_start3A_115 = tpu.memref_slice %arg11[%add3A_19, %dma_start3A_114] : memref<10240x64xf32, #tpu.memory_space<vmem_shared>> -> memref<64x64xf32, #tpu.memory_space<vmem_shared>>
      tpu.enqueue_dma source(%arg10 : memref<64x64xf32, #tpu.memory_space<vmem>>) target(%dma_start3A_115 : memref<64x64xf32, #tpu.memory_space<vmem_shared>>) target_semaphore(%run_scoped3A : memref<!tpu.dma_semaphore, #tpu.memory_space<semaphore_mem>>)
      %dma_wait3A = arith.constant 0 : i32
      %dma_wait3A_116 = tpu.memref_slice %arg11[%add3A_19, %dma_wait3A] : memref<10240x64xf32, #tpu.memory_space<vmem_shared>> -> memref<64x64xf32, #tpu.memory_space<vmem_shared>>
      %dma_wait3A_117 = arith.constant 0 : i32
      %dma_wait3A_118 = tpu.memref_slice %arg11[%add3A_19, %dma_wait3A_117] : memref<10240x64xf32, #tpu.memory_space<vmem_shared>> -> memref<64x64xf32, #tpu.memory_space<vmem_shared>>
      tpu.wait_dma2 semaphore(%run_scoped3A : memref<!tpu.dma_semaphore, #tpu.memory_space<semaphore_mem>>) src(%arg10 : memref<64x64xf32, #tpu.memory_space<vmem>>) dst(%dma_wait3A_118 : memref<64x64xf32, #tpu.memory_space<vmem_shared>>)
      tpu.yield
    }) : () -> ()
    %mul3A_20 = arith.constant 640 : i32
    %mul3A_21 = arith.muli %arg1, %mul3A_20 : i32
    %add3A_22 = arith.constant 256 : i32
    %add3A_23 = arith.addi %mul3A_21, %add3A_22 : i32
    "tpu.region"() ({
      %run_scoped3A = tpu.sem_alloc : memref<!tpu.dma_semaphore, #tpu.memory_space<semaphore_mem>>
      %dma_start3A_112 = arith.constant 0 : i32
      %dma_start3A_113 = tpu.memref_slice %arg11[%add3A_23, %dma_start3A_112] : memref<10240x64xf32, #tpu.memory_space<vmem_shared>> -> memref<64x64xf32, #tpu.memory_space<vmem_shared>>
      %dma_start3A_114 = arith.constant 0 : i32
      %dma_start3A_115 = tpu.memref_slice %arg11[%add3A_23, %dma_start3A_114] : memref<10240x64xf32, #tpu.memory_space<vmem_shared>> -> memref<64x64xf32, #tpu.memory_space<vmem_shared>>
      tpu.enqueue_dma source(%arg10 : memref<64x64xf32, #tpu.memory_space<vmem>>) target(%dma_start3A_115 : memref<64x64xf32, #tpu.memory_space<vmem_shared>>) target_semaphore(%run_scoped3A : memref<!tpu.dma_semaphore, #tpu.memory_space<semaphore_mem>>)
      %dma_wait3A = arith.constant 0 : i32
      %dma_wait3A_116 = tpu.memref_slice %arg11[%add3A_23, %dma_wait3A] : memref<10240x64xf32, #tpu.memory_space<vmem_shared>> -> memref<64x64xf32, #tpu.memory_space<vmem_shared>>
      %dma_wait3A_117 = arith.constant 0 : i32
      %dma_wait3A_118 = tpu.memref_slice %arg11[%add3A_23, %dma_wait3A_117] : memref<10240x64xf32, #tpu.memory_space<vmem_shared>> -> memref<64x64xf32, #tpu.memory_space<vmem_shared>>
      tpu.wait_dma2 semaphore(%run_scoped3A : memref<!tpu.dma_semaphore, #tpu.memory_space<semaphore_mem>>) src(%arg10 : memref<64x64xf32, #tpu.memory_space<vmem>>) dst(%dma_wait3A_118 : memref<64x64xf32, #tpu.memory_space<vmem_shared>>)
      tpu.yield
    }) : () -> ()
    %mul3A_24 = arith.constant 640 : i32
    %mul3A_25 = arith.muli %arg1, %mul3A_24 : i32
    %add3A_26 = arith.constant 320 : i32
    %add3A_27 = arith.addi %mul3A_25, %add3A_26 : i32
    "tpu.region"() ({
      %run_scoped3A = tpu.sem_alloc : memref<!tpu.dma_semaphore, #tpu.memory_space<semaphore_mem>>
      %dma_start3A_112 = arith.constant 0 : i32
      %dma_start3A_113 = tpu.memref_slice %arg11[%add3A_27, %dma_start3A_112] : memref<10240x64xf32, #tpu.memory_space<vmem_shared>> -> memref<64x64xf32, #tpu.memory_space<vmem_shared>>
      %dma_start3A_114 = arith.constant 0 : i32
      %dma_start3A_115 = tpu.memref_slice %arg11[%add3A_27, %dma_start3A_114] : memref<10240x64xf32, #tpu.memory_space<vmem_shared>> -> memref<64x64xf32, #tpu.memory_space<vmem_shared>>
      tpu.enqueue_dma source(%arg10 : memref<64x64xf32, #tpu.memory_space<vmem>>) target(%dma_start3A_115 : memref<64x64xf32, #tpu.memory_space<vmem_shared>>) target_semaphore(%run_scoped3A : memref<!tpu.dma_semaphore, #tpu.memory_space<semaphore_mem>>)
      %dma_wait3A = arith.constant 0 : i32
      %dma_wait3A_116 = tpu.memref_slice %arg11[%add3A_27, %dma_wait3A] : memref<10240x64xf32, #tpu.memory_space<vmem_shared>> -> memref<64x64xf32, #tpu.memory_space<vmem_shared>>
      %dma_wait3A_117 = arith.constant 0 : i32
      %dma_wait3A_118 = tpu.memref_slice %arg11[%add3A_27, %dma_wait3A_117] : memref<10240x64xf32, #tpu.memory_space<vmem_shared>> -> memref<64x64xf32, #tpu.memory_space<vmem_shared>>
      tpu.wait_dma2 semaphore(%run_scoped3A : memref<!tpu.dma_semaphore, #tpu.memory_space<semaphore_mem>>) src(%arg10 : memref<64x64xf32, #tpu.memory_space<vmem>>) dst(%dma_wait3A_118 : memref<64x64xf32, #tpu.memory_space<vmem_shared>>)
      tpu.yield
    }) : () -> ()
    %mul3A_28 = arith.constant 640 : i32
    %mul3A_29 = arith.muli %arg1, %mul3A_28 : i32
    %add3A_30 = arith.constant 384 : i32
    %add3A_31 = arith.addi %mul3A_29, %add3A_30 : i32
    "tpu.region"() ({
      %run_scoped3A = tpu.sem_alloc : memref<!tpu.dma_semaphore, #tpu.memory_space<semaphore_mem>>
      %dma_start3A_112 = arith.constant 0 : i32
      %dma_start3A_113 = tpu.memref_slice %arg11[%add3A_31, %dma_start3A_112] : memref<10240x64xf32, #tpu.memory_space<vmem_shared>> -> memref<64x64xf32, #tpu.memory_space<vmem_shared>>
      %dma_start3A_114 = arith.constant 0 : i32
      %dma_start3A_115 = tpu.memref_slice %arg11[%add3A_31, %dma_start3A_114] : memref<10240x64xf32, #tpu.memory_space<vmem_shared>> -> memref<64x64xf32, #tpu.memory_space<vmem_shared>>
      tpu.enqueue_dma source(%arg10 : memref<64x64xf32, #tpu.memory_space<vmem>>) target(%dma_start3A_115 : memref<64x64xf32, #tpu.memory_space<vmem_shared>>) target_semaphore(%run_scoped3A : memref<!tpu.dma_semaphore, #tpu.memory_space<semaphore_mem>>)
      %dma_wait3A = arith.constant 0 : i32
      %dma_wait3A_116 = tpu.memref_slice %arg11[%add3A_31, %dma_wait3A] : memref<10240x64xf32, #tpu.memory_space<vmem_shared>> -> memref<64x64xf32, #tpu.memory_space<vmem_shared>>
      %dma_wait3A_117 = arith.constant 0 : i32
      %dma_wait3A_118 = tpu.memref_slice %arg11[%add3A_31, %dma_wait3A_117] : memref<10240x64xf32, #tpu.memory_space<vmem_shared>> -> memref<64x64xf32, #tpu.memory_space<vmem_shared>>
      tpu.wait_dma2 semaphore(%run_scoped3A : memref<!tpu.dma_semaphore, #tpu.memory_space<semaphore_mem>>) src(%arg10 : memref<64x64xf32, #tpu.memory_space<vmem>>) dst(%dma_wait3A_118 : memref<64x64xf32, #tpu.memory_space<vmem_shared>>)
      tpu.yield
    }) : () -> ()
    %mul3A_32 = arith.constant 640 : i32
    %mul3A_33 = arith.muli %arg1, %mul3A_32 : i32
    %add3A_34 = arith.constant 448 : i32
    %add3A_35 = arith.addi %mul3A_33, %add3A_34 : i32
    "tpu.region"() ({
      %run_scoped3A = tpu.sem_alloc : memref<!tpu.dma_semaphore, #tpu.memory_space<semaphore_mem>>
      %dma_start3A_112 = arith.constant 0 : i32
      %dma_start3A_113 = tpu.memref_slice %arg11[%add3A_35, %dma_start3A_112] : memref<10240x64xf32, #tpu.memory_space<vmem_shared>> -> memref<64x64xf32, #tpu.memory_space<vmem_shared>>
      %dma_start3A_114 = arith.constant 0 : i32
      %dma_start3A_115 = tpu.memref_slice %arg11[%add3A_35, %dma_start3A_114] : memref<10240x64xf32, #tpu.memory_space<vmem_shared>> -> memref<64x64xf32, #tpu.memory_space<vmem_shared>>
      tpu.enqueue_dma source(%arg10 : memref<64x64xf32, #tpu.memory_space<vmem>>) target(%dma_start3A_115 : memref<64x64xf32, #tpu.memory_space<vmem_shared>>) target_semaphore(%run_scoped3A : memref<!tpu.dma_semaphore, #tpu.memory_space<semaphore_mem>>)
      %dma_wait3A = arith.constant 0 : i32
      %dma_wait3A_116 = tpu.memref_slice %arg11[%add3A_35, %dma_wait3A] : memref<10240x64xf32, #tpu.memory_space<vmem_shared>> -> memref<64x64xf32, #tpu.memory_space<vmem_shared>>
      %dma_wait3A_117 = arith.constant 0 : i32
      %dma_wait3A_118 = tpu.memref_slice %arg11[%add3A_35, %dma_wait3A_117] : memref<10240x64xf32, #tpu.memory_space<vmem_shared>> -> memref<64x64xf32, #tpu.memory_space<vmem_shared>>
      tpu.wait_dma2 semaphore(%run_scoped3A : memref<!tpu.dma_semaphore, #tpu.memory_space<semaphore_mem>>) src(%arg10 : memref<64x64xf32, #tpu.memory_space<vmem>>) dst(%dma_wait3A_118 : memref<64x64xf32, #tpu.memory_space<vmem_shared>>)
      tpu.yield
    }) : () -> ()
    %mul3A_36 = arith.constant 640 : i32
    %mul3A_37 = arith.muli %arg1, %mul3A_36 : i32
    %add3A_38 = arith.constant 512 : i32
    %add3A_39 = arith.addi %mul3A_37, %add3A_38 : i32
    "tpu.region"() ({
      %run_scoped3A = tpu.sem_alloc : memref<!tpu.dma_semaphore, #tpu.memory_space<semaphore_mem>>
      %dma_start3A_112 = arith.constant 0 : i32
      %dma_start3A_113 = tpu.memref_slice %arg11[%add3A_39, %dma_start3A_112] : memref<10240x64xf32, #tpu.memory_space<vmem_shared>> -> memref<64x64xf32, #tpu.memory_space<vmem_shared>>
      %dma_start3A_114 = arith.constant 0 : i32
      %dma_start3A_115 = tpu.memref_slice %arg11[%add3A_39, %dma_start3A_114] : memref<10240x64xf32, #tpu.memory_space<vmem_shared>> -> memref<64x64xf32, #tpu.memory_space<vmem_shared>>
      tpu.enqueue_dma source(%arg10 : memref<64x64xf32, #tpu.memory_space<vmem>>) target(%dma_start3A_115 : memref<64x64xf32, #tpu.memory_space<vmem_shared>>) target_semaphore(%run_scoped3A : memref<!tpu.dma_semaphore, #tpu.memory_space<semaphore_mem>>)
      %dma_wait3A = arith.constant 0 : i32
      %dma_wait3A_116 = tpu.memref_slice %arg11[%add3A_39, %dma_wait3A] : memref<10240x64xf32, #tpu.memory_space<vmem_shared>> -> memref<64x64xf32, #tpu.memory_space<vmem_shared>>
      %dma_wait3A_117 = arith.constant 0 : i32
      %dma_wait3A_118 = tpu.memref_slice %arg11[%add3A_39, %dma_wait3A_117] : memref<10240x64xf32, #tpu.memory_space<vmem_shared>> -> memref<64x64xf32, #tpu.memory_space<vmem_shared>>
      tpu.wait_dma2 semaphore(%run_scoped3A : memref<!tpu.dma_semaphore, #tpu.memory_space<semaphore_mem>>) src(%arg10 : memref<64x64xf32, #tpu.memory_space<vmem>>) dst(%dma_wait3A_118 : memref<64x64xf32, #tpu.memory_space<vmem_shared>>)
      tpu.yield
    }) : () -> ()
    %mul3A_40 = arith.constant 640 : i32
    %mul3A_41 = arith.muli %arg1, %mul3A_40 : i32
    %add3A_42 = arith.constant 576 : i32
    %add3A_43 = arith.addi %mul3A_41, %add3A_42 : i32
    "tpu.region"() ({
      %run_scoped3A = tpu.sem_alloc : memref<!tpu.dma_semaphore, #tpu.memory_space<semaphore_mem>>
      %dma_start3A_112 = arith.constant 0 : i32
      %dma_start3A_113 = tpu.memref_slice %arg11[%add3A_43, %dma_start3A_112] : memref<10240x64xf32, #tpu.memory_space<vmem_shared>> -> memref<64x64xf32, #tpu.memory_space<vmem_shared>>
      %dma_start3A_114 = arith.constant 0 : i32
      %dma_start3A_115 = tpu.memref_slice %arg11[%add3A_43, %dma_start3A_114] : memref<10240x64xf32, #tpu.memory_space<vmem_shared>> -> memref<64x64xf32, #tpu.memory_space<vmem_shared>>
      tpu.enqueue_dma source(%arg10 : memref<64x64xf32, #tpu.memory_space<vmem>>) target(%dma_start3A_115 : memref<64x64xf32, #tpu.memory_space<vmem_shared>>) target_semaphore(%run_scoped3A : memref<!tpu.dma_semaphore, #tpu.memory_space<semaphore_mem>>)
      %dma_wait3A = arith.constant 0 : i32
      %dma_wait3A_116 = tpu.memref_slice %arg11[%add3A_43, %dma_wait3A] : memref<10240x64xf32, #tpu.memory_space<vmem_shared>> -> memref<64x64xf32, #tpu.memory_space<vmem_shared>>
      %dma_wait3A_117 = arith.constant 0 : i32
      %dma_wait3A_118 = tpu.memref_slice %arg11[%add3A_43, %dma_wait3A_117] : memref<10240x64xf32, #tpu.memory_space<vmem_shared>> -> memref<64x64xf32, #tpu.memory_space<vmem_shared>>
      tpu.wait_dma2 semaphore(%run_scoped3A : memref<!tpu.dma_semaphore, #tpu.memory_space<semaphore_mem>>) src(%arg10 : memref<64x64xf32, #tpu.memory_space<vmem>>) dst(%dma_wait3A_118 : memref<64x64xf32, #tpu.memory_space<vmem_shared>>)
      tpu.yield
    }) : () -> ()
    %barrier3A = arith.constant 0 : index
    tpu.barrier barrier_id(%barrier3A)
    "tpu.region"() ({
      %run_scoped3A = tpu.sem_alloc : memref<!tpu.dma_semaphore, #tpu.memory_space<semaphore_mem>>
      %dma_start3A_112 = arith.constant 0 : i32
      %dma_start3A_113 = arith.constant 0 : i32
      %dma_start3A_114 = tpu.memref_slice %arg5[%arg1, %dma_start3A_112, %dma_start3A_113] : memref<16x160x128xi32, #tpu.memory_space<hbm>> -> memref<1x160x128xi32, #tpu.memory_space<hbm>>
      %dma_start3A_115 = tpu.memref_squeeze %dma_start3A_114 : memref<1x160x128xi32, #tpu.memory_space<hbm>> -> memref<160x128xi32, #tpu.memory_space<hbm>>
      %dma_start3A_116 = arith.constant 0 : i32
      %dma_start3A_117 = arith.constant 0 : i32
      %dma_start3A_118 = tpu.memref_slice %arg5[%arg1, %dma_start3A_116, %dma_start3A_117] : memref<16x160x128xi32, #tpu.memory_space<hbm>> -> memref<1x160x128xi32, #tpu.memory_space<hbm>>
      %dma_start3A_119 = tpu.memref_squeeze %dma_start3A_118 : memref<1x160x128xi32, #tpu.memory_space<hbm>> -> memref<160x128xi32, #tpu.memory_space<hbm>>
      tpu.enqueue_dma source(%dma_start3A_119 : memref<160x128xi32, #tpu.memory_space<hbm>>) target(%arg8 : memref<160x128xi32, #tpu.memory_space<vmem>>) target_semaphore(%run_scoped3A : memref<!tpu.dma_semaphore, #tpu.memory_space<semaphore_mem>>)
      %dma_wait3A = arith.constant 0 : i32
      %dma_wait3A_120 = arith.constant 0 : i32
      %dma_wait3A_121 = tpu.memref_slice %arg5[%arg1, %dma_wait3A, %dma_wait3A_120] : memref<16x160x128xi32, #tpu.memory_space<hbm>> -> memref<1x160x128xi32, #tpu.memory_space<hbm>>
      %dma_wait3A_122 = tpu.memref_squeeze %dma_wait3A_121 : memref<1x160x128xi32, #tpu.memory_space<hbm>> -> memref<160x128xi32, #tpu.memory_space<hbm>>
      %dma_wait3A_123 = arith.constant 0 : i32
      %dma_wait3A_124 = arith.constant 0 : i32
      %dma_wait3A_125 = tpu.memref_slice %arg5[%arg1, %dma_wait3A_123, %dma_wait3A_124] : memref<16x160x128xi32, #tpu.memory_space<hbm>> -> memref<1x160x128xi32, #tpu.memory_space<hbm>>
      %dma_wait3A_126 = tpu.memref_squeeze %dma_wait3A_125 : memref<1x160x128xi32, #tpu.memory_space<hbm>> -> memref<160x128xi32, #tpu.memory_space<hbm>>
      tpu.wait_dma2 semaphore(%run_scoped3A : memref<!tpu.dma_semaphore, #tpu.memory_space<semaphore_mem>>) src(%dma_wait3A_126 : memref<160x128xi32, #tpu.memory_space<hbm>>) dst(%arg8 : memref<160x128xi32, #tpu.memory_space<vmem>>)
      tpu.yield
    }) : () -> ()
    %eq3A = arith.constant 0 : i32
    %eq3A_44 = arith.cmpi eq, %arg0, %eq3A : i32
    %convert_element_type3A = arith.extui %eq3A_44 : i1 to i32
    %cond3A = arith.constant 0 : i32
    %cond3A_45 = arith.cmpi ne, %convert_element_type3A, %cond3A : i32
    scf.if %cond3A_45 {
      "tpu.region"() ({
        %run_scoped3A = tpu.sem_alloc : memref<!tpu.dma_semaphore, #tpu.memory_space<semaphore_mem>>
        %dma_start3A_112 = arith.constant 0 : i32
        %dma_start3A_113 = arith.constant 0 : i32
        %dma_start3A_114 = tpu.memref_slice %arg3[%arg1, %dma_start3A_112, %dma_start3A_113] : memref<16x160x128xi32, #tpu.memory_space<hbm>> -> memref<1x160x128xi32, #tpu.memory_space<hbm>>
        %dma_start3A_115 = tpu.memref_squeeze %dma_start3A_114 : memref<1x160x128xi32, #tpu.memory_space<hbm>> -> memref<160x128xi32, #tpu.memory_space<hbm>>
        %dma_start3A_116 = arith.constant 0 : i32
        %dma_start3A_117 = arith.constant 0 : i32
        %dma_start3A_118 = tpu.memref_slice %arg3[%arg1, %dma_start3A_116, %dma_start3A_117] : memref<16x160x128xi32, #tpu.memory_space<hbm>> -> memref<1x160x128xi32, #tpu.memory_space<hbm>>
        %dma_start3A_119 = tpu.memref_squeeze %dma_start3A_118 : memref<1x160x128xi32, #tpu.memory_space<hbm>> -> memref<160x128xi32, #tpu.memory_space<hbm>>
        tpu.enqueue_dma source(%dma_start3A_119 : memref<160x128xi32, #tpu.memory_space<hbm>>) target(%arg7 : memref<160x128xi32, #tpu.memory_space<vmem>>) target_semaphore(%run_scoped3A : memref<!tpu.dma_semaphore, #tpu.memory_space<semaphore_mem>>)
        %dma_wait3A = arith.constant 0 : i32
        %dma_wait3A_120 = arith.constant 0 : i32
        %dma_wait3A_121 = tpu.memref_slice %arg3[%arg1, %dma_wait3A, %dma_wait3A_120] : memref<16x160x128xi32, #tpu.memory_space<hbm>> -> memref<1x160x128xi32, #tpu.memory_space<hbm>>
        %dma_wait3A_122 = tpu.memref_squeeze %dma_wait3A_121 : memref<1x160x128xi32, #tpu.memory_space<hbm>> -> memref<160x128xi32, #tpu.memory_space<hbm>>
        %dma_wait3A_123 = arith.constant 0 : i32
        %dma_wait3A_124 = arith.constant 0 : i32
        %dma_wait3A_125 = tpu.memref_slice %arg3[%arg1, %dma_wait3A_123, %dma_wait3A_124] : memref<16x160x128xi32, #tpu.memory_space<hbm>> -> memref<1x160x128xi32, #tpu.memory_space<hbm>>
        %dma_wait3A_126 = tpu.memref_squeeze %dma_wait3A_125 : memref<1x160x128xi32, #tpu.memory_space<hbm>> -> memref<160x128xi32, #tpu.memory_space<hbm>>
        tpu.wait_dma2 semaphore(%run_scoped3A : memref<!tpu.dma_semaphore, #tpu.memory_space<semaphore_mem>>) src(%dma_wait3A_126 : memref<160x128xi32, #tpu.memory_space<hbm>>) dst(%arg7 : memref<160x128xi32, #tpu.memory_space<vmem>>)
        tpu.yield
      }) : () -> ()
    } else {
    }
    %ne3A = arith.constant 0 : i32
    %ne3A_46 = arith.cmpi ne, %arg0, %ne3A : i32
    %convert_element_type3A_47 = arith.extui %ne3A_46 : i1 to i32
    %cond3A_48 = arith.constant 0 : i32
    %cond3A_49 = arith.cmpi ne, %convert_element_type3A_47, %cond3A_48 : i32
    scf.if %cond3A_49 {
      "tpu.region"() ({
        %run_scoped3A = tpu.sem_alloc : memref<!tpu.dma_semaphore, #tpu.memory_space<semaphore_mem>>
        %dma_start3A_112 = arith.constant 0 : i32
        %dma_start3A_113 = arith.constant 0 : i32
        %dma_start3A_114 = tpu.memref_slice %arg4[%arg1, %dma_start3A_112, %dma_start3A_113] : memref<16x160x128xi32, #tpu.memory_space<hbm>> -> memref<1x160x128xi32, #tpu.memory_space<hbm>>
        %dma_start3A_115 = tpu.memref_squeeze %dma_start3A_114 : memref<1x160x128xi32, #tpu.memory_space<hbm>> -> memref<160x128xi32, #tpu.memory_space<hbm>>
        %dma_start3A_116 = arith.constant 0 : i32
        %dma_start3A_117 = arith.constant 0 : i32
        %dma_start3A_118 = tpu.memref_slice %arg4[%arg1, %dma_start3A_116, %dma_start3A_117] : memref<16x160x128xi32, #tpu.memory_space<hbm>> -> memref<1x160x128xi32, #tpu.memory_space<hbm>>
        %dma_start3A_119 = tpu.memref_squeeze %dma_start3A_118 : memref<1x160x128xi32, #tpu.memory_space<hbm>> -> memref<160x128xi32, #tpu.memory_space<hbm>>
        tpu.enqueue_dma source(%dma_start3A_119 : memref<160x128xi32, #tpu.memory_space<hbm>>) target(%arg7 : memref<160x128xi32, #tpu.memory_space<vmem>>) target_semaphore(%run_scoped3A : memref<!tpu.dma_semaphore, #tpu.memory_space<semaphore_mem>>)
        %dma_wait3A = arith.constant 0 : i32
        %dma_wait3A_120 = arith.constant 0 : i32
        %dma_wait3A_121 = tpu.memref_slice %arg4[%arg1, %dma_wait3A, %dma_wait3A_120] : memref<16x160x128xi32, #tpu.memory_space<hbm>> -> memref<1x160x128xi32, #tpu.memory_space<hbm>>
        %dma_wait3A_122 = tpu.memref_squeeze %dma_wait3A_121 : memref<1x160x128xi32, #tpu.memory_space<hbm>> -> memref<160x128xi32, #tpu.memory_space<hbm>>
        %dma_wait3A_123 = arith.constant 0 : i32
        %dma_wait3A_124 = arith.constant 0 : i32
        %dma_wait3A_125 = tpu.memref_slice %arg4[%arg1, %dma_wait3A_123, %dma_wait3A_124] : memref<16x160x128xi32, #tpu.memory_space<hbm>> -> memref<1x160x128xi32, #tpu.memory_space<hbm>>
        %dma_wait3A_126 = tpu.memref_squeeze %dma_wait3A_125 : memref<1x160x128xi32, #tpu.memory_space<hbm>> -> memref<160x128xi32, #tpu.memory_space<hbm>>
        tpu.wait_dma2 semaphore(%run_scoped3A : memref<!tpu.dma_semaphore, #tpu.memory_space<semaphore_mem>>) src(%dma_wait3A_126 : memref<160x128xi32, #tpu.memory_space<hbm>>) dst(%arg7 : memref<160x128xi32, #tpu.memory_space<vmem>>)
        tpu.yield
      }) : () -> ()
    } else {
    }
    %dma_start3A = arith.constant 0 : i32
    %dma_start3A_50 = arith.constant 0 : i32
    %dma_start3A_51 = arith.constant 0 : i32
    %dma_start3A_52 = arith.constant 0 : i32
    %dma_start3A_53 = tpu.memref_slice %arg9[%dma_start3A_50, %dma_start3A_51, %dma_start3A_52] : memref<4x128x64xf32, #tpu.memory_space<vmem>> -> memref<1x128x64xf32, #tpu.memory_space<vmem>>
    %dma_start3A_54 = tpu.memref_squeeze %dma_start3A_53 : memref<1x128x64xf32, #tpu.memory_space<vmem>> -> memref<128x64xf32, #tpu.memory_space<vmem>>
    %dma_start3A_55 = arith.constant 0 : i32
    %dma_start3A_56 = tpu.memref_slice %arg7[%dma_start3A, %dma_start3A_55] : memref<160x128xi32, #tpu.memory_space<vmem>> -> memref<1x128xi32, #tpu.memory_space<vmem>>
    %dma_start3A_57 = tpu.memref_squeeze %dma_start3A_56 : memref<1x128xi32, #tpu.memory_space<vmem>> -> memref<128xi32, #tpu.memory_space<vmem>>
    %dma_start3A_58 = arith.constant 0 : i32
    %dma_start3A_59 = arith.constant 0 : i32
    %dma_start3A_60 = tpu.memref_slice %arg2[%dma_start3A_58, %dma_start3A_59] : memref<20480x64xf32, #tpu.memory_space<hbm>> -> memref<20480x64xf32, #tpu.memory_space<hbm>>
    tpu.enqueue_indirect_dma source(%dma_start3A_60 : memref<20480x64xf32, #tpu.memory_space<hbm>>) target(%dma_start3A_54 : memref<128x64xf32, #tpu.memory_space<vmem>>) offsets(%dma_start3A_57 : memref<128xi32, #tpu.memory_space<vmem>>) semaphore(%arg12 : memref<!tpu.dma_semaphore, #tpu.memory_space<semaphore_mem>>)
    %dma_start3A_61 = arith.constant 1 : i32
    %dma_start3A_62 = arith.constant 1 : i32
    %dma_start3A_63 = arith.constant 0 : i32
    %dma_start3A_64 = arith.constant 0 : i32
    %dma_start3A_65 = tpu.memref_slice %arg9[%dma_start3A_62, %dma_start3A_63, %dma_start3A_64] : memref<4x128x64xf32, #tpu.memory_space<vmem>> -> memref<1x128x64xf32, #tpu.memory_space<vmem>>
    %dma_start3A_66 = tpu.memref_squeeze %dma_start3A_65 : memref<1x128x64xf32, #tpu.memory_space<vmem>> -> memref<128x64xf32, #tpu.memory_space<vmem>>
    %dma_start3A_67 = arith.constant 0 : i32
    %dma_start3A_68 = tpu.memref_slice %arg7[%dma_start3A_61, %dma_start3A_67] : memref<160x128xi32, #tpu.memory_space<vmem>> -> memref<1x128xi32, #tpu.memory_space<vmem>>
    %dma_start3A_69 = tpu.memref_squeeze %dma_start3A_68 : memref<1x128xi32, #tpu.memory_space<vmem>> -> memref<128xi32, #tpu.memory_space<vmem>>
    %dma_start3A_70 = arith.constant 0 : i32
    %dma_start3A_71 = arith.constant 0 : i32
    %dma_start3A_72 = tpu.memref_slice %arg2[%dma_start3A_70, %dma_start3A_71] : memref<20480x64xf32, #tpu.memory_space<hbm>> -> memref<20480x64xf32, #tpu.memory_space<hbm>>
    tpu.enqueue_indirect_dma source(%dma_start3A_72 : memref<20480x64xf32, #tpu.memory_space<hbm>>) target(%dma_start3A_66 : memref<128x64xf32, #tpu.memory_space<vmem>>) offsets(%dma_start3A_69 : memref<128xi32, #tpu.memory_space<vmem>>) semaphore(%arg13 : memref<!tpu.dma_semaphore, #tpu.memory_space<semaphore_mem>>)
    %dma_start3A_73 = arith.constant 2 : i32
    %dma_start3A_74 = arith.constant 2 : i32
    %dma_start3A_75 = arith.constant 0 : i32
    %dma_start3A_76 = arith.constant 0 : i32
    %dma_start3A_77 = tpu.memref_slice %arg9[%dma_start3A_74, %dma_start3A_75, %dma_start3A_76] : memref<4x128x64xf32, #tpu.memory_space<vmem>> -> memref<1x128x64xf32, #tpu.memory_space<vmem>>
    %dma_start3A_78 = tpu.memref_squeeze %dma_start3A_77 : memref<1x128x64xf32, #tpu.memory_space<vmem>> -> memref<128x64xf32, #tpu.memory_space<vmem>>
    %dma_start3A_79 = arith.constant 0 : i32
    %dma_start3A_80 = tpu.memref_slice %arg7[%dma_start3A_73, %dma_start3A_79] : memref<160x128xi32, #tpu.memory_space<vmem>> -> memref<1x128xi32, #tpu.memory_space<vmem>>
    %dma_start3A_81 = tpu.memref_squeeze %dma_start3A_80 : memref<1x128xi32, #tpu.memory_space<vmem>> -> memref<128xi32, #tpu.memory_space<vmem>>
    %dma_start3A_82 = arith.constant 0 : i32
    %dma_start3A_83 = arith.constant 0 : i32
    %dma_start3A_84 = tpu.memref_slice %arg2[%dma_start3A_82, %dma_start3A_83] : memref<20480x64xf32, #tpu.memory_space<hbm>> -> memref<20480x64xf32, #tpu.memory_space<hbm>>
    tpu.enqueue_indirect_dma source(%dma_start3A_84 : memref<20480x64xf32, #tpu.memory_space<hbm>>) target(%dma_start3A_78 : memref<128x64xf32, #tpu.memory_space<vmem>>) offsets(%dma_start3A_81 : memref<128xi32, #tpu.memory_space<vmem>>) semaphore(%arg14 : memref<!tpu.dma_semaphore, #tpu.memory_space<semaphore_mem>>)
    %dma_start3A_85 = arith.constant 3 : i32
    %dma_start3A_86 = arith.constant 3 : i32
    %dma_start3A_87 = arith.constant 0 : i32
    %dma_start3A_88 = arith.constant 0 : i32
    %dma_start3A_89 = tpu.memref_slice %arg9[%dma_start3A_86, %dma_start3A_87, %dma_start3A_88] : memref<4x128x64xf32, #tpu.memory_space<vmem>> -> memref<1x128x64xf32, #tpu.memory_space<vmem>>
    %dma_start3A_90 = tpu.memref_squeeze %dma_start3A_89 : memref<1x128x64xf32, #tpu.memory_space<vmem>> -> memref<128x64xf32, #tpu.memory_space<vmem>>
    %dma_start3A_91 = arith.constant 0 : i32
    %dma_start3A_92 = tpu.memref_slice %arg7[%dma_start3A_85, %dma_start3A_91] : memref<160x128xi32, #tpu.memory_space<vmem>> -> memref<1x128xi32, #tpu.memory_space<vmem>>
    %dma_start3A_93 = tpu.memref_squeeze %dma_start3A_92 : memref<1x128xi32, #tpu.memory_space<vmem>> -> memref<128xi32, #tpu.memory_space<vmem>>
    %dma_start3A_94 = arith.constant 0 : i32
    %dma_start3A_95 = arith.constant 0 : i32
    %dma_start3A_96 = tpu.memref_slice %arg2[%dma_start3A_94, %dma_start3A_95] : memref<20480x64xf32, #tpu.memory_space<hbm>> -> memref<20480x64xf32, #tpu.memory_space<hbm>>
    tpu.enqueue_indirect_dma source(%dma_start3A_96 : memref<20480x64xf32, #tpu.memory_space<hbm>>) target(%dma_start3A_90 : memref<128x64xf32, #tpu.memory_space<vmem>>) offsets(%dma_start3A_93 : memref<128xi32, #tpu.memory_space<vmem>>) semaphore(%arg15 : memref<!tpu.dma_semaphore, #tpu.memory_space<semaphore_mem>>)
    %scan3A_97 = arith.constant 0 : i32
    %scan3A_98 = arith.constant 0 : i32
    %scan3A_99 = arith.constant 40 : i32
    %scan3A_100 = arith.addi %scan3A_98, %scan3A_99 : i32
    %scan3A_101 = arith.constant 1 : i32
    %scan3A_102 = scf.for %scan3A_112 = %scan3A_98 to %scan3A_100 step %scan3A_101 iter_args(%scan3A_113 = %scan3A_97) -> (i32)  : i32 {
      %mul3A_114 = arith.constant 4 : i32
      %mul3A_115 = arith.muli %scan3A_112, %mul3A_114 : i32
      %add3A_116 = arith.constant 0 : i32
      %add3A_117 = arith.addi %mul3A_115, %add3A_116 : i32
      %dma_wait3A = arith.constant 0 : i32
      %dma_wait3A_118 = arith.constant 0 : i32
      %dma_wait3A_119 = arith.constant 0 : i32
      %dma_wait3A_120 = tpu.memref_slice %arg9[%dma_wait3A, %dma_wait3A_118, %dma_wait3A_119] : memref<4x128x64xf32, #tpu.memory_space<vmem>> -> memref<1x128x64xf32, #tpu.memory_space<vmem>>
      %dma_wait3A_121 = tpu.memref_squeeze %dma_wait3A_120 : memref<1x128x64xf32, #tpu.memory_space<vmem>> -> memref<128x64xf32, #tpu.memory_space<vmem>>
      %dma_wait3A_122 = arith.constant 0 : i32
      %dma_wait3A_123 = tpu.memref_slice %arg7[%add3A_117, %dma_wait3A_122] : memref<160x128xi32, #tpu.memory_space<vmem>> -> memref<1x128xi32, #tpu.memory_space<vmem>>
      %dma_wait3A_124 = tpu.memref_squeeze %dma_wait3A_123 : memref<1x128xi32, #tpu.memory_space<vmem>> -> memref<128xi32, #tpu.memory_space<vmem>>
      %dma_wait3A_125 = arith.constant 0 : i32
      %dma_wait3A_126 = arith.constant 0 : i32
      %dma_wait3A_127 = tpu.memref_slice %arg2[%dma_wait3A_125, %dma_wait3A_126] : memref<20480x64xf32, #tpu.memory_space<hbm>> -> memref<20480x64xf32, #tpu.memory_space<hbm>>
      tpu.wait_indirect_dma semaphore(%arg12 : memref<!tpu.dma_semaphore, #tpu.memory_space<semaphore_mem>>) src(%dma_wait3A_127 : memref<20480x64xf32, #tpu.memory_space<hbm>>) dst(%dma_wait3A_121 : memref<128x64xf32, #tpu.memory_space<vmem>>)
      %run_scoped3A = arith.constant 0 : i32
      "tpu.region"() ({
        %run_scoped3A_204 = tpu.sem_alloc : memref<!tpu.dma_semaphore, #tpu.memory_space<semaphore_mem>>
        %dma_start3A_205 = arith.constant 0 : i32
        %dma_start3A_206 = arith.constant 0 : i32
        %dma_start3A_207 = tpu.memref_slice %arg9[%run_scoped3A, %dma_start3A_205, %dma_start3A_206] : memref<4x128x64xf32, #tpu.memory_space<vmem>> -> memref<1x128x64xf32, #tpu.memory_space<vmem>>
        %dma_start3A_208 = tpu.memref_squeeze %dma_start3A_207 : memref<1x128x64xf32, #tpu.memory_space<vmem>> -> memref<128x64xf32, #tpu.memory_space<vmem>>
        %dma_start3A_209 = arith.constant 0 : i32
        %dma_start3A_210 = tpu.memref_slice %arg8[%add3A_117, %dma_start3A_209] : memref<160x128xi32, #tpu.memory_space<vmem>> -> memref<1x128xi32, #tpu.memory_space<vmem>>
        %dma_start3A_211 = tpu.memref_squeeze %dma_start3A_210 : memref<1x128xi32, #tpu.memory_space<vmem>> -> memref<128xi32, #tpu.memory_space<vmem>>
        %dma_start3A_212 = arith.constant 0 : i32
        %dma_start3A_213 = arith.constant 0 : i32
        %dma_start3A_214 = tpu.memref_slice %arg11[%dma_start3A_212, %dma_start3A_213] : memref<10240x64xf32, #tpu.memory_space<vmem_shared>> -> memref<10240x64xf32, #tpu.memory_space<vmem_shared>>
        tpu.enqueue_indirect_dma source(%dma_start3A_208 : memref<128x64xf32, #tpu.memory_space<vmem>>) target(%dma_start3A_214 : memref<10240x64xf32, #tpu.memory_space<vmem_shared>>) offsets(%dma_start3A_211 : memref<128xi32, #tpu.memory_space<vmem>>) semaphore(%run_scoped3A_204 : memref<!tpu.dma_semaphore, #tpu.memory_space<semaphore_mem>>) {add = true}
        %dma_wait3A_215 = arith.constant 0 : i32
        %dma_wait3A_216 = arith.constant 0 : i32
        %dma_wait3A_217 = tpu.memref_slice %arg9[%run_scoped3A, %dma_wait3A_215, %dma_wait3A_216] : memref<4x128x64xf32, #tpu.memory_space<vmem>> -> memref<1x128x64xf32, #tpu.memory_space<vmem>>
        %dma_wait3A_218 = tpu.memref_squeeze %dma_wait3A_217 : memref<1x128x64xf32, #tpu.memory_space<vmem>> -> memref<128x64xf32, #tpu.memory_space<vmem>>
        %dma_wait3A_219 = arith.constant 0 : i32
        %dma_wait3A_220 = tpu.memref_slice %arg8[%add3A_117, %dma_wait3A_219] : memref<160x128xi32, #tpu.memory_space<vmem>> -> memref<1x128xi32, #tpu.memory_space<vmem>>
        %dma_wait3A_221 = tpu.memref_squeeze %dma_wait3A_220 : memref<1x128xi32, #tpu.memory_space<vmem>> -> memref<128xi32, #tpu.memory_space<vmem>>
        %dma_wait3A_222 = arith.constant 0 : i32
        %dma_wait3A_223 = arith.constant 0 : i32
        %dma_wait3A_224 = tpu.memref_slice %arg11[%dma_wait3A_222, %dma_wait3A_223] : memref<10240x64xf32, #tpu.memory_space<vmem_shared>> -> memref<10240x64xf32, #tpu.memory_space<vmem_shared>>
        tpu.wait_indirect_dma semaphore(%run_scoped3A_204 : memref<!tpu.dma_semaphore, #tpu.memory_space<semaphore_mem>>) src(%dma_wait3A_218 : memref<128x64xf32, #tpu.memory_space<vmem>>) dst(%dma_wait3A_224 : memref<10240x64xf32, #tpu.memory_space<vmem_shared>>)
        tpu.yield
      }) : () -> ()
      %add3A_128 = arith.constant 4 : i32
      %add3A_129 = arith.addi %add3A_117, %add3A_128 : i32
      %lt3A = arith.constant 160 : i32
      %lt3A_130 = arith.cmpi slt, %add3A_129, %lt3A : i32
      %convert_element_type3A_131 = arith.extui %lt3A_130 : i1 to i32
      %cond3A_132 = arith.constant 0 : i32
      %cond3A_133 = arith.cmpi ne, %convert_element_type3A_131, %cond3A_132 : i32
      scf.if %cond3A_133 {
        %add3A_204 = arith.constant 4 : i32
        %add3A_205 = arith.addi %add3A_117, %add3A_204 : i32
        %dma_start3A_206 = arith.constant 0 : i32
        %dma_start3A_207 = arith.constant 0 : i32
        %dma_start3A_208 = arith.constant 0 : i32
        %dma_start3A_209 = tpu.memref_slice %arg9[%dma_start3A_206, %dma_start3A_207, %dma_start3A_208] : memref<4x128x64xf32, #tpu.memory_space<vmem>> -> memref<1x128x64xf32, #tpu.memory_space<vmem>>
        %dma_start3A_210 = tpu.memref_squeeze %dma_start3A_209 : memref<1x128x64xf32, #tpu.memory_space<vmem>> -> memref<128x64xf32, #tpu.memory_space<vmem>>
        %dma_start3A_211 = arith.constant 0 : i32
        %dma_start3A_212 = tpu.memref_slice %arg7[%add3A_205, %dma_start3A_211] : memref<160x128xi32, #tpu.memory_space<vmem>> -> memref<1x128xi32, #tpu.memory_space<vmem>>
        %dma_start3A_213 = tpu.memref_squeeze %dma_start3A_212 : memref<1x128xi32, #tpu.memory_space<vmem>> -> memref<128xi32, #tpu.memory_space<vmem>>
        %dma_start3A_214 = arith.constant 0 : i32
        %dma_start3A_215 = arith.constant 0 : i32
        %dma_start3A_216 = tpu.memref_slice %arg2[%dma_start3A_214, %dma_start3A_215] : memref<20480x64xf32, #tpu.memory_space<hbm>> -> memref<20480x64xf32, #tpu.memory_space<hbm>>
        tpu.enqueue_indirect_dma source(%dma_start3A_216 : memref<20480x64xf32, #tpu.memory_space<hbm>>) target(%dma_start3A_210 : memref<128x64xf32, #tpu.memory_space<vmem>>) offsets(%dma_start3A_213 : memref<128xi32, #tpu.memory_space<vmem>>) semaphore(%arg12 : memref<!tpu.dma_semaphore, #tpu.memory_space<semaphore_mem>>)
      } else {
      }
      %mul3A_134 = arith.constant 4 : i32
      %mul3A_135 = arith.muli %scan3A_112, %mul3A_134 : i32
      %add3A_136 = arith.constant 1 : i32
      %add3A_137 = arith.addi %mul3A_135, %add3A_136 : i32
      %dma_wait3A_138 = arith.constant 1 : i32
      %dma_wait3A_139 = arith.constant 0 : i32
      %dma_wait3A_140 = arith.constant 0 : i32
      %dma_wait3A_141 = tpu.memref_slice %arg9[%dma_wait3A_138, %dma_wait3A_139, %dma_wait3A_140] : memref<4x128x64xf32, #tpu.memory_space<vmem>> -> memref<1x128x64xf32, #tpu.memory_space<vmem>>
      %dma_wait3A_142 = tpu.memref_squeeze %dma_wait3A_141 : memref<1x128x64xf32, #tpu.memory_space<vmem>> -> memref<128x64xf32, #tpu.memory_space<vmem>>
      %dma_wait3A_143 = arith.constant 0 : i32
      %dma_wait3A_144 = tpu.memref_slice %arg7[%add3A_137, %dma_wait3A_143] : memref<160x128xi32, #tpu.memory_space<vmem>> -> memref<1x128xi32, #tpu.memory_space<vmem>>
      %dma_wait3A_145 = tpu.memref_squeeze %dma_wait3A_144 : memref<1x128xi32, #tpu.memory_space<vmem>> -> memref<128xi32, #tpu.memory_space<vmem>>
      %dma_wait3A_146 = arith.constant 0 : i32
      %dma_wait3A_147 = arith.constant 0 : i32
      %dma_wait3A_148 = tpu.memref_slice %arg2[%dma_wait3A_146, %dma_wait3A_147] : memref<20480x64xf32, #tpu.memory_space<hbm>> -> memref<20480x64xf32, #tpu.memory_space<hbm>>
      tpu.wait_indirect_dma semaphore(%arg13 : memref<!tpu.dma_semaphore, #tpu.memory_space<semaphore_mem>>) src(%dma_wait3A_148 : memref<20480x64xf32, #tpu.memory_space<hbm>>) dst(%dma_wait3A_142 : memref<128x64xf32, #tpu.memory_space<vmem>>)
      %run_scoped3A_149 = arith.constant 1 : i32
      "tpu.region"() ({
        %run_scoped3A_204 = tpu.sem_alloc : memref<!tpu.dma_semaphore, #tpu.memory_space<semaphore_mem>>
        %dma_start3A_205 = arith.constant 0 : i32
        %dma_start3A_206 = arith.constant 0 : i32
        %dma_start3A_207 = tpu.memref_slice %arg9[%run_scoped3A_149, %dma_start3A_205, %dma_start3A_206] : memref<4x128x64xf32, #tpu.memory_space<vmem>> -> memref<1x128x64xf32, #tpu.memory_space<vmem>>
        %dma_start3A_208 = tpu.memref_squeeze %dma_start3A_207 : memref<1x128x64xf32, #tpu.memory_space<vmem>> -> memref<128x64xf32, #tpu.memory_space<vmem>>
        %dma_start3A_209 = arith.constant 0 : i32
        %dma_start3A_210 = tpu.memref_slice %arg8[%add3A_137, %dma_start3A_209] : memref<160x128xi32, #tpu.memory_space<vmem>> -> memref<1x128xi32, #tpu.memory_space<vmem>>
        %dma_start3A_211 = tpu.memref_squeeze %dma_start3A_210 : memref<1x128xi32, #tpu.memory_space<vmem>> -> memref<128xi32, #tpu.memory_space<vmem>>
        %dma_start3A_212 = arith.constant 0 : i32
        %dma_start3A_213 = arith.constant 0 : i32
        %dma_start3A_214 = tpu.memref_slice %arg11[%dma_start3A_212, %dma_start3A_213] : memref<10240x64xf32, #tpu.memory_space<vmem_shared>> -> memref<10240x64xf32, #tpu.memory_space<vmem_shared>>
        tpu.enqueue_indirect_dma source(%dma_start3A_208 : memref<128x64xf32, #tpu.memory_space<vmem>>) target(%dma_start3A_214 : memref<10240x64xf32, #tpu.memory_space<vmem_shared>>) offsets(%dma_start3A_211 : memref<128xi32, #tpu.memory_space<vmem>>) semaphore(%run_scoped3A_204 : memref<!tpu.dma_semaphore, #tpu.memory_space<semaphore_mem>>) {add = true}
        %dma_wait3A_215 = arith.constant 0 : i32
        %dma_wait3A_216 = arith.constant 0 : i32
        %dma_wait3A_217 = tpu.memref_slice %arg9[%run_scoped3A_149, %dma_wait3A_215, %dma_wait3A_216] : memref<4x128x64xf32, #tpu.memory_space<vmem>> -> memref<1x128x64xf32, #tpu.memory_space<vmem>>
        %dma_wait3A_218 = tpu.memref_squeeze %dma_wait3A_217 : memref<1x128x64xf32, #tpu.memory_space<vmem>> -> memref<128x64xf32, #tpu.memory_space<vmem>>
        %dma_wait3A_219 = arith.constant 0 : i32
        %dma_wait3A_220 = tpu.memref_slice %arg8[%add3A_137, %dma_wait3A_219] : memref<160x128xi32, #tpu.memory_space<vmem>> -> memref<1x128xi32, #tpu.memory_space<vmem>>
        %dma_wait3A_221 = tpu.memref_squeeze %dma_wait3A_220 : memref<1x128xi32, #tpu.memory_space<vmem>> -> memref<128xi32, #tpu.memory_space<vmem>>
        %dma_wait3A_222 = arith.constant 0 : i32
        %dma_wait3A_223 = arith.constant 0 : i32
        %dma_wait3A_224 = tpu.memref_slice %arg11[%dma_wait3A_222, %dma_wait3A_223] : memref<10240x64xf32, #tpu.memory_space<vmem_shared>> -> memref<10240x64xf32, #tpu.memory_space<vmem_shared>>
        tpu.wait_indirect_dma semaphore(%run_scoped3A_204 : memref<!tpu.dma_semaphore, #tpu.memory_space<semaphore_mem>>) src(%dma_wait3A_218 : memref<128x64xf32, #tpu.memory_space<vmem>>) dst(%dma_wait3A_224 : memref<10240x64xf32, #tpu.memory_space<vmem_shared>>)
        tpu.yield
      }) : () -> ()
      %add3A_150 = arith.constant 4 : i32
      %add3A_151 = arith.addi %add3A_137, %add3A_150 : i32
      %lt3A_152 = arith.constant 160 : i32
      %lt3A_153 = arith.cmpi slt, %add3A_151, %lt3A_152 : i32
      %convert_element_type3A_154 = arith.extui %lt3A_153 : i1 to i32
      %cond3A_155 = arith.constant 0 : i32
      %cond3A_156 = arith.cmpi ne, %convert_element_type3A_154, %cond3A_155 : i32
      scf.if %cond3A_156 {
        %add3A_204 = arith.constant 4 : i32
        %add3A_205 = arith.addi %add3A_137, %add3A_204 : i32
        %dma_start3A_206 = arith.constant 1 : i32
        %dma_start3A_207 = arith.constant 0 : i32
        %dma_start3A_208 = arith.constant 0 : i32
        %dma_start3A_209 = tpu.memref_slice %arg9[%dma_start3A_206, %dma_start3A_207, %dma_start3A_208] : memref<4x128x64xf32, #tpu.memory_space<vmem>> -> memref<1x128x64xf32, #tpu.memory_space<vmem>>
        %dma_start3A_210 = tpu.memref_squeeze %dma_start3A_209 : memref<1x128x64xf32, #tpu.memory_space<vmem>> -> memref<128x64xf32, #tpu.memory_space<vmem>>
        %dma_start3A_211 = arith.constant 0 : i32
        %dma_start3A_212 = tpu.memref_slice %arg7[%add3A_205, %dma_start3A_211] : memref<160x128xi32, #tpu.memory_space<vmem>> -> memref<1x128xi32, #tpu.memory_space<vmem>>
        %dma_start3A_213 = tpu.memref_squeeze %dma_start3A_212 : memref<1x128xi32, #tpu.memory_space<vmem>> -> memref<128xi32, #tpu.memory_space<vmem>>
        %dma_start3A_214 = arith.constant 0 : i32
        %dma_start3A_215 = arith.constant 0 : i32
        %dma_start3A_216 = tpu.memref_slice %arg2[%dma_start3A_214, %dma_start3A_215] : memref<20480x64xf32, #tpu.memory_space<hbm>> -> memref<20480x64xf32, #tpu.memory_space<hbm>>
        tpu.enqueue_indirect_dma source(%dma_start3A_216 : memref<20480x64xf32, #tpu.memory_space<hbm>>) target(%dma_start3A_210 : memref<128x64xf32, #tpu.memory_space<vmem>>) offsets(%dma_start3A_213 : memref<128xi32, #tpu.memory_space<vmem>>) semaphore(%arg13 : memref<!tpu.dma_semaphore, #tpu.memory_space<semaphore_mem>>)
      } else {
      }
      %mul3A_157 = arith.constant 4 : i32
      %mul3A_158 = arith.muli %scan3A_112, %mul3A_157 : i32
      %add3A_159 = arith.constant 2 : i32
      %add3A_160 = arith.addi %mul3A_158, %add3A_159 : i32
      %dma_wait3A_161 = arith.constant 2 : i32
      %dma_wait3A_162 = arith.constant 0 : i32
      %dma_wait3A_163 = arith.constant 0 : i32
      %dma_wait3A_164 = tpu.memref_slice %arg9[%dma_wait3A_161, %dma_wait3A_162, %dma_wait3A_163] : memref<4x128x64xf32, #tpu.memory_space<vmem>> -> memref<1x128x64xf32, #tpu.memory_space<vmem>>
      %dma_wait3A_165 = tpu.memref_squeeze %dma_wait3A_164 : memref<1x128x64xf32, #tpu.memory_space<vmem>> -> memref<128x64xf32, #tpu.memory_space<vmem>>
      %dma_wait3A_166 = arith.constant 0 : i32
      %dma_wait3A_167 = tpu.memref_slice %arg7[%add3A_160, %dma_wait3A_166] : memref<160x128xi32, #tpu.memory_space<vmem>> -> memref<1x128xi32, #tpu.memory_space<vmem>>
      %dma_wait3A_168 = tpu.memref_squeeze %dma_wait3A_167 : memref<1x128xi32, #tpu.memory_space<vmem>> -> memref<128xi32, #tpu.memory_space<vmem>>
      %dma_wait3A_169 = arith.constant 0 : i32
      %dma_wait3A_170 = arith.constant 0 : i32
      %dma_wait3A_171 = tpu.memref_slice %arg2[%dma_wait3A_169, %dma_wait3A_170] : memref<20480x64xf32, #tpu.memory_space<hbm>> -> memref<20480x64xf32, #tpu.memory_space<hbm>>
      tpu.wait_indirect_dma semaphore(%arg14 : memref<!tpu.dma_semaphore, #tpu.memory_space<semaphore_mem>>) src(%dma_wait3A_171 : memref<20480x64xf32, #tpu.memory_space<hbm>>) dst(%dma_wait3A_165 : memref<128x64xf32, #tpu.memory_space<vmem>>)
      %run_scoped3A_172 = arith.constant 2 : i32
      "tpu.region"() ({
        %run_scoped3A_204 = tpu.sem_alloc : memref<!tpu.dma_semaphore, #tpu.memory_space<semaphore_mem>>
        %dma_start3A_205 = arith.constant 0 : i32
        %dma_start3A_206 = arith.constant 0 : i32
        %dma_start3A_207 = tpu.memref_slice %arg9[%run_scoped3A_172, %dma_start3A_205, %dma_start3A_206] : memref<4x128x64xf32, #tpu.memory_space<vmem>> -> memref<1x128x64xf32, #tpu.memory_space<vmem>>
        %dma_start3A_208 = tpu.memref_squeeze %dma_start3A_207 : memref<1x128x64xf32, #tpu.memory_space<vmem>> -> memref<128x64xf32, #tpu.memory_space<vmem>>
        %dma_start3A_209 = arith.constant 0 : i32
        %dma_start3A_210 = tpu.memref_slice %arg8[%add3A_160, %dma_start3A_209] : memref<160x128xi32, #tpu.memory_space<vmem>> -> memref<1x128xi32, #tpu.memory_space<vmem>>
        %dma_start3A_211 = tpu.memref_squeeze %dma_start3A_210 : memref<1x128xi32, #tpu.memory_space<vmem>> -> memref<128xi32, #tpu.memory_space<vmem>>
        %dma_start3A_212 = arith.constant 0 : i32
        %dma_start3A_213 = arith.constant 0 : i32
        %dma_start3A_214 = tpu.memref_slice %arg11[%dma_start3A_212, %dma_start3A_213] : memref<10240x64xf32, #tpu.memory_space<vmem_shared>> -> memref<10240x64xf32, #tpu.memory_space<vmem_shared>>
        tpu.enqueue_indirect_dma source(%dma_start3A_208 : memref<128x64xf32, #tpu.memory_space<vmem>>) target(%dma_start3A_214 : memref<10240x64xf32, #tpu.memory_space<vmem_shared>>) offsets(%dma_start3A_211 : memref<128xi32, #tpu.memory_space<vmem>>) semaphore(%run_scoped3A_204 : memref<!tpu.dma_semaphore, #tpu.memory_space<semaphore_mem>>) {add = true}
        %dma_wait3A_215 = arith.constant 0 : i32
        %dma_wait3A_216 = arith.constant 0 : i32
        %dma_wait3A_217 = tpu.memref_slice %arg9[%run_scoped3A_172, %dma_wait3A_215, %dma_wait3A_216] : memref<4x128x64xf32, #tpu.memory_space<vmem>> -> memref<1x128x64xf32, #tpu.memory_space<vmem>>
        %dma_wait3A_218 = tpu.memref_squeeze %dma_wait3A_217 : memref<1x128x64xf32, #tpu.memory_space<vmem>> -> memref<128x64xf32, #tpu.memory_space<vmem>>
        %dma_wait3A_219 = arith.constant 0 : i32
        %dma_wait3A_220 = tpu.memref_slice %arg8[%add3A_160, %dma_wait3A_219] : memref<160x128xi32, #tpu.memory_space<vmem>> -> memref<1x128xi32, #tpu.memory_space<vmem>>
        %dma_wait3A_221 = tpu.memref_squeeze %dma_wait3A_220 : memref<1x128xi32, #tpu.memory_space<vmem>> -> memref<128xi32, #tpu.memory_space<vmem>>
        %dma_wait3A_222 = arith.constant 0 : i32
        %dma_wait3A_223 = arith.constant 0 : i32
        %dma_wait3A_224 = tpu.memref_slice %arg11[%dma_wait3A_222, %dma_wait3A_223] : memref<10240x64xf32, #tpu.memory_space<vmem_shared>> -> memref<10240x64xf32, #tpu.memory_space<vmem_shared>>
        tpu.wait_indirect_dma semaphore(%run_scoped3A_204 : memref<!tpu.dma_semaphore, #tpu.memory_space<semaphore_mem>>) src(%dma_wait3A_218 : memref<128x64xf32, #tpu.memory_space<vmem>>) dst(%dma_wait3A_224 : memref<10240x64xf32, #tpu.memory_space<vmem_shared>>)
        tpu.yield
      }) : () -> ()
      %add3A_173 = arith.constant 4 : i32
      %add3A_174 = arith.addi %add3A_160, %add3A_173 : i32
      %lt3A_175 = arith.constant 160 : i32
      %lt3A_176 = arith.cmpi slt, %add3A_174, %lt3A_175 : i32
      %convert_element_type3A_177 = arith.extui %lt3A_176 : i1 to i32
      %cond3A_178 = arith.constant 0 : i32
      %cond3A_179 = arith.cmpi ne, %convert_element_type3A_177, %cond3A_178 : i32
      scf.if %cond3A_179 {
        %add3A_204 = arith.constant 4 : i32
        %add3A_205 = arith.addi %add3A_160, %add3A_204 : i32
        %dma_start3A_206 = arith.constant 2 : i32
        %dma_start3A_207 = arith.constant 0 : i32
        %dma_start3A_208 = arith.constant 0 : i32
        %dma_start3A_209 = tpu.memref_slice %arg9[%dma_start3A_206, %dma_start3A_207, %dma_start3A_208] : memref<4x128x64xf32, #tpu.memory_space<vmem>> -> memref<1x128x64xf32, #tpu.memory_space<vmem>>
        %dma_start3A_210 = tpu.memref_squeeze %dma_start3A_209 : memref<1x128x64xf32, #tpu.memory_space<vmem>> -> memref<128x64xf32, #tpu.memory_space<vmem>>
        %dma_start3A_211 = arith.constant 0 : i32
        %dma_start3A_212 = tpu.memref_slice %arg7[%add3A_205, %dma_start3A_211] : memref<160x128xi32, #tpu.memory_space<vmem>> -> memref<1x128xi32, #tpu.memory_space<vmem>>
        %dma_start3A_213 = tpu.memref_squeeze %dma_start3A_212 : memref<1x128xi32, #tpu.memory_space<vmem>> -> memref<128xi32, #tpu.memory_space<vmem>>
        %dma_start3A_214 = arith.constant 0 : i32
        %dma_start3A_215 = arith.constant 0 : i32
        %dma_start3A_216 = tpu.memref_slice %arg2[%dma_start3A_214, %dma_start3A_215] : memref<20480x64xf32, #tpu.memory_space<hbm>> -> memref<20480x64xf32, #tpu.memory_space<hbm>>
        tpu.enqueue_indirect_dma source(%dma_start3A_216 : memref<20480x64xf32, #tpu.memory_space<hbm>>) target(%dma_start3A_210 : memref<128x64xf32, #tpu.memory_space<vmem>>) offsets(%dma_start3A_213 : memref<128xi32, #tpu.memory_space<vmem>>) semaphore(%arg14 : memref<!tpu.dma_semaphore, #tpu.memory_space<semaphore_mem>>)
      } else {
      }
      %mul3A_180 = arith.constant 4 : i32
      %mul3A_181 = arith.muli %scan3A_112, %mul3A_180 : i32
      %add3A_182 = arith.constant 3 : i32
      %add3A_183 = arith.addi %mul3A_181, %add3A_182 : i32
      %dma_wait3A_184 = arith.constant 3 : i32
      %dma_wait3A_185 = arith.constant 0 : i32
      %dma_wait3A_186 = arith.constant 0 : i32
      %dma_wait3A_187 = tpu.memref_slice %arg9[%dma_wait3A_184, %dma_wait3A_185, %dma_wait3A_186] : memref<4x128x64xf32, #tpu.memory_space<vmem>> -> memref<1x128x64xf32, #tpu.memory_space<vmem>>
      %dma_wait3A_188 = tpu.memref_squeeze %dma_wait3A_187 : memref<1x128x64xf32, #tpu.memory_space<vmem>> -> memref<128x64xf32, #tpu.memory_space<vmem>>
      %dma_wait3A_189 = arith.constant 0 : i32
      %dma_wait3A_190 = tpu.memref_slice %arg7[%add3A_183, %dma_wait3A_189] : memref<160x128xi32, #tpu.memory_space<vmem>> -> memref<1x128xi32, #tpu.memory_space<vmem>>
      %dma_wait3A_191 = tpu.memref_squeeze %dma_wait3A_190 : memref<1x128xi32, #tpu.memory_space<vmem>> -> memref<128xi32, #tpu.memory_space<vmem>>
      %dma_wait3A_192 = arith.constant 0 : i32
      %dma_wait3A_193 = arith.constant 0 : i32
      %dma_wait3A_194 = tpu.memref_slice %arg2[%dma_wait3A_192, %dma_wait3A_193] : memref<20480x64xf32, #tpu.memory_space<hbm>> -> memref<20480x64xf32, #tpu.memory_space<hbm>>
      tpu.wait_indirect_dma semaphore(%arg15 : memref<!tpu.dma_semaphore, #tpu.memory_space<semaphore_mem>>) src(%dma_wait3A_194 : memref<20480x64xf32, #tpu.memory_space<hbm>>) dst(%dma_wait3A_188 : memref<128x64xf32, #tpu.memory_space<vmem>>)
      %run_scoped3A_195 = arith.constant 3 : i32
      "tpu.region"() ({
        %run_scoped3A_204 = tpu.sem_alloc : memref<!tpu.dma_semaphore, #tpu.memory_space<semaphore_mem>>
        %dma_start3A_205 = arith.constant 0 : i32
        %dma_start3A_206 = arith.constant 0 : i32
        %dma_start3A_207 = tpu.memref_slice %arg9[%run_scoped3A_195, %dma_start3A_205, %dma_start3A_206] : memref<4x128x64xf32, #tpu.memory_space<vmem>> -> memref<1x128x64xf32, #tpu.memory_space<vmem>>
        %dma_start3A_208 = tpu.memref_squeeze %dma_start3A_207 : memref<1x128x64xf32, #tpu.memory_space<vmem>> -> memref<128x64xf32, #tpu.memory_space<vmem>>
        %dma_start3A_209 = arith.constant 0 : i32
        %dma_start3A_210 = tpu.memref_slice %arg8[%add3A_183, %dma_start3A_209] : memref<160x128xi32, #tpu.memory_space<vmem>> -> memref<1x128xi32, #tpu.memory_space<vmem>>
        %dma_start3A_211 = tpu.memref_squeeze %dma_start3A_210 : memref<1x128xi32, #tpu.memory_space<vmem>> -> memref<128xi32, #tpu.memory_space<vmem>>
        %dma_start3A_212 = arith.constant 0 : i32
        %dma_start3A_213 = arith.constant 0 : i32
        %dma_start3A_214 = tpu.memref_slice %arg11[%dma_start3A_212, %dma_start3A_213] : memref<10240x64xf32, #tpu.memory_space<vmem_shared>> -> memref<10240x64xf32, #tpu.memory_space<vmem_shared>>
        tpu.enqueue_indirect_dma source(%dma_start3A_208 : memref<128x64xf32, #tpu.memory_space<vmem>>) target(%dma_start3A_214 : memref<10240x64xf32, #tpu.memory_space<vmem_shared>>) offsets(%dma_start3A_211 : memref<128xi32, #tpu.memory_space<vmem>>) semaphore(%run_scoped3A_204 : memref<!tpu.dma_semaphore, #tpu.memory_space<semaphore_mem>>) {add = true}
        %dma_wait3A_215 = arith.constant 0 : i32
        %dma_wait3A_216 = arith.constant 0 : i32
        %dma_wait3A_217 = tpu.memref_slice %arg9[%run_scoped3A_195, %dma_wait3A_215, %dma_wait3A_216] : memref<4x128x64xf32, #tpu.memory_space<vmem>> -> memref<1x128x64xf32, #tpu.memory_space<vmem>>
        %dma_wait3A_218 = tpu.memref_squeeze %dma_wait3A_217 : memref<1x128x64xf32, #tpu.memory_space<vmem>> -> memref<128x64xf32, #tpu.memory_space<vmem>>
        %dma_wait3A_219 = arith.constant 0 : i32
        %dma_wait3A_220 = tpu.memref_slice %arg8[%add3A_183, %dma_wait3A_219] : memref<160x128xi32, #tpu.memory_space<vmem>> -> memref<1x128xi32, #tpu.memory_space<vmem>>
        %dma_wait3A_221 = tpu.memref_squeeze %dma_wait3A_220 : memref<1x128xi32, #tpu.memory_space<vmem>> -> memref<128xi32, #tpu.memory_space<vmem>>
        %dma_wait3A_222 = arith.constant 0 : i32
        %dma_wait3A_223 = arith.constant 0 : i32
        %dma_wait3A_224 = tpu.memref_slice %arg11[%dma_wait3A_222, %dma_wait3A_223] : memref<10240x64xf32, #tpu.memory_space<vmem_shared>> -> memref<10240x64xf32, #tpu.memory_space<vmem_shared>>
        tpu.wait_indirect_dma semaphore(%run_scoped3A_204 : memref<!tpu.dma_semaphore, #tpu.memory_space<semaphore_mem>>) src(%dma_wait3A_218 : memref<128x64xf32, #tpu.memory_space<vmem>>) dst(%dma_wait3A_224 : memref<10240x64xf32, #tpu.memory_space<vmem_shared>>)
        tpu.yield
      }) : () -> ()
      %add3A_196 = arith.constant 4 : i32
      %add3A_197 = arith.addi %add3A_183, %add3A_196 : i32
      %lt3A_198 = arith.constant 160 : i32
      %lt3A_199 = arith.cmpi slt, %add3A_197, %lt3A_198 : i32
      %convert_element_type3A_200 = arith.extui %lt3A_199 : i1 to i32
      %cond3A_201 = arith.constant 0 : i32
      %cond3A_202 = arith.cmpi ne, %convert_element_type3A_200, %cond3A_201 : i32
      scf.if %cond3A_202 {
        %add3A_204 = arith.constant 4 : i32
        %add3A_205 = arith.addi %add3A_183, %add3A_204 : i32
        %dma_start3A_206 = arith.constant 3 : i32
        %dma_start3A_207 = arith.constant 0 : i32
        %dma_start3A_208 = arith.constant 0 : i32
        %dma_start3A_209 = tpu.memref_slice %arg9[%dma_start3A_206, %dma_start3A_207, %dma_start3A_208] : memref<4x128x64xf32, #tpu.memory_space<vmem>> -> memref<1x128x64xf32, #tpu.memory_space<vmem>>
        %dma_start3A_210 = tpu.memref_squeeze %dma_start3A_209 : memref<1x128x64xf32, #tpu.memory_space<vmem>> -> memref<128x64xf32, #tpu.memory_space<vmem>>
        %dma_start3A_211 = arith.constant 0 : i32
        %dma_start3A_212 = tpu.memref_slice %arg7[%add3A_205, %dma_start3A_211] : memref<160x128xi32, #tpu.memory_space<vmem>> -> memref<1x128xi32, #tpu.memory_space<vmem>>
        %dma_start3A_213 = tpu.memref_squeeze %dma_start3A_212 : memref<1x128xi32, #tpu.memory_space<vmem>> -> memref<128xi32, #tpu.memory_space<vmem>>
        %dma_start3A_214 = arith.constant 0 : i32
        %dma_start3A_215 = arith.constant 0 : i32
        %dma_start3A_216 = tpu.memref_slice %arg2[%dma_start3A_214, %dma_start3A_215] : memref<20480x64xf32, #tpu.memory_space<hbm>> -> memref<20480x64xf32, #tpu.memory_space<hbm>>
        tpu.enqueue_indirect_dma source(%dma_start3A_216 : memref<20480x64xf32, #tpu.memory_space<hbm>>) target(%dma_start3A_210 : memref<128x64xf32, #tpu.memory_space<vmem>>) offsets(%dma_start3A_213 : memref<128xi32, #tpu.memory_space<vmem>>) semaphore(%arg15 : memref<!tpu.dma_semaphore, #tpu.memory_space<semaphore_mem>>)
      } else {
      }
      %scan3A_203 = arith.constant 0 : i32
      scf.yield %scan3A_203 : i32
    }
    %scan3A_103 = arith.constant 40 : i32
    %barrier3A_104 = arith.constant 0 : index
    tpu.barrier barrier_id(%barrier3A_104)
    %mul3A_105 = arith.constant 640 : i32
    %mul3A_106 = arith.muli %arg1, %mul3A_105 : i32
    %mul3A_107 = arith.constant 10240 : i32
    %mul3A_108 = arith.muli %arg0, %mul3A_107 : i32
    %mul3A_109 = arith.constant 640 : i32
    %mul3A_110 = arith.muli %arg1, %mul3A_109 : i32
    %add3A_111 = arith.addi %mul3A_108, %mul3A_110 : i32
    "tpu.region"() ({
      %run_scoped3A = tpu.sem_alloc : memref<!tpu.dma_semaphore, #tpu.memory_space<semaphore_mem>>
      %dma_start3A_112 = arith.constant 0 : i32
      %dma_start3A_113 = tpu.memref_slice %arg6[%add3A_111, %dma_start3A_112] : memref<20480x64xf32, #tpu.memory_space<hbm>> -> memref<640x64xf32, #tpu.memory_space<hbm>>
      %dma_start3A_114 = arith.constant 0 : i32
      %dma_start3A_115 = tpu.memref_slice %arg11[%mul3A_106, %dma_start3A_114] : memref<10240x64xf32, #tpu.memory_space<vmem_shared>> -> memref<640x64xf32, #tpu.memory_space<vmem_shared>>
      tpu.enqueue_dma source(%dma_start3A_115 : memref<640x64xf32, #tpu.memory_space<vmem_shared>>) target(%dma_start3A_113 : memref<640x64xf32, #tpu.memory_space<hbm>>) target_semaphore(%run_scoped3A : memref<!tpu.dma_semaphore, #tpu.memory_space<semaphore_mem>>)
      %dma_wait3A = arith.constant 0 : i32
      %dma_wait3A_116 = tpu.memref_slice %arg6[%add3A_111, %dma_wait3A] : memref<20480x64xf32, #tpu.memory_space<hbm>> -> memref<640x64xf32, #tpu.memory_space<hbm>>
      %dma_wait3A_117 = arith.constant 0 : i32
      %dma_wait3A_118 = tpu.memref_slice %arg11[%mul3A_106, %dma_wait3A_117] : memref<10240x64xf32, #tpu.memory_space<vmem_shared>> -> memref<640x64xf32, #tpu.memory_space<vmem_shared>>
      tpu.wait_dma2 semaphore(%run_scoped3A : memref<!tpu.dma_semaphore, #tpu.memory_space<semaphore_mem>>) src(%dma_wait3A_118 : memref<640x64xf32, #tpu.memory_space<vmem_shared>>) dst(%dma_wait3A_116 : memref<640x64xf32, #tpu.memory_space<hbm>>)
      tpu.yield
    }) : () -> ()
    return
  }
}

#map = affine_map<(d0, d1) -> (0, 0)>
#map1 = affine_map<(d0, d1) -> (0, 0, 0)>
module attributes {stable_mosaic.version = 14 : i64} {
  func.func @_scat(%arg0: i32, %arg1: i32, %arg2: memref<20480x64xf32, #tpu.memory_space<hbm>>, %arg3: memref<16x160x128xi32, #tpu.memory_space<hbm>>, %arg4: memref<16x160x128xi32, #tpu.memory_space<hbm>>, %arg5: memref<16x160x128xi32, #tpu.memory_space<hbm>>, %arg6: memref<20480x64xf32, #tpu.memory_space<hbm>>, %arg7: memref<160x128xi32, #tpu.memory_space<vmem>>, %arg8: memref<160x128xi32, #tpu.memory_space<vmem>>, %arg9: memref<4x128x64xf32, #tpu.memory_space<vmem>>, %arg10: memref<64x64xf32, #tpu.memory_space<vmem>>, %arg11: memref<10240x64xf32, #tpu.memory_space<vmem_shared>>, %arg12: memref<!tpu.dma_semaphore, #tpu.memory_space<semaphore_mem>>, %arg13: memref<!tpu.dma_semaphore, #tpu.memory_space<semaphore_mem>>, %arg14: memref<!tpu.dma_semaphore, #tpu.memory_space<semaphore_mem>>, %arg15: memref<!tpu.dma_semaphore, #tpu.memory_space<semaphore_mem>>) attributes {dimension_semantics = [#tpu.dimension_semantics<core_parallel>, #tpu.dimension_semantics<subcore_parallel>], iteration_bounds = array<i64: 2, 16>, scalar_prefetch = 0 : i64, scratch_operands = 9 : i64, tpu.core_type = #tpu.core_type<sc_vector_subcore>, window_params = [{transform_indices = #map}, {transform_indices = #map1}, {transform_indices = #map1}, {transform_indices = #map1}, {transform_indices = #map}]} {
    %scan3A = arith.constant 0 : i32
    %scan3A_0 = arith.constant 0 : i32
    %scan3A_1 = arith.constant 256 : i32
    %scan3A_2 = arith.addi %scan3A_0, %scan3A_1 : i32
    %scan3A_3 = arith.constant 1 : i32
    %scan3A_4 = scf.for %scan3A_112 = %scan3A_0 to %scan3A_2 step %scan3A_3 iter_args(%scan3A_113 = %scan3A) -> (i32)  : i32 {
      %broadcast_in_dim3A = arith.constant 0.000000e+00 : f32
      %broadcast_in_dim3A_114 = vector.broadcast %broadcast_in_dim3A : f32 to vector<16xf32>
      %jit3A = arith.constant 4 : i32
      %div3A = arith.divsi %scan3A_112, %jit3A : i32
      %sign3A = arith.constant 0 : i32
      %sign3A_115 = arith.cmpi sgt, %scan3A_112, %sign3A : i32
      %sign3A_116 = arith.extui %sign3A_115 : i1 to i32
      %sign3A_117 = arith.constant 0 : i32
      %sign3A_118 = arith.cmpi slt, %scan3A_112, %sign3A_117 : i32
      %sign3A_119 = arith.extui %sign3A_118 : i1 to i32
      %sign3A_120 = arith.subi %sign3A_116, %sign3A_119 : i32
      %sign3A_121 = arith.constant 0 : i32
      %sign3A_122 = arith.cmpi sgt, %jit3A, %sign3A_121 : i32
      %sign3A_123 = arith.extui %sign3A_122 : i1 to i32
      %sign3A_124 = arith.constant 0 : i32
      %sign3A_125 = arith.cmpi slt, %jit3A, %sign3A_124 : i32
      %sign3A_126 = arith.extui %sign3A_125 : i1 to i32
      %sign3A_127 = arith.subi %sign3A_123, %sign3A_126 : i32
      %ne3A_128 = arith.cmpi ne, %sign3A_120, %sign3A_127 : i32
      %rem3A = arith.remsi %scan3A_112, %jit3A : i32
      %ne3A_129 = arith.constant 0 : i32
      %ne3A_130 = arith.cmpi ne, %rem3A, %ne3A_129 : i32
      %and3A = arith.andi %ne3A_128, %ne3A_130 : i1
      %sub3A = arith.constant 1 : i32
      %sub3A_131 = arith.subi %div3A, %sub3A : i32
      %select_n3A = arith.select %and3A, %sub3A_131, %div3A : i32
      %jit3A_132 = arith.constant 4 : i32
      %eq3A_133 = arith.constant 0 : i32
      %eq3A_134 = arith.cmpi eq, %jit3A_132, %eq3A_133 : i32
      %jit3A_135 = arith.constant 1 : i32
      %select_n3A_136 = arith.select %eq3A_134, %jit3A_135, %jit3A_132 : i32
      %rem3A_137 = arith.remsi %scan3A_112, %select_n3A_136 : i32
      %ne3A_138 = arith.constant 0 : i32
      %ne3A_139 = arith.cmpi ne, %rem3A_137, %ne3A_138 : i32
      %lt3A = arith.constant 0 : i32
      %lt3A_140 = arith.cmpi slt, %rem3A_137, %lt3A : i32
      %lt3A_141 = arith.constant 0 : i32
      %lt3A_142 = arith.cmpi slt, %select_n3A_136, %lt3A_141 : i32
      %ne3A_143 = arith.xori %lt3A_140, %lt3A_142 : i1
      %and3A_144 = arith.andi %ne3A_143, %ne3A_139 : i1
      %add3A_145 = arith.addi %rem3A_137, %select_n3A_136 : i32
      %select_n3A_146 = arith.select %and3A_144, %add3A_145, %rem3A_137 : i32
      %mul3A_147 = arith.constant 16 : i32
      %mul3A_148 = arith.muli %select_n3A_146, %mul3A_147 : i32
      %swap3A = arith.index_cast %select_n3A : i32 to index
      %swap3A_149 = arith.index_cast %mul3A_148 : i32 to index
      %swap3A_150 = tpu.vector_load %arg10[%swap3A, %swap3A_149] {strides = array<i32>} : memref<64x64xf32, #tpu.memory_space<vmem>>, vector<1x16xf32>,
      %swap3A_151 = vector.shape_cast %swap3A_150 : vector<1x16xf32> to vector<16xf32>
      %swap3A_152 = vector.shape_cast %broadcast_in_dim3A_114 : vector<16xf32> to vector<1x16xf32>
      tpu.vector_store %arg10[%swap3A, %swap3A_149], %swap3A_152 {strides = array<i32>} : memref<64x64xf32, #tpu.memory_space<vmem>>, vector<1x16xf32>,
      %scan3A_153 = arith.constant 0 : i32
      scf.yield %scan3A_153 : i32
    }
    %scan3A_5 = arith.constant 256 : i32
    %mul3A = arith.constant 640 : i32
    %mul3A_6 = arith.muli %arg1, %mul3A : i32
    %add3A = arith.constant 0 : i32
    %add3A_7 = arith.addi %mul3A_6, %add3A : i32
    "tpu.region"() ({
      %run_scoped3A = tpu.sem_alloc : memref<!tpu.dma_semaphore, #tpu.memory_space<semaphore_mem>>
      %dma_start3A_112 = arith.constant 0 : i32
      %dma_start3A_113 = tpu.memref_slice %arg11[%add3A_7, %dma_start3A_112] : memref<10240x64xf32, #tpu.memory_space<vmem_shared>> -> memref<64x64xf32, #tpu.memory_space<vmem_shared>>
      %dma_start3A_114 = arith.constant 0 : i32
      %dma_start3A_115 = tpu.memref_slice %arg11[%add3A_7, %dma_start3A_114] : memref<10240x64xf32, #tpu.memory_space<vmem_shared>> -> memref<64x64xf32, #tpu.memory_space<vmem_shared>>
      tpu.enqueue_dma source(%arg10 : memref<64x64xf32, #tpu.memory_space<vmem>>) target(%dma_start3A_115 : memref<64x64xf32, #tpu.memory_space<vmem_shared>>) target_semaphore(%run_scoped3A : memref<!tpu.dma_semaphore, #tpu.memory_space<semaphore_mem>>)
      %dma_wait3A = arith.constant 0 : i32
      %dma_wait3A_116 = tpu.memref_slice %arg11[%add3A_7, %dma_wait3A] : memref<10240x64xf32, #tpu.memory_space<vmem_shared>> -> memref<64x64xf32, #tpu.memory_space<vmem_shared>>
      %dma_wait3A_117 = arith.constant 0 : i32
      %dma_wait3A_118 = tpu.memref_slice %arg11[%add3A_7, %dma_wait3A_117] : memref<10240x64xf32, #tpu.memory_space<vmem_shared>> -> memref<64x64xf32, #tpu.memory_space<vmem_shared>>
      tpu.wait_dma2 semaphore(%run_scoped3A : memref<!tpu.dma_semaphore, #tpu.memory_space<semaphore_mem>>) src(%arg10 : memref<64x64xf32, #tpu.memory_space<vmem>>) dst(%dma_wait3A_118 : memref<64x64xf32, #tpu.memory_space<vmem_shared>>)
      tpu.yield
    }) : () -> ()
    %mul3A_8 = arith.constant 640 : i32
    %mul3A_9 = arith.muli %arg1, %mul3A_8 : i32
    %add3A_10 = arith.constant 64 : i32
    %add3A_11 = arith.addi %mul3A_9, %add3A_10 : i32
    "tpu.region"() ({
      %run_scoped3A = tpu.sem_alloc : memref<!tpu.dma_semaphore, #tpu.memory_space<semaphore_mem>>
      %dma_start3A_112 = arith.constant 0 : i32
      %dma_start3A_113 = tpu.memref_slice %arg11[%add3A_11, %dma_start3A_112] : memref<10240x64xf32, #tpu.memory_space<vmem_shared>> -> memref<64x64xf32, #tpu.memory_space<vmem_shared>>
      %dma_start3A_114 = arith.constant 0 : i32
      %dma_start3A_115 = tpu.memref_slice %arg11[%add3A_11, %dma_start3A_114] : memref<10240x64xf32, #tpu.memory_space<vmem_shared>> -> memref<64x64xf32, #tpu.memory_space<vmem_shared>>
      tpu.enqueue_dma source(%arg10 : memref<64x64xf32, #tpu.memory_space<vmem>>) target(%dma_start3A_115 : memref<64x64xf32, #tpu.memory_space<vmem_shared>>) target_semaphore(%run_scoped3A : memref<!tpu.dma_semaphore, #tpu.memory_space<semaphore_mem>>)
      %dma_wait3A = arith.constant 0 : i32
      %dma_wait3A_116 = tpu.memref_slice %arg11[%add3A_11, %dma_wait3A] : memref<10240x64xf32, #tpu.memory_space<vmem_shared>> -> memref<64x64xf32, #tpu.memory_space<vmem_shared>>
      %dma_wait3A_117 = arith.constant 0 : i32
      %dma_wait3A_118 = tpu.memref_slice %arg11[%add3A_11, %dma_wait3A_117] : memref<10240x64xf32, #tpu.memory_space<vmem_shared>> -> memref<64x64xf32, #tpu.memory_space<vmem_shared>>
      tpu.wait_dma2 semaphore(%run_scoped3A : memref<!tpu.dma_semaphore, #tpu.memory_space<semaphore_mem>>) src(%arg10 : memref<64x64xf32, #tpu.memory_space<vmem>>) dst(%dma_wait3A_118 : memref<64x64xf32, #tpu.memory_space<vmem_shared>>)
      tpu.yield
    }) : () -> ()
    %mul3A_12 = arith.constant 640 : i32
    %mul3A_13 = arith.muli %arg1, %mul3A_12 : i32
    %add3A_14 = arith.constant 128 : i32
    %add3A_15 = arith.addi %mul3A_13, %add3A_14 : i32
    "tpu.region"() ({
      %run_scoped3A = tpu.sem_alloc : memref<!tpu.dma_semaphore, #tpu.memory_space<semaphore_mem>>
      %dma_start3A_112 = arith.constant 0 : i32
      %dma_start3A_113 = tpu.memref_slice %arg11[%add3A_15, %dma_start3A_112] : memref<10240x64xf32, #tpu.memory_space<vmem_shared>> -> memref<64x64xf32, #tpu.memory_space<vmem_shared>>
      %dma_start3A_114 = arith.constant 0 : i32
      %dma_start3A_115 = tpu.memref_slice %arg11[%add3A_15, %dma_start3A_114] : memref<10240x64xf32, #tpu.memory_space<vmem_shared>> -> memref<64x64xf32, #tpu.memory_space<vmem_shared>>
      tpu.enqueue_dma source(%arg10 : memref<64x64xf32, #tpu.memory_space<vmem>>) target(%dma_start3A_115 : memref<64x64xf32, #tpu.memory_space<vmem_shared>>) target_semaphore(%run_scoped3A : memref<!tpu.dma_semaphore, #tpu.memory_space<semaphore_mem>>)
      %dma_wait3A = arith.constant 0 : i32
      %dma_wait3A_116 = tpu.memref_slice %arg11[%add3A_15, %dma_wait3A] : memref<10240x64xf32, #tpu.memory_space<vmem_shared>> -> memref<64x64xf32, #tpu.memory_space<vmem_shared>>
      %dma_wait3A_117 = arith.constant 0 : i32
      %dma_wait3A_118 = tpu.memref_slice %arg11[%add3A_15, %dma_wait3A_117] : memref<10240x64xf32, #tpu.memory_space<vmem_shared>> -> memref<64x64xf32, #tpu.memory_space<vmem_shared>>
      tpu.wait_dma2 semaphore(%run_scoped3A : memref<!tpu.dma_semaphore, #tpu.memory_space<semaphore_mem>>) src(%arg10 : memref<64x64xf32, #tpu.memory_space<vmem>>) dst(%dma_wait3A_118 : memref<64x64xf32, #tpu.memory_space<vmem_shared>>)
      tpu.yield
    }) : () -> ()
    %mul3A_16 = arith.constant 640 : i32
    %mul3A_17 = arith.muli %arg1, %mul3A_16 : i32
    %add3A_18 = arith.constant 192 : i32
    %add3A_19 = arith.addi %mul3A_17, %add3A_18 : i32
    "tpu.region"() ({
      %run_scoped3A = tpu.sem_alloc : memref<!tpu.dma_semaphore, #tpu.memory_space<semaphore_mem>>
      %dma_start3A_112 = arith.constant 0 : i32
      %dma_start3A_113 = tpu.memref_slice %arg11[%add3A_19, %dma_start3A_112] : memref<10240x64xf32, #tpu.memory_space<vmem_shared>> -> memref<64x64xf32, #tpu.memory_space<vmem_shared>>
      %dma_start3A_114 = arith.constant 0 : i32
      %dma_start3A_115 = tpu.memref_slice %arg11[%add3A_19, %dma_start3A_114] : memref<10240x64xf32, #tpu.memory_space<vmem_shared>> -> memref<64x64xf32, #tpu.memory_space<vmem_shared>>
      tpu.enqueue_dma source(%arg10 : memref<64x64xf32, #tpu.memory_space<vmem>>) target(%dma_start3A_115 : memref<64x64xf32, #tpu.memory_space<vmem_shared>>) target_semaphore(%run_scoped3A : memref<!tpu.dma_semaphore, #tpu.memory_space<semaphore_mem>>)
      %dma_wait3A = arith.constant 0 : i32
      %dma_wait3A_116 = tpu.memref_slice %arg11[%add3A_19, %dma_wait3A] : memref<10240x64xf32, #tpu.memory_space<vmem_shared>> -> memref<64x64xf32, #tpu.memory_space<vmem_shared>>
      %dma_wait3A_117 = arith.constant 0 : i32
      %dma_wait3A_118 = tpu.memref_slice %arg11[%add3A_19, %dma_wait3A_117] : memref<10240x64xf32, #tpu.memory_space<vmem_shared>> -> memref<64x64xf32, #tpu.memory_space<vmem_shared>>
      tpu.wait_dma2 semaphore(%run_scoped3A : memref<!tpu.dma_semaphore, #tpu.memory_space<semaphore_mem>>) src(%arg10 : memref<64x64xf32, #tpu.memory_space<vmem>>) dst(%dma_wait3A_118 : memref<64x64xf32, #tpu.memory_space<vmem_shared>>)
      tpu.yield
    }) : () -> ()
    %mul3A_20 = arith.constant 640 : i32
    %mul3A_21 = arith.muli %arg1, %mul3A_20 : i32
    %add3A_22 = arith.constant 256 : i32
    %add3A_23 = arith.addi %mul3A_21, %add3A_22 : i32
    "tpu.region"() ({
      %run_scoped3A = tpu.sem_alloc : memref<!tpu.dma_semaphore, #tpu.memory_space<semaphore_mem>>
      %dma_start3A_112 = arith.constant 0 : i32
      %dma_start3A_113 = tpu.memref_slice %arg11[%add3A_23, %dma_start3A_112] : memref<10240x64xf32, #tpu.memory_space<vmem_shared>> -> memref<64x64xf32, #tpu.memory_space<vmem_shared>>
      %dma_start3A_114 = arith.constant 0 : i32
      %dma_start3A_115 = tpu.memref_slice %arg11[%add3A_23, %dma_start3A_114] : memref<10240x64xf32, #tpu.memory_space<vmem_shared>> -> memref<64x64xf32, #tpu.memory_space<vmem_shared>>
      tpu.enqueue_dma source(%arg10 : memref<64x64xf32, #tpu.memory_space<vmem>>) target(%dma_start3A_115 : memref<64x64xf32, #tpu.memory_space<vmem_shared>>) target_semaphore(%run_scoped3A : memref<!tpu.dma_semaphore, #tpu.memory_space<semaphore_mem>>)
      %dma_wait3A = arith.constant 0 : i32
      %dma_wait3A_116 = tpu.memref_slice %arg11[%add3A_23, %dma_wait3A] : memref<10240x64xf32, #tpu.memory_space<vmem_shared>> -> memref<64x64xf32, #tpu.memory_space<vmem_shared>>
      %dma_wait3A_117 = arith.constant 0 : i32
      %dma_wait3A_118 = tpu.memref_slice %arg11[%add3A_23, %dma_wait3A_117] : memref<10240x64xf32, #tpu.memory_space<vmem_shared>> -> memref<64x64xf32, #tpu.memory_space<vmem_shared>>
      tpu.wait_dma2 semaphore(%run_scoped3A : memref<!tpu.dma_semaphore, #tpu.memory_space<semaphore_mem>>) src(%arg10 : memref<64x64xf32, #tpu.memory_space<vmem>>) dst(%dma_wait3A_118 : memref<64x64xf32, #tpu.memory_space<vmem_shared>>)
      tpu.yield
    }) : () -> ()
    %mul3A_24 = arith.constant 640 : i32
    %mul3A_25 = arith.muli %arg1, %mul3A_24 : i32
    %add3A_26 = arith.constant 320 : i32
    %add3A_27 = arith.addi %mul3A_25, %add3A_26 : i32
    "tpu.region"() ({
      %run_scoped3A = tpu.sem_alloc : memref<!tpu.dma_semaphore, #tpu.memory_space<semaphore_mem>>
      %dma_start3A_112 = arith.constant 0 : i32
      %dma_start3A_113 = tpu.memref_slice %arg11[%add3A_27, %dma_start3A_112] : memref<10240x64xf32, #tpu.memory_space<vmem_shared>> -> memref<64x64xf32, #tpu.memory_space<vmem_shared>>
      %dma_start3A_114 = arith.constant 0 : i32
      %dma_start3A_115 = tpu.memref_slice %arg11[%add3A_27, %dma_start3A_114] : memref<10240x64xf32, #tpu.memory_space<vmem_shared>> -> memref<64x64xf32, #tpu.memory_space<vmem_shared>>
      tpu.enqueue_dma source(%arg10 : memref<64x64xf32, #tpu.memory_space<vmem>>) target(%dma_start3A_115 : memref<64x64xf32, #tpu.memory_space<vmem_shared>>) target_semaphore(%run_scoped3A : memref<!tpu.dma_semaphore, #tpu.memory_space<semaphore_mem>>)
      %dma_wait3A = arith.constant 0 : i32
      %dma_wait3A_116 = tpu.memref_slice %arg11[%add3A_27, %dma_wait3A] : memref<10240x64xf32, #tpu.memory_space<vmem_shared>> -> memref<64x64xf32, #tpu.memory_space<vmem_shared>>
      %dma_wait3A_117 = arith.constant 0 : i32
      %dma_wait3A_118 = tpu.memref_slice %arg11[%add3A_27, %dma_wait3A_117] : memref<10240x64xf32, #tpu.memory_space<vmem_shared>> -> memref<64x64xf32, #tpu.memory_space<vmem_shared>>
      tpu.wait_dma2 semaphore(%run_scoped3A : memref<!tpu.dma_semaphore, #tpu.memory_space<semaphore_mem>>) src(%arg10 : memref<64x64xf32, #tpu.memory_space<vmem>>) dst(%dma_wait3A_118 : memref<64x64xf32, #tpu.memory_space<vmem_shared>>)
      tpu.yield
    }) : () -> ()
    %mul3A_28 = arith.constant 640 : i32
    %mul3A_29 = arith.muli %arg1, %mul3A_28 : i32
    %add3A_30 = arith.constant 384 : i32
    %add3A_31 = arith.addi %mul3A_29, %add3A_30 : i32
    "tpu.region"() ({
      %run_scoped3A = tpu.sem_alloc : memref<!tpu.dma_semaphore, #tpu.memory_space<semaphore_mem>>
      %dma_start3A_112 = arith.constant 0 : i32
      %dma_start3A_113 = tpu.memref_slice %arg11[%add3A_31, %dma_start3A_112] : memref<10240x64xf32, #tpu.memory_space<vmem_shared>> -> memref<64x64xf32, #tpu.memory_space<vmem_shared>>
      %dma_start3A_114 = arith.constant 0 : i32
      %dma_start3A_115 = tpu.memref_slice %arg11[%add3A_31, %dma_start3A_114] : memref<10240x64xf32, #tpu.memory_space<vmem_shared>> -> memref<64x64xf32, #tpu.memory_space<vmem_shared>>
      tpu.enqueue_dma source(%arg10 : memref<64x64xf32, #tpu.memory_space<vmem>>) target(%dma_start3A_115 : memref<64x64xf32, #tpu.memory_space<vmem_shared>>) target_semaphore(%run_scoped3A : memref<!tpu.dma_semaphore, #tpu.memory_space<semaphore_mem>>)
      %dma_wait3A = arith.constant 0 : i32
      %dma_wait3A_116 = tpu.memref_slice %arg11[%add3A_31, %dma_wait3A] : memref<10240x64xf32, #tpu.memory_space<vmem_shared>> -> memref<64x64xf32, #tpu.memory_space<vmem_shared>>
      %dma_wait3A_117 = arith.constant 0 : i32
      %dma_wait3A_118 = tpu.memref_slice %arg11[%add3A_31, %dma_wait3A_117] : memref<10240x64xf32, #tpu.memory_space<vmem_shared>> -> memref<64x64xf32, #tpu.memory_space<vmem_shared>>
      tpu.wait_dma2 semaphore(%run_scoped3A : memref<!tpu.dma_semaphore, #tpu.memory_space<semaphore_mem>>) src(%arg10 : memref<64x64xf32, #tpu.memory_space<vmem>>) dst(%dma_wait3A_118 : memref<64x64xf32, #tpu.memory_space<vmem_shared>>)
      tpu.yield
    }) : () -> ()
    %mul3A_32 = arith.constant 640 : i32
    %mul3A_33 = arith.muli %arg1, %mul3A_32 : i32
    %add3A_34 = arith.constant 448 : i32
    %add3A_35 = arith.addi %mul3A_33, %add3A_34 : i32
    "tpu.region"() ({
      %run_scoped3A = tpu.sem_alloc : memref<!tpu.dma_semaphore, #tpu.memory_space<semaphore_mem>>
      %dma_start3A_112 = arith.constant 0 : i32
      %dma_start3A_113 = tpu.memref_slice %arg11[%add3A_35, %dma_start3A_112] : memref<10240x64xf32, #tpu.memory_space<vmem_shared>> -> memref<64x64xf32, #tpu.memory_space<vmem_shared>>
      %dma_start3A_114 = arith.constant 0 : i32
      %dma_start3A_115 = tpu.memref_slice %arg11[%add3A_35, %dma_start3A_114] : memref<10240x64xf32, #tpu.memory_space<vmem_shared>> -> memref<64x64xf32, #tpu.memory_space<vmem_shared>>
      tpu.enqueue_dma source(%arg10 : memref<64x64xf32, #tpu.memory_space<vmem>>) target(%dma_start3A_115 : memref<64x64xf32, #tpu.memory_space<vmem_shared>>) target_semaphore(%run_scoped3A : memref<!tpu.dma_semaphore, #tpu.memory_space<semaphore_mem>>)
      %dma_wait3A = arith.constant 0 : i32
      %dma_wait3A_116 = tpu.memref_slice %arg11[%add3A_35, %dma_wait3A] : memref<10240x64xf32, #tpu.memory_space<vmem_shared>> -> memref<64x64xf32, #tpu.memory_space<vmem_shared>>
      %dma_wait3A_117 = arith.constant 0 : i32
      %dma_wait3A_118 = tpu.memref_slice %arg11[%add3A_35, %dma_wait3A_117] : memref<10240x64xf32, #tpu.memory_space<vmem_shared>> -> memref<64x64xf32, #tpu.memory_space<vmem_shared>>
      tpu.wait_dma2 semaphore(%run_scoped3A : memref<!tpu.dma_semaphore, #tpu.memory_space<semaphore_mem>>) src(%arg10 : memref<64x64xf32, #tpu.memory_space<vmem>>) dst(%dma_wait3A_118 : memref<64x64xf32, #tpu.memory_space<vmem_shared>>)
      tpu.yield
    }) : () -> ()
    %mul3A_36 = arith.constant 640 : i32
    %mul3A_37 = arith.muli %arg1, %mul3A_36 : i32
    %add3A_38 = arith.constant 512 : i32
    %add3A_39 = arith.addi %mul3A_37, %add3A_38 : i32
    "tpu.region"() ({
      %run_scoped3A = tpu.sem_alloc : memref<!tpu.dma_semaphore, #tpu.memory_space<semaphore_mem>>
      %dma_start3A_112 = arith.constant 0 : i32
      %dma_start3A_113 = tpu.memref_slice %arg11[%add3A_39, %dma_start3A_112] : memref<10240x64xf32, #tpu.memory_space<vmem_shared>> -> memref<64x64xf32, #tpu.memory_space<vmem_shared>>
      %dma_start3A_114 = arith.constant 0 : i32
      %dma_start3A_115 = tpu.memref_slice %arg11[%add3A_39, %dma_start3A_114] : memref<10240x64xf32, #tpu.memory_space<vmem_shared>> -> memref<64x64xf32, #tpu.memory_space<vmem_shared>>
      tpu.enqueue_dma source(%arg10 : memref<64x64xf32, #tpu.memory_space<vmem>>) target(%dma_start3A_115 : memref<64x64xf32, #tpu.memory_space<vmem_shared>>) target_semaphore(%run_scoped3A : memref<!tpu.dma_semaphore, #tpu.memory_space<semaphore_mem>>)
      %dma_wait3A = arith.constant 0 : i32
      %dma_wait3A_116 = tpu.memref_slice %arg11[%add3A_39, %dma_wait3A] : memref<10240x64xf32, #tpu.memory_space<vmem_shared>> -> memref<64x64xf32, #tpu.memory_space<vmem_shared>>
      %dma_wait3A_117 = arith.constant 0 : i32
      %dma_wait3A_118 = tpu.memref_slice %arg11[%add3A_39, %dma_wait3A_117] : memref<10240x64xf32, #tpu.memory_space<vmem_shared>> -> memref<64x64xf32, #tpu.memory_space<vmem_shared>>
      tpu.wait_dma2 semaphore(%run_scoped3A : memref<!tpu.dma_semaphore, #tpu.memory_space<semaphore_mem>>) src(%arg10 : memref<64x64xf32, #tpu.memory_space<vmem>>) dst(%dma_wait3A_118 : memref<64x64xf32, #tpu.memory_space<vmem_shared>>)
      tpu.yield
    }) : () -> ()
    %mul3A_40 = arith.constant 640 : i32
    %mul3A_41 = arith.muli %arg1, %mul3A_40 : i32
    %add3A_42 = arith.constant 576 : i32
    %add3A_43 = arith.addi %mul3A_41, %add3A_42 : i32
    "tpu.region"() ({
      %run_scoped3A = tpu.sem_alloc : memref<!tpu.dma_semaphore, #tpu.memory_space<semaphore_mem>>
      %dma_start3A_112 = arith.constant 0 : i32
      %dma_start3A_113 = tpu.memref_slice %arg11[%add3A_43, %dma_start3A_112] : memref<10240x64xf32, #tpu.memory_space<vmem_shared>> -> memref<64x64xf32, #tpu.memory_space<vmem_shared>>
      %dma_start3A_114 = arith.constant 0 : i32
      %dma_start3A_115 = tpu.memref_slice %arg11[%add3A_43, %dma_start3A_114] : memref<10240x64xf32, #tpu.memory_space<vmem_shared>> -> memref<64x64xf32, #tpu.memory_space<vmem_shared>>
      tpu.enqueue_dma source(%arg10 : memref<64x64xf32, #tpu.memory_space<vmem>>) target(%dma_start3A_115 : memref<64x64xf32, #tpu.memory_space<vmem_shared>>) target_semaphore(%run_scoped3A : memref<!tpu.dma_semaphore, #tpu.memory_space<semaphore_mem>>)
      %dma_wait3A = arith.constant 0 : i32
      %dma_wait3A_116 = tpu.memref_slice %arg11[%add3A_43, %dma_wait3A] : memref<10240x64xf32, #tpu.memory_space<vmem_shared>> -> memref<64x64xf32, #tpu.memory_space<vmem_shared>>
      %dma_wait3A_117 = arith.constant 0 : i32
      %dma_wait3A_118 = tpu.memref_slice %arg11[%add3A_43, %dma_wait3A_117] : memref<10240x64xf32, #tpu.memory_space<vmem_shared>> -> memref<64x64xf32, #tpu.memory_space<vmem_shared>>
      tpu.wait_dma2 semaphore(%run_scoped3A : memref<!tpu.dma_semaphore, #tpu.memory_space<semaphore_mem>>) src(%arg10 : memref<64x64xf32, #tpu.memory_space<vmem>>) dst(%dma_wait3A_118 : memref<64x64xf32, #tpu.memory_space<vmem_shared>>)
      tpu.yield
    }) : () -> ()
    %barrier3A = arith.constant 0 : index
    tpu.barrier barrier_id(%barrier3A)
    "tpu.region"() ({
      %run_scoped3A = tpu.sem_alloc : memref<!tpu.dma_semaphore, #tpu.memory_space<semaphore_mem>>
      %dma_start3A_112 = arith.constant 0 : i32
      %dma_start3A_113 = arith.constant 0 : i32
      %dma_start3A_114 = tpu.memref_slice %arg5[%arg1, %dma_start3A_112, %dma_start3A_113] : memref<16x160x128xi32, #tpu.memory_space<hbm>> -> memref<1x160x128xi32, #tpu.memory_space<hbm>>
      %dma_start3A_115 = tpu.memref_squeeze %dma_start3A_114 : memref<1x160x128xi32, #tpu.memory_space<hbm>> -> memref<160x128xi32, #tpu.memory_space<hbm>>
      %dma_start3A_116 = arith.constant 0 : i32
      %dma_start3A_117 = arith.constant 0 : i32
      %dma_start3A_118 = tpu.memref_slice %arg5[%arg1, %dma_start3A_116, %dma_start3A_117] : memref<16x160x128xi32, #tpu.memory_space<hbm>> -> memref<1x160x128xi32, #tpu.memory_space<hbm>>
      %dma_start3A_119 = tpu.memref_squeeze %dma_start3A_118 : memref<1x160x128xi32, #tpu.memory_space<hbm>> -> memref<160x128xi32, #tpu.memory_space<hbm>>
      tpu.enqueue_dma source(%dma_start3A_119 : memref<160x128xi32, #tpu.memory_space<hbm>>) target(%arg8 : memref<160x128xi32, #tpu.memory_space<vmem>>) target_semaphore(%run_scoped3A : memref<!tpu.dma_semaphore, #tpu.memory_space<semaphore_mem>>)
      %dma_wait3A = arith.constant 0 : i32
      %dma_wait3A_120 = arith.constant 0 : i32
      %dma_wait3A_121 = tpu.memref_slice %arg5[%arg1, %dma_wait3A, %dma_wait3A_120] : memref<16x160x128xi32, #tpu.memory_space<hbm>> -> memref<1x160x128xi32, #tpu.memory_space<hbm>>
      %dma_wait3A_122 = tpu.memref_squeeze %dma_wait3A_121 : memref<1x160x128xi32, #tpu.memory_space<hbm>> -> memref<160x128xi32, #tpu.memory_space<hbm>>
      %dma_wait3A_123 = arith.constant 0 : i32
      %dma_wait3A_124 = arith.constant 0 : i32
      %dma_wait3A_125 = tpu.memref_slice %arg5[%arg1, %dma_wait3A_123, %dma_wait3A_124] : memref<16x160x128xi32, #tpu.memory_space<hbm>> -> memref<1x160x128xi32, #tpu.memory_space<hbm>>
      %dma_wait3A_126 = tpu.memref_squeeze %dma_wait3A_125 : memref<1x160x128xi32, #tpu.memory_space<hbm>> -> memref<160x128xi32, #tpu.memory_space<hbm>>
      tpu.wait_dma2 semaphore(%run_scoped3A : memref<!tpu.dma_semaphore, #tpu.memory_space<semaphore_mem>>) src(%dma_wait3A_126 : memref<160x128xi32, #tpu.memory_space<hbm>>) dst(%arg8 : memref<160x128xi32, #tpu.memory_space<vmem>>)
      tpu.yield
    }) : () -> ()
    %eq3A = arith.constant 0 : i32
    %eq3A_44 = arith.cmpi eq, %arg0, %eq3A : i32
    %convert_element_type3A = arith.extui %eq3A_44 : i1 to i32
    %cond3A = arith.constant 0 : i32
    %cond3A_45 = arith.cmpi ne, %convert_element_type3A, %cond3A : i32
    scf.if %cond3A_45 {
      "tpu.region"() ({
        %run_scoped3A = tpu.sem_alloc : memref<!tpu.dma_semaphore, #tpu.memory_space<semaphore_mem>>
        %dma_start3A_112 = arith.constant 0 : i32
        %dma_start3A_113 = arith.constant 0 : i32
        %dma_start3A_114 = tpu.memref_slice %arg3[%arg1, %dma_start3A_112, %dma_start3A_113] : memref<16x160x128xi32, #tpu.memory_space<hbm>> -> memref<1x160x128xi32, #tpu.memory_space<hbm>>
        %dma_start3A_115 = tpu.memref_squeeze %dma_start3A_114 : memref<1x160x128xi32, #tpu.memory_space<hbm>> -> memref<160x128xi32, #tpu.memory_space<hbm>>
        %dma_start3A_116 = arith.constant 0 : i32
        %dma_start3A_117 = arith.constant 0 : i32
        %dma_start3A_118 = tpu.memref_slice %arg3[%arg1, %dma_start3A_116, %dma_start3A_117] : memref<16x160x128xi32, #tpu.memory_space<hbm>> -> memref<1x160x128xi32, #tpu.memory_space<hbm>>
        %dma_start3A_119 = tpu.memref_squeeze %dma_start3A_118 : memref<1x160x128xi32, #tpu.memory_space<hbm>> -> memref<160x128xi32, #tpu.memory_space<hbm>>
        tpu.enqueue_dma source(%dma_start3A_119 : memref<160x128xi32, #tpu.memory_space<hbm>>) target(%arg7 : memref<160x128xi32, #tpu.memory_space<vmem>>) target_semaphore(%run_scoped3A : memref<!tpu.dma_semaphore, #tpu.memory_space<semaphore_mem>>)
        %dma_wait3A = arith.constant 0 : i32
        %dma_wait3A_120 = arith.constant 0 : i32
        %dma_wait3A_121 = tpu.memref_slice %arg3[%arg1, %dma_wait3A, %dma_wait3A_120] : memref<16x160x128xi32, #tpu.memory_space<hbm>> -> memref<1x160x128xi32, #tpu.memory_space<hbm>>
        %dma_wait3A_122 = tpu.memref_squeeze %dma_wait3A_121 : memref<1x160x128xi32, #tpu.memory_space<hbm>> -> memref<160x128xi32, #tpu.memory_space<hbm>>
        %dma_wait3A_123 = arith.constant 0 : i32
        %dma_wait3A_124 = arith.constant 0 : i32
        %dma_wait3A_125 = tpu.memref_slice %arg3[%arg1, %dma_wait3A_123, %dma_wait3A_124] : memref<16x160x128xi32, #tpu.memory_space<hbm>> -> memref<1x160x128xi32, #tpu.memory_space<hbm>>
        %dma_wait3A_126 = tpu.memref_squeeze %dma_wait3A_125 : memref<1x160x128xi32, #tpu.memory_space<hbm>> -> memref<160x128xi32, #tpu.memory_space<hbm>>
        tpu.wait_dma2 semaphore(%run_scoped3A : memref<!tpu.dma_semaphore, #tpu.memory_space<semaphore_mem>>) src(%dma_wait3A_126 : memref<160x128xi32, #tpu.memory_space<hbm>>) dst(%arg7 : memref<160x128xi32, #tpu.memory_space<vmem>>)
        tpu.yield
      }) : () -> ()
    } else {
    }
    %ne3A = arith.constant 0 : i32
    %ne3A_46 = arith.cmpi ne, %arg0, %ne3A : i32
    %convert_element_type3A_47 = arith.extui %ne3A_46 : i1 to i32
    %cond3A_48 = arith.constant 0 : i32
    %cond3A_49 = arith.cmpi ne, %convert_element_type3A_47, %cond3A_48 : i32
    scf.if %cond3A_49 {
      "tpu.region"() ({
        %run_scoped3A = tpu.sem_alloc : memref<!tpu.dma_semaphore, #tpu.memory_space<semaphore_mem>>
        %dma_start3A_112 = arith.constant 0 : i32
        %dma_start3A_113 = arith.constant 0 : i32
        %dma_start3A_114 = tpu.memref_slice %arg4[%arg1, %dma_start3A_112, %dma_start3A_113] : memref<16x160x128xi32, #tpu.memory_space<hbm>> -> memref<1x160x128xi32, #tpu.memory_space<hbm>>
        %dma_start3A_115 = tpu.memref_squeeze %dma_start3A_114 : memref<1x160x128xi32, #tpu.memory_space<hbm>> -> memref<160x128xi32, #tpu.memory_space<hbm>>
        %dma_start3A_116 = arith.constant 0 : i32
        %dma_start3A_117 = arith.constant 0 : i32
        %dma_start3A_118 = tpu.memref_slice %arg4[%arg1, %dma_start3A_116, %dma_start3A_117] : memref<16x160x128xi32, #tpu.memory_space<hbm>> -> memref<1x160x128xi32, #tpu.memory_space<hbm>>
        %dma_start3A_119 = tpu.memref_squeeze %dma_start3A_118 : memref<1x160x128xi32, #tpu.memory_space<hbm>> -> memref<160x128xi32, #tpu.memory_space<hbm>>
        tpu.enqueue_dma source(%dma_start3A_119 : memref<160x128xi32, #tpu.memory_space<hbm>>) target(%arg7 : memref<160x128xi32, #tpu.memory_space<vmem>>) target_semaphore(%run_scoped3A : memref<!tpu.dma_semaphore, #tpu.memory_space<semaphore_mem>>)
        %dma_wait3A = arith.constant 0 : i32
        %dma_wait3A_120 = arith.constant 0 : i32
        %dma_wait3A_121 = tpu.memref_slice %arg4[%arg1, %dma_wait3A, %dma_wait3A_120] : memref<16x160x128xi32, #tpu.memory_space<hbm>> -> memref<1x160x128xi32, #tpu.memory_space<hbm>>
        %dma_wait3A_122 = tpu.memref_squeeze %dma_wait3A_121 : memref<1x160x128xi32, #tpu.memory_space<hbm>> -> memref<160x128xi32, #tpu.memory_space<hbm>>
        %dma_wait3A_123 = arith.constant 0 : i32
        %dma_wait3A_124 = arith.constant 0 : i32
        %dma_wait3A_125 = tpu.memref_slice %arg4[%arg1, %dma_wait3A_123, %dma_wait3A_124] : memref<16x160x128xi32, #tpu.memory_space<hbm>> -> memref<1x160x128xi32, #tpu.memory_space<hbm>>
        %dma_wait3A_126 = tpu.memref_squeeze %dma_wait3A_125 : memref<1x160x128xi32, #tpu.memory_space<hbm>> -> memref<160x128xi32, #tpu.memory_space<hbm>>
        tpu.wait_dma2 semaphore(%run_scoped3A : memref<!tpu.dma_semaphore, #tpu.memory_space<semaphore_mem>>) src(%dma_wait3A_126 : memref<160x128xi32, #tpu.memory_space<hbm>>) dst(%arg7 : memref<160x128xi32, #tpu.memory_space<vmem>>)
        tpu.yield
      }) : () -> ()
    } else {
    }
    %dma_start3A = arith.constant 0 : i32
    %dma_start3A_50 = arith.constant 0 : i32
    %dma_start3A_51 = arith.constant 0 : i32
    %dma_start3A_52 = arith.constant 0 : i32
    %dma_start3A_53 = tpu.memref_slice %arg9[%dma_start3A_50, %dma_start3A_51, %dma_start3A_52] : memref<4x128x64xf32, #tpu.memory_space<vmem>> -> memref<1x128x64xf32, #tpu.memory_space<vmem>>
    %dma_start3A_54 = tpu.memref_squeeze %dma_start3A_53 : memref<1x128x64xf32, #tpu.memory_space<vmem>> -> memref<128x64xf32, #tpu.memory_space<vmem>>
    %dma_start3A_55 = arith.constant 0 : i32
    %dma_start3A_56 = tpu.memref_slice %arg7[%dma_start3A, %dma_start3A_55] : memref<160x128xi32, #tpu.memory_space<vmem>> -> memref<1x128xi32, #tpu.memory_space<vmem>>
    %dma_start3A_57 = tpu.memref_squeeze %dma_start3A_56 : memref<1x128xi32, #tpu.memory_space<vmem>> -> memref<128xi32, #tpu.memory_space<vmem>>
    %dma_start3A_58 = arith.constant 0 : i32
    %dma_start3A_59 = arith.constant 0 : i32
    %dma_start3A_60 = tpu.memref_slice %arg2[%dma_start3A_58, %dma_start3A_59] : memref<20480x64xf32, #tpu.memory_space<hbm>> -> memref<20480x64xf32, #tpu.memory_space<hbm>>
    tpu.enqueue_indirect_dma source(%dma_start3A_60 : memref<20480x64xf32, #tpu.memory_space<hbm>>) target(%dma_start3A_54 : memref<128x64xf32, #tpu.memory_space<vmem>>) offsets(%dma_start3A_57 : memref<128xi32, #tpu.memory_space<vmem>>) semaphore(%arg12 : memref<!tpu.dma_semaphore, #tpu.memory_space<semaphore_mem>>)
    %dma_start3A_61 = arith.constant 1 : i32
    %dma_start3A_62 = arith.constant 1 : i32
    %dma_start3A_63 = arith.constant 0 : i32
    %dma_start3A_64 = arith.constant 0 : i32
    %dma_start3A_65 = tpu.memref_slice %arg9[%dma_start3A_62, %dma_start3A_63, %dma_start3A_64] : memref<4x128x64xf32, #tpu.memory_space<vmem>> -> memref<1x128x64xf32, #tpu.memory_space<vmem>>
    %dma_start3A_66 = tpu.memref_squeeze %dma_start3A_65 : memref<1x128x64xf32, #tpu.memory_space<vmem>> -> memref<128x64xf32, #tpu.memory_space<vmem>>
    %dma_start3A_67 = arith.constant 0 : i32
    %dma_start3A_68 = tpu.memref_slice %arg7[%dma_start3A_61, %dma_start3A_67] : memref<160x128xi32, #tpu.memory_space<vmem>> -> memref<1x128xi32, #tpu.memory_space<vmem>>
    %dma_start3A_69 = tpu.memref_squeeze %dma_start3A_68 : memref<1x128xi32, #tpu.memory_space<vmem>> -> memref<128xi32, #tpu.memory_space<vmem>>
    %dma_start3A_70 = arith.constant 0 : i32
    %dma_start3A_71 = arith.constant 0 : i32
    %dma_start3A_72 = tpu.memref_slice %arg2[%dma_start3A_70, %dma_start3A_71] : memref<20480x64xf32, #tpu.memory_space<hbm>> -> memref<20480x64xf32, #tpu.memory_space<hbm>>
    tpu.enqueue_indirect_dma source(%dma_start3A_72 : memref<20480x64xf32, #tpu.memory_space<hbm>>) target(%dma_start3A_66 : memref<128x64xf32, #tpu.memory_space<vmem>>) offsets(%dma_start3A_69 : memref<128xi32, #tpu.memory_space<vmem>>) semaphore(%arg13 : memref<!tpu.dma_semaphore, #tpu.memory_space<semaphore_mem>>)
    %dma_start3A_73 = arith.constant 2 : i32
    %dma_start3A_74 = arith.constant 2 : i32
    %dma_start3A_75 = arith.constant 0 : i32
    %dma_start3A_76 = arith.constant 0 : i32
    %dma_start3A_77 = tpu.memref_slice %arg9[%dma_start3A_74, %dma_start3A_75, %dma_start3A_76] : memref<4x128x64xf32, #tpu.memory_space<vmem>> -> memref<1x128x64xf32, #tpu.memory_space<vmem>>
    %dma_start3A_78 = tpu.memref_squeeze %dma_start3A_77 : memref<1x128x64xf32, #tpu.memory_space<vmem>> -> memref<128x64xf32, #tpu.memory_space<vmem>>
    %dma_start3A_79 = arith.constant 0 : i32
    %dma_start3A_80 = tpu.memref_slice %arg7[%dma_start3A_73, %dma_start3A_79] : memref<160x128xi32, #tpu.memory_space<vmem>> -> memref<1x128xi32, #tpu.memory_space<vmem>>
    %dma_start3A_81 = tpu.memref_squeeze %dma_start3A_80 : memref<1x128xi32, #tpu.memory_space<vmem>> -> memref<128xi32, #tpu.memory_space<vmem>>
    %dma_start3A_82 = arith.constant 0 : i32
    %dma_start3A_83 = arith.constant 0 : i32
    %dma_start3A_84 = tpu.memref_slice %arg2[%dma_start3A_82, %dma_start3A_83] : memref<20480x64xf32, #tpu.memory_space<hbm>> -> memref<20480x64xf32, #tpu.memory_space<hbm>>
    tpu.enqueue_indirect_dma source(%dma_start3A_84 : memref<20480x64xf32, #tpu.memory_space<hbm>>) target(%dma_start3A_78 : memref<128x64xf32, #tpu.memory_space<vmem>>) offsets(%dma_start3A_81 : memref<128xi32, #tpu.memory_space<vmem>>) semaphore(%arg14 : memref<!tpu.dma_semaphore, #tpu.memory_space<semaphore_mem>>)
    %dma_start3A_85 = arith.constant 3 : i32
    %dma_start3A_86 = arith.constant 3 : i32
    %dma_start3A_87 = arith.constant 0 : i32
    %dma_start3A_88 = arith.constant 0 : i32
    %dma_start3A_89 = tpu.memref_slice %arg9[%dma_start3A_86, %dma_start3A_87, %dma_start3A_88] : memref<4x128x64xf32, #tpu.memory_space<vmem>> -> memref<1x128x64xf32, #tpu.memory_space<vmem>>
    %dma_start3A_90 = tpu.memref_squeeze %dma_start3A_89 : memref<1x128x64xf32, #tpu.memory_space<vmem>> -> memref<128x64xf32, #tpu.memory_space<vmem>>
    %dma_start3A_91 = arith.constant 0 : i32
    %dma_start3A_92 = tpu.memref_slice %arg7[%dma_start3A_85, %dma_start3A_91] : memref<160x128xi32, #tpu.memory_space<vmem>> -> memref<1x128xi32, #tpu.memory_space<vmem>>
    %dma_start3A_93 = tpu.memref_squeeze %dma_start3A_92 : memref<1x128xi32, #tpu.memory_space<vmem>> -> memref<128xi32, #tpu.memory_space<vmem>>
    %dma_start3A_94 = arith.constant 0 : i32
    %dma_start3A_95 = arith.constant 0 : i32
    %dma_start3A_96 = tpu.memref_slice %arg2[%dma_start3A_94, %dma_start3A_95] : memref<20480x64xf32, #tpu.memory_space<hbm>> -> memref<20480x64xf32, #tpu.memory_space<hbm>>
    tpu.enqueue_indirect_dma source(%dma_start3A_96 : memref<20480x64xf32, #tpu.memory_space<hbm>>) target(%dma_start3A_90 : memref<128x64xf32, #tpu.memory_space<vmem>>) offsets(%dma_start3A_93 : memref<128xi32, #tpu.memory_space<vmem>>) semaphore(%arg15 : memref<!tpu.dma_semaphore, #tpu.memory_space<semaphore_mem>>)
    %scan3A_97 = arith.constant 0 : i32
    %scan3A_98 = arith.constant 0 : i32
    %scan3A_99 = arith.constant 40 : i32
    %scan3A_100 = arith.addi %scan3A_98, %scan3A_99 : i32
    %scan3A_101 = arith.constant 1 : i32
    %scan3A_102 = scf.for %scan3A_112 = %scan3A_98 to %scan3A_100 step %scan3A_101 iter_args(%scan3A_113 = %scan3A_97) -> (i32)  : i32 {
      %mul3A_114 = arith.constant 4 : i32
      %mul3A_115 = arith.muli %scan3A_112, %mul3A_114 : i32
      %add3A_116 = arith.constant 0 : i32
      %add3A_117 = arith.addi %mul3A_115, %add3A_116 : i32
      %dma_wait3A = arith.constant 0 : i32
      %dma_wait3A_118 = arith.constant 0 : i32
      %dma_wait3A_119 = arith.constant 0 : i32
      %dma_wait3A_120 = tpu.memref_slice %arg9[%dma_wait3A, %dma_wait3A_118, %dma_wait3A_119] : memref<4x128x64xf32, #tpu.memory_space<vmem>> -> memref<1x128x64xf32, #tpu.memory_space<vmem>>
      %dma_wait3A_121 = tpu.memref_squeeze %dma_wait3A_120 : memref<1x128x64xf32, #tpu.memory_space<vmem>> -> memref<128x64xf32, #tpu.memory_space<vmem>>
      %dma_wait3A_122 = arith.constant 0 : i32
      %dma_wait3A_123 = tpu.memref_slice %arg7[%add3A_117, %dma_wait3A_122] : memref<160x128xi32, #tpu.memory_space<vmem>> -> memref<1x128xi32, #tpu.memory_space<vmem>>
      %dma_wait3A_124 = tpu.memref_squeeze %dma_wait3A_123 : memref<1x128xi32, #tpu.memory_space<vmem>> -> memref<128xi32, #tpu.memory_space<vmem>>
      %dma_wait3A_125 = arith.constant 0 : i32
      %dma_wait3A_126 = arith.constant 0 : i32
      %dma_wait3A_127 = tpu.memref_slice %arg2[%dma_wait3A_125, %dma_wait3A_126] : memref<20480x64xf32, #tpu.memory_space<hbm>> -> memref<20480x64xf32, #tpu.memory_space<hbm>>
      tpu.wait_indirect_dma semaphore(%arg12 : memref<!tpu.dma_semaphore, #tpu.memory_space<semaphore_mem>>) src(%dma_wait3A_127 : memref<20480x64xf32, #tpu.memory_space<hbm>>) dst(%dma_wait3A_121 : memref<128x64xf32, #tpu.memory_space<vmem>>)
      %run_scoped3A = arith.constant 0 : i32
      "tpu.region"() ({
        %run_scoped3A_204 = tpu.sem_alloc : memref<!tpu.dma_semaphore, #tpu.memory_space<semaphore_mem>>
        %dma_start3A_205 = arith.constant 0 : i32
        %dma_start3A_206 = arith.constant 0 : i32
        %dma_start3A_207 = tpu.memref_slice %arg9[%run_scoped3A, %dma_start3A_205, %dma_start3A_206] : memref<4x128x64xf32, #tpu.memory_space<vmem>> -> memref<1x128x64xf32, #tpu.memory_space<vmem>>
        %dma_start3A_208 = tpu.memref_squeeze %dma_start3A_207 : memref<1x128x64xf32, #tpu.memory_space<vmem>> -> memref<128x64xf32, #tpu.memory_space<vmem>>
        %dma_start3A_209 = arith.constant 0 : i32
        %dma_start3A_210 = tpu.memref_slice %arg8[%add3A_117, %dma_start3A_209] : memref<160x128xi32, #tpu.memory_space<vmem>> -> memref<1x128xi32, #tpu.memory_space<vmem>>
        %dma_start3A_211 = tpu.memref_squeeze %dma_start3A_210 : memref<1x128xi32, #tpu.memory_space<vmem>> -> memref<128xi32, #tpu.memory_space<vmem>>
        %dma_start3A_212 = arith.constant 0 : i32
        %dma_start3A_213 = arith.constant 0 : i32
        %dma_start3A_214 = tpu.memref_slice %arg11[%dma_start3A_212, %dma_start3A_213] : memref<10240x64xf32, #tpu.memory_space<vmem_shared>> -> memref<10240x64xf32, #tpu.memory_space<vmem_shared>>
        tpu.enqueue_indirect_dma source(%dma_start3A_208 : memref<128x64xf32, #tpu.memory_space<vmem>>) target(%dma_start3A_214 : memref<10240x64xf32, #tpu.memory_space<vmem_shared>>) offsets(%dma_start3A_211 : memref<128xi32, #tpu.memory_space<vmem>>) semaphore(%run_scoped3A_204 : memref<!tpu.dma_semaphore, #tpu.memory_space<semaphore_mem>>) {add = true}
        %dma_wait3A_215 = arith.constant 0 : i32
        %dma_wait3A_216 = arith.constant 0 : i32
        %dma_wait3A_217 = tpu.memref_slice %arg9[%run_scoped3A, %dma_wait3A_215, %dma_wait3A_216] : memref<4x128x64xf32, #tpu.memory_space<vmem>> -> memref<1x128x64xf32, #tpu.memory_space<vmem>>
        %dma_wait3A_218 = tpu.memref_squeeze %dma_wait3A_217 : memref<1x128x64xf32, #tpu.memory_space<vmem>> -> memref<128x64xf32, #tpu.memory_space<vmem>>
        %dma_wait3A_219 = arith.constant 0 : i32
        %dma_wait3A_220 = tpu.memref_slice %arg8[%add3A_117, %dma_wait3A_219] : memref<160x128xi32, #tpu.memory_space<vmem>> -> memref<1x128xi32, #tpu.memory_space<vmem>>
        %dma_wait3A_221 = tpu.memref_squeeze %dma_wait3A_220 : memref<1x128xi32, #tpu.memory_space<vmem>> -> memref<128xi32, #tpu.memory_space<vmem>>
        %dma_wait3A_222 = arith.constant 0 : i32
        %dma_wait3A_223 = arith.constant 0 : i32
        %dma_wait3A_224 = tpu.memref_slice %arg11[%dma_wait3A_222, %dma_wait3A_223] : memref<10240x64xf32, #tpu.memory_space<vmem_shared>> -> memref<10240x64xf32, #tpu.memory_space<vmem_shared>>
        tpu.wait_indirect_dma semaphore(%run_scoped3A_204 : memref<!tpu.dma_semaphore, #tpu.memory_space<semaphore_mem>>) src(%dma_wait3A_218 : memref<128x64xf32, #tpu.memory_space<vmem>>) dst(%dma_wait3A_224 : memref<10240x64xf32, #tpu.memory_space<vmem_shared>>)
        tpu.yield
      }) : () -> ()
      %add3A_128 = arith.constant 4 : i32
      %add3A_129 = arith.addi %add3A_117, %add3A_128 : i32
      %lt3A = arith.constant 160 : i32
      %lt3A_130 = arith.cmpi slt, %add3A_129, %lt3A : i32
      %convert_element_type3A_131 = arith.extui %lt3A_130 : i1 to i32
      %cond3A_132 = arith.constant 0 : i32
      %cond3A_133 = arith.cmpi ne, %convert_element_type3A_131, %cond3A_132 : i32
      scf.if %cond3A_133 {
        %add3A_204 = arith.constant 4 : i32
        %add3A_205 = arith.addi %add3A_117, %add3A_204 : i32
        %dma_start3A_206 = arith.constant 0 : i32
        %dma_start3A_207 = arith.constant 0 : i32
        %dma_start3A_208 = arith.constant 0 : i32
        %dma_start3A_209 = tpu.memref_slice %arg9[%dma_start3A_206, %dma_start3A_207, %dma_start3A_208] : memref<4x128x64xf32, #tpu.memory_space<vmem>> -> memref<1x128x64xf32, #tpu.memory_space<vmem>>
        %dma_start3A_210 = tpu.memref_squeeze %dma_start3A_209 : memref<1x128x64xf32, #tpu.memory_space<vmem>> -> memref<128x64xf32, #tpu.memory_space<vmem>>
        %dma_start3A_211 = arith.constant 0 : i32
        %dma_start3A_212 = tpu.memref_slice %arg7[%add3A_205, %dma_start3A_211] : memref<160x128xi32, #tpu.memory_space<vmem>> -> memref<1x128xi32, #tpu.memory_space<vmem>>
        %dma_start3A_213 = tpu.memref_squeeze %dma_start3A_212 : memref<1x128xi32, #tpu.memory_space<vmem>> -> memref<128xi32, #tpu.memory_space<vmem>>
        %dma_start3A_214 = arith.constant 0 : i32
        %dma_start3A_215 = arith.constant 0 : i32
        %dma_start3A_216 = tpu.memref_slice %arg2[%dma_start3A_214, %dma_start3A_215] : memref<20480x64xf32, #tpu.memory_space<hbm>> -> memref<20480x64xf32, #tpu.memory_space<hbm>>
        tpu.enqueue_indirect_dma source(%dma_start3A_216 : memref<20480x64xf32, #tpu.memory_space<hbm>>) target(%dma_start3A_210 : memref<128x64xf32, #tpu.memory_space<vmem>>) offsets(%dma_start3A_213 : memref<128xi32, #tpu.memory_space<vmem>>) semaphore(%arg12 : memref<!tpu.dma_semaphore, #tpu.memory_space<semaphore_mem>>)
      } else {
      }
      %mul3A_134 = arith.constant 4 : i32
      %mul3A_135 = arith.muli %scan3A_112, %mul3A_134 : i32
      %add3A_136 = arith.constant 1 : i32
      %add3A_137 = arith.addi %mul3A_135, %add3A_136 : i32
      %dma_wait3A_138 = arith.constant 1 : i32
      %dma_wait3A_139 = arith.constant 0 : i32
      %dma_wait3A_140 = arith.constant 0 : i32
      %dma_wait3A_141 = tpu.memref_slice %arg9[%dma_wait3A_138, %dma_wait3A_139, %dma_wait3A_140] : memref<4x128x64xf32, #tpu.memory_space<vmem>> -> memref<1x128x64xf32, #tpu.memory_space<vmem>>
      %dma_wait3A_142 = tpu.memref_squeeze %dma_wait3A_141 : memref<1x128x64xf32, #tpu.memory_space<vmem>> -> memref<128x64xf32, #tpu.memory_space<vmem>>
      %dma_wait3A_143 = arith.constant 0 : i32
      %dma_wait3A_144 = tpu.memref_slice %arg7[%add3A_137, %dma_wait3A_143] : memref<160x128xi32, #tpu.memory_space<vmem>> -> memref<1x128xi32, #tpu.memory_space<vmem>>
      %dma_wait3A_145 = tpu.memref_squeeze %dma_wait3A_144 : memref<1x128xi32, #tpu.memory_space<vmem>> -> memref<128xi32, #tpu.memory_space<vmem>>
      %dma_wait3A_146 = arith.constant 0 : i32
      %dma_wait3A_147 = arith.constant 0 : i32
      %dma_wait3A_148 = tpu.memref_slice %arg2[%dma_wait3A_146, %dma_wait3A_147] : memref<20480x64xf32, #tpu.memory_space<hbm>> -> memref<20480x64xf32, #tpu.memory_space<hbm>>
      tpu.wait_indirect_dma semaphore(%arg13 : memref<!tpu.dma_semaphore, #tpu.memory_space<semaphore_mem>>) src(%dma_wait3A_148 : memref<20480x64xf32, #tpu.memory_space<hbm>>) dst(%dma_wait3A_142 : memref<128x64xf32, #tpu.memory_space<vmem>>)
      %run_scoped3A_149 = arith.constant 1 : i32
      "tpu.region"() ({
        %run_scoped3A_204 = tpu.sem_alloc : memref<!tpu.dma_semaphore, #tpu.memory_space<semaphore_mem>>
        %dma_start3A_205 = arith.constant 0 : i32
        %dma_start3A_206 = arith.constant 0 : i32
        %dma_start3A_207 = tpu.memref_slice %arg9[%run_scoped3A_149, %dma_start3A_205, %dma_start3A_206] : memref<4x128x64xf32, #tpu.memory_space<vmem>> -> memref<1x128x64xf32, #tpu.memory_space<vmem>>
        %dma_start3A_208 = tpu.memref_squeeze %dma_start3A_207 : memref<1x128x64xf32, #tpu.memory_space<vmem>> -> memref<128x64xf32, #tpu.memory_space<vmem>>
        %dma_start3A_209 = arith.constant 0 : i32
        %dma_start3A_210 = tpu.memref_slice %arg8[%add3A_137, %dma_start3A_209] : memref<160x128xi32, #tpu.memory_space<vmem>> -> memref<1x128xi32, #tpu.memory_space<vmem>>
        %dma_start3A_211 = tpu.memref_squeeze %dma_start3A_210 : memref<1x128xi32, #tpu.memory_space<vmem>> -> memref<128xi32, #tpu.memory_space<vmem>>
        %dma_start3A_212 = arith.constant 0 : i32
        %dma_start3A_213 = arith.constant 0 : i32
        %dma_start3A_214 = tpu.memref_slice %arg11[%dma_start3A_212, %dma_start3A_213] : memref<10240x64xf32, #tpu.memory_space<vmem_shared>> -> memref<10240x64xf32, #tpu.memory_space<vmem_shared>>
        tpu.enqueue_indirect_dma source(%dma_start3A_208 : memref<128x64xf32, #tpu.memory_space<vmem>>) target(%dma_start3A_214 : memref<10240x64xf32, #tpu.memory_space<vmem_shared>>) offsets(%dma_start3A_211 : memref<128xi32, #tpu.memory_space<vmem>>) semaphore(%run_scoped3A_204 : memref<!tpu.dma_semaphore, #tpu.memory_space<semaphore_mem>>) {add = true}
        %dma_wait3A_215 = arith.constant 0 : i32
        %dma_wait3A_216 = arith.constant 0 : i32
        %dma_wait3A_217 = tpu.memref_slice %arg9[%run_scoped3A_149, %dma_wait3A_215, %dma_wait3A_216] : memref<4x128x64xf32, #tpu.memory_space<vmem>> -> memref<1x128x64xf32, #tpu.memory_space<vmem>>
        %dma_wait3A_218 = tpu.memref_squeeze %dma_wait3A_217 : memref<1x128x64xf32, #tpu.memory_space<vmem>> -> memref<128x64xf32, #tpu.memory_space<vmem>>
        %dma_wait3A_219 = arith.constant 0 : i32
        %dma_wait3A_220 = tpu.memref_slice %arg8[%add3A_137, %dma_wait3A_219] : memref<160x128xi32, #tpu.memory_space<vmem>> -> memref<1x128xi32, #tpu.memory_space<vmem>>
        %dma_wait3A_221 = tpu.memref_squeeze %dma_wait3A_220 : memref<1x128xi32, #tpu.memory_space<vmem>> -> memref<128xi32, #tpu.memory_space<vmem>>
        %dma_wait3A_222 = arith.constant 0 : i32
        %dma_wait3A_223 = arith.constant 0 : i32
        %dma_wait3A_224 = tpu.memref_slice %arg11[%dma_wait3A_222, %dma_wait3A_223] : memref<10240x64xf32, #tpu.memory_space<vmem_shared>> -> memref<10240x64xf32, #tpu.memory_space<vmem_shared>>
        tpu.wait_indirect_dma semaphore(%run_scoped3A_204 : memref<!tpu.dma_semaphore, #tpu.memory_space<semaphore_mem>>) src(%dma_wait3A_218 : memref<128x64xf32, #tpu.memory_space<vmem>>) dst(%dma_wait3A_224 : memref<10240x64xf32, #tpu.memory_space<vmem_shared>>)
        tpu.yield
      }) : () -> ()
      %add3A_150 = arith.constant 4 : i32
      %add3A_151 = arith.addi %add3A_137, %add3A_150 : i32
      %lt3A_152 = arith.constant 160 : i32
      %lt3A_153 = arith.cmpi slt, %add3A_151, %lt3A_152 : i32
      %convert_element_type3A_154 = arith.extui %lt3A_153 : i1 to i32
      %cond3A_155 = arith.constant 0 : i32
      %cond3A_156 = arith.cmpi ne, %convert_element_type3A_154, %cond3A_155 : i32
      scf.if %cond3A_156 {
        %add3A_204 = arith.constant 4 : i32
        %add3A_205 = arith.addi %add3A_137, %add3A_204 : i32
        %dma_start3A_206 = arith.constant 1 : i32
        %dma_start3A_207 = arith.constant 0 : i32
        %dma_start3A_208 = arith.constant 0 : i32
        %dma_start3A_209 = tpu.memref_slice %arg9[%dma_start3A_206, %dma_start3A_207, %dma_start3A_208] : memref<4x128x64xf32, #tpu.memory_space<vmem>> -> memref<1x128x64xf32, #tpu.memory_space<vmem>>
        %dma_start3A_210 = tpu.memref_squeeze %dma_start3A_209 : memref<1x128x64xf32, #tpu.memory_space<vmem>> -> memref<128x64xf32, #tpu.memory_space<vmem>>
        %dma_start3A_211 = arith.constant 0 : i32
        %dma_start3A_212 = tpu.memref_slice %arg7[%add3A_205, %dma_start3A_211] : memref<160x128xi32, #tpu.memory_space<vmem>> -> memref<1x128xi32, #tpu.memory_space<vmem>>
        %dma_start3A_213 = tpu.memref_squeeze %dma_start3A_212 : memref<1x128xi32, #tpu.memory_space<vmem>> -> memref<128xi32, #tpu.memory_space<vmem>>
        %dma_start3A_214 = arith.constant 0 : i32
        %dma_start3A_215 = arith.constant 0 : i32
        %dma_start3A_216 = tpu.memref_slice %arg2[%dma_start3A_214, %dma_start3A_215] : memref<20480x64xf32, #tpu.memory_space<hbm>> -> memref<20480x64xf32, #tpu.memory_space<hbm>>
        tpu.enqueue_indirect_dma source(%dma_start3A_216 : memref<20480x64xf32, #tpu.memory_space<hbm>>) target(%dma_start3A_210 : memref<128x64xf32, #tpu.memory_space<vmem>>) offsets(%dma_start3A_213 : memref<128xi32, #tpu.memory_space<vmem>>) semaphore(%arg13 : memref<!tpu.dma_semaphore, #tpu.memory_space<semaphore_mem>>)
      } else {
      }
      %mul3A_157 = arith.constant 4 : i32
      %mul3A_158 = arith.muli %scan3A_112, %mul3A_157 : i32
      %add3A_159 = arith.constant 2 : i32
      %add3A_160 = arith.addi %mul3A_158, %add3A_159 : i32
      %dma_wait3A_161 = arith.constant 2 : i32
      %dma_wait3A_162 = arith.constant 0 : i32
      %dma_wait3A_163 = arith.constant 0 : i32
      %dma_wait3A_164 = tpu.memref_slice %arg9[%dma_wait3A_161, %dma_wait3A_162, %dma_wait3A_163] : memref<4x128x64xf32, #tpu.memory_space<vmem>> -> memref<1x128x64xf32, #tpu.memory_space<vmem>>
      %dma_wait3A_165 = tpu.memref_squeeze %dma_wait3A_164 : memref<1x128x64xf32, #tpu.memory_space<vmem>> -> memref<128x64xf32, #tpu.memory_space<vmem>>
      %dma_wait3A_166 = arith.constant 0 : i32
      %dma_wait3A_167 = tpu.memref_slice %arg7[%add3A_160, %dma_wait3A_166] : memref<160x128xi32, #tpu.memory_space<vmem>> -> memref<1x128xi32, #tpu.memory_space<vmem>>
      %dma_wait3A_168 = tpu.memref_squeeze %dma_wait3A_167 : memref<1x128xi32, #tpu.memory_space<vmem>> -> memref<128xi32, #tpu.memory_space<vmem>>
      %dma_wait3A_169 = arith.constant 0 : i32
      %dma_wait3A_170 = arith.constant 0 : i32
      %dma_wait3A_171 = tpu.memref_slice %arg2[%dma_wait3A_169, %dma_wait3A_170] : memref<20480x64xf32, #tpu.memory_space<hbm>> -> memref<20480x64xf32, #tpu.memory_space<hbm>>
      tpu.wait_indirect_dma semaphore(%arg14 : memref<!tpu.dma_semaphore, #tpu.memory_space<semaphore_mem>>) src(%dma_wait3A_171 : memref<20480x64xf32, #tpu.memory_space<hbm>>) dst(%dma_wait3A_165 : memref<128x64xf32, #tpu.memory_space<vmem>>)
      %run_scoped3A_172 = arith.constant 2 : i32
      "tpu.region"() ({
        %run_scoped3A_204 = tpu.sem_alloc : memref<!tpu.dma_semaphore, #tpu.memory_space<semaphore_mem>>
        %dma_start3A_205 = arith.constant 0 : i32
        %dma_start3A_206 = arith.constant 0 : i32
        %dma_start3A_207 = tpu.memref_slice %arg9[%run_scoped3A_172, %dma_start3A_205, %dma_start3A_206] : memref<4x128x64xf32, #tpu.memory_space<vmem>> -> memref<1x128x64xf32, #tpu.memory_space<vmem>>
        %dma_start3A_208 = tpu.memref_squeeze %dma_start3A_207 : memref<1x128x64xf32, #tpu.memory_space<vmem>> -> memref<128x64xf32, #tpu.memory_space<vmem>>
        %dma_start3A_209 = arith.constant 0 : i32
        %dma_start3A_210 = tpu.memref_slice %arg8[%add3A_160, %dma_start3A_209] : memref<160x128xi32, #tpu.memory_space<vmem>> -> memref<1x128xi32, #tpu.memory_space<vmem>>
        %dma_start3A_211 = tpu.memref_squeeze %dma_start3A_210 : memref<1x128xi32, #tpu.memory_space<vmem>> -> memref<128xi32, #tpu.memory_space<vmem>>
        %dma_start3A_212 = arith.constant 0 : i32
        %dma_start3A_213 = arith.constant 0 : i32
        %dma_start3A_214 = tpu.memref_slice %arg11[%dma_start3A_212, %dma_start3A_213] : memref<10240x64xf32, #tpu.memory_space<vmem_shared>> -> memref<10240x64xf32, #tpu.memory_space<vmem_shared>>
        tpu.enqueue_indirect_dma source(%dma_start3A_208 : memref<128x64xf32, #tpu.memory_space<vmem>>) target(%dma_start3A_214 : memref<10240x64xf32, #tpu.memory_space<vmem_shared>>) offsets(%dma_start3A_211 : memref<128xi32, #tpu.memory_space<vmem>>) semaphore(%run_scoped3A_204 : memref<!tpu.dma_semaphore, #tpu.memory_space<semaphore_mem>>) {add = true}
        %dma_wait3A_215 = arith.constant 0 : i32
        %dma_wait3A_216 = arith.constant 0 : i32
        %dma_wait3A_217 = tpu.memref_slice %arg9[%run_scoped3A_172, %dma_wait3A_215, %dma_wait3A_216] : memref<4x128x64xf32, #tpu.memory_space<vmem>> -> memref<1x128x64xf32, #tpu.memory_space<vmem>>
        %dma_wait3A_218 = tpu.memref_squeeze %dma_wait3A_217 : memref<1x128x64xf32, #tpu.memory_space<vmem>> -> memref<128x64xf32, #tpu.memory_space<vmem>>
        %dma_wait3A_219 = arith.constant 0 : i32
        %dma_wait3A_220 = tpu.memref_slice %arg8[%add3A_160, %dma_wait3A_219] : memref<160x128xi32, #tpu.memory_space<vmem>> -> memref<1x128xi32, #tpu.memory_space<vmem>>
        %dma_wait3A_221 = tpu.memref_squeeze %dma_wait3A_220 : memref<1x128xi32, #tpu.memory_space<vmem>> -> memref<128xi32, #tpu.memory_space<vmem>>
        %dma_wait3A_222 = arith.constant 0 : i32
        %dma_wait3A_223 = arith.constant 0 : i32
        %dma_wait3A_224 = tpu.memref_slice %arg11[%dma_wait3A_222, %dma_wait3A_223] : memref<10240x64xf32, #tpu.memory_space<vmem_shared>> -> memref<10240x64xf32, #tpu.memory_space<vmem_shared>>
        tpu.wait_indirect_dma semaphore(%run_scoped3A_204 : memref<!tpu.dma_semaphore, #tpu.memory_space<semaphore_mem>>) src(%dma_wait3A_218 : memref<128x64xf32, #tpu.memory_space<vmem>>) dst(%dma_wait3A_224 : memref<10240x64xf32, #tpu.memory_space<vmem_shared>>)
        tpu.yield
      }) : () -> ()
      %add3A_173 = arith.constant 4 : i32
      %add3A_174 = arith.addi %add3A_160, %add3A_173 : i32
      %lt3A_175 = arith.constant 160 : i32
      %lt3A_176 = arith.cmpi slt, %add3A_174, %lt3A_175 : i32
      %convert_element_type3A_177 = arith.extui %lt3A_176 : i1 to i32
      %cond3A_178 = arith.constant 0 : i32
      %cond3A_179 = arith.cmpi ne, %convert_element_type3A_177, %cond3A_178 : i32
      scf.if %cond3A_179 {
        %add3A_204 = arith.constant 4 : i32
        %add3A_205 = arith.addi %add3A_160, %add3A_204 : i32
        %dma_start3A_206 = arith.constant 2 : i32
        %dma_start3A_207 = arith.constant 0 : i32
        %dma_start3A_208 = arith.constant 0 : i32
        %dma_start3A_209 = tpu.memref_slice %arg9[%dma_start3A_206, %dma_start3A_207, %dma_start3A_208] : memref<4x128x64xf32, #tpu.memory_space<vmem>> -> memref<1x128x64xf32, #tpu.memory_space<vmem>>
        %dma_start3A_210 = tpu.memref_squeeze %dma_start3A_209 : memref<1x128x64xf32, #tpu.memory_space<vmem>> -> memref<128x64xf32, #tpu.memory_space<vmem>>
        %dma_start3A_211 = arith.constant 0 : i32
        %dma_start3A_212 = tpu.memref_slice %arg7[%add3A_205, %dma_start3A_211] : memref<160x128xi32, #tpu.memory_space<vmem>> -> memref<1x128xi32, #tpu.memory_space<vmem>>
        %dma_start3A_213 = tpu.memref_squeeze %dma_start3A_212 : memref<1x128xi32, #tpu.memory_space<vmem>> -> memref<128xi32, #tpu.memory_space<vmem>>
        %dma_start3A_214 = arith.constant 0 : i32
        %dma_start3A_215 = arith.constant 0 : i32
        %dma_start3A_216 = tpu.memref_slice %arg2[%dma_start3A_214, %dma_start3A_215] : memref<20480x64xf32, #tpu.memory_space<hbm>> -> memref<20480x64xf32, #tpu.memory_space<hbm>>
        tpu.enqueue_indirect_dma source(%dma_start3A_216 : memref<20480x64xf32, #tpu.memory_space<hbm>>) target(%dma_start3A_210 : memref<128x64xf32, #tpu.memory_space<vmem>>) offsets(%dma_start3A_213 : memref<128xi32, #tpu.memory_space<vmem>>) semaphore(%arg14 : memref<!tpu.dma_semaphore, #tpu.memory_space<semaphore_mem>>)
      } else {
      }
      %mul3A_180 = arith.constant 4 : i32
      %mul3A_181 = arith.muli %scan3A_112, %mul3A_180 : i32
      %add3A_182 = arith.constant 3 : i32
      %add3A_183 = arith.addi %mul3A_181, %add3A_182 : i32
      %dma_wait3A_184 = arith.constant 3 : i32
      %dma_wait3A_185 = arith.constant 0 : i32
      %dma_wait3A_186 = arith.constant 0 : i32
      %dma_wait3A_187 = tpu.memref_slice %arg9[%dma_wait3A_184, %dma_wait3A_185, %dma_wait3A_186] : memref<4x128x64xf32, #tpu.memory_space<vmem>> -> memref<1x128x64xf32, #tpu.memory_space<vmem>>
      %dma_wait3A_188 = tpu.memref_squeeze %dma_wait3A_187 : memref<1x128x64xf32, #tpu.memory_space<vmem>> -> memref<128x64xf32, #tpu.memory_space<vmem>>
      %dma_wait3A_189 = arith.constant 0 : i32
      %dma_wait3A_190 = tpu.memref_slice %arg7[%add3A_183, %dma_wait3A_189] : memref<160x128xi32, #tpu.memory_space<vmem>> -> memref<1x128xi32, #tpu.memory_space<vmem>>
      %dma_wait3A_191 = tpu.memref_squeeze %dma_wait3A_190 : memref<1x128xi32, #tpu.memory_space<vmem>> -> memref<128xi32, #tpu.memory_space<vmem>>
      %dma_wait3A_192 = arith.constant 0 : i32
      %dma_wait3A_193 = arith.constant 0 : i32
      %dma_wait3A_194 = tpu.memref_slice %arg2[%dma_wait3A_192, %dma_wait3A_193] : memref<20480x64xf32, #tpu.memory_space<hbm>> -> memref<20480x64xf32, #tpu.memory_space<hbm>>
      tpu.wait_indirect_dma semaphore(%arg15 : memref<!tpu.dma_semaphore, #tpu.memory_space<semaphore_mem>>) src(%dma_wait3A_194 : memref<20480x64xf32, #tpu.memory_space<hbm>>) dst(%dma_wait3A_188 : memref<128x64xf32, #tpu.memory_space<vmem>>)
      %run_scoped3A_195 = arith.constant 3 : i32
      "tpu.region"() ({
        %run_scoped3A_204 = tpu.sem_alloc : memref<!tpu.dma_semaphore, #tpu.memory_space<semaphore_mem>>
        %dma_start3A_205 = arith.constant 0 : i32
        %dma_start3A_206 = arith.constant 0 : i32
        %dma_start3A_207 = tpu.memref_slice %arg9[%run_scoped3A_195, %dma_start3A_205, %dma_start3A_206] : memref<4x128x64xf32, #tpu.memory_space<vmem>> -> memref<1x128x64xf32, #tpu.memory_space<vmem>>
        %dma_start3A_208 = tpu.memref_squeeze %dma_start3A_207 : memref<1x128x64xf32, #tpu.memory_space<vmem>> -> memref<128x64xf32, #tpu.memory_space<vmem>>
        %dma_start3A_209 = arith.constant 0 : i32
        %dma_start3A_210 = tpu.memref_slice %arg8[%add3A_183, %dma_start3A_209] : memref<160x128xi32, #tpu.memory_space<vmem>> -> memref<1x128xi32, #tpu.memory_space<vmem>>
        %dma_start3A_211 = tpu.memref_squeeze %dma_start3A_210 : memref<1x128xi32, #tpu.memory_space<vmem>> -> memref<128xi32, #tpu.memory_space<vmem>>
        %dma_start3A_212 = arith.constant 0 : i32
        %dma_start3A_213 = arith.constant 0 : i32
        %dma_start3A_214 = tpu.memref_slice %arg11[%dma_start3A_212, %dma_start3A_213] : memref<10240x64xf32, #tpu.memory_space<vmem_shared>> -> memref<10240x64xf32, #tpu.memory_space<vmem_shared>>
        tpu.enqueue_indirect_dma source(%dma_start3A_208 : memref<128x64xf32, #tpu.memory_space<vmem>>) target(%dma_start3A_214 : memref<10240x64xf32, #tpu.memory_space<vmem_shared>>) offsets(%dma_start3A_211 : memref<128xi32, #tpu.memory_space<vmem>>) semaphore(%run_scoped3A_204 : memref<!tpu.dma_semaphore, #tpu.memory_space<semaphore_mem>>) {add = true}
        %dma_wait3A_215 = arith.constant 0 : i32
        %dma_wait3A_216 = arith.constant 0 : i32
        %dma_wait3A_217 = tpu.memref_slice %arg9[%run_scoped3A_195, %dma_wait3A_215, %dma_wait3A_216] : memref<4x128x64xf32, #tpu.memory_space<vmem>> -> memref<1x128x64xf32, #tpu.memory_space<vmem>>
        %dma_wait3A_218 = tpu.memref_squeeze %dma_wait3A_217 : memref<1x128x64xf32, #tpu.memory_space<vmem>> -> memref<128x64xf32, #tpu.memory_space<vmem>>
        %dma_wait3A_219 = arith.constant 0 : i32
        %dma_wait3A_220 = tpu.memref_slice %arg8[%add3A_183, %dma_wait3A_219] : memref<160x128xi32, #tpu.memory_space<vmem>> -> memref<1x128xi32, #tpu.memory_space<vmem>>
        %dma_wait3A_221 = tpu.memref_squeeze %dma_wait3A_220 : memref<1x128xi32, #tpu.memory_space<vmem>> -> memref<128xi32, #tpu.memory_space<vmem>>
        %dma_wait3A_222 = arith.constant 0 : i32
        %dma_wait3A_223 = arith.constant 0 : i32
        %dma_wait3A_224 = tpu.memref_slice %arg11[%dma_wait3A_222, %dma_wait3A_223] : memref<10240x64xf32, #tpu.memory_space<vmem_shared>> -> memref<10240x64xf32, #tpu.memory_space<vmem_shared>>
        tpu.wait_indirect_dma semaphore(%run_scoped3A_204 : memref<!tpu.dma_semaphore, #tpu.memory_space<semaphore_mem>>) src(%dma_wait3A_218 : memref<128x64xf32, #tpu.memory_space<vmem>>) dst(%dma_wait3A_224 : memref<10240x64xf32, #tpu.memory_space<vmem_shared>>)
        tpu.yield
      }) : () -> ()
      %add3A_196 = arith.constant 4 : i32
      %add3A_197 = arith.addi %add3A_183, %add3A_196 : i32
      %lt3A_198 = arith.constant 160 : i32
      %lt3A_199 = arith.cmpi slt, %add3A_197, %lt3A_198 : i32
      %convert_element_type3A_200 = arith.extui %lt3A_199 : i1 to i32
      %cond3A_201 = arith.constant 0 : i32
      %cond3A_202 = arith.cmpi ne, %convert_element_type3A_200, %cond3A_201 : i32
      scf.if %cond3A_202 {
        %add3A_204 = arith.constant 4 : i32
        %add3A_205 = arith.addi %add3A_183, %add3A_204 : i32
        %dma_start3A_206 = arith.constant 3 : i32
        %dma_start3A_207 = arith.constant 0 : i32
        %dma_start3A_208 = arith.constant 0 : i32
        %dma_start3A_209 = tpu.memref_slice %arg9[%dma_start3A_206, %dma_start3A_207, %dma_start3A_208] : memref<4x128x64xf32, #tpu.memory_space<vmem>> -> memref<1x128x64xf32, #tpu.memory_space<vmem>>
        %dma_start3A_210 = tpu.memref_squeeze %dma_start3A_209 : memref<1x128x64xf32, #tpu.memory_space<vmem>> -> memref<128x64xf32, #tpu.memory_space<vmem>>
        %dma_start3A_211 = arith.constant 0 : i32
        %dma_start3A_212 = tpu.memref_slice %arg7[%add3A_205, %dma_start3A_211] : memref<160x128xi32, #tpu.memory_space<vmem>> -> memref<1x128xi32, #tpu.memory_space<vmem>>
        %dma_start3A_213 = tpu.memref_squeeze %dma_start3A_212 : memref<1x128xi32, #tpu.memory_space<vmem>> -> memref<128xi32, #tpu.memory_space<vmem>>
        %dma_start3A_214 = arith.constant 0 : i32
        %dma_start3A_215 = arith.constant 0 : i32
        %dma_start3A_216 = tpu.memref_slice %arg2[%dma_start3A_214, %dma_start3A_215] : memref<20480x64xf32, #tpu.memory_space<hbm>> -> memref<20480x64xf32, #tpu.memory_space<hbm>>
        tpu.enqueue_indirect_dma source(%dma_start3A_216 : memref<20480x64xf32, #tpu.memory_space<hbm>>) target(%dma_start3A_210 : memref<128x64xf32, #tpu.memory_space<vmem>>) offsets(%dma_start3A_213 : memref<128xi32, #tpu.memory_space<vmem>>) semaphore(%arg15 : memref<!tpu.dma_semaphore, #tpu.memory_space<semaphore_mem>>)
      } else {
      }
      %scan3A_203 = arith.constant 0 : i32
      scf.yield %scan3A_203 : i32
    }
    %scan3A_103 = arith.constant 40 : i32
    %barrier3A_104 = arith.constant 0 : index
    tpu.barrier barrier_id(%barrier3A_104)
    %mul3A_105 = arith.constant 640 : i32
    %mul3A_106 = arith.muli %arg1, %mul3A_105 : i32
    %mul3A_107 = arith.constant 10240 : i32
    %mul3A_108 = arith.muli %arg0, %mul3A_107 : i32
    %mul3A_109 = arith.constant 640 : i32
    %mul3A_110 = arith.muli %arg1, %mul3A_109 : i32
    %add3A_111 = arith.addi %mul3A_108, %mul3A_110 : i32
    "tpu.region"() ({
      %run_scoped3A = tpu.sem_alloc : memref<!tpu.dma_semaphore, #tpu.memory_space<semaphore_mem>>
      %dma_start3A_112 = arith.constant 0 : i32
      %dma_start3A_113 = tpu.memref_slice %arg6[%add3A_111, %dma_start3A_112] : memref<20480x64xf32, #tpu.memory_space<hbm>> -> memref<640x64xf32, #tpu.memory_space<hbm>>
      %dma_start3A_114 = arith.constant 0 : i32
      %dma_start3A_115 = tpu.memref_slice %arg11[%mul3A_106, %dma_start3A_114] : memref<10240x64xf32, #tpu.memory_space<vmem_shared>> -> memref<640x64xf32, #tpu.memory_space<vmem_shared>>
      tpu.enqueue_dma source(%dma_start3A_115 : memref<640x64xf32, #tpu.memory_space<vmem_shared>>) target(%dma_start3A_113 : memref<640x64xf32, #tpu.memory_space<hbm>>) target_semaphore(%run_scoped3A : memref<!tpu.dma_semaphore, #tpu.memory_space<semaphore_mem>>)
      %dma_wait3A = arith.constant 0 : i32
      %dma_wait3A_116 = tpu.memref_slice %arg6[%add3A_111, %dma_wait3A] : memref<20480x64xf32, #tpu.memory_space<hbm>> -> memref<640x64xf32, #tpu.memory_space<hbm>>
      %dma_wait3A_117 = arith.constant 0 : i32
      %dma_wait3A_118 = tpu.memref_slice %arg11[%mul3A_106, %dma_wait3A_117] : memref<10240x64xf32, #tpu.memory_space<vmem_shared>> -> memref<640x64xf32, #tpu.memory_space<vmem_shared>>
      tpu.wait_dma2 semaphore(%run_scoped3A : memref<!tpu.dma_semaphore, #tpu.memory_space<semaphore_mem>>) src(%dma_wait3A_118 : memref<640x64xf32, #tpu.memory_space<vmem_shared>>) dst(%dma_wait3A_116 : memref<640x64xf32, #tpu.memory_space<hbm>>)
      tpu.yield
    }) : () -> ()
    return
  }
}

module attributes {stable_mosaic.version = 14 : i64} {
  func.func @_tc1_body(%arg0: i32, %arg1: memref<1024x128xf32, #tpu.memory_space<vmem>>, %arg2: memref<1024x1xf32, #tpu.memory_space<vmem>>, %arg3: memref<1024x1xf32, #tpu.memory_space<vmem>>, %arg4: memref<128x256xf32, #tpu.memory_space<vmem>>, %arg5: memref<4x1024x64xf32, #tpu.memory_space<vmem>>, %arg6: memref<1024x1xf32, #tpu.memory_space<vmem>>) attributes {dimension_semantics = [#tpu.dimension_semantics<arbitrary>], iteration_bounds = array<i64: 10>, scalar_prefetch = 0 : i64, scratch_operands = 0 : i64, tpu.core_type = #tpu.core_type<tc>, window_params = [{transform_indices = @transform_0, window_bounds = array<i64: 1024, 128>}, {transform_indices = @transform_1, window_bounds = array<i64: 1024, 1>}, {transform_indices = @transform_2, window_bounds = array<i64: 1024, 1>}, {pipeline_mode = #tpu.pipeline_mode<synchronous>, transform_indices = @transform_3, window_bounds = array<i64: 128, 256>}, {transform_indices = @transform_4, window_bounds = array<i64: 4, 1024, 64>}, {transform_indices = @transform_5, window_bounds = array<i64: 1024, 1>}]} {
    %get3A = arith.constant 0 : index
    %get3A_0 = arith.constant 0 : index
    %get3A_1 = vector.load %arg2[%get3A, %get3A_0] : memref<1024x1xf32, #tpu.memory_space<vmem>>, vector<1024x1xf32>
    %get3A_2 = arith.constant 0 : index
    %get3A_3 = arith.constant 0 : index
    %get3A_4 = vector.load %arg3[%get3A_2, %get3A_3] : memref<1024x1xf32, #tpu.memory_space<vmem>>, vector<1024x1xf32>
    %add3A = arith.addf %get3A_1, %get3A_4 : vector<1024x1xf32>
    %add3A_5 = arith.constant 1.000000e+00 : f32
    %add3A_6 = vector.broadcast %add3A_5 : f32 to vector<1024x1xf32>
    %add3A_7 = arith.addf %add3A, %add3A_6 : vector<1024x1xf32>
    %rsqrt3A = math.rsqrt %add3A_7 : vector<1024x1xf32>
    %get3A_8 = arith.constant 0 : index
    %get3A_9 = arith.constant 0 : index
    %get3A_10 = vector.load %arg1[%get3A_8, %get3A_9] : memref<1024x128xf32, #tpu.memory_space<vmem>>, vector<1024x128xf32>
    %mul3A = vector.broadcast %rsqrt3A : vector<1024x1xf32> to vector<1024x128xf32>
    %mul3A_11 = arith.mulf %get3A_10, %mul3A : vector<1024x128xf32>
    %get3A_12 = arith.constant 0 : index
    %get3A_13 = arith.constant 0 : index
    %get3A_14 = vector.load %arg4[%get3A_12, %get3A_13] : memref<128x256xf32, #tpu.memory_space<vmem>>, vector<128x256xf32>
    %dot_general3A = arith.constant dense<0.000000e+00> : vector<1024x256xf32>
    %dot_general3A_15 = tpu.matmul %mul3A_11, %get3A_14, %dot_general3A {dimension_numbers = #tpu.dot_dimension_numbers<[1], [0], [0], [1], [0, 0, 1, 1], [], []>, transpose_lhs_hint = false} : vector<1024x128xf32>, vector<128x256xf32>, vector<1024x256xf32> -> vector<1024x256xf32>
    %slice3A = vector.extract_strided_slice %dot_general3A_15 {offsets = [0, 0], sizes = [1024, 64], strides = [1, 1]} : vector<1024x256xf32> to vector<1024x64xf32>
    %swap3A = arith.constant 0 : index
    %swap3A_16 = arith.constant 0 : index
    %swap3A_17 = arith.constant 0 : index
    %swap3A_18 = vector.load %arg5[%swap3A, %swap3A_16, %swap3A_17] : memref<4x1024x64xf32, #tpu.memory_space<vmem>>, vector<1x1024x64xf32>
    %swap3A_19 = vector.shape_cast %swap3A_18 : vector<1x1024x64xf32> to vector<1024x64xf32>
    %swap3A_20 = vector.shape_cast %slice3A : vector<1024x64xf32> to vector<1x1024x64xf32>
    tpu.vector_store %arg5[%swap3A, %swap3A_16, %swap3A_17], %swap3A_20 {strides = array<i32>} : memref<4x1024x64xf32, #tpu.memory_space<vmem>>, vector<1x1024x64xf32>,
    %slice3A_21 = vector.extract_strided_slice %dot_general3A_15 {offsets = [0, 64], sizes = [1024, 64], strides = [1, 1]} : vector<1024x256xf32> to vector<1024x64xf32>
    %swap3A_22 = arith.constant 1 : index
    %swap3A_23 = arith.constant 0 : index
    %swap3A_24 = arith.constant 0 : index
    %swap3A_25 = vector.load %arg5[%swap3A_22, %swap3A_23, %swap3A_24] : memref<4x1024x64xf32, #tpu.memory_space<vmem>>, vector<1x1024x64xf32>
    %swap3A_26 = vector.shape_cast %swap3A_25 : vector<1x1024x64xf32> to vector<1024x64xf32>
    %swap3A_27 = vector.shape_cast %slice3A_21 : vector<1024x64xf32> to vector<1x1024x64xf32>
    tpu.vector_store %arg5[%swap3A_22, %swap3A_23, %swap3A_24], %swap3A_27 {strides = array<i32>} : memref<4x1024x64xf32, #tpu.memory_space<vmem>>, vector<1x1024x64xf32>,
    %slice3A_28 = vector.extract_strided_slice %dot_general3A_15 {offsets = [0, 128], sizes = [1024, 64], strides = [1, 1]} : vector<1024x256xf32> to vector<1024x64xf32>
    %swap3A_29 = arith.constant 2 : index
    %swap3A_30 = arith.constant 0 : index
    %swap3A_31 = arith.constant 0 : index
    %swap3A_32 = vector.load %arg5[%swap3A_29, %swap3A_30, %swap3A_31] : memref<4x1024x64xf32, #tpu.memory_space<vmem>>, vector<1x1024x64xf32>
    %swap3A_33 = vector.shape_cast %swap3A_32 : vector<1x1024x64xf32> to vector<1024x64xf32>
    %swap3A_34 = vector.shape_cast %slice3A_28 : vector<1024x64xf32> to vector<1x1024x64xf32>
    tpu.vector_store %arg5[%swap3A_29, %swap3A_30, %swap3A_31], %swap3A_34 {strides = array<i32>} : memref<4x1024x64xf32, #tpu.memory_space<vmem>>, vector<1x1024x64xf32>,
    %slice3A_35 = vector.extract_strided_slice %dot_general3A_15 {offsets = [0, 192], sizes = [1024, 64], strides = [1, 1]} : vector<1024x256xf32> to vector<1024x64xf32>
    %swap3A_36 = arith.constant 3 : index
    %swap3A_37 = arith.constant 0 : index
    %swap3A_38 = arith.constant 0 : index
    %swap3A_39 = vector.load %arg5[%swap3A_36, %swap3A_37, %swap3A_38] : memref<4x1024x64xf32, #tpu.memory_space<vmem>>, vector<1x1024x64xf32>
    %swap3A_40 = vector.shape_cast %swap3A_39 : vector<1x1024x64xf32> to vector<1024x64xf32>
    %swap3A_41 = vector.shape_cast %slice3A_35 : vector<1024x64xf32> to vector<1x1024x64xf32>
    tpu.vector_store %arg5[%swap3A_36, %swap3A_37, %swap3A_38], %swap3A_41 {strides = array<i32>} : memref<4x1024x64xf32, #tpu.memory_space<vmem>>, vector<1x1024x64xf32>,
    %swap3A_42 = arith.constant 0 : index
    %swap3A_43 = arith.constant 0 : index
    %swap3A_44 = vector.load %arg6[%swap3A_42, %swap3A_43] : memref<1024x1xf32, #tpu.memory_space<vmem>>, vector<1024x1xf32>
    tpu.vector_store %arg6[%swap3A_42, %swap3A_43], %rsqrt3A {strides = array<i32>} : memref<1024x1xf32, #tpu.memory_space<vmem>>, vector<1024x1xf32>,
    return
  }
  func.func @transform_0(%arg0: i32) -> (i32, i32) {
    %c0_i32 = arith.constant 0 : i32
    %c0_i32_0 = arith.constant 0 : i32
    return %arg0, %c0_i32 : i32, i32
  }
  func.func @transform_1(%arg0: i32) -> (i32, i32) {
    %c0_i32 = arith.constant 0 : i32
    %c0_i32_0 = arith.constant 0 : i32
    return %arg0, %c0_i32 : i32, i32
  }
  func.func @transform_2(%arg0: i32) -> (i32, i32) {
    %c0_i32 = arith.constant 0 : i32
    %c0_i32_0 = arith.constant 0 : i32
    return %arg0, %c0_i32 : i32, i32
  }
  func.func @transform_3(%arg0: i32) -> (i32, i32) {
    %c0_i32 = arith.constant 0 : i32
    %c0_i32_0 = arith.constant 0 : i32
    %c0_i32_1 = arith.constant 0 : i32
    return %c0_i32, %c0_i32_0 : i32, i32
  }
  func.func @transform_4(%arg0: i32) -> (i32, i32, i32) {
    %c0_i32 = arith.constant 0 : i32
    %c0_i32_0 = arith.constant 0 : i32
    %c0_i32_1 = arith.constant 0 : i32
    return %c0_i32, %arg0, %c0_i32_0 : i32, i32, i32
  }
  func.func @transform_5(%arg0: i32) -> (i32, i32) {
    %c0_i32 = arith.constant 0 : i32
    %c0_i32_0 = arith.constant 0 : i32
    return %arg0, %c0_i32 : i32, i32
  }
}

module attributes {stable_mosaic.version = 14 : i64} {
  func.func @_tc2_body(%arg0: i32, %arg1: memref<2x1024x64xf32, #tpu.memory_space<vmem>>, %arg2: memref<2x1024x64xf32, #tpu.memory_space<vmem>>, %arg3: memref<4x1024x64xf32, #tpu.memory_space<vmem>>, %arg4: memref<1024x1xf32, #tpu.memory_space<vmem>>, %arg5: memref<4x64xf32, #tpu.memory_space<vmem>>, %arg6: memref<256x128xf32, #tpu.memory_space<vmem>>, %arg7: memref<2x1024x64xf32, #tpu.memory_space<vmem>>) attributes {dimension_semantics = [#tpu.dimension_semantics<arbitrary>], iteration_bounds = array<i64: 10>, scalar_prefetch = 0 : i64, scratch_operands = 0 : i64, tpu.core_type = #tpu.core_type<tc>, window_params = [{transform_indices = @transform_0, window_bounds = array<i64: 2, 1024, 64>}, {transform_indices = @transform_1, window_bounds = array<i64: 2, 1024, 64>}, {transform_indices = @transform_2, window_bounds = array<i64: 4, 1024, 64>}, {transform_indices = @transform_3, window_bounds = array<i64: 1024, 1>}, {pipeline_mode = #tpu.pipeline_mode<synchronous>, transform_indices = @transform_4, window_bounds = array<i64: 4, 64>}, {pipeline_mode = #tpu.pipeline_mode<synchronous>, transform_indices = @transform_5, window_bounds = array<i64: 256, 128>}, {transform_indices = @transform_6, window_bounds = array<i64: 2, 1024, 64>}]} {
    %get3A = arith.constant 0 : index
    %get3A_0 = arith.constant 0 : index
    %get3A_1 = vector.load %arg4[%get3A, %get3A_0] : memref<1024x1xf32, #tpu.memory_space<vmem>>, vector<1024x1xf32>
    %get3A_2 = arith.constant 0 : index
    %get3A_3 = arith.constant 0 : index
    %get3A_4 = arith.constant 0 : index
    %get3A_5 = vector.load %arg1[%get3A_2, %get3A_3, %get3A_4] : memref<2x1024x64xf32, #tpu.memory_space<vmem>>, vector<1x1024x64xf32>
    %get3A_6 = vector.shape_cast %get3A_5 : vector<1x1024x64xf32> to vector<1024x64xf32>
    %get3A_7 = arith.constant 0 : index
    %get3A_8 = arith.constant 0 : index
    %get3A_9 = arith.constant 0 : index
    %get3A_10 = vector.load %arg3[%get3A_7, %get3A_8, %get3A_9] : memref<4x1024x64xf32, #tpu.memory_space<vmem>>, vector<1x1024x64xf32>
    %get3A_11 = vector.shape_cast %get3A_10 : vector<1x1024x64xf32> to vector<1024x64xf32>
    %add3A = arith.addf %get3A_6, %get3A_11 : vector<1024x64xf32>
    %mul3A = vector.broadcast %get3A_1 : vector<1024x1xf32> to vector<1024x64xf32>
    %mul3A_12 = arith.mulf %add3A, %mul3A : vector<1024x64xf32>
    %get3A_13 = arith.constant 0 : index
    %get3A_14 = arith.constant 0 : index
    %get3A_15 = vector.load %arg5[%get3A_13, %get3A_14] : memref<4x64xf32, #tpu.memory_space<vmem>>, vector<1x64xf32>
    %get3A_16 = vector.shape_cast %get3A_15 : vector<1x64xf32> to vector<64xf32>
    %broadcast_in_dim3A = vector.shape_cast %get3A_16 : vector<64xf32> to vector<1x64xf32>
    %add3A_17 = vector.broadcast %broadcast_in_dim3A : vector<1x64xf32> to vector<1024x64xf32>
    %add3A_18 = arith.addf %mul3A_12, %add3A_17 : vector<1024x64xf32>
    %max3A = arith.constant 0.000000e+00 : f32
    %max3A_19 = vector.broadcast %max3A : f32 to vector<1024x64xf32>
    %max3A_20 = arith.maximumf %add3A_18, %max3A_19 : vector<1024x64xf32>
    %get3A_21 = arith.constant 1 : index
    %get3A_22 = arith.constant 0 : index
    %get3A_23 = arith.constant 0 : index
    %get3A_24 = vector.load %arg1[%get3A_21, %get3A_22, %get3A_23] : memref<2x1024x64xf32, #tpu.memory_space<vmem>>, vector<1x1024x64xf32>
    %get3A_25 = vector.shape_cast %get3A_24 : vector<1x1024x64xf32> to vector<1024x64xf32>
    %get3A_26 = arith.constant 1 : index
    %get3A_27 = arith.constant 0 : index
    %get3A_28 = arith.constant 0 : index
    %get3A_29 = vector.load %arg3[%get3A_26, %get3A_27, %get3A_28] : memref<4x1024x64xf32, #tpu.memory_space<vmem>>, vector<1x1024x64xf32>
    %get3A_30 = vector.shape_cast %get3A_29 : vector<1x1024x64xf32> to vector<1024x64xf32>
    %add3A_31 = arith.addf %get3A_25, %get3A_30 : vector<1024x64xf32>
    %mul3A_32 = vector.broadcast %get3A_1 : vector<1024x1xf32> to vector<1024x64xf32>
    %mul3A_33 = arith.mulf %add3A_31, %mul3A_32 : vector<1024x64xf32>
    %get3A_34 = arith.constant 1 : index
    %get3A_35 = arith.constant 0 : index
    %get3A_36 = vector.load %arg5[%get3A_34, %get3A_35] : memref<4x64xf32, #tpu.memory_space<vmem>>, vector<1x64xf32>
    %get3A_37 = vector.shape_cast %get3A_36 : vector<1x64xf32> to vector<64xf32>
    %broadcast_in_dim3A_38 = vector.shape_cast %get3A_37 : vector<64xf32> to vector<1x64xf32>
    %add3A_39 = vector.broadcast %broadcast_in_dim3A_38 : vector<1x64xf32> to vector<1024x64xf32>
    %add3A_40 = arith.addf %mul3A_33, %add3A_39 : vector<1024x64xf32>
    %max3A_41 = arith.constant 0.000000e+00 : f32
    %max3A_42 = vector.broadcast %max3A_41 : f32 to vector<1024x64xf32>
    %max3A_43 = arith.maximumf %add3A_40, %max3A_42 : vector<1024x64xf32>
    %get3A_44 = arith.constant 0 : index
    %get3A_45 = arith.constant 0 : index
    %get3A_46 = arith.constant 0 : index
    %get3A_47 = vector.load %arg2[%get3A_44, %get3A_45, %get3A_46] : memref<2x1024x64xf32, #tpu.memory_space<vmem>>, vector<1x1024x64xf32>
    %get3A_48 = vector.shape_cast %get3A_47 : vector<1x1024x64xf32> to vector<1024x64xf32>
    %get3A_49 = arith.constant 2 : index
    %get3A_50 = arith.constant 0 : index
    %get3A_51 = arith.constant 0 : index
    %get3A_52 = vector.load %arg3[%get3A_49, %get3A_50, %get3A_51] : memref<4x1024x64xf32, #tpu.memory_space<vmem>>, vector<1x1024x64xf32>
    %get3A_53 = vector.shape_cast %get3A_52 : vector<1x1024x64xf32> to vector<1024x64xf32>
    %add3A_54 = arith.addf %get3A_48, %get3A_53 : vector<1024x64xf32>
    %mul3A_55 = vector.broadcast %get3A_1 : vector<1024x1xf32> to vector<1024x64xf32>
    %mul3A_56 = arith.mulf %add3A_54, %mul3A_55 : vector<1024x64xf32>
    %get3A_57 = arith.constant 2 : index
    %get3A_58 = arith.constant 0 : index
    %get3A_59 = vector.load %arg5[%get3A_57, %get3A_58] : memref<4x64xf32, #tpu.memory_space<vmem>>, vector<1x64xf32>
    %get3A_60 = vector.shape_cast %get3A_59 : vector<1x64xf32> to vector<64xf32>
    %broadcast_in_dim3A_61 = vector.shape_cast %get3A_60 : vector<64xf32> to vector<1x64xf32>
    %add3A_62 = vector.broadcast %broadcast_in_dim3A_61 : vector<1x64xf32> to vector<1024x64xf32>
    %add3A_63 = arith.addf %mul3A_56, %add3A_62 : vector<1024x64xf32>
    %max3A_64 = arith.constant 0.000000e+00 : f32
    %max3A_65 = vector.broadcast %max3A_64 : f32 to vector<1024x64xf32>
    %max3A_66 = arith.maximumf %add3A_63, %max3A_65 : vector<1024x64xf32>
    %get3A_67 = arith.constant 1 : index
    %get3A_68 = arith.constant 0 : index
    %get3A_69 = arith.constant 0 : index
    %get3A_70 = vector.load %arg2[%get3A_67, %get3A_68, %get3A_69] : memref<2x1024x64xf32, #tpu.memory_space<vmem>>, vector<1x1024x64xf32>
    %get3A_71 = vector.shape_cast %get3A_70 : vector<1x1024x64xf32> to vector<1024x64xf32>
    %get3A_72 = arith.constant 3 : index
    %get3A_73 = arith.constant 0 : index
    %get3A_74 = arith.constant 0 : index
    %get3A_75 = vector.load %arg3[%get3A_72, %get3A_73, %get3A_74] : memref<4x1024x64xf32, #tpu.memory_space<vmem>>, vector<1x1024x64xf32>
    %get3A_76 = vector.shape_cast %get3A_75 : vector<1x1024x64xf32> to vector<1024x64xf32>
    %add3A_77 = arith.addf %get3A_71, %get3A_76 : vector<1024x64xf32>
    %mul3A_78 = vector.broadcast %get3A_1 : vector<1024x1xf32> to vector<1024x64xf32>
    %mul3A_79 = arith.mulf %add3A_77, %mul3A_78 : vector<1024x64xf32>
    %get3A_80 = arith.constant 3 : index
    %get3A_81 = arith.constant 0 : index
    %get3A_82 = vector.load %arg5[%get3A_80, %get3A_81] : memref<4x64xf32, #tpu.memory_space<vmem>>, vector<1x64xf32>
    %get3A_83 = vector.shape_cast %get3A_82 : vector<1x64xf32> to vector<64xf32>
    %broadcast_in_dim3A_84 = vector.shape_cast %get3A_83 : vector<64xf32> to vector<1x64xf32>
    %add3A_85 = vector.broadcast %broadcast_in_dim3A_84 : vector<1x64xf32> to vector<1024x64xf32>
    %add3A_86 = arith.addf %mul3A_79, %add3A_85 : vector<1024x64xf32>
    %max3A_87 = arith.constant 0.000000e+00 : f32
    %max3A_88 = vector.broadcast %max3A_87 : f32 to vector<1024x64xf32>
    %max3A_89 = arith.maximumf %add3A_86, %max3A_88 : vector<1024x64xf32>
    %concatenate3A = tpu.concatenate %max3A_20, %max3A_43, %max3A_66, %max3A_89 in 1 : vector<1024x64xf32>, vector<1024x64xf32>, vector<1024x64xf32>, vector<1024x64xf32> -> vector<1024x256xf32>
    %get3A_90 = arith.constant 0 : index
    %get3A_91 = arith.constant 0 : index
    %get3A_92 = vector.load %arg6[%get3A_90, %get3A_91] : memref<256x128xf32, #tpu.memory_space<vmem>>, vector<256x128xf32>
    %dot_general3A = arith.constant dense<0.000000e+00> : vector<1024x128xf32>
    %dot_general3A_93 = tpu.matmul %concatenate3A, %get3A_92, %dot_general3A {dimension_numbers = #tpu.dot_dimension_numbers<[1], [0], [0], [1], [0, 0, 1, 1], [], []>, transpose_lhs_hint = false} : vector<1024x256xf32>, vector<256x128xf32>, vector<1024x128xf32> -> vector<1024x128xf32>
    %mul3A_94 = vector.broadcast %get3A_1 : vector<1024x1xf32> to vector<1024x128xf32>
    %mul3A_95 = arith.mulf %dot_general3A_93, %mul3A_94 : vector<1024x128xf32>
    %slice3A = vector.extract_strided_slice %mul3A_95 {offsets = [0, 0], sizes = [1024, 64], strides = [1, 1]} : vector<1024x128xf32> to vector<1024x64xf32>
    %swap3A = arith.constant 0 : index
    %swap3A_96 = arith.constant 0 : index
    %swap3A_97 = arith.constant 0 : index
    %swap3A_98 = vector.load %arg7[%swap3A, %swap3A_96, %swap3A_97] : memref<2x1024x64xf32, #tpu.memory_space<vmem>>, vector<1x1024x64xf32>
    %swap3A_99 = vector.shape_cast %swap3A_98 : vector<1x1024x64xf32> to vector<1024x64xf32>
    %swap3A_100 = vector.shape_cast %slice3A : vector<1024x64xf32> to vector<1x1024x64xf32>
    tpu.vector_store %arg7[%swap3A, %swap3A_96, %swap3A_97], %swap3A_100 {strides = array<i32>} : memref<2x1024x64xf32, #tpu.memory_space<vmem>>, vector<1x1024x64xf32>,
    %slice3A_101 = vector.extract_strided_slice %mul3A_95 {offsets = [0, 64], sizes = [1024, 64], strides = [1, 1]} : vector<1024x128xf32> to vector<1024x64xf32>
    %swap3A_102 = arith.constant 1 : index
    %swap3A_103 = arith.constant 0 : index
    %swap3A_104 = arith.constant 0 : index
    %swap3A_105 = vector.load %arg7[%swap3A_102, %swap3A_103, %swap3A_104] : memref<2x1024x64xf32, #tpu.memory_space<vmem>>, vector<1x1024x64xf32>
    %swap3A_106 = vector.shape_cast %swap3A_105 : vector<1x1024x64xf32> to vector<1024x64xf32>
    %swap3A_107 = vector.shape_cast %slice3A_101 : vector<1024x64xf32> to vector<1x1024x64xf32>
    tpu.vector_store %arg7[%swap3A_102, %swap3A_103, %swap3A_104], %swap3A_107 {strides = array<i32>} : memref<2x1024x64xf32, #tpu.memory_space<vmem>>, vector<1x1024x64xf32>,
    return
  }
  func.func @transform_0(%arg0: i32) -> (i32, i32, i32) {
    %c0_i32 = arith.constant 0 : i32
    %c0_i32_0 = arith.constant 0 : i32
    %c0_i32_1 = arith.constant 0 : i32
    return %c0_i32, %arg0, %c0_i32_0 : i32, i32, i32
  }
  func.func @transform_1(%arg0: i32) -> (i32, i32, i32) {
    %c0_i32 = arith.constant 0 : i32
    %c0_i32_0 = arith.constant 0 : i32
    %c0_i32_1 = arith.constant 0 : i32
    return %c0_i32, %arg0, %c0_i32_0 : i32, i32, i32
  }
  func.func @transform_2(%arg0: i32) -> (i32, i32, i32) {
    %c0_i32 = arith.constant 0 : i32
    %c0_i32_0 = arith.constant 0 : i32
    %c0_i32_1 = arith.constant 0 : i32
    return %c0_i32, %arg0, %c0_i32_0 : i32, i32, i32
  }
  func.func @transform_3(%arg0: i32) -> (i32, i32) {
    %c0_i32 = arith.constant 0 : i32
    %c0_i32_0 = arith.constant 0 : i32
    return %arg0, %c0_i32 : i32, i32
  }
  func.func @transform_4(%arg0: i32) -> (i32, i32) {
    %c0_i32 = arith.constant 0 : i32
    %c0_i32_0 = arith.constant 0 : i32
    %c0_i32_1 = arith.constant 0 : i32
    return %c0_i32, %c0_i32_0 : i32, i32
  }
  func.func @transform_5(%arg0: i32) -> (i32, i32) {
    %c0_i32 = arith.constant 0 : i32
    %c0_i32_0 = arith.constant 0 : i32
    %c0_i32_1 = arith.constant 0 : i32
    return %c0_i32, %c0_i32_0 : i32, i32
  }
  func.func @transform_6(%arg0: i32) -> (i32, i32, i32) {
    %c0_i32 = arith.constant 0 : i32
    %c0_i32_0 = arith.constant 0 : i32
    %c0_i32_1 = arith.constant 0 : i32
    return %c0_i32, %arg0, %c0_i32_0 : i32, i32, i32
  }
}

module attributes {stable_mosaic.version = 14 : i64} {
  func.func @_tc3_body(%arg0: i32, %arg1: memref<2x1024x64xf32, #tpu.memory_space<vmem>>, %arg2: memref<2x1024x64xf32, #tpu.memory_space<vmem>>, %arg3: memref<1024x1xf32, #tpu.memory_space<vmem>>, %arg4: memref<2x64xf32, #tpu.memory_space<vmem>>, %arg5: memref<1024x128xf32, #tpu.memory_space<vmem>>) attributes {dimension_semantics = [#tpu.dimension_semantics<arbitrary>], iteration_bounds = array<i64: 10>, scalar_prefetch = 0 : i64, scratch_operands = 0 : i64, tpu.core_type = #tpu.core_type<tc>, window_params = [{transform_indices = @transform_0, window_bounds = array<i64: 2, 1024, 64>}, {transform_indices = @transform_1, window_bounds = array<i64: 2, 1024, 64>}, {transform_indices = @transform_2, window_bounds = array<i64: 1024, 1>}, {pipeline_mode = #tpu.pipeline_mode<synchronous>, transform_indices = @transform_3, window_bounds = array<i64: 2, 64>}, {transform_indices = @transform_4, window_bounds = array<i64: 1024, 128>}]} {
    %get3A = arith.constant 0 : index
    %get3A_0 = arith.constant 0 : index
    %get3A_1 = vector.load %arg3[%get3A, %get3A_0] : memref<1024x1xf32, #tpu.memory_space<vmem>>, vector<1024x1xf32>
    %get3A_2 = arith.constant 0 : index
    %get3A_3 = arith.constant 0 : index
    %get3A_4 = arith.constant 0 : index
    %get3A_5 = vector.load %arg1[%get3A_2, %get3A_3, %get3A_4] : memref<2x1024x64xf32, #tpu.memory_space<vmem>>, vector<1x1024x64xf32>
    %get3A_6 = vector.shape_cast %get3A_5 : vector<1x1024x64xf32> to vector<1024x64xf32>
    %get3A_7 = arith.constant 0 : index
    %get3A_8 = arith.constant 0 : index
    %get3A_9 = arith.constant 0 : index
    %get3A_10 = vector.load %arg2[%get3A_7, %get3A_8, %get3A_9] : memref<2x1024x64xf32, #tpu.memory_space<vmem>>, vector<1x1024x64xf32>
    %get3A_11 = vector.shape_cast %get3A_10 : vector<1x1024x64xf32> to vector<1024x64xf32>
    %add3A = arith.addf %get3A_6, %get3A_11 : vector<1024x64xf32>
    %mul3A = vector.broadcast %get3A_1 : vector<1024x1xf32> to vector<1024x64xf32>
    %mul3A_12 = arith.mulf %add3A, %mul3A : vector<1024x64xf32>
    %get3A_13 = arith.constant 0 : index
    %get3A_14 = arith.constant 0 : index
    %get3A_15 = vector.load %arg4[%get3A_13, %get3A_14] : memref<2x64xf32, #tpu.memory_space<vmem>>, vector<1x64xf32>
    %get3A_16 = vector.shape_cast %get3A_15 : vector<1x64xf32> to vector<64xf32>
    %broadcast_in_dim3A = vector.shape_cast %get3A_16 : vector<64xf32> to vector<1x64xf32>
    %add3A_17 = vector.broadcast %broadcast_in_dim3A : vector<1x64xf32> to vector<1024x64xf32>
    %add3A_18 = arith.addf %mul3A_12, %add3A_17 : vector<1024x64xf32>
    %get3A_19 = arith.constant 1 : index
    %get3A_20 = arith.constant 0 : index
    %get3A_21 = arith.constant 0 : index
    %get3A_22 = vector.load %arg1[%get3A_19, %get3A_20, %get3A_21] : memref<2x1024x64xf32, #tpu.memory_space<vmem>>, vector<1x1024x64xf32>
    %get3A_23 = vector.shape_cast %get3A_22 : vector<1x1024x64xf32> to vector<1024x64xf32>
    %get3A_24 = arith.constant 1 : index
    %get3A_25 = arith.constant 0 : index
    %get3A_26 = arith.constant 0 : index
    %get3A_27 = vector.load %arg2[%get3A_24, %get3A_25, %get3A_26] : memref<2x1024x64xf32, #tpu.memory_space<vmem>>, vector<1x1024x64xf32>
    %get3A_28 = vector.shape_cast %get3A_27 : vector<1x1024x64xf32> to vector<1024x64xf32>
    %add3A_29 = arith.addf %get3A_23, %get3A_28 : vector<1024x64xf32>
    %mul3A_30 = vector.broadcast %get3A_1 : vector<1024x1xf32> to vector<1024x64xf32>
    %mul3A_31 = arith.mulf %add3A_29, %mul3A_30 : vector<1024x64xf32>
    %get3A_32 = arith.constant 1 : index
    %get3A_33 = arith.constant 0 : index
    %get3A_34 = vector.load %arg4[%get3A_32, %get3A_33] : memref<2x64xf32, #tpu.memory_space<vmem>>, vector<1x64xf32>
    %get3A_35 = vector.shape_cast %get3A_34 : vector<1x64xf32> to vector<64xf32>
    %broadcast_in_dim3A_36 = vector.shape_cast %get3A_35 : vector<64xf32> to vector<1x64xf32>
    %add3A_37 = vector.broadcast %broadcast_in_dim3A_36 : vector<1x64xf32> to vector<1024x64xf32>
    %add3A_38 = arith.addf %mul3A_31, %add3A_37 : vector<1024x64xf32>
    %concatenate3A = tpu.concatenate %add3A_18, %add3A_38 in 1 : vector<1024x64xf32>, vector<1024x64xf32> -> vector<1024x128xf32>
    %swap3A = arith.constant 0 : index
    %swap3A_39 = arith.constant 0 : index
    %swap3A_40 = vector.load %arg5[%swap3A, %swap3A_39] : memref<1024x128xf32, #tpu.memory_space<vmem>>, vector<1024x128xf32>
    tpu.vector_store %arg5[%swap3A, %swap3A_39], %concatenate3A {strides = array<i32>} : memref<1024x128xf32, #tpu.memory_space<vmem>>, vector<1024x128xf32>,
    return
  }
  func.func @transform_0(%arg0: i32) -> (i32, i32, i32) {
    %c0_i32 = arith.constant 0 : i32
    %c0_i32_0 = arith.constant 0 : i32
    %c0_i32_1 = arith.constant 0 : i32
    return %c0_i32, %arg0, %c0_i32_0 : i32, i32, i32
  }
  func.func @transform_1(%arg0: i32) -> (i32, i32, i32) {
    %c0_i32 = arith.constant 0 : i32
    %c0_i32_0 = arith.constant 0 : i32
    %c0_i32_1 = arith.constant 0 : i32
    return %c0_i32, %arg0, %c0_i32_0 : i32, i32, i32
  }
  func.func @transform_2(%arg0: i32) -> (i32, i32) {
    %c0_i32 = arith.constant 0 : i32
    %c0_i32_0 = arith.constant 0 : i32
    return %arg0, %c0_i32 : i32, i32
  }
  func.func @transform_3(%arg0: i32) -> (i32, i32) {
    %c0_i32 = arith.constant 0 : i32
    %c0_i32_0 = arith.constant 0 : i32
    %c0_i32_1 = arith.constant 0 : i32
    return %c0_i32, %c0_i32_0 : i32, i32
  }
  func.func @transform_4(%arg0: i32) -> (i32, i32) {
    %c0_i32 = arith.constant 0 : i32
    %c0_i32_0 = arith.constant 0 : i32
    return %arg0, %c0_i32 : i32, i32
  }
}

</mosaic_0001>

<sc_bundles>
// kernel: kernel.12.cloned.1.call-start
scs
__scs_entry_jumppad:
0x0: {  	(pc) =	sbr.rel $0x88, $3  }
0x1: {  	(tag) =	ssettag $0x0;
	lr =	simm.s32 $0x1  }
0x2: {  	[smem:$0x3F9B] =	sst lr;
	_ =	strace $0xD0000000  }
0x3: {  	_ = 	snop  }
0x4: {  	_ = 	snop  }
0x5: {  	_ = 	snop  }
0x6: {  	_ = 	snop  }
0x7: {  	_ = 	snop  }
__scs_overlays_trampoline_lowered:
0x8: {  	[smem:$0x3FAA] =	sst s0  }
0x9: {  	[smem:$0x3FAB] =	sst s1  }
0xa: {  	[smem:$0x3FAC] =	sst s2  }
0xb: {  	[smem:$0x3FAD] =	sst s3  }
0xc: {  	[smem:$0x3FAE] =	sst s4  }
0xd: {  	[smem:$0x3FAF] =	sst s5  }
0xe: {  	[smem:$0x3FB0] =	sst s6  }
0xf: {  	[smem:$0x3FB1] =	sst s7  }
0x10: {  	[smem:$0x3FB2] =	sst s8  }
0x11: {  	[smem:$0x3FB3] =	sst s9;
	s0 =	simm.s32 @!p0 $0x0  }
0x12: {  	s1 =	sld [smem:$0x3F99];
	s0 =	simm.s32 @p0 $0x1  }
0x13: {  	[smem:$0x3FB4] =	sst s0;
	s0 =	simm.s32 @!p1 $0x0  }
0x14: {  	s2 =	sld [smem:$0x3F98];
	s0 =	simm.s32 @p1 $0x1  }
0x15: {  	[smem:$0x3FB5] =	sst s0;
	s0 =	simm.s32 @!p2 $0x0  }
0x16: {  	s3 =	sld [smem:$0x3FDB];
	s0 =	simm.s32 @p2 $0x1  }
0x17: {  	s4 =	simm.s32 $0x1BF5;
	[smem:$0x3FB7] =	sst s0  }
0x18: {  	s0 =	sld [smem:$0x3F9A];
	_ =	swait.ge [sflag:s4], $0x0  }
0x19: {  	s7 =	sld [smem:$0x3F9B]  }
0x1a: {  	s8 =	sadd.s32 $0xFFFFE003, lr  }
0x1b: {  	s9 =	sadd.s32 $0xFFFFFEF7, lr;
	s5 =	simm.s32 $0xFFFFFFFF;
	p2 =	slt.u32 s8, $0xFFFFF086  }
0x1c: {  	p1 =	slt.u32 s9, $0xF7A;
	s5 =	simm.s32 @!p2 $0x0  }
0x1d: {  	s5 =	simm.s32 @p1 $0x1;
	p0 =	seq.s32 s7, s2  }
0x1e: {  	s7 =	smul.u32 @!p0 $0xF7A, s2;
	p2 =	seq.s32 @!p0 s5, $0x0  }
0x1f: {  	s9 =	smul.u32 $0xF7A, s1;
	s8 =	simm.s32 @!p0 $0x1BF5;
	p2 =	por !p2, p0  }
0x20: {  	[sflag:s8] =	ssyncset.s32 @!p0 $0xFFFFF086;
	s6 =	sadd.s32 @!p0 s3, s7;
	s7 =	simm.s32 @!p0 $0x108  }
0x21: {  	s3 =	sadd.s32 s3, s9;
	s6 =	sadd.s32 @!p0 $0x88, s6;
	s7 =	simm.s32 @p2 $0x1082  }
0x22: {  	[simem:s7], [sflag:s8] =	dma.local @!p0 [hbm:s6], $0xF7A  }
0x23: {  	s9 =	sor.u32 $0xD0000000, s2;
	s6 =	simm.s32 $0x108;
	_ =	swait.ge @!p0 [sflag:s8], $0x0  }
0x24: {  	s3 =	sadd.s32 $0x88, s3;
	s6 =	simm.s32 @!p1 $0x1082;
	[sflag:s4] =	ssyncset.s32 $0xFFFFF086  }
0x25: {  	[simem:s6], [sflag:s4] =	dma.local [hbm:s3], $0xF7A  }
0x26: {  	[smem:$0x3F9B] =	sst s1;
	(tag) =	ssettag s2;
	_ =	strace s9  }
0x27: {  	s1 =	sld [smem:$0x3FAB]  }
0x28: {  	s2 =	sld [smem:$0x3FAC]  }
0x29: {  	s4 =	sld [smem:$0x3FAE]  }
0x2a: {  	p0 =	seq.s32 s5, $0x0;
	s5 =	sld [smem:$0x3FAF]  }
0x2b: {  	s6 =	sld [smem:$0x3FB0]  }
0x2c: {  	s7 =	sld [smem:$0x3FB1]  }
0x2d: {  	s3 =	simm.s32 $0x108;
	s8 =	sld [smem:$0x3FB2]  }
0x2e: {  	s3 =	simm.s32 @!p0 $0x1082;
	s9 =	sld [smem:$0x3FB3]  }
0x2f: {  	lr =	sadd.s32 s0, s3;
	s0 =	sld [smem:$0x3FAA]  }
0x30: {  	s3 =	sld [smem:$0x3FAD]  }
0x31: {  	[smem:$0x3FB6] =	sst s10  }
0x32: {  	s10 =	sld [smem:$0x3FB4];
	_ =	sdelay $0x3  }
0x33: {  	p0 =	seq.s32 s10, $0x1;
	s10 =	sld [smem:$0x3FB6];
	_ =	sdelay $0x3  }
0x34: {  	[smem:$0x3FB6] =	sst s10  }
0x35: {  	s10 =	sld [smem:$0x3FB5];
	_ =	sdelay $0x3  }
0x36: {  	p1 =	seq.s32 s10, $0x1;
	s10 =	sld [smem:$0x3FB6];
	_ =	sdelay $0x3  }
0x37: {  	[smem:$0x3FB6] =	sst s10  }
0x38: {  	s10 =	sld [smem:$0x3FB7]  }
0x39: {  	_ = 	snop;
	(pc) =	sbr.ind lr, $3  }
0x3a: {  	_ = 	snop  }
0x3b: {  	_ = 	snop  }
0x3c: {  	p2 =	seq.s32 s10, $0x1;
	s10 =	sld [smem:$0x3FB6]  }
0x3d: {  	_ =	shalt  }
0x3e: {  	_ =	shalt  }
0x3f: {  	_ =	shalt  }
0x40: {  	_ =	shalt  }
0x41: {  	_ =	shalt  }
0x42: {  	_ =	shalt  }
0x43: {  	_ =	shalt  }
0x44: {  	_ =	shalt  }
0x45: {  	_ =	shalt  }
0x46: {  	_ =	shalt  }
0x47: {  	_ =	shalt  }
0x48: {  	_ =	shalt  }
0x49: {  	_ =	shalt  }
0x4a: {  	_ =	shalt  }
0x4b: {  	_ =	shalt  }
0x4c: {  	_ =	shalt  }
0x4d: {  	_ =	shalt  }
0x4e: {  	_ =	shalt  }
0x4f: {  	_ =	shalt  }
0x50: {  	_ =	shalt  }
0x51: {  	_ =	shalt  }
0x52: {  	_ =	shalt  }
0x53: {  	_ =	shalt  }
0x54: {  	_ =	shalt  }
0x55: {  	_ =	shalt  }
0x56: {  	_ =	shalt  }
0x57: {  	_ =	shalt  }
0x58: {  	_ =	shalt  }
0x59: {  	_ =	shalt  }
0x5a: {  	_ =	shalt  }
0x5b: {  	_ =	shalt  }
0x5c: {  	_ =	shalt  }
0x5d: {  	_ =	shalt  }
0x5e: {  	_ =	shalt  }
0x5f: {  	_ =	shalt  }
0x60: {  	_ =	shalt  }
0x61: {  	_ =	shalt  }
0x62: {  	_ =	shalt  }
0x63: {  	_ =	shalt  }
0x64: {  	_ =	shalt  }
0x65: {  	_ =	shalt  }
0x66: {  	_ =	shalt  }
0x67: {  	_ =	shalt  }
0x68: {  	_ =	shalt  }
0x69: {  	_ =	shalt  }
0x6a: {  	_ =	shalt  }
0x6b: {  	_ =	shalt  }
0x6c: {  	_ =	shalt  }
0x6d: {  	_ =	shalt  }
0x6e: {  	_ =	shalt  }
0x6f: {  	_ =	shalt  }
0x70: {  	_ =	shalt  }
0x71: {  	_ =	shalt  }
0x72: {  	_ =	shalt  }
0x73: {  	_ =	shalt  }
0x74: {  	_ =	shalt  }
0x75: {  	_ =	shalt  }
0x76: {  	_ =	shalt  }
0x77: {  	_ =	shalt  }
0x78: {  	_ =	shalt  }
0x79: {  	_ =	shalt  }
0x7a: {  	_ =	shalt  }
0x7b: {  	_ =	shalt  }
0x7c: {  	_ =	shalt  }
0x7d: {  	_ =	shalt  }
0x7e: {  	_ =	shalt  }
0x7f: {  	_ =	shalt  }
0x80: {  	_ =	shalt  }
0x81: {  	_ =	shalt  }
0x82: {  	_ =	shalt  }
0x83: {  	_ =	shalt  }
0x84: {  	_ =	shalt  }
0x85: {  	_ =	shalt  }
0x86: {  	_ =	shalt  }
0x87: {  	_ =	shalt  }
.Lfunc_end0:
.L_simem_size_0:
called_computation.1_lowered:
.L_overlay_start_0:
0x88: {  	s2 =	sld [smem:$0x3FD9]  }
0x89: {  	s3 =	sld [smem:$0x3FFE];
	_ =	sdelay $0x1  }
0x8a: {  	s1 =	srdreg.scid  }
0x8b: {  	s0 =	sand.u32 $0x1, s1  }
0x8c: {  	s17 =	sshll.u32 s0, $0xA;
	s2 =	sadd.s32 s3, s2  }
0x8d: {  	s2 =	sadd.s32 s2, s17  }
0x8e: {  	[smem:$0x3FC2] =	sst s2  }
0x8f: {  	_ = 	snop  }
0x90: {  	s18 =	sld [smem:$0x3FD0];
	(tm) =	ssettm $0x1  }
0x91: {  	s19 =	sld [smem:$0x3FFB];
	_ =	sdelay $0x3  }
0x92: {  	_ =	strace s19  }
0x93: {  	s2 =	sld [smem:$0x3FFC];
	_ =	sdelay $0x3  }
0x94: {  	_ =	strace s2  }
0x95: {  	s2 =	sld [smem:$0x3FFD];
	_ =	sdelay $0x3  }
0x96: {  	_ =	strace s2  }
0x97: {  	_ =	strace $0x8FFFFFFF  }
0x98: {  	s20 =	sld [smem:$0x3FDB];
	_ =	sdelay $0x1  }
0x99: {  	s4 =	simm.s32 $_scs_section_size  }
0x9a: {  	s5 =	simm.s32 $_size__tile_overlayer_lowered;
	s6 =	simm.s32 $_tile_overlayer_lowered  }
0x9b: {  	s7 =	simm.s32 $0x1BFF;
	s21 =	sshll.u32 s6, $0x1;
	s4 =	sadd.s32 s4, s20  }
0x9c: {  	s22 =	simm.s32 $0x0;
	s5 =	sshll.u32 s5, $0x1;
	s6 =	sadd.s32 s21, s4  }
0x9d: {  	[timem:s22], [sflag:s7] =	dma.local [hbm:s6], s5  }
0x9e: {  	_ =	swait.ge [sflag:s7], s5  }
0x9f: {  	s5 =	ssub.s32 $0x0, s5;
	[sflag:s7] =	ssyncset.done $0x0  }
0xa0: {  	[sflag:s7] =	ssyncadd.s32 s5;
	_ =	sdelay $0x1  }
0xa1: {  	s23 =	simm.s32 $0x1B8B  }
0xa2: {  	_ =	swait.ge [sflag:s23], $0x1  }
0xa3: {  	[sflag:s23] =	ssyncset.done $0x0  }
0xa4: {  	[sflag:s23] =	ssyncadd.s32 $0xFFFFFFFF  }
0xa5: {  	s5 =	sld [smem:$0x0]  }
0xa6: {  	s6 =	sand.u32 $0xFFFFFFFE, s1  }
0xa7: {  	p0 =	sne.s32 s1, s6  }
0xa8: {  	s6 =	sshll.u32 @p0 s6, $0xE  }
0xa9: {  	s6 =	sadd.s32 @p0 $0x11B8D, s6;
	s7 =	sshll.u32 @p0 s5, $0x11  }
0xaa: {  	s6 =	sor.u32 @p0 s7, s6  }
0xab: {  	[sflag:s6] =	ssyncadd.remote.s32 @p0 $0x1;
	_ =	sdelay $0x1  }
0xac: {  	s6 =	simm.s32 @p0 $0x1B8D  }
0xad: {  	_ =	swait.eq @p0 [sflag:s6], $0x1  }
0xae: {  	[sflag:s6] =	ssyncadd.s32 @p0 $0xFFFFFFFF  }
0xaf: {  	s7 =	sshll.u32 @!p0 s1, $0xE  }
0xb0: {  	s7 =	sor.u32 @!p0 $0x4000, s7;
	s6 =	simm.s32 @!p0 $0x1B8D  }
0xb1: {  	s5 =	sshll.u32 @!p0 s5, $0x11;
	s7 =	sadd.s32 @!p0 $0x11B8D, s7;
	_ =	swait.eq @!p0 [sflag:s6], $0x1  }
0xb2: {  	s5 =	sor.u32 @!p0 s5, s7;
	[sflag:s6] =	ssyncadd.s32 @!p0 $0xFFFFFFFF  }
0xb3: {  	s25 =	simm.s32 $0x1B8E;
	s24 =	sld [smem:$0x3FFE];
	[sflag:s5] =	ssyncadd.remote.s32 @!p0 $0x1  }
0xb4: {  	s26 =	simm.s32 $execute0_lowered;
	[smem:$0x3FD2] =	sst s25  }
0xb5: {  	s6 =	sshll.u32 s26, $0x1;
	_ =	strace $0x8000004C;
	[dreg:$0x1] =	wrdreg $0xFFFFFFFF  }
0xb6: {  	s28 =	simm.s32 $_size_execute0_lowered;
	s4 =	sadd.s32 s4, s6;
	[dreg:$0x0] =	wrdreg $0x0  }
0xb7: {  	s6 =	sshll.u32 s28, $0x1;
	[dreg:$0x2] =	wrdreg s4  }
0xb8: {  	[dreg:$0x3] =	wrdreg s6  }
0xb9: {  	[dreg:$0x4] =	wrdreg $0xC0  }
0xba: {  	_ =	task [dreg:s22], $0x5FFFF  }
0xbb: {  	[dreg:$0x1] =	wrdreg $0xFFFFFFFF  }
0xbc: {  	[dreg:$0x0] =	wrdreg $0x60  }
0xbd: {  	[dreg:$0x2] =	wrdreg s24  }
0xbe: {  	[dreg:$0x3] =	wrdreg s18  }
0xbf: {  	[dreg:$0x4] =	wrdreg $0x130000  }
0xc0: {  	[dreg:$0x5] =	wrdreg $0x9  }
0xc1: {  	_ =	task.clear_ibuf [dreg:s22], $0x6FFFF;
	_ =	strace $0x9000004C  }
0xc2: {  	s29 =	simm.s32 $0x9;
	_ =	strace $0x8000004E  }
0xc3: {  	_ =	swait.ge [sflag:s29], $0x1  }
0xc4: {  	[sflag:s29] =	ssyncadd.s32 $0xFFFFFFFF  }
0xc5: {  	_ =	strace $0x9000004E  }
0xc6: {  	_ =	sfence  }
0xc7: {  	s30 =	sld [smem:$0x0];
	_ =	sdelay $0x2  }
0xc8: {  	s31 =	sshll.u32 s1, $0xD;
	s1 =	sshrl.u32 s1, $0x2  }
0xc9: {  	s4 =	sand.u32 $0x4000, s31;
	s1 =	sadd.s32 s1, s30  }
0xca: {  	s0 =	sor.u32 s4, s0;
	s1 =	sshll.u32 s1, $0x11  }
0xcb: {  	s0 =	sor.u32 s1, s0  }
0xcc: {  	s0 =	sadd.s32 $0x8F2B, s0  }
0xcd: {  	[sflag:s0] =	ssyncadd.remote.s32 $0x1  }
0xce: {  	_ =	sfence.sel $0xFFFF  }
0xcf: {  	[dreg:$0x0] =	wrdreg $0xFFFFFFFF;
	(pc) =	sbr.abs _section_cstart, $3  }
0xd0: {  	[dreg:$0x1] =	wrdreg $0xFFFFFFFF  }
0xd1: {  	_ =	task.clear_ibuf [dreg:s22], $0x2FFFF;
	_ =	strace $0x9FFFFFFF  }
0xd2: {  	(tm) =	ssettm $0x7FFFFFFF  }
0xd3: {  	_ =	shalt  }
tec
execute0_lowered:
.L_overlay_start_1:
0x0: {  	(tag) =	ssettag $0x1  }
0x1: {  	s0 =	rddreg [dreg:$0x0]  }
0x2: {  	s1 =	rddreg [dreg:$0x1]  }
0x3: {  	s2 =	rddreg [dreg:$0x2]  }
0x4: {  	s13 =	stileid.u32;
	s4 =	simm.s32 $0x0;
	s3 =	srdreg.scid  }
0x5: {  	s19 =	simm.s32 $0x12000;
	s20 =	simm.s32 $0x5;
	s22 =	simm.s32 $0x80  }
0x6: {  	s23 =	simm.s32 $0xA000;
	s24 =	simm.s32 $0xC000;
	s26 =	simm.s32 $0xE000  }
0x7: {  	s29 =	simm.s32 $0x10000;
	s30 =	simm.s32 $0x1;
	s5 =	smul.u32 $0x1400, s13  }
0x8: {  	s31 =	simm.s32 $0x2;
	s25 =	simm.s32 $0x0;
	s6 =	smul.u32 $0x28000, s13  }
0x9: {  	[smem:$0x7FF] =	sst s4;
	s3 =	sand.u32 $0x1, s3;
	s18 =	smul.u32 $0xA00, s13  }
0xa: {  	s4 =	sadd.s32 $0x12F000, s0;
	_ =	strace $0x8000004D;
	s7 =	smul.u32 $0x14000, s3  }
0xb: {  	s8 =	ssub.s32 $0x2, s3;
	p0 =	seq.s32 s3, $0x0;
	s3 =	simm.s32 $0xD000  }
0xc: {  	s6 =	sshrl.u32 s6, $0x2;
	s9 =	sshrl.u32 s8, $0x1;
	s3 =	simm.s32 @!p0 $0x3000  }
0xd: {  	s15 =	sadd.s32 s1, s18;
	s1 =	simm.s32 $0x4;
	s7 =	sadd.s32 s5, s7  }
0xe: {  	s5 =	sadd.s32 s6, s2;
	s17 =	ssub.s32 s8, s9;
	s16 =	sadd.s32 s7, s0  }
0xf: {  	s6 =	sadd.s32 $0x1000, s5;
	s7 =	sadd.s32 $0x2000, s5;
	s8 =	sadd.s32 $0x3000, s5  }
0x10: {  	s9 =	sadd.s32 $0x4000, s5;
	s10 =	sadd.s32 $0x5000, s5;
	s11 =	sadd.s32 $0x6000, s5  }
0x11: {  	s12 =	sadd.s32 $0x7000, s5;
	s13 =	sadd.s32 $0x8000, s5;
	s14 =	sadd.s32 $0x9000, s5  }
0x12: {  	s0 =	sadd.s32 s3, s0;
	s17 =	smax.u32 s17, $0x1;
	[dreg:$0x4] =	wrdreg s6  }
0x13: {  	v0 =	vimm.f32 $0.0e+00;
	s16 =	sadd.s32 $0x157000, s16;
	s18 =	sadd.s32 s0, s18;
	s0 =	simm.s32 $0x3  }
.LBB2_1:
0x14: {  	s6 =	simm.s32 $0x0  }
0x15: {  	s3 =	sand.u32 $0x3F00, s6  }
0x16: {  	s28 =	sand.u32 $0x30, s6;
	s3 =	sshrl.u32 s3, $0x2  }
0x17: {  	s21 =	simm.s32 $0x40;
	s3 =	sor.u32 s28, s3;
	s28 =	simm.s32 $0x0  }
.LBB2_2:
0x18: {  	p0 =	sne.s32 s21, $0x3FC0  }
0x19: {  	[tilespmem:s3+$0x12000] =	vst v0;
	s28 =	sadd.s32 $0x10, s28;
	s3 =	smov.u32 s21;
	s21 =	sadd.s32 $0x40, s21  }
.Ltmp0:
0x1a: {  	(pc) =	sbr.rel @p0 .LBB2_2-.Ltmp0, $4  }
0x1b: {  	_ = 	snop  }
0x1c: {  	s3 =	sand.u32 $0x3F00, s3  }
0x1d: {  	s6 =	sand.u32 $0x30, s28;
	s3 =	sshrl.u32 s3, $0x2  }
0x1e: {  	s3 =	sor.u32 s6, s3  }
0x1f: {  	[tilespmem:s3+$0x12000] =	vst v0  }
0x20: {  	[spmem:s5] =	stream.linear.scatter [tilespmem:s19], [sflag:$0x5], $0x1000, $0x38;
	[tilespmem:$0x1D000] =	vst v63  }
0x21: {  	_ =	swait.ge [sflag:s20], $0x1000  }
0x22: {  	[sflag:s20] =	ssyncset.done $0x0  }
0x23: {  	s6 =	rddreg [dreg:$0x4];
	[sflag:s20] =	ssyncadd.s32 $0xFFFFF000  }
0x24: {  	[spmem:s6] =	stream.linear.scatter [tilespmem:s19], [sflag:$0x5], $0x1000, $0x38;
	[tilespmem:$0x1D000] =	vst v63  }
0x25: {  	_ =	swait.ge [sflag:s20], $0x1000  }
0x26: {  	[sflag:s20] =	ssyncset.done $0x0  }
0x27: {  	[sflag:s20] =	ssyncadd.s32 $0xFFFFF000  }
0x28: {  	[spmem:s7] =	stream.linear.scatter [tilespmem:s19], [sflag:$0x5], $0x1000, $0x38;
	[tilespmem:$0x1D000] =	vst v63  }
0x29: {  	_ =	swait.ge [sflag:s20], $0x1000  }
0x2a: {  	[sflag:s20] =	ssyncset.done $0x0  }
0x2b: {  	[sflag:s20] =	ssyncadd.s32 $0xFFFFF000  }
0x2c: {  	[spmem:s8] =	stream.linear.scatter [tilespmem:s19], [sflag:$0x5], $0x1000, $0x38;
	[tilespmem:$0x1D000] =	vst v63  }
0x2d: {  	_ =	swait.ge [sflag:s20], $0x1000  }
0x2e: {  	[sflag:s20] =	ssyncset.done $0x0  }
0x2f: {  	[sflag:s20] =	ssyncadd.s32 $0xFFFFF000  }
0x30: {  	[spmem:s9] =	stream.linear.scatter [tilespmem:s19], [sflag:$0x5], $0x1000, $0x38;
	[tilespmem:$0x1D000] =	vst v63  }
0x31: {  	_ =	swait.ge [sflag:s20], $0x1000  }
0x32: {  	[sflag:s20] =	ssyncset.done $0x0  }
0x33: {  	[sflag:s20] =	ssyncadd.s32 $0xFFFFF000  }
0x34: {  	[spmem:s10] =	stream.linear.scatter [tilespmem:s19], [sflag:$0x5], $0x1000, $0x38;
	[tilespmem:$0x1D000] =	vst v63  }
0x35: {  	_ =	swait.ge [sflag:s20], $0x1000  }
0x36: {  	[sflag:s20] =	ssyncset.done $0x0  }
0x37: {  	[sflag:s20] =	ssyncadd.s32 $0xFFFFF000  }
0x38: {  	[spmem:s11] =	stream.linear.scatter [tilespmem:s19], [sflag:$0x5], $0x1000, $0x38;
	[tilespmem:$0x1D000] =	vst v63  }
0x39: {  	_ =	swait.ge [sflag:s20], $0x1000  }
0x3a: {  	[sflag:s20] =	ssyncset.done $0x0  }
0x3b: {  	[sflag:s20] =	ssyncadd.s32 $0xFFFFF000  }
0x3c: {  	[spmem:s12] =	stream.linear.scatter [tilespmem:s19], [sflag:$0x5], $0x1000, $0x38;
	[tilespmem:$0x1D000] =	vst v63  }
0x3d: {  	_ =	swait.ge [sflag:s20], $0x1000  }
0x3e: {  	[sflag:s20] =	ssyncset.done $0x0  }
0x3f: {  	[sflag:s20] =	ssyncadd.s32 $0xFFFFF000  }
0x40: {  	[spmem:s13] =	stream.linear.scatter [tilespmem:s19], [sflag:$0x5], $0x1000, $0x38;
	[tilespmem:$0x1D000] =	vst v63  }
0x41: {  	_ =	swait.ge [sflag:s20], $0x1000  }
0x42: {  	[sflag:s20] =	ssyncset.done $0x0  }
0x43: {  	[sflag:s20] =	ssyncadd.s32 $0xFFFFF000  }
0x44: {  	[spmem:s14] =	stream.linear.scatter [tilespmem:s19], [sflag:$0x5], $0x1000, $0x38;
	[tilespmem:$0x1D000] =	vst v63  }
0x45: {  	_ =	swait.ge [sflag:s20], $0x1000  }
0x46: {  	[sflag:s20] =	ssyncset.done $0x0  }
0x47: {  	[sflag:s20] =	ssyncadd.s32 $0xFFFFF000  }
0x48: {  	s21 =	simm.s32 $0x0;
	s6 =	simm.s32 $0x5000;
	[bflag:$0x0] =	sbarrier.arrive $0xFFFF  }
0x49: {  	[tilespmem:s6], [sflag:$0x5] =	stream.linear.gather [hbm4b:s15+s21], $0x5000, $0x38;
	[tilespmem:$0x1D000] =	vst v63  }
0x4a: {  	_ =	swait.ge [sflag:s20], $0x5000  }
0x4b: {  	[sflag:s20] =	ssyncset.done $0x0  }
0x4c: {  	[sflag:s20] =	ssyncadd.s32 $0xFFFFB000  }
0x4d: {  	[tilespmem:s21], [sflag:$0x5] =	stream.linear.gather [hbm4b:s18+s21], $0x5000, $0x38;
	[tilespmem:$0x1D000] =	vst v63  }
0x4e: {  	_ =	swait.ge [sflag:s20], $0x5000  }
0x4f: {  	[sflag:s20] =	ssyncset.done $0x0  }
0x50: {  	[sflag:s20] =	ssyncadd.s32 $0xFFFFB000  }
0x51: {  	[tilespmem:s23], [sflag:$0x1] =	stream.indirect.gather [hbm4b:s4+s22], $0x40, s21, s22, $0xb8;
	[tilespmem:$0x1D000] =	vst v63  }
0x52: {  	_ = 	snop  }
0x53: {  	[tilespmem:s24], [sflag:$0x2] =	stream.indirect.gather [hbm4b:s4+s22], $0x40, s22, s22, $0xb8;
	[tilespmem:$0x1D000] =	vst v63  }
0x54: {  	s21 =	simm.s32 $0x100  }
0x55: {  	[tilespmem:s26], [sflag:$0x3] =	stream.indirect.gather [hbm4b:s4+s22], $0x40, s21, s22, $0xb8;
	[tilespmem:$0x1D000] =	vst v63  }
0x56: {  	s6 =	simm.s32 $0x180  }
0x57: {  	[tilespmem:s29], [sflag:$0x4] =	stream.indirect.gather [hbm4b:s4+s22], $0x40, s6, s22, $0xb8;
	[tilespmem:$0x1D000] =	vst v63  }
0x58: {  	_ =	swait.ge [sflag:s30], $0x2000  }
0x59: {  	[sflag:s30] =	ssyncset.done $0x0  }
0x5a: {  	s21 =	simm.s32 $0x5000;
	[sflag:s30] =	ssyncadd.s32 $0xFFFFE000  }
0x5b: {  	[spmem:s2] =	stream.indirect.scatter.add.f32 [tilespmem:s23], [sflag:$0x5], $0x40, s21, s22, $0xb8;
	[tilespmem:$0x1D000] =	vst v63  }
0x5c: {  	_ =	swait.ge [sflag:s20], $0x2000  }
0x5d: {  	[sflag:s20] =	ssyncset.done $0x0  }
0x5e: {  	s6 =	simm.s32 $0x200;
	[sflag:s20] =	ssyncadd.s32 $0xFFFFE000  }
0x5f: {  	[tilespmem:s23], [sflag:$0x1] =	stream.indirect.gather [hbm4b:s4+s22], $0x40, s6, s22, $0xb8;
	[tilespmem:$0x1D000] =	vst v63  }
0x60: {  	_ =	swait.ge [sflag:s31], $0x2000  }
0x61: {  	[sflag:s31] =	ssyncset.done $0x0  }
0x62: {  	s21 =	simm.s32 $0x5080;
	[sflag:s31] =	ssyncadd.s32 $0xFFFFE000  }
0x63: {  	[spmem:s2] =	stream.indirect.scatter.add.f32 [tilespmem:s24], [sflag:$0x5], $0x40, s21, s22, $0xb8;
	[tilespmem:$0x1D000] =	vst v63  }
0x64: {  	_ =	swait.ge [sflag:s20], $0x2000  }
0x65: {  	[sflag:s20] =	ssyncset.done $0x0  }
0x66: {  	s6 =	simm.s32 $0x280;
	[sflag:s20] =	ssyncadd.s32 $0xFFFFE000  }
0x67: {  	[tilespmem:s24], [sflag:$0x2] =	stream.indirect.gather [hbm4b:s4+s22], $0x40, s6, s22, $0xb8;
	[tilespmem:$0x1D000] =	vst v63  }
0x68: {  	_ =	swait.ge [sflag:s0], $0x2000  }
0x69: {  	[sflag:s0] =	ssyncset.done $0x0  }
0x6a: {  	s21 =	simm.s32 $0x5100;
	[sflag:s0] =	ssyncadd.s32 $0xFFFFE000  }
0x6b: {  	[spmem:s2] =	stream.indirect.scatter.add.f32 [tilespmem:s26], [sflag:$0x5], $0x40, s21, s22, $0xb8;
	[tilespmem:$0x1D000] =	vst v63  }
0x6c: {  	_ =	swait.ge [sflag:s20], $0x2000  }
0x6d: {  	[sflag:s20] =	ssyncset.done $0x0  }
0x6e: {  	s6 =	simm.s32 $0x300;
	[sflag:s20] =	ssyncadd.s32 $0xFFFFE000  }
0x6f: {  	[tilespmem:s26], [sflag:$0x3] =	stream.indirect.gather [hbm4b:s4+s22], $0x40, s6, s22, $0xb8;
	[tilespmem:$0x1D000] =	vst v63  }
0x70: {  	_ =	swait.ge [sflag:s1], $0x2000  }
0x71: {  	[sflag:s1] =	ssyncset.done $0x0  }
0x72: {  	s21 =	simm.s32 $0x5180;
	[sflag:s1] =	ssyncadd.s32 $0xFFFFE000  }
0x73: {  	[spmem:s2] =	stream.indirect.scatter.add.f32 [tilespmem:s29], [sflag:$0x5], $0x40, s21, s22, $0xb8;
	[tilespmem:$0x1D000] =	vst v63  }
0x74: {  	_ =	swait.ge [sflag:s20], $0x2000  }
0x75: {  	[sflag:s20] =	ssyncset.done $0x0  }
0x76: {  	s28 =	simm.s32 $0x800;
	s3 =	simm.s32 $0x380;
	[sflag:s20] =	ssyncadd.s32 $0xFFFFE000  }
.LBB2_4:
0x77: {  	[tilespmem:s29], [sflag:$0x4] =	stream.indirect.gather [hbm4b:s4+s22], $0x40, s3, s22, $0xb8;
	[tilespmem:$0x1D000] =	vst v63  }
0x78: {  	s3 =	smov.u32 s28  }
0x79: {  	p0 =	sne.s32 s28, $0x13000;
	s28 =	sadd.s32 $0x800, s28;
	_ =	swait.ge [sflag:s30], $0x2000  }
0x7a: {  	s21 =	sshra.s32 s3, $0x2;
	[sflag:s30] =	ssyncset.done $0x0  }
0x7b: {  	s3 =	sadd.s32 $0x5000, s21;
	[sflag:s30] =	ssyncadd.s32 $0xFFFFE000  }
0x7c: {  	[spmem:s2] =	stream.indirect.scatter.add.f32 [tilespmem:s23], [sflag:$0x5], $0x40, s3, s22, $0xb8;
	[tilespmem:$0x1D000] =	vst v63  }
0x7d: {  	_ =	swait.ge [sflag:s20], $0x2000  }
0x7e: {  	[sflag:s20] =	ssyncset.done $0x0  }
0x7f: {  	s3 =	sadd.s32 $0x200, s21;
	[sflag:s20] =	ssyncadd.s32 $0xFFFFE000  }
0x80: {  	[tilespmem:s23], [sflag:$0x1] =	stream.indirect.gather [hbm4b:s4+s22], $0x40, s3, s22, $0xb8;
	[tilespmem:$0x1D000] =	vst v63  }
0x81: {  	_ =	swait.ge [sflag:s31], $0x2000  }
0x82: {  	[sflag:s31] =	ssyncset.done $0x0  }
0x83: {  	s3 =	sadd.s32 $0x5080, s21;
	[sflag:s31] =	ssyncadd.s32 $0xFFFFE000  }
0x84: {  	[spmem:s2] =	stream.indirect.scatter.add.f32 [tilespmem:s24], [sflag:$0x5], $0x40, s3, s22, $0xb8;
	[tilespmem:$0x1D000] =	vst v63  }
0x85: {  	_ =	swait.ge [sflag:s20], $0x2000  }
0x86: {  	[sflag:s20] =	ssyncset.done $0x0  }
0x87: {  	s3 =	sadd.s32 $0x280, s21;
	[sflag:s20] =	ssyncadd.s32 $0xFFFFE000  }
0x88: {  	[tilespmem:s24], [sflag:$0x2] =	stream.indirect.gather [hbm4b:s4+s22], $0x40, s3, s22, $0xb8;
	[tilespmem:$0x1D000] =	vst v63  }
0x89: {  	_ =	swait.ge [sflag:s0], $0x2000  }
0x8a: {  	[sflag:s0] =	ssyncset.done $0x0  }
0x8b: {  	s3 =	sadd.s32 $0x5100, s21;
	[sflag:s0] =	ssyncadd.s32 $0xFFFFE000  }
0x8c: {  	[spmem:s2] =	stream.indirect.scatter.add.f32 [tilespmem:s26], [sflag:$0x5], $0x40, s3, s22, $0xb8;
	[tilespmem:$0x1D000] =	vst v63  }
0x8d: {  	_ =	swait.ge [sflag:s20], $0x2000  }
0x8e: {  	[sflag:s20] =	ssyncset.done $0x0  }
0x8f: {  	s3 =	sadd.s32 $0x300, s21;
	[sflag:s20] =	ssyncadd.s32 $0xFFFFE000  }
0x90: {  	[tilespmem:s26], [sflag:$0x3] =	stream.indirect.gather [hbm4b:s4+s22], $0x40, s3, s22, $0xb8;
	[tilespmem:$0x1D000] =	vst v63  }
0x91: {  	_ =	swait.ge [sflag:s1], $0x2000  }
0x92: {  	[sflag:s1] =	ssyncset.done $0x0  }
.Ltmp1:
0x93: {  	s3 =	sadd.s32 $0x5180, s21;
	[sflag:s1] =	ssyncadd.s32 $0xFFFFE000;
	(pc) =	sbr.rel @p0 .LBB2_4-.Ltmp1, $4  }
0x94: {  	[spmem:s2] =	stream.indirect.scatter.add.f32 [tilespmem:s29], [sflag:$0x5], $0x40, s3, s22, $0xb8;
	[tilespmem:$0x1D000] =	vst v63  }
0x95: {  	_ =	swait.ge [sflag:s20], $0x2000  }
0x96: {  	[sflag:s20] =	ssyncset.done $0x0  }
0x97: {  	s3 =	sadd.s32 $0x380, s21;
	[sflag:s20] =	ssyncadd.s32 $0xFFFFE000  }
0x98: {  	[tilespmem:s29], [sflag:$0x4] =	stream.indirect.gather [hbm4b:s4+s22], $0x40, s3, s22, $0xb8;
	[tilespmem:$0x1D000] =	vst v63  }
0x99: {  	_ =	swait.ge [sflag:s30], $0x2000  }
0x9a: {  	[sflag:s30] =	ssyncset.done $0x0  }
0x9b: {  	s21 =	simm.s32 $0x9E00;
	[sflag:s30] =	ssyncadd.s32 $0xFFFFE000  }
0x9c: {  	[spmem:s2] =	stream.indirect.scatter.add.f32 [tilespmem:s23], [sflag:$0x5], $0x40, s21, s22, $0xb8;
	[tilespmem:$0x1D000] =	vst v63  }
0x9d: {  	_ =	swait.ge [sflag:s20], $0x2000  }
0x9e: {  	[sflag:s20] =	ssyncset.done $0x0  }
0x9f: {  	[sflag:s20] =	ssyncadd.s32 $0xFFFFE000  }
0xa0: {  	_ =	swait.ge [sflag:s31], $0x2000  }
0xa1: {  	[sflag:s31] =	ssyncset.done $0x0  }
0xa2: {  	s28 =	simm.s32 $0x9E80;
	[sflag:s31] =	ssyncadd.s32 $0xFFFFE000  }
0xa3: {  	[spmem:s2] =	stream.indirect.scatter.add.f32 [tilespmem:s24], [sflag:$0x5], $0x40, s28, s22, $0xb8;
	[tilespmem:$0x1D000] =	vst v63  }
0xa4: {  	_ =	swait.ge [sflag:s20], $0x2000  }
0xa5: {  	[sflag:s20] =	ssyncset.done $0x0  }
0xa6: {  	[sflag:s20] =	ssyncadd.s32 $0xFFFFE000  }
0xa7: {  	_ =	swait.ge [sflag:s0], $0x2000  }
0xa8: {  	[sflag:s0] =	ssyncset.done $0x0  }
0xa9: {  	s6 =	simm.s32 $0x9F00;
	[sflag:s0] =	ssyncadd.s32 $0xFFFFE000  }
0xaa: {  	[spmem:s2] =	stream.indirect.scatter.add.f32 [tilespmem:s26], [sflag:$0x5], $0x40, s6, s22, $0xb8;
	[tilespmem:$0x1D000] =	vst v63  }
0xab: {  	_ =	swait.ge [sflag:s20], $0x2000  }
0xac: {  	[sflag:s20] =	ssyncset.done $0x0  }
0xad: {  	[sflag:s20] =	ssyncadd.s32 $0xFFFFE000  }
0xae: {  	_ =	swait.ge [sflag:s1], $0x2000  }
0xaf: {  	[sflag:s1] =	ssyncset.done $0x0  }
0xb0: {  	s21 =	simm.s32 $0x9F80;
	[sflag:s1] =	ssyncadd.s32 $0xFFFFE000  }
0xb1: {  	[spmem:s2] =	stream.indirect.scatter.add.f32 [tilespmem:s29], [sflag:$0x5], $0x40, s21, s22, $0xb8;
	[tilespmem:$0x1D000] =	vst v63  }
0xb2: {  	s28 =	stileid.u32;
	_ =	swait.ge [sflag:s20], $0x2000  }
0xb3: {  	s25 =	sadd.s32 $0x1, s25;
	s3 =	sshll.u32 s28, $0x6;
	[sflag:s20] =	ssyncset.done $0x0  }
0xb4: {  	p0 =	sne.s32 s25, s17;
	s3 =	sor.u32 $0x1C05, s3;
	[sflag:s20] =	ssyncadd.s32 $0xFFFFE000  }
.Ltmp2:
0xb5: {  	s6 =	sshrl.u32 s5, $0x3;
	[bflag:$0x0] =	sbarrier.arrive $0xFFFF;
	(pc) =	sbr.rel @p0 .LBB2_1-.Ltmp2, $4  }
0xb6: {  	[hbm:s16], [sflag:s3] =	dma.local [spmem:s6], $0x1400  }
0xb7: {  	_ =	swait.ge [sflag:s20], $0x1400  }
0xb8: {  	[sflag:s20] =	ssyncset.done $0x0  }
0xb9: {  	[sflag:s20] =	ssyncadd.s32 $0xFFFFEC00  }
0xba: {  	_ =	sfence.sel $0x180000  }
0xbb: {  	[bflag:$0x0] =	sbarrier.arrive $0xFFFF  }
0xbc: {  	_ =	strace $0x9000004D  }
0xbd: {  	s0 =	stileid.u32;
	[bflag:$0x2] =	sbarrier.arrive $0xFFFF  }
0xbe: {  	p0 =	sne.s32 s0, $0x0;
	s0 =	rddreg [dreg:$0x3]  }
0xbf: {  	s0 =	sadd.s32 @!p0 $0x100000, s0  }
0xc0: {  	[sflag:s0] =	ssyncadd.tile.s32 @!p0 $0x1;
	_ =	shalt  }
.Lfunc_end2:
_tile_overlayer_lowered:
.L_overlay_start_2:
0xc1: {  	(tag) =	ssettag $0x2  }
0xc2: {  	s0 =	rddreg [dreg:$0x0];
	s2 =	stileid.u32  }
0xc3: {  	s1 =	rddreg [dreg:$0x1];
	p0 =	sne.s32 s2, $0x0  }
0xc4: {  	s3 =	rddreg [dreg:$0x2];
	[bflag:$0x3] =	sbarrier.arrive $0xFFFF;
	s2 =	simm.s32 @!p0 $0x1C05  }
0xc5: {  	[timem:s3], [sflag:s2] =	dma.local @!p0 [hbm:s0], s1  }
0xc6: {  	s0 =	simm.s32 @!p0 $0x5  }
0xc7: {  	_ =	swait.ge @!p0 [sflag:s0], s1  }
0xc8: {  	s1 =	ssub.s32 @!p0 $0x0, s1;
	[sflag:s0] =	ssyncset.done @!p0 $0x0  }
0xc9: {  	[sflag:s0] =	ssyncadd.s32 @!p0 s1  }
0xca: {  	[bflag:$0x3] =	sbarrier.arrive $0xFFFF  }
0xcb: {  	_ =	shalt  }

// kernel: kernel.15.cloned.1.call-start
scs
__scs_entry_jumppad:
0x0: {  	(pc) =	sbr.rel $0x88, $3  }
0x1: {  	(tag) =	ssettag $0x0;
	lr =	simm.s32 $0x1  }
0x2: {  	[smem:$0x3F9B] =	sst lr;
	_ =	strace $0xD0000000  }
0x3: {  	_ = 	snop  }
0x4: {  	_ = 	snop  }
0x5: {  	_ = 	snop  }
0x6: {  	_ = 	snop  }
0x7: {  	_ = 	snop  }
__scs_overlays_trampoline_lowered:
0x8: {  	[smem:$0x3FAA] =	sst s0  }
0x9: {  	[smem:$0x3FAB] =	sst s1  }
0xa: {  	[smem:$0x3FAC] =	sst s2  }
0xb: {  	[smem:$0x3FAD] =	sst s3  }
0xc: {  	[smem:$0x3FAE] =	sst s4  }
0xd: {  	[smem:$0x3FAF] =	sst s5  }
0xe: {  	[smem:$0x3FB0] =	sst s6  }
0xf: {  	[smem:$0x3FB1] =	sst s7  }
0x10: {  	[smem:$0x3FB2] =	sst s8  }
0x11: {  	[smem:$0x3FB3] =	sst s9;
	s0 =	simm.s32 @!p0 $0x0  }
0x12: {  	s1 =	sld [smem:$0x3F99];
	s0 =	simm.s32 @p0 $0x1  }
0x13: {  	[smem:$0x3FB4] =	sst s0;
	s0 =	simm.s32 @!p1 $0x0  }
0x14: {  	s2 =	sld [smem:$0x3F98];
	s0 =	simm.s32 @p1 $0x1  }
0x15: {  	[smem:$0x3FB5] =	sst s0;
	s0 =	simm.s32 @!p2 $0x0  }
0x16: {  	s3 =	sld [smem:$0x3FDB];
	s0 =	simm.s32 @p2 $0x1  }
0x17: {  	s4 =	simm.s32 $0x1BF5;
	[smem:$0x3FB7] =	sst s0  }
0x18: {  	s0 =	sld [smem:$0x3F9A];
	_ =	swait.ge [sflag:s4], $0x0  }
0x19: {  	s7 =	sld [smem:$0x3F9B]  }
0x1a: {  	s8 =	sadd.s32 $0xFFFFE003, lr  }
0x1b: {  	s9 =	sadd.s32 $0xFFFFFEF7, lr;
	s5 =	simm.s32 $0xFFFFFFFF;
	p2 =	slt.u32 s8, $0xFFFFF086  }
0x1c: {  	p1 =	slt.u32 s9, $0xF7A;
	s5 =	simm.s32 @!p2 $0x0  }
0x1d: {  	s5 =	simm.s32 @p1 $0x1;
	p0 =	seq.s32 s7, s2  }
0x1e: {  	s7 =	smul.u32 @!p0 $0xF7A, s2;
	p2 =	seq.s32 @!p0 s5, $0x0  }
0x1f: {  	s9 =	smul.u32 $0xF7A, s1;
	s8 =	simm.s32 @!p0 $0x1BF5;
	p2 =	por !p2, p0  }
0x20: {  	[sflag:s8] =	ssyncset.s32 @!p0 $0xFFFFF086;
	s6 =	sadd.s32 @!p0 s3, s7;
	s7 =	simm.s32 @!p0 $0x108  }
0x21: {  	s3 =	sadd.s32 s3, s9;
	s6 =	sadd.s32 @!p0 $0x88, s6;
	s7 =	simm.s32 @p2 $0x1082  }
0x22: {  	[simem:s7], [sflag:s8] =	dma.local @!p0 [hbm:s6], $0xF7A  }
0x23: {  	s9 =	sor.u32 $0xD0000000, s2;
	s6 =	simm.s32 $0x108;
	_ =	swait.ge @!p0 [sflag:s8], $0x0  }
0x24: {  	s3 =	sadd.s32 $0x88, s3;
	s6 =	simm.s32 @!p1 $0x1082;
	[sflag:s4] =	ssyncset.s32 $0xFFFFF086  }
0x25: {  	[simem:s6], [sflag:s4] =	dma.local [hbm:s3], $0xF7A  }
0x26: {  	[smem:$0x3F9B] =	sst s1;
	(tag) =	ssettag s2;
	_ =	strace s9  }
0x27: {  	s1 =	sld [smem:$0x3FAB]  }
0x28: {  	s2 =	sld [smem:$0x3FAC]  }
0x29: {  	s4 =	sld [smem:$0x3FAE]  }
0x2a: {  	p0 =	seq.s32 s5, $0x0;
	s5 =	sld [smem:$0x3FAF]  }
0x2b: {  	s6 =	sld [smem:$0x3FB0]  }
0x2c: {  	s7 =	sld [smem:$0x3FB1]  }
0x2d: {  	s3 =	simm.s32 $0x108;
	s8 =	sld [smem:$0x3FB2]  }
0x2e: {  	s3 =	simm.s32 @!p0 $0x1082;
	s9 =	sld [smem:$0x3FB3]  }
0x2f: {  	lr =	sadd.s32 s0, s3;
	s0 =	sld [smem:$0x3FAA]  }
0x30: {  	s3 =	sld [smem:$0x3FAD]  }
0x31: {  	[smem:$0x3FB6] =	sst s10  }
0x32: {  	s10 =	sld [smem:$0x3FB4];
	_ =	sdelay $0x3  }
0x33: {  	p0 =	seq.s32 s10, $0x1;
	s10 =	sld [smem:$0x3FB6];
	_ =	sdelay $0x3  }
0x34: {  	[smem:$0x3FB6] =	sst s10  }
0x35: {  	s10 =	sld [smem:$0x3FB5];
	_ =	sdelay $0x3  }
0x36: {  	p1 =	seq.s32 s10, $0x1;
	s10 =	sld [smem:$0x3FB6];
	_ =	sdelay $0x3  }
0x37: {  	[smem:$0x3FB6] =	sst s10  }
0x38: {  	s10 =	sld [smem:$0x3FB7]  }
0x39: {  	_ = 	snop;
	(pc) =	sbr.ind lr, $3  }
0x3a: {  	_ = 	snop  }
0x3b: {  	_ = 	snop  }
0x3c: {  	p2 =	seq.s32 s10, $0x1;
	s10 =	sld [smem:$0x3FB6]  }
0x3d: {  	_ =	shalt  }
0x3e: {  	_ =	shalt  }
0x3f: {  	_ =	shalt  }
0x40: {  	_ =	shalt  }
0x41: {  	_ =	shalt  }
0x42: {  	_ =	shalt  }
0x43: {  	_ =	shalt  }
0x44: {  	_ =	shalt  }
0x45: {  	_ =	shalt  }
0x46: {  	_ =	shalt  }
0x47: {  	_ =	shalt  }
0x48: {  	_ =	shalt  }
0x49: {  	_ =	shalt  }
0x4a: {  	_ =	shalt  }
0x4b: {  	_ =	shalt  }
0x4c: {  	_ =	shalt  }
0x4d: {  	_ =	shalt  }
0x4e: {  	_ =	shalt  }
0x4f: {  	_ =	shalt  }
0x50: {  	_ =	shalt  }
0x51: {  	_ =	shalt  }
0x52: {  	_ =	shalt  }
0x53: {  	_ =	shalt  }
0x54: {  	_ =	shalt  }
0x55: {  	_ =	shalt  }
0x56: {  	_ =	shalt  }
0x57: {  	_ =	shalt  }
0x58: {  	_ =	shalt  }
0x59: {  	_ =	shalt  }
0x5a: {  	_ =	shalt  }
0x5b: {  	_ =	shalt  }
0x5c: {  	_ =	shalt  }
0x5d: {  	_ =	shalt  }
0x5e: {  	_ =	shalt  }
0x5f: {  	_ =	shalt  }
0x60: {  	_ =	shalt  }
0x61: {  	_ =	shalt  }
0x62: {  	_ =	shalt  }
0x63: {  	_ =	shalt  }
0x64: {  	_ =	shalt  }
0x65: {  	_ =	shalt  }
0x66: {  	_ =	shalt  }
0x67: {  	_ =	shalt  }
0x68: {  	_ =	shalt  }
0x69: {  	_ =	shalt  }
0x6a: {  	_ =	shalt  }
0x6b: {  	_ =	shalt  }
0x6c: {  	_ =	shalt  }
0x6d: {  	_ =	shalt  }
0x6e: {  	_ =	shalt  }
0x6f: {  	_ =	shalt  }
0x70: {  	_ =	shalt  }
0x71: {  	_ =	shalt  }
0x72: {  	_ =	shalt  }
0x73: {  	_ =	shalt  }
0x74: {  	_ =	shalt  }
0x75: {  	_ =	shalt  }
0x76: {  	_ =	shalt  }
0x77: {  	_ =	shalt  }
0x78: {  	_ =	shalt  }
0x79: {  	_ =	shalt  }
0x7a: {  	_ =	shalt  }
0x7b: {  	_ =	shalt  }
0x7c: {  	_ =	shalt  }
0x7d: {  	_ =	shalt  }
0x7e: {  	_ =	shalt  }
0x7f: {  	_ =	shalt  }
0x80: {  	_ =	shalt  }
0x81: {  	_ =	shalt  }
0x82: {  	_ =	shalt  }
0x83: {  	_ =	shalt  }
0x84: {  	_ =	shalt  }
0x85: {  	_ =	shalt  }
0x86: {  	_ =	shalt  }
0x87: {  	_ =	shalt  }
.Lfunc_end0:
.L_simem_size_0:
called_computation.2_lowered:
.L_overlay_start_0:
0x88: {  	s2 =	sld [smem:$0x3FD9]  }
0x89: {  	s3 =	sld [smem:$0x3FFE];
	_ =	sdelay $0x1  }
0x8a: {  	s1 =	srdreg.scid  }
0x8b: {  	s0 =	sand.u32 $0x1, s1  }
0x8c: {  	s17 =	sshll.u32 s0, $0xA;
	s2 =	sadd.s32 s3, s2  }
0x8d: {  	s2 =	sadd.s32 s2, s17  }
0x8e: {  	[smem:$0x3FC2] =	sst s2  }
0x8f: {  	_ = 	snop  }
0x90: {  	s2 =	sld [smem:$0x3FD0];
	(tm) =	ssettm $0x1  }
0x91: {  	s18 =	sld [smem:$0x3FFB];
	_ =	sdelay $0x3  }
0x92: {  	_ =	strace s18  }
0x93: {  	s3 =	sld [smem:$0x3FFC];
	_ =	sdelay $0x3  }
0x94: {  	_ =	strace s3  }
0x95: {  	s3 =	sld [smem:$0x3FFD];
	_ =	sdelay $0x3  }
0x96: {  	_ =	strace s3  }
0x97: {  	_ =	strace $0x8FFFFFFF  }
0x98: {  	s19 =	sld [smem:$0x3FDB];
	_ =	sdelay $0x1  }
0x99: {  	s4 =	simm.s32 $_scs_section_size  }
0x9a: {  	s5 =	simm.s32 $_size__tile_overlayer_lowered;
	s6 =	simm.s32 $_tile_overlayer_lowered  }
0x9b: {  	s22 =	simm.s32 $0x1BFF;
	s21 =	sshll.u32 s6, $0x1;
	s3 =	sadd.s32 s4, s19  }
0x9c: {  	s7 =	simm.s32 $0x0;
	s20 =	sshll.u32 s5, $0x1;
	s5 =	sadd.s32 s21, s3  }
0x9d: {  	[timem:s7], [sflag:s22] =	dma.local [hbm:s5], s20  }
0x9e: {  	_ =	swait.ge [sflag:s22], s20  }
0x9f: {  	s4 =	ssub.s32 $0x0, s20;
	[sflag:s22] =	ssyncset.done $0x0  }
0xa0: {  	[sflag:s22] =	ssyncadd.s32 s4;
	_ =	sdelay $0x1  }
0xa1: {  	s23 =	simm.s32 $0x1B8B  }
0xa2: {  	_ =	swait.ge [sflag:s23], $0x1  }
0xa3: {  	[sflag:s23] =	ssyncset.done $0x0  }
0xa4: {  	s25 =	simm.s32 $0x1B8E;
	s24 =	sld [smem:$0x3FFE];
	[sflag:s23] =	ssyncadd.s32 $0xFFFFFFFF  }
0xa5: {  	s26 =	simm.s32 $execute0_lowered;
	[smem:$0x3FD2] =	sst s25  }
0xa6: {  	s5 =	sshll.u32 s26, $0x1;
	_ =	strace $0x80000049;
	[dreg:$0x1] =	wrdreg $0xFFFFFFFF  }
0xa7: {  	s28 =	simm.s32 $_size_execute0_lowered;
	s3 =	sadd.s32 s3, s5;
	[dreg:$0x0] =	wrdreg $0x0  }
0xa8: {  	s5 =	sshll.u32 s28, $0x1;
	[dreg:$0x2] =	wrdreg s3  }
0xa9: {  	[dreg:$0x3] =	wrdreg s5  }
0xaa: {  	[dreg:$0x4] =	wrdreg $0xC0  }
0xab: {  	_ =	task [dreg:s7], $0x5FFFF  }
0xac: {  	[dreg:$0x1] =	wrdreg $0xFFFFFFFF  }
0xad: {  	[dreg:$0x0] =	wrdreg $0x60  }
0xae: {  	[dreg:$0x2] =	wrdreg s24  }
0xaf: {  	[dreg:$0x3] =	wrdreg s2  }
0xb0: {  	[dreg:$0x4] =	wrdreg $0x130000  }
0xb1: {  	[dreg:$0x5] =	wrdreg $0xA  }
0xb2: {  	_ =	task.clear_ibuf [dreg:s7], $0x6FFFF;
	_ =	strace $0x90000049  }
0xb3: {  	s29 =	simm.s32 $0xA;
	_ =	strace $0x8000004B  }
0xb4: {  	_ =	swait.ge [sflag:s29], $0x1  }
0xb5: {  	[sflag:s29] =	ssyncadd.s32 $0xFFFFFFFF  }
0xb6: {  	_ =	strace $0x9000004B  }
0xb7: {  	_ =	sfence  }
0xb8: {  	s30 =	sld [smem:$0x0];
	_ =	sdelay $0x2  }
0xb9: {  	s31 =	sshll.u32 s1, $0xD;
	s1 =	sshrl.u32 s1, $0x2  }
0xba: {  	s3 =	sand.u32 $0x4000, s31;
	s1 =	sadd.s32 s1, s30  }
0xbb: {  	s0 =	sor.u32 s3, s0;
	s1 =	sshll.u32 s1, $0x11  }
0xbc: {  	s0 =	sor.u32 s1, s0  }
0xbd: {  	s0 =	sadd.s32 $0x8F2B, s0  }
0xbe: {  	[sflag:s0] =	ssyncadd.remote.s32 $0x1  }
0xbf: {  	_ =	sfence.sel $0xFFFF  }
0xc0: {  	[dreg:$0x0] =	wrdreg $0xFFFFFFFF;
	(pc) =	sbr.abs _section_cstart, $3  }
0xc1: {  	[dreg:$0x1] =	wrdreg $0xFFFFFFFF  }
0xc2: {  	_ =	task.clear_ibuf [dreg:s7], $0x2FFFF;
	_ =	strace $0x9FFFFFFF  }
0xc3: {  	(tm) =	ssettm $0x7FFFFFFF  }
tec
execute0_lowered:
.L_overlay_start_1:
0x0: {  	(tag) =	ssettag $0x1  }
0x1: {  	s0 =	rddreg [dreg:$0x0]  }
0x2: {  	s1 =	rddreg [dreg:$0x1]  }
0x3: {  	s2 =	rddreg [dreg:$0x2]  }
0x4: {  	s13 =	stileid.u32;
	s4 =	simm.s32 $0x0;
	s3 =	srdreg.scid  }
0x5: {  	s19 =	simm.s32 $0x12000;
	s20 =	simm.s32 $0x5;
	s22 =	simm.s32 $0x80  }
0x6: {  	s23 =	simm.s32 $0xA000;
	s24 =	simm.s32 $0xC000;
	s26 =	simm.s32 $0xE000  }
0x7: {  	s29 =	simm.s32 $0x10000;
	s30 =	simm.s32 $0x1;
	s5 =	smul.u32 $0x1400, s13  }
0x8: {  	s31 =	simm.s32 $0x2;
	s25 =	simm.s32 $0x0;
	s6 =	smul.u32 $0x28000, s13  }
0x9: {  	[smem:$0x7FF] =	sst s4;
	s3 =	sand.u32 $0x1, s3;
	s18 =	smul.u32 $0xA00, s13  }
0xa: {  	s4 =	sadd.s32 $0xDF000, s0;
	_ =	strace $0x8000004A;
	s7 =	smul.u32 $0x14000, s3  }
0xb: {  	s8 =	ssub.s32 $0x2, s3;
	p0 =	seq.s32 s3, $0x0;
	s3 =	simm.s32 $0xD000  }
0xc: {  	s6 =	sshrl.u32 s6, $0x2;
	s9 =	sshrl.u32 s8, $0x1;
	s3 =	simm.s32 @!p0 $0x3000  }
0xd: {  	s15 =	sadd.s32 s1, s18;
	s1 =	simm.s32 $0x4;
	s7 =	sadd.s32 s5, s7  }
0xe: {  	s5 =	sadd.s32 s6, s2;
	s17 =	ssub.s32 s8, s9;
	s16 =	sadd.s32 s7, s0  }
0xf: {  	s6 =	sadd.s32 $0x1000, s5;
	s7 =	sadd.s32 $0x2000, s5;
	s8 =	sadd.s32 $0x3000, s5  }
0x10: {  	s9 =	sadd.s32 $0x4000, s5;
	s10 =	sadd.s32 $0x5000, s5;
	s11 =	sadd.s32 $0x6000, s5  }
0x11: {  	s12 =	sadd.s32 $0x7000, s5;
	s13 =	sadd.s32 $0x8000, s5;
	s14 =	sadd.s32 $0x9000, s5  }
0x12: {  	s0 =	sadd.s32 s3, s0;
	s17 =	smax.u32 s17, $0x1;
	[dreg:$0x4] =	wrdreg s6  }
0x13: {  	v0 =	vimm.f32 $0.0e+00;
	s16 =	sadd.s32 $0x107000, s16;
	s18 =	sadd.s32 s0, s18;
	s0 =	simm.s32 $0x3  }
.LBB2_1:
0x14: {  	s6 =	simm.s32 $0x0  }
0x15: {  	s3 =	sand.u32 $0x3F00, s6  }
0x16: {  	s28 =	sand.u32 $0x30, s6;
	s3 =	sshrl.u32 s3, $0x2  }
0x17: {  	s21 =	simm.s32 $0x40;
	s3 =	sor.u32 s28, s3;
	s28 =	simm.s32 $0x0  }
.LBB2_2:
0x18: {  	p0 =	sne.s32 s21, $0x3FC0  }
0x19: {  	[tilespmem:s3+$0x12000] =	vst v0;
	s28 =	sadd.s32 $0x10, s28;
	s3 =	smov.u32 s21;
	s21 =	sadd.s32 $0x40, s21  }
.Ltmp0:
0x1a: {  	(pc) =	sbr.rel @p0 .LBB2_2-.Ltmp0, $4  }
0x1b: {  	_ = 	snop  }
0x1c: {  	s3 =	sand.u32 $0x3F00, s3  }
0x1d: {  	s6 =	sand.u32 $0x30, s28;
	s3 =	sshrl.u32 s3, $0x2  }
0x1e: {  	s3 =	sor.u32 s6, s3  }
0x1f: {  	[tilespmem:s3+$0x12000] =	vst v0  }
0x20: {  	[spmem:s5] =	stream.linear.scatter [tilespmem:s19], [sflag:$0x5], $0x1000, $0x38;
	[tilespmem:$0x1D000] =	vst v63  }
0x21: {  	_ =	swait.ge [sflag:s20], $0x1000  }
0x22: {  	[sflag:s20] =	ssyncset.done $0x0  }
0x23: {  	s6 =	rddreg [dreg:$0x4];
	[sflag:s20] =	ssyncadd.s32 $0xFFFFF000  }
0x24: {  	[spmem:s6] =	stream.linear.scatter [tilespmem:s19], [sflag:$0x5], $0x1000, $0x38;
	[tilespmem:$0x1D000] =	vst v63  }
0x25: {  	_ =	swait.ge [sflag:s20], $0x1000  }
0x26: {  	[sflag:s20] =	ssyncset.done $0x0  }
0x27: {  	[sflag:s20] =	ssyncadd.s32 $0xFFFFF000  }
0x28: {  	[spmem:s7] =	stream.linear.scatter [tilespmem:s19], [sflag:$0x5], $0x1000, $0x38;
	[tilespmem:$0x1D000] =	vst v63  }
0x29: {  	_ =	swait.ge [sflag:s20], $0x1000  }
0x2a: {  	[sflag:s20] =	ssyncset.done $0x0  }
0x2b: {  	[sflag:s20] =	ssyncadd.s32 $0xFFFFF000  }
0x2c: {  	[spmem:s8] =	stream.linear.scatter [tilespmem:s19], [sflag:$0x5], $0x1000, $0x38;
	[tilespmem:$0x1D000] =	vst v63  }
0x2d: {  	_ =	swait.ge [sflag:s20], $0x1000  }
0x2e: {  	[sflag:s20] =	ssyncset.done $0x0  }
0x2f: {  	[sflag:s20] =	ssyncadd.s32 $0xFFFFF000  }
0x30: {  	[spmem:s9] =	stream.linear.scatter [tilespmem:s19], [sflag:$0x5], $0x1000, $0x38;
	[tilespmem:$0x1D000] =	vst v63  }
0x31: {  	_ =	swait.ge [sflag:s20], $0x1000  }
0x32: {  	[sflag:s20] =	ssyncset.done $0x0  }
0x33: {  	[sflag:s20] =	ssyncadd.s32 $0xFFFFF000  }
0x34: {  	[spmem:s10] =	stream.linear.scatter [tilespmem:s19], [sflag:$0x5], $0x1000, $0x38;
	[tilespmem:$0x1D000] =	vst v63  }
0x35: {  	_ =	swait.ge [sflag:s20], $0x1000  }
0x36: {  	[sflag:s20] =	ssyncset.done $0x0  }
0x37: {  	[sflag:s20] =	ssyncadd.s32 $0xFFFFF000  }
0x38: {  	[spmem:s11] =	stream.linear.scatter [tilespmem:s19], [sflag:$0x5], $0x1000, $0x38;
	[tilespmem:$0x1D000] =	vst v63  }
0x39: {  	_ =	swait.ge [sflag:s20], $0x1000  }
0x3a: {  	[sflag:s20] =	ssyncset.done $0x0  }
0x3b: {  	[sflag:s20] =	ssyncadd.s32 $0xFFFFF000  }
0x3c: {  	[spmem:s12] =	stream.linear.scatter [tilespmem:s19], [sflag:$0x5], $0x1000, $0x38;
	[tilespmem:$0x1D000] =	vst v63  }
0x3d: {  	_ =	swait.ge [sflag:s20], $0x1000  }
0x3e: {  	[sflag:s20] =	ssyncset.done $0x0  }
0x3f: {  	[sflag:s20] =	ssyncadd.s32 $0xFFFFF000  }
0x40: {  	[spmem:s13] =	stream.linear.scatter [tilespmem:s19], [sflag:$0x5], $0x1000, $0x38;
	[tilespmem:$0x1D000] =	vst v63  }
0x41: {  	_ =	swait.ge [sflag:s20], $0x1000  }
0x42: {  	[sflag:s20] =	ssyncset.done $0x0  }
0x43: {  	[sflag:s20] =	ssyncadd.s32 $0xFFFFF000  }
0x44: {  	[spmem:s14] =	stream.linear.scatter [tilespmem:s19], [sflag:$0x5], $0x1000, $0x38;
	[tilespmem:$0x1D000] =	vst v63  }
0x45: {  	_ =	swait.ge [sflag:s20], $0x1000  }
0x46: {  	[sflag:s20] =	ssyncset.done $0x0  }
0x47: {  	[sflag:s20] =	ssyncadd.s32 $0xFFFFF000  }
0x48: {  	s21 =	simm.s32 $0x0;
	s6 =	simm.s32 $0x5000;
	[bflag:$0x0] =	sbarrier.arrive $0xFFFF  }
0x49: {  	[tilespmem:s6], [sflag:$0x5] =	stream.linear.gather [hbm4b:s15+s21], $0x5000, $0x38;
	[tilespmem:$0x1D000] =	vst v63  }
0x4a: {  	_ =	swait.ge [sflag:s20], $0x5000  }
0x4b: {  	[sflag:s20] =	ssyncset.done $0x0  }
0x4c: {  	[sflag:s20] =	ssyncadd.s32 $0xFFFFB000  }
0x4d: {  	[tilespmem:s21], [sflag:$0x5] =	stream.linear.gather [hbm4b:s18+s21], $0x5000, $0x38;
	[tilespmem:$0x1D000] =	vst v63  }
0x4e: {  	_ =	swait.ge [sflag:s20], $0x5000  }
0x4f: {  	[sflag:s20] =	ssyncset.done $0x0  }
0x50: {  	[sflag:s20] =	ssyncadd.s32 $0xFFFFB000  }
0x51: {  	[tilespmem:s23], [sflag:$0x1] =	stream.indirect.gather [hbm4b:s4+s22], $0x40, s21, s22, $0xb8;
	[tilespmem:$0x1D000] =	vst v63  }
0x52: {  	_ = 	snop  }
0x53: {  	[tilespmem:s24], [sflag:$0x2] =	stream.indirect.gather [hbm4b:s4+s22], $0x40, s22, s22, $0xb8;
	[tilespmem:$0x1D000] =	vst v63  }
0x54: {  	s21 =	simm.s32 $0x100  }
0x55: {  	[tilespmem:s26], [sflag:$0x3] =	stream.indirect.gather [hbm4b:s4+s22], $0x40, s21, s22, $0xb8;
	[tilespmem:$0x1D000] =	vst v63  }
0x56: {  	s6 =	simm.s32 $0x180  }
0x57: {  	[tilespmem:s29], [sflag:$0x4] =	stream.indirect.gather [hbm4b:s4+s22], $0x40, s6, s22, $0xb8;
	[tilespmem:$0x1D000] =	vst v63  }
0x58: {  	_ =	swait.ge [sflag:s30], $0x2000  }
0x59: {  	[sflag:s30] =	ssyncset.done $0x0  }
0x5a: {  	s21 =	simm.s32 $0x5000;
	[sflag:s30] =	ssyncadd.s32 $0xFFFFE000  }
0x5b: {  	[spmem:s2] =	stream.indirect.scatter.add.f32 [tilespmem:s23], [sflag:$0x5], $0x40, s21, s22, $0xb8;
	[tilespmem:$0x1D000] =	vst v63  }
0x5c: {  	_ =	swait.ge [sflag:s20], $0x2000  }
0x5d: {  	[sflag:s20] =	ssyncset.done $0x0  }
0x5e: {  	s6 =	simm.s32 $0x200;
	[sflag:s20] =	ssyncadd.s32 $0xFFFFE000  }
0x5f: {  	[tilespmem:s23], [sflag:$0x1] =	stream.indirect.gather [hbm4b:s4+s22], $0x40, s6, s22, $0xb8;
	[tilespmem:$0x1D000] =	vst v63  }
0x60: {  	_ =	swait.ge [sflag:s31], $0x2000  }
0x61: {  	[sflag:s31] =	ssyncset.done $0x0  }
0x62: {  	s21 =	simm.s32 $0x5080;
	[sflag:s31] =	ssyncadd.s32 $0xFFFFE000  }
0x63: {  	[spmem:s2] =	stream.indirect.scatter.add.f32 [tilespmem:s24], [sflag:$0x5], $0x40, s21, s22, $0xb8;
	[tilespmem:$0x1D000] =	vst v63  }
0x64: {  	_ =	swait.ge [sflag:s20], $0x2000  }
0x65: {  	[sflag:s20] =	ssyncset.done $0x0  }
0x66: {  	s6 =	simm.s32 $0x280;
	[sflag:s20] =	ssyncadd.s32 $0xFFFFE000  }
0x67: {  	[tilespmem:s24], [sflag:$0x2] =	stream.indirect.gather [hbm4b:s4+s22], $0x40, s6, s22, $0xb8;
	[tilespmem:$0x1D000] =	vst v63  }
0x68: {  	_ =	swait.ge [sflag:s0], $0x2000  }
0x69: {  	[sflag:s0] =	ssyncset.done $0x0  }
0x6a: {  	s21 =	simm.s32 $0x5100;
	[sflag:s0] =	ssyncadd.s32 $0xFFFFE000  }
0x6b: {  	[spmem:s2] =	stream.indirect.scatter.add.f32 [tilespmem:s26], [sflag:$0x5], $0x40, s21, s22, $0xb8;
	[tilespmem:$0x1D000] =	vst v63  }
0x6c: {  	_ =	swait.ge [sflag:s20], $0x2000  }
0x6d: {  	[sflag:s20] =	ssyncset.done $0x0  }
0x6e: {  	s6 =	simm.s32 $0x300;
	[sflag:s20] =	ssyncadd.s32 $0xFFFFE000  }
0x6f: {  	[tilespmem:s26], [sflag:$0x3] =	stream.indirect.gather [hbm4b:s4+s22], $0x40, s6, s22, $0xb8;
	[tilespmem:$0x1D000] =	vst v63  }
0x70: {  	_ =	swait.ge [sflag:s1], $0x2000  }
0x71: {  	[sflag:s1] =	ssyncset.done $0x0  }
0x72: {  	s21 =	simm.s32 $0x5180;
	[sflag:s1] =	ssyncadd.s32 $0xFFFFE000  }
0x73: {  	[spmem:s2] =	stream.indirect.scatter.add.f32 [tilespmem:s29], [sflag:$0x5], $0x40, s21, s22, $0xb8;
	[tilespmem:$0x1D000] =	vst v63  }
0x74: {  	_ =	swait.ge [sflag:s20], $0x2000  }
0x75: {  	[sflag:s20] =	ssyncset.done $0x0  }
0x76: {  	s28 =	simm.s32 $0x800;
	s3 =	simm.s32 $0x380;
	[sflag:s20] =	ssyncadd.s32 $0xFFFFE000  }
.LBB2_4:
0x77: {  	[tilespmem:s29], [sflag:$0x4] =	stream.indirect.gather [hbm4b:s4+s22], $0x40, s3, s22, $0xb8;
	[tilespmem:$0x1D000] =	vst v63  }
0x78: {  	s3 =	smov.u32 s28  }
0x79: {  	p0 =	sne.s32 s28, $0x13000;
	s28 =	sadd.s32 $0x800, s28;
	_ =	swait.ge [sflag:s30], $0x2000  }
0x7a: {  	s21 =	sshra.s32 s3, $0x2;
	[sflag:s30] =	ssyncset.done $0x0  }
0x7b: {  	s3 =	sadd.s32 $0x5000, s21;
	[sflag:s30] =	ssyncadd.s32 $0xFFFFE000  }
0x7c: {  	[spmem:s2] =	stream.indirect.scatter.add.f32 [tilespmem:s23], [sflag:$0x5], $0x40, s3, s22, $0xb8;
	[tilespmem:$0x1D000] =	vst v63  }
0x7d: {  	_ =	swait.ge [sflag:s20], $0x2000  }
0x7e: {  	[sflag:s20] =	ssyncset.done $0x0  }
0x7f: {  	s3 =	sadd.s32 $0x200, s21;
	[sflag:s20] =	ssyncadd.s32 $0xFFFFE000  }
0x80: {  	[tilespmem:s23], [sflag:$0x1] =	stream.indirect.gather [hbm4b:s4+s22], $0x40, s3, s22, $0xb8;
	[tilespmem:$0x1D000] =	vst v63  }
0x81: {  	_ =	swait.ge [sflag:s31], $0x2000  }
0x82: {  	[sflag:s31] =	ssyncset.done $0x0  }
0x83: {  	s3 =	sadd.s32 $0x5080, s21;
	[sflag:s31] =	ssyncadd.s32 $0xFFFFE000  }
0x84: {  	[spmem:s2] =	stream.indirect.scatter.add.f32 [tilespmem:s24], [sflag:$0x5], $0x40, s3, s22, $0xb8;
	[tilespmem:$0x1D000] =	vst v63  }
0x85: {  	_ =	swait.ge [sflag:s20], $0x2000  }
0x86: {  	[sflag:s20] =	ssyncset.done $0x0  }
0x87: {  	s3 =	sadd.s32 $0x280, s21;
	[sflag:s20] =	ssyncadd.s32 $0xFFFFE000  }
0x88: {  	[tilespmem:s24], [sflag:$0x2] =	stream.indirect.gather [hbm4b:s4+s22], $0x40, s3, s22, $0xb8;
	[tilespmem:$0x1D000] =	vst v63  }
0x89: {  	_ =	swait.ge [sflag:s0], $0x2000  }
0x8a: {  	[sflag:s0] =	ssyncset.done $0x0  }
0x8b: {  	s3 =	sadd.s32 $0x5100, s21;
	[sflag:s0] =	ssyncadd.s32 $0xFFFFE000  }
0x8c: {  	[spmem:s2] =	stream.indirect.scatter.add.f32 [tilespmem:s26], [sflag:$0x5], $0x40, s3, s22, $0xb8;
	[tilespmem:$0x1D000] =	vst v63  }
0x8d: {  	_ =	swait.ge [sflag:s20], $0x2000  }
0x8e: {  	[sflag:s20] =	ssyncset.done $0x0  }
0x8f: {  	s3 =	sadd.s32 $0x300, s21;
	[sflag:s20] =	ssyncadd.s32 $0xFFFFE000  }
0x90: {  	[tilespmem:s26], [sflag:$0x3] =	stream.indirect.gather [hbm4b:s4+s22], $0x40, s3, s22, $0xb8;
	[tilespmem:$0x1D000] =	vst v63  }
0x91: {  	_ =	swait.ge [sflag:s1], $0x2000  }
0x92: {  	[sflag:s1] =	ssyncset.done $0x0  }
.Ltmp1:
0x93: {  	s3 =	sadd.s32 $0x5180, s21;
	[sflag:s1] =	ssyncadd.s32 $0xFFFFE000;
	(pc) =	sbr.rel @p0 .LBB2_4-.Ltmp1, $4  }
0x94: {  	[spmem:s2] =	stream.indirect.scatter.add.f32 [tilespmem:s29], [sflag:$0x5], $0x40, s3, s22, $0xb8;
	[tilespmem:$0x1D000] =	vst v63  }
0x95: {  	_ =	swait.ge [sflag:s20], $0x2000  }
0x96: {  	[sflag:s20] =	ssyncset.done $0x0  }
0x97: {  	s3 =	sadd.s32 $0x380, s21;
	[sflag:s20] =	ssyncadd.s32 $0xFFFFE000  }
0x98: {  	[tilespmem:s29], [sflag:$0x4] =	stream.indirect.gather [hbm4b:s4+s22], $0x40, s3, s22, $0xb8;
	[tilespmem:$0x1D000] =	vst v63  }
0x99: {  	_ =	swait.ge [sflag:s30], $0x2000  }
0x9a: {  	[sflag:s30] =	ssyncset.done $0x0  }
0x9b: {  	s21 =	simm.s32 $0x9E00;
	[sflag:s30] =	ssyncadd.s32 $0xFFFFE000  }
0x9c: {  	[spmem:s2] =	stream.indirect.scatter.add.f32 [tilespmem:s23], [sflag:$0x5], $0x40, s21, s22, $0xb8;
	[tilespmem:$0x1D000] =	vst v63  }
0x9d: {  	_ =	swait.ge [sflag:s20], $0x2000  }
0x9e: {  	[sflag:s20] =	ssyncset.done $0x0  }
0x9f: {  	[sflag:s20] =	ssyncadd.s32 $0xFFFFE000  }
0xa0: {  	_ =	swait.ge [sflag:s31], $0x2000  }
0xa1: {  	[sflag:s31] =	ssyncset.done $0x0  }
0xa2: {  	s28 =	simm.s32 $0x9E80;
	[sflag:s31] =	ssyncadd.s32 $0xFFFFE000  }
0xa3: {  	[spmem:s2] =	stream.indirect.scatter.add.f32 [tilespmem:s24], [sflag:$0x5], $0x40, s28, s22, $0xb8;
	[tilespmem:$0x1D000] =	vst v63  }
0xa4: {  	_ =	swait.ge [sflag:s20], $0x2000  }
0xa5: {  	[sflag:s20] =	ssyncset.done $0x0  }
0xa6: {  	[sflag:s20] =	ssyncadd.s32 $0xFFFFE000  }
0xa7: {  	_ =	swait.ge [sflag:s0], $0x2000  }
0xa8: {  	[sflag:s0] =	ssyncset.done $0x0  }
0xa9: {  	s6 =	simm.s32 $0x9F00;
	[sflag:s0] =	ssyncadd.s32 $0xFFFFE000  }
0xaa: {  	[spmem:s2] =	stream.indirect.scatter.add.f32 [tilespmem:s26], [sflag:$0x5], $0x40, s6, s22, $0xb8;
	[tilespmem:$0x1D000] =	vst v63  }
0xab: {  	_ =	swait.ge [sflag:s20], $0x2000  }
0xac: {  	[sflag:s20] =	ssyncset.done $0x0  }
0xad: {  	[sflag:s20] =	ssyncadd.s32 $0xFFFFE000  }
0xae: {  	_ =	swait.ge [sflag:s1], $0x2000  }
0xaf: {  	[sflag:s1] =	ssyncset.done $0x0  }
0xb0: {  	s21 =	simm.s32 $0x9F80;
	[sflag:s1] =	ssyncadd.s32 $0xFFFFE000  }
0xb1: {  	[spmem:s2] =	stream.indirect.scatter.add.f32 [tilespmem:s29], [sflag:$0x5], $0x40, s21, s22, $0xb8;
	[tilespmem:$0x1D000] =	vst v63  }
0xb2: {  	s28 =	stileid.u32;
	_ =	swait.ge [sflag:s20], $0x2000  }
0xb3: {  	s25 =	sadd.s32 $0x1, s25;
	s3 =	sshll.u32 s28, $0x6;
	[sflag:s20] =	ssyncset.done $0x0  }
0xb4: {  	p0 =	sne.s32 s25, s17;
	s3 =	sor.u32 $0x1C05, s3;
	[sflag:s20] =	ssyncadd.s32 $0xFFFFE000  }
.Ltmp2:
0xb5: {  	s6 =	sshrl.u32 s5, $0x3;
	[bflag:$0x0] =	sbarrier.arrive $0xFFFF;
	(pc) =	sbr.rel @p0 .LBB2_1-.Ltmp2, $4  }
0xb6: {  	[hbm:s16], [sflag:s3] =	dma.local [spmem:s6], $0x1400  }
0xb7: {  	_ =	swait.ge [sflag:s20], $0x1400  }
0xb8: {  	[sflag:s20] =	ssyncset.done $0x0  }
0xb9: {  	[sflag:s20] =	ssyncadd.s32 $0xFFFFEC00  }
0xba: {  	_ =	sfence.sel $0x180000  }
0xbb: {  	[bflag:$0x0] =	sbarrier.arrive $0xFFFF  }
0xbc: {  	_ =	strace $0x9000004A  }
0xbd: {  	s0 =	stileid.u32;
	[bflag:$0x2] =	sbarrier.arrive $0xFFFF  }
0xbe: {  	p0 =	sne.s32 s0, $0x0;
	s0 =	rddreg [dreg:$0x3]  }
0xbf: {  	s0 =	sadd.s32 @!p0 $0x100000, s0  }
0xc0: {  	[sflag:s0] =	ssyncadd.tile.s32 @!p0 $0x1;
	_ =	shalt  }
.Lfunc_end2:
_tile_overlayer_lowered:
.L_overlay_start_2:
0xc1: {  	(tag) =	ssettag $0x2  }
0xc2: {  	s0 =	rddreg [dreg:$0x0];
	s2 =	stileid.u32  }
0xc3: {  	s1 =	rddreg [dreg:$0x1];
	p0 =	sne.s32 s2, $0x0  }
0xc4: {  	s3 =	rddreg [dreg:$0x2];
	[bflag:$0x3] =	sbarrier.arrive $0xFFFF;
	s2 =	simm.s32 @!p0 $0x1C05  }
0xc5: {  	[timem:s3], [sflag:s2] =	dma.local @!p0 [hbm:s0], s1  }
0xc6: {  	s0 =	simm.s32 @!p0 $0x5  }
0xc7: {  	_ =	swait.ge @!p0 [sflag:s0], s1  }
0xc8: {  	s1 =	ssub.s32 @!p0 $0x0, s1;
	[sflag:s0] =	ssyncset.done @!p0 $0x0  }
0xc9: {  	[sflag:s0] =	ssyncadd.s32 @!p0 s1  }
0xca: {  	[bflag:$0x3] =	sbarrier.arrive $0xFFFF  }
0xcb: {  	_ =	shalt  }

// kernel: kernel.18.cloned.1.call-start
scs
__scs_entry_jumppad:
0x0: {  	(pc) =	sbr.rel $0x88, $3  }
0x1: {  	(tag) =	ssettag $0x0;
	lr =	simm.s32 $0x1  }
0x2: {  	[smem:$0x3F9B] =	sst lr;
	_ =	strace $0xD0000000  }
0x3: {  	_ = 	snop  }
0x4: {  	_ = 	snop  }
0x5: {  	_ = 	snop  }
0x6: {  	_ = 	snop  }
0x7: {  	_ = 	snop  }
__scs_overlays_trampoline_lowered:
0x8: {  	[smem:$0x3FAA] =	sst s0  }
0x9: {  	[smem:$0x3FAB] =	sst s1  }
0xa: {  	[smem:$0x3FAC] =	sst s2  }
0xb: {  	[smem:$0x3FAD] =	sst s3  }
0xc: {  	[smem:$0x3FAE] =	sst s4  }
0xd: {  	[smem:$0x3FAF] =	sst s5  }
0xe: {  	[smem:$0x3FB0] =	sst s6  }
0xf: {  	[smem:$0x3FB1] =	sst s7  }
0x10: {  	[smem:$0x3FB2] =	sst s8  }
0x11: {  	[smem:$0x3FB3] =	sst s9;
	s0 =	simm.s32 @!p0 $0x0  }
0x12: {  	s1 =	sld [smem:$0x3F99];
	s0 =	simm.s32 @p0 $0x1  }
0x13: {  	[smem:$0x3FB4] =	sst s0;
	s0 =	simm.s32 @!p1 $0x0  }
0x14: {  	s2 =	sld [smem:$0x3F98];
	s0 =	simm.s32 @p1 $0x1  }
0x15: {  	[smem:$0x3FB5] =	sst s0;
	s0 =	simm.s32 @!p2 $0x0  }
0x16: {  	s3 =	sld [smem:$0x3FDB];
	s0 =	simm.s32 @p2 $0x1  }
0x17: {  	s4 =	simm.s32 $0x1BF5;
	[smem:$0x3FB7] =	sst s0  }
0x18: {  	s0 =	sld [smem:$0x3F9A];
	_ =	swait.ge [sflag:s4], $0x0  }
0x19: {  	s7 =	sld [smem:$0x3F9B]  }
0x1a: {  	s8 =	sadd.s32 $0xFFFFE003, lr  }
0x1b: {  	s9 =	sadd.s32 $0xFFFFFEF7, lr;
	s5 =	simm.s32 $0xFFFFFFFF;
	p2 =	slt.u32 s8, $0xFFFFF086  }
0x1c: {  	p1 =	slt.u32 s9, $0xF7A;
	s5 =	simm.s32 @!p2 $0x0  }
0x1d: {  	s5 =	simm.s32 @p1 $0x1;
	p0 =	seq.s32 s7, s2  }
0x1e: {  	s7 =	smul.u32 @!p0 $0xF7A, s2;
	p2 =	seq.s32 @!p0 s5, $0x0  }
0x1f: {  	s9 =	smul.u32 $0xF7A, s1;
	s8 =	simm.s32 @!p0 $0x1BF5;
	p2 =	por !p2, p0  }
0x20: {  	[sflag:s8] =	ssyncset.s32 @!p0 $0xFFFFF086;
	s6 =	sadd.s32 @!p0 s3, s7;
	s7 =	simm.s32 @!p0 $0x108  }
0x21: {  	s3 =	sadd.s32 s3, s9;
	s6 =	sadd.s32 @!p0 $0x88, s6;
	s7 =	simm.s32 @p2 $0x1082  }
0x22: {  	[simem:s7], [sflag:s8] =	dma.local @!p0 [hbm:s6], $0xF7A  }
0x23: {  	s9 =	sor.u32 $0xD0000000, s2;
	s6 =	simm.s32 $0x108;
	_ =	swait.ge @!p0 [sflag:s8], $0x0  }
0x24: {  	s3 =	sadd.s32 $0x88, s3;
	s6 =	simm.s32 @!p1 $0x1082;
	[sflag:s4] =	ssyncset.s32 $0xFFFFF086  }
0x25: {  	[simem:s6], [sflag:s4] =	dma.local [hbm:s3], $0xF7A  }
0x26: {  	[smem:$0x3F9B] =	sst s1;
	(tag) =	ssettag s2;
	_ =	strace s9  }
0x27: {  	s1 =	sld [smem:$0x3FAB]  }
0x28: {  	s2 =	sld [smem:$0x3FAC]  }
0x29: {  	s4 =	sld [smem:$0x3FAE]  }
0x2a: {  	p0 =	seq.s32 s5, $0x0;
	s5 =	sld [smem:$0x3FAF]  }
0x2b: {  	s6 =	sld [smem:$0x3FB0]  }
0x2c: {  	s7 =	sld [smem:$0x3FB1]  }
0x2d: {  	s3 =	simm.s32 $0x108;
	s8 =	sld [smem:$0x3FB2]  }
0x2e: {  	s3 =	simm.s32 @!p0 $0x1082;
	s9 =	sld [smem:$0x3FB3]  }
0x2f: {  	lr =	sadd.s32 s0, s3;
	s0 =	sld [smem:$0x3FAA]  }
0x30: {  	s3 =	sld [smem:$0x3FAD]  }
0x31: {  	[smem:$0x3FB6] =	sst s10  }
0x32: {  	s10 =	sld [smem:$0x3FB4];
	_ =	sdelay $0x3  }
0x33: {  	p0 =	seq.s32 s10, $0x1;
	s10 =	sld [smem:$0x3FB6];
	_ =	sdelay $0x3  }
0x34: {  	[smem:$0x3FB6] =	sst s10  }
0x35: {  	s10 =	sld [smem:$0x3FB5];
	_ =	sdelay $0x3  }
0x36: {  	p1 =	seq.s32 s10, $0x1;
	s10 =	sld [smem:$0x3FB6];
	_ =	sdelay $0x3  }
0x37: {  	[smem:$0x3FB6] =	sst s10  }
0x38: {  	s10 =	sld [smem:$0x3FB7]  }
0x39: {  	_ = 	snop;
	(pc) =	sbr.ind lr, $3  }
0x3a: {  	_ = 	snop  }
0x3b: {  	_ = 	snop  }
0x3c: {  	p2 =	seq.s32 s10, $0x1;
	s10 =	sld [smem:$0x3FB6]  }
0x3d: {  	_ =	shalt  }
0x3e: {  	_ =	shalt  }
0x3f: {  	_ =	shalt  }
0x40: {  	_ =	shalt  }
0x41: {  	_ =	shalt  }
0x42: {  	_ =	shalt  }
0x43: {  	_ =	shalt  }
0x44: {  	_ =	shalt  }
0x45: {  	_ =	shalt  }
0x46: {  	_ =	shalt  }
0x47: {  	_ =	shalt  }
0x48: {  	_ =	shalt  }
0x49: {  	_ =	shalt  }
0x4a: {  	_ =	shalt  }
0x4b: {  	_ =	shalt  }
0x4c: {  	_ =	shalt  }
0x4d: {  	_ =	shalt  }
0x4e: {  	_ =	shalt  }
0x4f: {  	_ =	shalt  }
0x50: {  	_ =	shalt  }
0x51: {  	_ =	shalt  }
0x52: {  	_ =	shalt  }
0x53: {  	_ =	shalt  }
0x54: {  	_ =	shalt  }
0x55: {  	_ =	shalt  }
0x56: {  	_ =	shalt  }
0x57: {  	_ =	shalt  }
0x58: {  	_ =	shalt  }
0x59: {  	_ =	shalt  }
0x5a: {  	_ =	shalt  }
0x5b: {  	_ =	shalt  }
0x5c: {  	_ =	shalt  }
0x5d: {  	_ =	shalt  }
0x5e: {  	_ =	shalt  }
0x5f: {  	_ =	shalt  }
0x60: {  	_ =	shalt  }
0x61: {  	_ =	shalt  }
0x62: {  	_ =	shalt  }
0x63: {  	_ =	shalt  }
0x64: {  	_ =	shalt  }
0x65: {  	_ =	shalt  }
0x66: {  	_ =	shalt  }
0x67: {  	_ =	shalt  }
0x68: {  	_ =	shalt  }
0x69: {  	_ =	shalt  }
0x6a: {  	_ =	shalt  }
0x6b: {  	_ =	shalt  }
0x6c: {  	_ =	shalt  }
0x6d: {  	_ =	shalt  }
0x6e: {  	_ =	shalt  }
0x6f: {  	_ =	shalt  }
0x70: {  	_ =	shalt  }
0x71: {  	_ =	shalt  }
0x72: {  	_ =	shalt  }
0x73: {  	_ =	shalt  }
0x74: {  	_ =	shalt  }
0x75: {  	_ =	shalt  }
0x76: {  	_ =	shalt  }
0x77: {  	_ =	shalt  }
0x78: {  	_ =	shalt  }
0x79: {  	_ =	shalt  }
0x7a: {  	_ =	shalt  }
0x7b: {  	_ =	shalt  }
0x7c: {  	_ =	shalt  }
0x7d: {  	_ =	shalt  }
0x7e: {  	_ =	shalt  }
0x7f: {  	_ =	shalt  }
0x80: {  	_ =	shalt  }
0x81: {  	_ =	shalt  }
0x82: {  	_ =	shalt  }
0x83: {  	_ =	shalt  }
0x84: {  	_ =	shalt  }
0x85: {  	_ =	shalt  }
0x86: {  	_ =	shalt  }
0x87: {  	_ =	shalt  }
.Lfunc_end0:
.L_simem_size_0:
called_computation.3_lowered:
.L_overlay_start_0:
0x88: {  	s2 =	sld [smem:$0x3FD9]  }
0x89: {  	s3 =	sld [smem:$0x3FFE];
	_ =	sdelay $0x1  }
0x8a: {  	s1 =	srdreg.scid  }
0x8b: {  	s0 =	sand.u32 $0x1, s1  }
0x8c: {  	s17 =	sshll.u32 s0, $0xA;
	s2 =	sadd.s32 s3, s2  }
0x8d: {  	s2 =	sadd.s32 s2, s17  }
0x8e: {  	[smem:$0x3FC2] =	sst s2  }
0x8f: {  	_ = 	snop  }
0x90: {  	s2 =	sld [smem:$0x3FD0];
	(tm) =	ssettm $0x1  }
0x91: {  	s18 =	sld [smem:$0x3FFB];
	_ =	sdelay $0x3  }
0x92: {  	_ =	strace s18  }
0x93: {  	s3 =	sld [smem:$0x3FFC];
	_ =	sdelay $0x3  }
0x94: {  	_ =	strace s3  }
0x95: {  	s3 =	sld [smem:$0x3FFD];
	_ =	sdelay $0x3  }
0x96: {  	_ =	strace s3  }
0x97: {  	_ =	strace $0x8FFFFFFF  }
0x98: {  	s19 =	sld [smem:$0x3FDB];
	_ =	sdelay $0x1  }
0x99: {  	s4 =	simm.s32 $_scs_section_size  }
0x9a: {  	s5 =	simm.s32 $_size__tile_overlayer_lowered;
	s6 =	simm.s32 $_tile_overlayer_lowered  }
0x9b: {  	s22 =	simm.s32 $0x1BFF;
	s21 =	sshll.u32 s6, $0x1;
	s3 =	sadd.s32 s4, s19  }
0x9c: {  	s7 =	simm.s32 $0x0;
	s20 =	sshll.u32 s5, $0x1;
	s5 =	sadd.s32 s21, s3  }
0x9d: {  	[timem:s7], [sflag:s22] =	dma.local [hbm:s5], s20  }
0x9e: {  	_ =	swait.ge [sflag:s22], s20  }
0x9f: {  	s4 =	ssub.s32 $0x0, s20;
	[sflag:s22] =	ssyncset.done $0x0  }
0xa0: {  	[sflag:s22] =	ssyncadd.s32 s4;
	_ =	sdelay $0x1  }
0xa1: {  	s23 =	simm.s32 $0x1B8B  }
0xa2: {  	_ =	swait.ge [sflag:s23], $0x1  }
0xa3: {  	[sflag:s23] =	ssyncset.done $0x0  }
0xa4: {  	s25 =	simm.s32 $0x1B8E;
	s24 =	sld [smem:$0x3FFE];
	[sflag:s23] =	ssyncadd.s32 $0xFFFFFFFF  }
0xa5: {  	s26 =	simm.s32 $execute0_lowered;
	[smem:$0x3FD2] =	sst s25  }
0xa6: {  	s5 =	sshll.u32 s26, $0x1;
	_ =	strace $0x8000004F;
	[dreg:$0x1] =	wrdreg $0xFFFFFFFF  }
0xa7: {  	s28 =	simm.s32 $_size_execute0_lowered;
	s3 =	sadd.s32 s3, s5;
	[dreg:$0x0] =	wrdreg $0x0  }
0xa8: {  	s5 =	sshll.u32 s28, $0x1;
	[dreg:$0x2] =	wrdreg s3  }
0xa9: {  	[dreg:$0x3] =	wrdreg s5  }
0xaa: {  	[dreg:$0x4] =	wrdreg $0xC0  }
0xab: {  	_ =	task [dreg:s7], $0x5FFFF  }
0xac: {  	[dreg:$0x1] =	wrdreg $0xFFFFFFFF  }
0xad: {  	[dreg:$0x0] =	wrdreg $0x60  }
0xae: {  	[dreg:$0x2] =	wrdreg s24  }
0xaf: {  	[dreg:$0x3] =	wrdreg s2  }
0xb0: {  	[dreg:$0x4] =	wrdreg $0x130000  }
0xb1: {  	[dreg:$0x5] =	wrdreg $0x9  }
0xb2: {  	_ =	task.clear_ibuf [dreg:s7], $0x6FFFF;
	_ =	strace $0x9000004F  }
0xb3: {  	s29 =	simm.s32 $0x9;
	_ =	strace $0x80000051  }
0xb4: {  	_ =	swait.ge [sflag:s29], $0x1  }
0xb5: {  	[sflag:s29] =	ssyncadd.s32 $0xFFFFFFFF  }
0xb6: {  	_ =	strace $0x90000051  }
0xb7: {  	_ =	sfence  }
0xb8: {  	s30 =	sld [smem:$0x0];
	_ =	sdelay $0x2  }
0xb9: {  	s31 =	sshll.u32 s1, $0xD;
	s1 =	sshrl.u32 s1, $0x2  }
0xba: {  	s3 =	sand.u32 $0x4000, s31;
	s1 =	sadd.s32 s1, s30  }
0xbb: {  	s0 =	sor.u32 s3, s0;
	s1 =	sshll.u32 s1, $0x11  }
0xbc: {  	s0 =	sor.u32 s1, s0  }
0xbd: {  	s0 =	sadd.s32 $0x8F2B, s0  }
0xbe: {  	[sflag:s0] =	ssyncadd.remote.s32 $0x1  }
0xbf: {  	_ =	sfence.sel $0xFFFF  }
0xc0: {  	[dreg:$0x0] =	wrdreg $0xFFFFFFFF;
	(pc) =	sbr.abs _section_cstart, $3  }
0xc1: {  	[dreg:$0x1] =	wrdreg $0xFFFFFFFF  }
0xc2: {  	_ =	task.clear_ibuf [dreg:s7], $0x2FFFF;
	_ =	strace $0x9FFFFFFF  }
0xc3: {  	(tm) =	ssettm $0x7FFFFFFF  }
tec
execute0_lowered:
.L_overlay_start_1:
0x0: {  	(tag) =	ssettag $0x1  }
0x1: {  	s0 =	rddreg [dreg:$0x0]  }
0x2: {  	s1 =	rddreg [dreg:$0x1]  }
0x3: {  	s2 =	rddreg [dreg:$0x2]  }
0x4: {  	s13 =	stileid.u32;
	s4 =	simm.s32 $0x0;
	s3 =	srdreg.scid  }
0x5: {  	s19 =	simm.s32 $0x12000;
	s20 =	simm.s32 $0x5;
	s22 =	simm.s32 $0x80  }
0x6: {  	s23 =	simm.s32 $0xA000;
	s24 =	simm.s32 $0xC000;
	s26 =	simm.s32 $0xE000  }
0x7: {  	s29 =	simm.s32 $0x10000;
	s30 =	simm.s32 $0x1;
	s5 =	smul.u32 $0x1400, s13  }
0x8: {  	s31 =	simm.s32 $0x2;
	s25 =	simm.s32 $0x0;
	s6 =	smul.u32 $0x28000, s13  }
0x9: {  	[smem:$0x7FF] =	sst s4;
	s3 =	sand.u32 $0x1, s3;
	s18 =	smul.u32 $0xA00, s13  }
0xa: {  	s4 =	sadd.s32 $0x67000, s0;
	_ =	strace $0x80000050;
	s7 =	smul.u32 $0x14000, s3  }
0xb: {  	s8 =	ssub.s32 $0x2, s3;
	p0 =	seq.s32 s3, $0x0;
	s3 =	simm.s32 $0xD000  }
0xc: {  	s6 =	sshrl.u32 s6, $0x2;
	s9 =	sshrl.u32 s8, $0x1;
	s3 =	simm.s32 @!p0 $0x3000  }
0xd: {  	s15 =	sadd.s32 s1, s18;
	s1 =	simm.s32 $0x4;
	s7 =	sadd.s32 s5, s7  }
0xe: {  	s5 =	sadd.s32 s6, s2;
	s17 =	ssub.s32 s8, s9;
	s16 =	sadd.s32 s7, s0  }
0xf: {  	s6 =	sadd.s32 $0x1000, s5;
	s7 =	sadd.s32 $0x2000, s5;
	s8 =	sadd.s32 $0x3000, s5  }
0x10: {  	s9 =	sadd.s32 $0x4000, s5;
	s10 =	sadd.s32 $0x5000, s5;
	s11 =	sadd.s32 $0x6000, s5  }
0x11: {  	s12 =	sadd.s32 $0x7000, s5;
	s13 =	sadd.s32 $0x8000, s5;
	s14 =	sadd.s32 $0x9000, s5  }
0x12: {  	s0 =	sadd.s32 s3, s0;
	s17 =	smax.u32 s17, $0x1;
	[dreg:$0x4] =	wrdreg s6  }
0x13: {  	v0 =	vimm.f32 $0.0e+00;
	s16 =	sadd.s32 $0x8F000, s16;
	s18 =	sadd.s32 s0, s18;
	s0 =	simm.s32 $0x3  }
.LBB2_1:
0x14: {  	s6 =	simm.s32 $0x0  }
0x15: {  	s3 =	sand.u32 $0x3F00, s6  }
0x16: {  	s28 =	sand.u32 $0x30, s6;
	s3 =	sshrl.u32 s3, $0x2  }
0x17: {  	s21 =	simm.s32 $0x40;
	s3 =	sor.u32 s28, s3;
	s28 =	simm.s32 $0x0  }
.LBB2_2:
0x18: {  	p0 =	sne.s32 s21, $0x3FC0  }
0x19: {  	[tilespmem:s3+$0x12000] =	vst v0;
	s28 =	sadd.s32 $0x10, s28;
	s3 =	smov.u32 s21;
	s21 =	sadd.s32 $0x40, s21  }
.Ltmp0:
0x1a: {  	(pc) =	sbr.rel @p0 .LBB2_2-.Ltmp0, $4  }
0x1b: {  	_ = 	snop  }
0x1c: {  	s3 =	sand.u32 $0x3F00, s3  }
0x1d: {  	s6 =	sand.u32 $0x30, s28;
	s3 =	sshrl.u32 s3, $0x2  }
0x1e: {  	s3 =	sor.u32 s6, s3  }
0x1f: {  	[tilespmem:s3+$0x12000] =	vst v0  }
0x20: {  	[spmem:s5] =	stream.linear.scatter [tilespmem:s19], [sflag:$0x5], $0x1000, $0x38;
	[tilespmem:$0x1D000] =	vst v63  }
0x21: {  	_ =	swait.ge [sflag:s20], $0x1000  }
0x22: {  	[sflag:s20] =	ssyncset.done $0x0  }
0x23: {  	s6 =	rddreg [dreg:$0x4];
	[sflag:s20] =	ssyncadd.s32 $0xFFFFF000  }
0x24: {  	[spmem:s6] =	stream.linear.scatter [tilespmem:s19], [sflag:$0x5], $0x1000, $0x38;
	[tilespmem:$0x1D000] =	vst v63  }
0x25: {  	_ =	swait.ge [sflag:s20], $0x1000  }
0x26: {  	[sflag:s20] =	ssyncset.done $0x0  }
0x27: {  	[sflag:s20] =	ssyncadd.s32 $0xFFFFF000  }
0x28: {  	[spmem:s7] =	stream.linear.scatter [tilespmem:s19], [sflag:$0x5], $0x1000, $0x38;
	[tilespmem:$0x1D000] =	vst v63  }
0x29: {  	_ =	swait.ge [sflag:s20], $0x1000  }
0x2a: {  	[sflag:s20] =	ssyncset.done $0x0  }
0x2b: {  	[sflag:s20] =	ssyncadd.s32 $0xFFFFF000  }
0x2c: {  	[spmem:s8] =	stream.linear.scatter [tilespmem:s19], [sflag:$0x5], $0x1000, $0x38;
	[tilespmem:$0x1D000] =	vst v63  }
0x2d: {  	_ =	swait.ge [sflag:s20], $0x1000  }
0x2e: {  	[sflag:s20] =	ssyncset.done $0x0  }
0x2f: {  	[sflag:s20] =	ssyncadd.s32 $0xFFFFF000  }
0x30: {  	[spmem:s9] =	stream.linear.scatter [tilespmem:s19], [sflag:$0x5], $0x1000, $0x38;
	[tilespmem:$0x1D000] =	vst v63  }
0x31: {  	_ =	swait.ge [sflag:s20], $0x1000  }
0x32: {  	[sflag:s20] =	ssyncset.done $0x0  }
0x33: {  	[sflag:s20] =	ssyncadd.s32 $0xFFFFF000  }
0x34: {  	[spmem:s10] =	stream.linear.scatter [tilespmem:s19], [sflag:$0x5], $0x1000, $0x38;
	[tilespmem:$0x1D000] =	vst v63  }
0x35: {  	_ =	swait.ge [sflag:s20], $0x1000  }
0x36: {  	[sflag:s20] =	ssyncset.done $0x0  }
0x37: {  	[sflag:s20] =	ssyncadd.s32 $0xFFFFF000  }
0x38: {  	[spmem:s11] =	stream.linear.scatter [tilespmem:s19], [sflag:$0x5], $0x1000, $0x38;
	[tilespmem:$0x1D000] =	vst v63  }
0x39: {  	_ =	swait.ge [sflag:s20], $0x1000  }
0x3a: {  	[sflag:s20] =	ssyncset.done $0x0  }
0x3b: {  	[sflag:s20] =	ssyncadd.s32 $0xFFFFF000  }
0x3c: {  	[spmem:s12] =	stream.linear.scatter [tilespmem:s19], [sflag:$0x5], $0x1000, $0x38;
	[tilespmem:$0x1D000] =	vst v63  }
0x3d: {  	_ =	swait.ge [sflag:s20], $0x1000  }
0x3e: {  	[sflag:s20] =	ssyncset.done $0x0  }
0x3f: {  	[sflag:s20] =	ssyncadd.s32 $0xFFFFF000  }
0x40: {  	[spmem:s13] =	stream.linear.scatter [tilespmem:s19], [sflag:$0x5], $0x1000, $0x38;
	[tilespmem:$0x1D000] =	vst v63  }
0x41: {  	_ =	swait.ge [sflag:s20], $0x1000  }
0x42: {  	[sflag:s20] =	ssyncset.done $0x0  }
0x43: {  	[sflag:s20] =	ssyncadd.s32 $0xFFFFF000  }
0x44: {  	[spmem:s14] =	stream.linear.scatter [tilespmem:s19], [sflag:$0x5], $0x1000, $0x38;
	[tilespmem:$0x1D000] =	vst v63  }
0x45: {  	_ =	swait.ge [sflag:s20], $0x1000  }
0x46: {  	[sflag:s20] =	ssyncset.done $0x0  }
0x47: {  	[sflag:s20] =	ssyncadd.s32 $0xFFFFF000  }
0x48: {  	s21 =	simm.s32 $0x0;
	s6 =	simm.s32 $0x5000;
	[bflag:$0x0] =	sbarrier.arrive $0xFFFF  }
0x49: {  	[tilespmem:s6], [sflag:$0x5] =	stream.linear.gather [hbm4b:s15+s21], $0x5000, $0x38;
	[tilespmem:$0x1D000] =	vst v63  }
0x4a: {  	_ =	swait.ge [sflag:s20], $0x5000  }
0x4b: {  	[sflag:s20] =	ssyncset.done $0x0  }
0x4c: {  	[sflag:s20] =	ssyncadd.s32 $0xFFFFB000  }
0x4d: {  	[tilespmem:s21], [sflag:$0x5] =	stream.linear.gather [hbm4b:s18+s21], $0x5000, $0x38;
	[tilespmem:$0x1D000] =	vst v63  }
0x4e: {  	_ =	swait.ge [sflag:s20], $0x5000  }
0x4f: {  	[sflag:s20] =	ssyncset.done $0x0  }
0x50: {  	[sflag:s20] =	ssyncadd.s32 $0xFFFFB000  }
0x51: {  	[tilespmem:s23], [sflag:$0x1] =	stream.indirect.gather [hbm4b:s4+s22], $0x40, s21, s22, $0xb8;
	[tilespmem:$0x1D000] =	vst v63  }
0x52: {  	_ = 	snop  }
0x53: {  	[tilespmem:s24], [sflag:$0x2] =	stream.indirect.gather [hbm4b:s4+s22], $0x40, s22, s22, $0xb8;
	[tilespmem:$0x1D000] =	vst v63  }
0x54: {  	s21 =	simm.s32 $0x100  }
0x55: {  	[tilespmem:s26], [sflag:$0x3] =	stream.indirect.gather [hbm4b:s4+s22], $0x40, s21, s22, $0xb8;
	[tilespmem:$0x1D000] =	vst v63  }
0x56: {  	s6 =	simm.s32 $0x180  }
0x57: {  	[tilespmem:s29], [sflag:$0x4] =	stream.indirect.gather [hbm4b:s4+s22], $0x40, s6, s22, $0xb8;
	[tilespmem:$0x1D000] =	vst v63  }
0x58: {  	_ =	swait.ge [sflag:s30], $0x2000  }
0x59: {  	[sflag:s30] =	ssyncset.done $0x0  }
0x5a: {  	s21 =	simm.s32 $0x5000;
	[sflag:s30] =	ssyncadd.s32 $0xFFFFE000  }
0x5b: {  	[spmem:s2] =	stream.indirect.scatter.add.f32 [tilespmem:s23], [sflag:$0x5], $0x40, s21, s22, $0xb8;
	[tilespmem:$0x1D000] =	vst v63  }
0x5c: {  	_ =	swait.ge [sflag:s20], $0x2000  }
0x5d: {  	[sflag:s20] =	ssyncset.done $0x0  }
0x5e: {  	s6 =	simm.s32 $0x200;
	[sflag:s20] =	ssyncadd.s32 $0xFFFFE000  }
0x5f: {  	[tilespmem:s23], [sflag:$0x1] =	stream.indirect.gather [hbm4b:s4+s22], $0x40, s6, s22, $0xb8;
	[tilespmem:$0x1D000] =	vst v63  }
0x60: {  	_ =	swait.ge [sflag:s31], $0x2000  }
0x61: {  	[sflag:s31] =	ssyncset.done $0x0  }
0x62: {  	s21 =	simm.s32 $0x5080;
	[sflag:s31] =	ssyncadd.s32 $0xFFFFE000  }
0x63: {  	[spmem:s2] =	stream.indirect.scatter.add.f32 [tilespmem:s24], [sflag:$0x5], $0x40, s21, s22, $0xb8;
	[tilespmem:$0x1D000] =	vst v63  }
0x64: {  	_ =	swait.ge [sflag:s20], $0x2000  }
0x65: {  	[sflag:s20] =	ssyncset.done $0x0  }
0x66: {  	s6 =	simm.s32 $0x280;
	[sflag:s20] =	ssyncadd.s32 $0xFFFFE000  }
0x67: {  	[tilespmem:s24], [sflag:$0x2] =	stream.indirect.gather [hbm4b:s4+s22], $0x40, s6, s22, $0xb8;
	[tilespmem:$0x1D000] =	vst v63  }
0x68: {  	_ =	swait.ge [sflag:s0], $0x2000  }
0x69: {  	[sflag:s0] =	ssyncset.done $0x0  }
0x6a: {  	s21 =	simm.s32 $0x5100;
	[sflag:s0] =	ssyncadd.s32 $0xFFFFE000  }
0x6b: {  	[spmem:s2] =	stream.indirect.scatter.add.f32 [tilespmem:s26], [sflag:$0x5], $0x40, s21, s22, $0xb8;
	[tilespmem:$0x1D000] =	vst v63  }
0x6c: {  	_ =	swait.ge [sflag:s20], $0x2000  }
0x6d: {  	[sflag:s20] =	ssyncset.done $0x0  }
0x6e: {  	s6 =	simm.s32 $0x300;
	[sflag:s20] =	ssyncadd.s32 $0xFFFFE000  }
0x6f: {  	[tilespmem:s26], [sflag:$0x3] =	stream.indirect.gather [hbm4b:s4+s22], $0x40, s6, s22, $0xb8;
	[tilespmem:$0x1D000] =	vst v63  }
0x70: {  	_ =	swait.ge [sflag:s1], $0x2000  }
0x71: {  	[sflag:s1] =	ssyncset.done $0x0  }
0x72: {  	s21 =	simm.s32 $0x5180;
	[sflag:s1] =	ssyncadd.s32 $0xFFFFE000  }
0x73: {  	[spmem:s2] =	stream.indirect.scatter.add.f32 [tilespmem:s29], [sflag:$0x5], $0x40, s21, s22, $0xb8;
	[tilespmem:$0x1D000] =	vst v63  }
0x74: {  	_ =	swait.ge [sflag:s20], $0x2000  }
0x75: {  	[sflag:s20] =	ssyncset.done $0x0  }
0x76: {  	s28 =	simm.s32 $0x800;
	s3 =	simm.s32 $0x380;
	[sflag:s20] =	ssyncadd.s32 $0xFFFFE000  }
.LBB2_4:
0x77: {  	[tilespmem:s29], [sflag:$0x4] =	stream.indirect.gather [hbm4b:s4+s22], $0x40, s3, s22, $0xb8;
	[tilespmem:$0x1D000] =	vst v63  }
0x78: {  	s3 =	smov.u32 s28  }
0x79: {  	p0 =	sne.s32 s28, $0x13000;
	s28 =	sadd.s32 $0x800, s28;
	_ =	swait.ge [sflag:s30], $0x2000  }
0x7a: {  	s21 =	sshra.s32 s3, $0x2;
	[sflag:s30] =	ssyncset.done $0x0  }
0x7b: {  	s3 =	sadd.s32 $0x5000, s21;
	[sflag:s30] =	ssyncadd.s32 $0xFFFFE000  }
0x7c: {  	[spmem:s2] =	stream.indirect.scatter.add.f32 [tilespmem:s23], [sflag:$0x5], $0x40, s3, s22, $0xb8;
	[tilespmem:$0x1D000] =	vst v63  }
0x7d: {  	_ =	swait.ge [sflag:s20], $0x2000  }
0x7e: {  	[sflag:s20] =	ssyncset.done $0x0  }
0x7f: {  	s3 =	sadd.s32 $0x200, s21;
	[sflag:s20] =	ssyncadd.s32 $0xFFFFE000  }
0x80: {  	[tilespmem:s23], [sflag:$0x1] =	stream.indirect.gather [hbm4b:s4+s22], $0x40, s3, s22, $0xb8;
	[tilespmem:$0x1D000] =	vst v63  }
0x81: {  	_ =	swait.ge [sflag:s31], $0x2000  }
0x82: {  	[sflag:s31] =	ssyncset.done $0x0  }
0x83: {  	s3 =	sadd.s32 $0x5080, s21;
	[sflag:s31] =	ssyncadd.s32 $0xFFFFE000  }
0x84: {  	[spmem:s2] =	stream.indirect.scatter.add.f32 [tilespmem:s24], [sflag:$0x5], $0x40, s3, s22, $0xb8;
	[tilespmem:$0x1D000] =	vst v63  }
0x85: {  	_ =	swait.ge [sflag:s20], $0x2000  }
0x86: {  	[sflag:s20] =	ssyncset.done $0x0  }
0x87: {  	s3 =	sadd.s32 $0x280, s21;
	[sflag:s20] =	ssyncadd.s32 $0xFFFFE000  }
0x88: {  	[tilespmem:s24], [sflag:$0x2] =	stream.indirect.gather [hbm4b:s4+s22], $0x40, s3, s22, $0xb8;
	[tilespmem:$0x1D000] =	vst v63  }
0x89: {  	_ =	swait.ge [sflag:s0], $0x2000  }
0x8a: {  	[sflag:s0] =	ssyncset.done $0x0  }
0x8b: {  	s3 =	sadd.s32 $0x5100, s21;
	[sflag:s0] =	ssyncadd.s32 $0xFFFFE000  }
0x8c: {  	[spmem:s2] =	stream.indirect.scatter.add.f32 [tilespmem:s26], [sflag:$0x5], $0x40, s3, s22, $0xb8;
	[tilespmem:$0x1D000] =	vst v63  }
0x8d: {  	_ =	swait.ge [sflag:s20], $0x2000  }
0x8e: {  	[sflag:s20] =	ssyncset.done $0x0  }
0x8f: {  	s3 =	sadd.s32 $0x300, s21;
	[sflag:s20] =	ssyncadd.s32 $0xFFFFE000  }
0x90: {  	[tilespmem:s26], [sflag:$0x3] =	stream.indirect.gather [hbm4b:s4+s22], $0x40, s3, s22, $0xb8;
	[tilespmem:$0x1D000] =	vst v63  }
0x91: {  	_ =	swait.ge [sflag:s1], $0x2000  }
0x92: {  	[sflag:s1] =	ssyncset.done $0x0  }
.Ltmp1:
0x93: {  	s3 =	sadd.s32 $0x5180, s21;
	[sflag:s1] =	ssyncadd.s32 $0xFFFFE000;
	(pc) =	sbr.rel @p0 .LBB2_4-.Ltmp1, $4  }
0x94: {  	[spmem:s2] =	stream.indirect.scatter.add.f32 [tilespmem:s29], [sflag:$0x5], $0x40, s3, s22, $0xb8;
	[tilespmem:$0x1D000] =	vst v63  }
0x95: {  	_ =	swait.ge [sflag:s20], $0x2000  }
0x96: {  	[sflag:s20] =	ssyncset.done $0x0  }
0x97: {  	s3 =	sadd.s32 $0x380, s21;
	[sflag:s20] =	ssyncadd.s32 $0xFFFFE000  }
0x98: {  	[tilespmem:s29], [sflag:$0x4] =	stream.indirect.gather [hbm4b:s4+s22], $0x40, s3, s22, $0xb8;
	[tilespmem:$0x1D000] =	vst v63  }
0x99: {  	_ =	swait.ge [sflag:s30], $0x2000  }
0x9a: {  	[sflag:s30] =	ssyncset.done $0x0  }
0x9b: {  	s21 =	simm.s32 $0x9E00;
	[sflag:s30] =	ssyncadd.s32 $0xFFFFE000  }
0x9c: {  	[spmem:s2] =	stream.indirect.scatter.add.f32 [tilespmem:s23], [sflag:$0x5], $0x40, s21, s22, $0xb8;
	[tilespmem:$0x1D000] =	vst v63  }
0x9d: {  	_ =	swait.ge [sflag:s20], $0x2000  }
0x9e: {  	[sflag:s20] =	ssyncset.done $0x0  }
0x9f: {  	[sflag:s20] =	ssyncadd.s32 $0xFFFFE000  }
0xa0: {  	_ =	swait.ge [sflag:s31], $0x2000  }
0xa1: {  	[sflag:s31] =	ssyncset.done $0x0  }
0xa2: {  	s28 =	simm.s32 $0x9E80;
	[sflag:s31] =	ssyncadd.s32 $0xFFFFE000  }
0xa3: {  	[spmem:s2] =	stream.indirect.scatter.add.f32 [tilespmem:s24], [sflag:$0x5], $0x40, s28, s22, $0xb8;
	[tilespmem:$0x1D000] =	vst v63  }
0xa4: {  	_ =	swait.ge [sflag:s20], $0x2000  }
0xa5: {  	[sflag:s20] =	ssyncset.done $0x0  }
0xa6: {  	[sflag:s20] =	ssyncadd.s32 $0xFFFFE000  }
0xa7: {  	_ =	swait.ge [sflag:s0], $0x2000  }
0xa8: {  	[sflag:s0] =	ssyncset.done $0x0  }
0xa9: {  	s6 =	simm.s32 $0x9F00;
	[sflag:s0] =	ssyncadd.s32 $0xFFFFE000  }
0xaa: {  	[spmem:s2] =	stream.indirect.scatter.add.f32 [tilespmem:s26], [sflag:$0x5], $0x40, s6, s22, $0xb8;
	[tilespmem:$0x1D000] =	vst v63  }
0xab: {  	_ =	swait.ge [sflag:s20], $0x2000  }
0xac: {  	[sflag:s20] =	ssyncset.done $0x0  }
0xad: {  	[sflag:s20] =	ssyncadd.s32 $0xFFFFE000  }
0xae: {  	_ =	swait.ge [sflag:s1], $0x2000  }
0xaf: {  	[sflag:s1] =	ssyncset.done $0x0  }
0xb0: {  	s21 =	simm.s32 $0x9F80;
	[sflag:s1] =	ssyncadd.s32 $0xFFFFE000  }
0xb1: {  	[spmem:s2] =	stream.indirect.scatter.add.f32 [tilespmem:s29], [sflag:$0x5], $0x40, s21, s22, $0xb8;
	[tilespmem:$0x1D000] =	vst v63  }
0xb2: {  	s28 =	stileid.u32;
	_ =	swait.ge [sflag:s20], $0x2000  }
0xb3: {  	s25 =	sadd.s32 $0x1, s25;
	s3 =	sshll.u32 s28, $0x6;
	[sflag:s20] =	ssyncset.done $0x0  }
0xb4: {  	p0 =	sne.s32 s25, s17;
	s3 =	sor.u32 $0x1C05, s3;
	[sflag:s20] =	ssyncadd.s32 $0xFFFFE000  }
.Ltmp2:
0xb5: {  	s6 =	sshrl.u32 s5, $0x3;
	[bflag:$0x0] =	sbarrier.arrive $0xFFFF;
	(pc) =	sbr.rel @p0 .LBB2_1-.Ltmp2, $4  }
0xb6: {  	[hbm:s16], [sflag:s3] =	dma.local [spmem:s6], $0x1400  }
0xb7: {  	_ =	swait.ge [sflag:s20], $0x1400  }
0xb8: {  	[sflag:s20] =	ssyncset.done $0x0  }
0xb9: {  	[sflag:s20] =	ssyncadd.s32 $0xFFFFEC00  }
0xba: {  	_ =	sfence.sel $0x180000  }
0xbb: {  	[bflag:$0x0] =	sbarrier.arrive $0xFFFF  }
0xbc: {  	_ =	strace $0x90000050  }
0xbd: {  	s0 =	stileid.u32;
	[bflag:$0x2] =	sbarrier.arrive $0xFFFF  }
0xbe: {  	p0 =	sne.s32 s0, $0x0;
	s0 =	rddreg [dreg:$0x3]  }
0xbf: {  	s0 =	sadd.s32 @!p0 $0x100000, s0  }
0xc0: {  	[sflag:s0] =	ssyncadd.tile.s32 @!p0 $0x1;
	_ =	shalt  }
.Lfunc_end2:
_tile_overlayer_lowered:
.L_overlay_start_2:
0xc1: {  	(tag) =	ssettag $0x2  }
0xc2: {  	s0 =	rddreg [dreg:$0x0];
	s2 =	stileid.u32  }
0xc3: {  	s1 =	rddreg [dreg:$0x1];
	p0 =	sne.s32 s2, $0x0  }
0xc4: {  	s3 =	rddreg [dreg:$0x2];
	[bflag:$0x3] =	sbarrier.arrive $0xFFFF;
	s2 =	simm.s32 @!p0 $0x1C05  }
0xc5: {  	[timem:s3], [sflag:s2] =	dma.local @!p0 [hbm:s0], s1  }
0xc6: {  	s0 =	simm.s32 @!p0 $0x5  }
0xc7: {  	_ =	swait.ge @!p0 [sflag:s0], s1  }
0xc8: {  	s1 =	ssub.s32 @!p0 $0x0, s1;
	[sflag:s0] =	ssyncset.done @!p0 $0x0  }
0xc9: {  	[sflag:s0] =	ssyncadd.s32 @!p0 s1  }
0xca: {  	[bflag:$0x3] =	sbarrier.arrive $0xFFFF  }
0xcb: {  	_ =	shalt  }

// kernel: kernel.9.cloned.1.call-start
scs
__scs_entry_jumppad:
0x0: {  	(pc) =	sbr.rel $0x88, $3  }
0x1: {  	(tag) =	ssettag $0x0;
	lr =	simm.s32 $0x1  }
0x2: {  	[smem:$0x3F9B] =	sst lr;
	_ =	strace $0xD0000000  }
0x3: {  	_ = 	snop  }
0x4: {  	_ = 	snop  }
0x5: {  	_ = 	snop  }
0x6: {  	_ = 	snop  }
0x7: {  	_ = 	snop  }
__scs_overlays_trampoline_lowered:
0x8: {  	[smem:$0x3FAA] =	sst s0  }
0x9: {  	[smem:$0x3FAB] =	sst s1  }
0xa: {  	[smem:$0x3FAC] =	sst s2  }
0xb: {  	[smem:$0x3FAD] =	sst s3  }
0xc: {  	[smem:$0x3FAE] =	sst s4  }
0xd: {  	[smem:$0x3FAF] =	sst s5  }
0xe: {  	[smem:$0x3FB0] =	sst s6  }
0xf: {  	[smem:$0x3FB1] =	sst s7  }
0x10: {  	[smem:$0x3FB2] =	sst s8  }
0x11: {  	[smem:$0x3FB3] =	sst s9;
	s0 =	simm.s32 @!p0 $0x0  }
0x12: {  	s1 =	sld [smem:$0x3F99];
	s0 =	simm.s32 @p0 $0x1  }
0x13: {  	[smem:$0x3FB4] =	sst s0;
	s0 =	simm.s32 @!p1 $0x0  }
0x14: {  	s2 =	sld [smem:$0x3F98];
	s0 =	simm.s32 @p1 $0x1  }
0x15: {  	[smem:$0x3FB5] =	sst s0;
	s0 =	simm.s32 @!p2 $0x0  }
0x16: {  	s3 =	sld [smem:$0x3FDB];
	s0 =	simm.s32 @p2 $0x1  }
0x17: {  	s4 =	simm.s32 $0x1BF5;
	[smem:$0x3FB7] =	sst s0  }
0x18: {  	s0 =	sld [smem:$0x3F9A];
	_ =	swait.ge [sflag:s4], $0x0  }
0x19: {  	s7 =	sld [smem:$0x3F9B]  }
0x1a: {  	s8 =	sadd.s32 $0xFFFFE003, lr  }
0x1b: {  	s9 =	sadd.s32 $0xFFFFFEF7, lr;
	s5 =	simm.s32 $0xFFFFFFFF;
	p2 =	slt.u32 s8, $0xFFFFF086  }
0x1c: {  	p1 =	slt.u32 s9, $0xF7A;
	s5 =	simm.s32 @!p2 $0x0  }
0x1d: {  	s5 =	simm.s32 @p1 $0x1;
	p0 =	seq.s32 s7, s2  }
0x1e: {  	s7 =	smul.u32 @!p0 $0xF7A, s2;
	p2 =	seq.s32 @!p0 s5, $0x0  }
0x1f: {  	s9 =	smul.u32 $0xF7A, s1;
	s8 =	simm.s32 @!p0 $0x1BF5;
	p2 =	por !p2, p0  }
0x20: {  	[sflag:s8] =	ssyncset.s32 @!p0 $0xFFFFF086;
	s6 =	sadd.s32 @!p0 s3, s7;
	s7 =	simm.s32 @!p0 $0x108  }
0x21: {  	s3 =	sadd.s32 s3, s9;
	s6 =	sadd.s32 @!p0 $0x88, s6;
	s7 =	simm.s32 @p2 $0x1082  }
0x22: {  	[simem:s7], [sflag:s8] =	dma.local @!p0 [hbm:s6], $0xF7A  }
0x23: {  	s9 =	sor.u32 $0xD0000000, s2;
	s6 =	simm.s32 $0x108;
	_ =	swait.ge @!p0 [sflag:s8], $0x0  }
0x24: {  	s3 =	sadd.s32 $0x88, s3;
	s6 =	simm.s32 @!p1 $0x1082;
	[sflag:s4] =	ssyncset.s32 $0xFFFFF086  }
0x25: {  	[simem:s6], [sflag:s4] =	dma.local [hbm:s3], $0xF7A  }
0x26: {  	[smem:$0x3F9B] =	sst s1;
	(tag) =	ssettag s2;
	_ =	strace s9  }
0x27: {  	s1 =	sld [smem:$0x3FAB]  }
0x28: {  	s2 =	sld [smem:$0x3FAC]  }
0x29: {  	s4 =	sld [smem:$0x3FAE]  }
0x2a: {  	p0 =	seq.s32 s5, $0x0;
	s5 =	sld [smem:$0x3FAF]  }
0x2b: {  	s6 =	sld [smem:$0x3FB0]  }
0x2c: {  	s7 =	sld [smem:$0x3FB1]  }
0x2d: {  	s3 =	simm.s32 $0x108;
	s8 =	sld [smem:$0x3FB2]  }
0x2e: {  	s3 =	simm.s32 @!p0 $0x1082;
	s9 =	sld [smem:$0x3FB3]  }
0x2f: {  	lr =	sadd.s32 s0, s3;
	s0 =	sld [smem:$0x3FAA]  }
0x30: {  	s3 =	sld [smem:$0x3FAD]  }
0x31: {  	[smem:$0x3FB6] =	sst s10  }
0x32: {  	s10 =	sld [smem:$0x3FB4];
	_ =	sdelay $0x3  }
0x33: {  	p0 =	seq.s32 s10, $0x1;
	s10 =	sld [smem:$0x3FB6];
	_ =	sdelay $0x3  }
0x34: {  	[smem:$0x3FB6] =	sst s10  }
0x35: {  	s10 =	sld [smem:$0x3FB5];
	_ =	sdelay $0x3  }
0x36: {  	p1 =	seq.s32 s10, $0x1;
	s10 =	sld [smem:$0x3FB6];
	_ =	sdelay $0x3  }
0x37: {  	[smem:$0x3FB6] =	sst s10  }
0x38: {  	s10 =	sld [smem:$0x3FB7]  }
0x39: {  	_ = 	snop;
	(pc) =	sbr.ind lr, $3  }
0x3a: {  	_ = 	snop  }
0x3b: {  	_ = 	snop  }
0x3c: {  	p2 =	seq.s32 s10, $0x1;
	s10 =	sld [smem:$0x3FB6]  }
0x3d: {  	_ =	shalt  }
0x3e: {  	_ =	shalt  }
0x3f: {  	_ =	shalt  }
0x40: {  	_ =	shalt  }
0x41: {  	_ =	shalt  }
0x42: {  	_ =	shalt  }
0x43: {  	_ =	shalt  }
0x44: {  	_ =	shalt  }
0x45: {  	_ =	shalt  }
0x46: {  	_ =	shalt  }
0x47: {  	_ =	shalt  }
0x48: {  	_ =	shalt  }
0x49: {  	_ =	shalt  }
0x4a: {  	_ =	shalt  }
0x4b: {  	_ =	shalt  }
0x4c: {  	_ =	shalt  }
0x4d: {  	_ =	shalt  }
0x4e: {  	_ =	shalt  }
0x4f: {  	_ =	shalt  }
0x50: {  	_ =	shalt  }
0x51: {  	_ =	shalt  }
0x52: {  	_ =	shalt  }
0x53: {  	_ =	shalt  }
0x54: {  	_ =	shalt  }
0x55: {  	_ =	shalt  }
0x56: {  	_ =	shalt  }
0x57: {  	_ =	shalt  }
0x58: {  	_ =	shalt  }
0x59: {  	_ =	shalt  }
0x5a: {  	_ =	shalt  }
0x5b: {  	_ =	shalt  }
0x5c: {  	_ =	shalt  }
0x5d: {  	_ =	shalt  }
0x5e: {  	_ =	shalt  }
0x5f: {  	_ =	shalt  }
0x60: {  	_ =	shalt  }
0x61: {  	_ =	shalt  }
0x62: {  	_ =	shalt  }
0x63: {  	_ =	shalt  }
0x64: {  	_ =	shalt  }
0x65: {  	_ =	shalt  }
0x66: {  	_ =	shalt  }
0x67: {  	_ =	shalt  }
0x68: {  	_ =	shalt  }
0x69: {  	_ =	shalt  }
0x6a: {  	_ =	shalt  }
0x6b: {  	_ =	shalt  }
0x6c: {  	_ =	shalt  }
0x6d: {  	_ =	shalt  }
0x6e: {  	_ =	shalt  }
0x6f: {  	_ =	shalt  }
0x70: {  	_ =	shalt  }
0x71: {  	_ =	shalt  }
0x72: {  	_ =	shalt  }
0x73: {  	_ =	shalt  }
0x74: {  	_ =	shalt  }
0x75: {  	_ =	shalt  }
0x76: {  	_ =	shalt  }
0x77: {  	_ =	shalt  }
0x78: {  	_ =	shalt  }
0x79: {  	_ =	shalt  }
0x7a: {  	_ =	shalt  }
0x7b: {  	_ =	shalt  }
0x7c: {  	_ =	shalt  }
0x7d: {  	_ =	shalt  }
0x7e: {  	_ =	shalt  }
0x7f: {  	_ =	shalt  }
0x80: {  	_ =	shalt  }
0x81: {  	_ =	shalt  }
0x82: {  	_ =	shalt  }
0x83: {  	_ =	shalt  }
0x84: {  	_ =	shalt  }
0x85: {  	_ =	shalt  }
0x86: {  	_ =	shalt  }
0x87: {  	_ =	shalt  }
.Lfunc_end0:
.L_simem_size_0:
called_computation_lowered:
.L_overlay_start_0:
0x88: {  	s2 =	sld [smem:$0x3FD9]  }
0x89: {  	s3 =	sld [smem:$0x3FFE];
	_ =	sdelay $0x1  }
0x8a: {  	s1 =	srdreg.scid  }
0x8b: {  	s0 =	sand.u32 $0x1, s1  }
0x8c: {  	s17 =	sshll.u32 s0, $0xA;
	s2 =	sadd.s32 s3, s2  }
0x8d: {  	s2 =	sadd.s32 s2, s17  }
0x8e: {  	[smem:$0x3FC2] =	sst s2  }
0x8f: {  	_ = 	snop  }
0x90: {  	s2 =	sld [smem:$0x3FD0];
	(tm) =	ssettm $0x1  }
0x91: {  	s18 =	sld [smem:$0x3FFB];
	_ =	sdelay $0x3  }
0x92: {  	_ =	strace s18  }
0x93: {  	s3 =	sld [smem:$0x3FFC];
	_ =	sdelay $0x3  }
0x94: {  	_ =	strace s3  }
0x95: {  	s3 =	sld [smem:$0x3FFD];
	_ =	sdelay $0x3  }
0x96: {  	_ =	strace s3  }
0x97: {  	_ =	strace $0x8FFFFFFF  }
0x98: {  	s19 =	sld [smem:$0x3FDB];
	_ =	sdelay $0x1  }
0x99: {  	s4 =	simm.s32 $_scs_section_size  }
0x9a: {  	s5 =	simm.s32 $_size__tile_overlayer_lowered;
	s6 =	simm.s32 $_tile_overlayer_lowered  }
0x9b: {  	s22 =	simm.s32 $0x1BFF;
	s21 =	sshll.u32 s6, $0x1;
	s3 =	sadd.s32 s4, s19  }
0x9c: {  	s7 =	simm.s32 $0x0;
	s20 =	sshll.u32 s5, $0x1;
	s5 =	sadd.s32 s21, s3  }
0x9d: {  	[timem:s7], [sflag:s22] =	dma.local [hbm:s5], s20  }
0x9e: {  	_ =	swait.ge [sflag:s22], s20  }
0x9f: {  	s4 =	ssub.s32 $0x0, s20;
	[sflag:s22] =	ssyncset.done $0x0  }
0xa0: {  	[sflag:s22] =	ssyncadd.s32 s4;
	_ =	sdelay $0x1  }
0xa1: {  	s23 =	simm.s32 $0x1B8B  }
0xa2: {  	_ =	swait.ge [sflag:s23], $0x1  }
0xa3: {  	[sflag:s23] =	ssyncset.done $0x0  }
0xa4: {  	s25 =	simm.s32 $0x1B8E;
	s24 =	sld [smem:$0x3FFE];
	[sflag:s23] =	ssyncadd.s32 $0xFFFFFFFF  }
0xa5: {  	s26 =	simm.s32 $execute0_lowered;
	[smem:$0x3FD2] =	sst s25  }
0xa6: {  	s5 =	sshll.u32 s26, $0x1;
	_ =	strace $0x80000046;
	[dreg:$0x1] =	wrdreg $0xFFFFFFFF  }
0xa7: {  	s28 =	simm.s32 $_size_execute0_lowered;
	s3 =	sadd.s32 s3, s5;
	[dreg:$0x0] =	wrdreg $0x0  }
0xa8: {  	s5 =	sshll.u32 s28, $0x1;
	[dreg:$0x2] =	wrdreg s3  }
0xa9: {  	[dreg:$0x3] =	wrdreg s5  }
0xaa: {  	[dreg:$0x4] =	wrdreg $0xC0  }
0xab: {  	_ =	task [dreg:s7], $0x5FFFF  }
0xac: {  	[dreg:$0x1] =	wrdreg $0xFFFFFFFF  }
0xad: {  	[dreg:$0x0] =	wrdreg $0x60  }
0xae: {  	[dreg:$0x2] =	wrdreg s2  }
0xaf: {  	[dreg:$0x3] =	wrdreg s24  }
0xb0: {  	[dreg:$0x4] =	wrdreg $0x2B000  }
0xb1: {  	[dreg:$0x5] =	wrdreg $0x9  }
0xb2: {  	_ =	task.clear_ibuf [dreg:s7], $0x6FFFF;
	_ =	strace $0x90000046  }
0xb3: {  	s29 =	simm.s32 $0x9;
	_ =	strace $0x80000048  }
0xb4: {  	_ =	swait.ge [sflag:s29], $0x1  }
0xb5: {  	[sflag:s29] =	ssyncadd.s32 $0xFFFFFFFF  }
0xb6: {  	_ =	strace $0x90000048  }
0xb7: {  	_ =	sfence  }
0xb8: {  	s30 =	sld [smem:$0x0];
	_ =	sdelay $0x2  }
0xb9: {  	s31 =	sshll.u32 s1, $0xD;
	s1 =	sshrl.u32 s1, $0x2  }
0xba: {  	s3 =	sand.u32 $0x4000, s31;
	s1 =	sadd.s32 s1, s30  }
0xbb: {  	s0 =	sor.u32 s3, s0;
	s1 =	sshll.u32 s1, $0x11  }
0xbc: {  	s0 =	sor.u32 s1, s0  }
0xbd: {  	s0 =	sadd.s32 $0x8F2B, s0  }
0xbe: {  	[sflag:s0] =	ssyncadd.remote.s32 $0x1  }
0xbf: {  	_ =	sfence.sel $0xFFFF  }
0xc0: {  	[dreg:$0x0] =	wrdreg $0xFFFFFFFF;
	(pc) =	sbr.abs _section_cstart, $3  }
0xc1: {  	[dreg:$0x1] =	wrdreg $0xFFFFFFFF  }
0xc2: {  	_ =	task.clear_ibuf [dreg:s7], $0x2FFFF;
	_ =	strace $0x9FFFFFFF  }
0xc3: {  	(tm) =	ssettm $0x7FFFFFFF  }
tec
execute0_lowered:
.L_overlay_start_1:
0x0: {  	(tag) =	ssettag $0x1  }
0x1: {  	s5 =	rddreg [dreg:$0x0]  }
0x2: {  	s4 =	rddreg [dreg:$0x1];
	s1 =	srdreg.scid  }
0x3: {  	s0 =	stileid.u32;
	s2 =	rddreg [dreg:$0x2];
	s3 =	simm.s32 $0x0  }
0x4: {  	s11 =	simm.s32 $0x2800;
	s6 =	sand.u32 $0x1, s1;
	s1 =	rddreg [dreg:$0x3]  }
0x5: {  	s14 =	simm.s32 $0x0;
	s7 =	smul.u32 $0x280, s0;
	[smem:$0x7FF] =	sst s3  }
0x6: {  	s12 =	sshll.u32 s0, $0x6;
	s8 =	smul.u32 $0x2800, s6;
	s9 =	sshll.u32 s6, $0x4  }
0x7: {  	s6 =	ssub.s32 $0x2, s6;
	_ =	strace $0x80000047;
	s9 =	sor.u32 s0, s9  }
0x8: {  	s10 =	sshrl.u32 s6, $0x1;
	s8 =	sadd.s32 s7, s8;
	s9 =	smul.u32 $0x500, s9  }
0x9: {  	s12 =	sor.u32 $0x1C01, s12;
	s10 =	ssub.s32 s6, s10;
	s8 =	sshrl.u32 s8, $0x3  }
0xa: {  	s8 =	sadd.s32 s8, s4;
	s4 =	sadd.s32 s7, s2;
	s5 =	sadd.s32 s5, s9  }
0xb: {  	s7 =	smax.u32 s10, $0x1;
	s9 =	simm.s32 $0x1;
	s10 =	simm.s32 $0x80  }
0xc: {  	v0 =	vimm.f32 $0.0e+00;
	v1 =	vimm.f32 $1.000000000e+00;
	s6 =	sadd.s32 $0x2600, s8;
	s8 =	simm.s32 $0x2880;
	s13 =	sshrl.u32 s4, $0x3  }
.LBB2_1:
0xd: {  	[tilespmem:$0x2880] =	vst v0  }
0xe: {  	[tilespmem:$0x2890] =	vst v0  }
0xf: {  	[tilespmem:$0x28A0] =	vst v0  }
0x10: {  	[tilespmem:$0x28B0] =	vst v0  }
0x11: {  	[tilespmem:$0x28C0] =	vst v0  }
0x12: {  	[tilespmem:$0x28D0] =	vst v0  }
0x13: {  	[tilespmem:$0x28E0] =	vst v0  }
0x14: {  	[tilespmem:$0x28F0] =	vst v0  }
0x15: {  	[tilespmem:$0x2900] =	vst v0  }
0x16: {  	[tilespmem:$0x2910] =	vst v0  }
0x17: {  	[tilespmem:$0x2920] =	vst v0  }
0x18: {  	[tilespmem:$0x2930] =	vst v0  }
0x19: {  	[tilespmem:$0x2940] =	vst v0  }
0x1a: {  	[tilespmem:$0x2950] =	vst v0  }
0x1b: {  	[tilespmem:$0x2960] =	vst v0  }
0x1c: {  	[tilespmem:$0x2970] =	vst v0  }
0x1d: {  	[tilespmem:$0x2980] =	vst v0  }
0x1e: {  	[tilespmem:$0x2990] =	vst v0  }
0x1f: {  	[tilespmem:$0x29A0] =	vst v0  }
0x20: {  	[tilespmem:$0x29B0] =	vst v0  }
0x21: {  	[tilespmem:$0x29C0] =	vst v0  }
0x22: {  	[tilespmem:$0x29D0] =	vst v0  }
0x23: {  	[tilespmem:$0x29E0] =	vst v0  }
0x24: {  	[tilespmem:$0x29F0] =	vst v0  }
0x25: {  	[tilespmem:$0x2A00] =	vst v0  }
0x26: {  	[tilespmem:$0x2A10] =	vst v0  }
0x27: {  	[tilespmem:$0x2A20] =	vst v0  }
0x28: {  	[tilespmem:$0x2A30] =	vst v0  }
0x29: {  	[tilespmem:$0x2A40] =	vst v0  }
0x2a: {  	[tilespmem:$0x2A50] =	vst v0  }
0x2b: {  	[tilespmem:$0x2A60] =	vst v0  }
0x2c: {  	[tilespmem:$0x2A70] =	vst v0  }
0x2d: {  	[tilespmem:$0x2A80] =	vst v0  }
0x2e: {  	[tilespmem:$0x2A90] =	vst v0  }
0x2f: {  	[tilespmem:$0x2AA0] =	vst v0  }
0x30: {  	[tilespmem:$0x2AB0] =	vst v0  }
0x31: {  	[tilespmem:$0x2AC0] =	vst v0  }
0x32: {  	[tilespmem:$0x2AD0] =	vst v0  }
0x33: {  	[tilespmem:$0x2AE0] =	vst v0  }
0x34: {  	[tilespmem:$0x2AF0] =	vst v0  }
0x35: {  	[tilespmem:$0x2800] =	vst v1  }
0x36: {  	[tilespmem:$0x2810] =	vst v1  }
0x37: {  	[tilespmem:$0x2820] =	vst v1  }
0x38: {  	[tilespmem:$0x2830] =	vst v1  }
0x39: {  	[tilespmem:$0x2840] =	vst v1  }
0x3a: {  	[tilespmem:$0x2850] =	vst v1  }
0x3b: {  	[tilespmem:$0x2860] =	vst v1  }
0x3c: {  	[tilespmem:$0x2870] =	vst v1  }
0x3d: {  	[spmem:s4] =	stream.linear.scatter [tilespmem:s8], [sflag:$0x1], $0x280, $0x38;
	[tilespmem:$0x2D80] =	vst v63  }
0x3e: {  	_ =	swait.ge [sflag:s9], $0x280  }
0x3f: {  	[sflag:s9] =	ssyncset.done $0x0  }
0x40: {  	[sflag:s9] =	ssyncadd.s32 $0xFFFFFD80  }
0x41: {  	[bflag:$0x0] =	sbarrier.arrive $0xFFFF  }
0x42: {  	[tilespmem:s3], [sflag:$0x1] =	stream.linear.gather [hbm4b:s5+s3], $0x2800, $0x38;
	[tilespmem:$0x2D80] =	vst v63  }
0x43: {  	_ =	swait.ge [sflag:s9], $0x2800  }
0x44: {  	[sflag:s9] =	ssyncset.done $0x0  }
0x45: {  	s15 =	simm.s32 $0x0;
	[sflag:s9] =	ssyncadd.s32 $0xFFFFD800  }
0x46: {  	[spmem:s2] =	stream.indirect.scatter.add.f32 [tilespmem:s11], [sflag:$0x1], $0x1, s15, s10, $0xb8;
	[tilespmem:$0x2D80] =	vst v63  }
0x47: {  	_ =	swait.ge [sflag:s9], $0x80  }
0x48: {  	s15 =	simm.s32 $0x200;
	[sflag:s9] =	ssyncset.done $0x0  }
.LBB2_2:
0x49: {  	s16 =	sshra.s32 s15, $0x2;
	[sflag:s9] =	ssyncadd.s32 $0xFFFFFF80;
	p0 =	sne.s32 s15, $0x9E00  }
0x4a: {  	[spmem:s2] =	stream.indirect.scatter.add.f32 [tilespmem:s11], [sflag:$0x1], $0x1, s16, s10, $0xb8;
	[tilespmem:$0x2D80] =	vst v63  }
.Ltmp0:
0x4b: {  	_ = 	snop;
	(pc) =	sbr.rel @p0 .LBB2_2-.Ltmp0, $4  }
0x4c: {  	_ = 	snop  }
0x4d: {  	s15 =	sadd.s32 $0x200, s15  }
0x4e: {  	_ =	swait.ge [sflag:s9], $0x80  }
0x4f: {  	[sflag:s9] =	ssyncset.done $0x0  }
0x50: {  	s14 =	sadd.s32 $0x1, s14  }
0x51: {  	[sflag:s9] =	ssyncadd.s32 $0xFFFFFF80;
	p0 =	sne.s32 s14, s7  }
.Ltmp1:
0x52: {  	[bflag:$0x0] =	sbarrier.arrive $0xFFFF;
	(pc) =	sbr.rel @p0 .LBB2_1-.Ltmp1, $4  }
0x53: {  	[hbm:s6], [sflag:s12] =	dma.local [spmem:s13], $0x50  }
0x54: {  	_ =	swait.ge [sflag:s9], $0x50  }
0x55: {  	[sflag:s9] =	ssyncset.done $0x0  }
0x56: {  	[sflag:s9] =	ssyncadd.s32 $0xFFFFFFB0  }
0x57: {  	_ =	sfence.sel $0x180000  }
0x58: {  	[bflag:$0x0] =	sbarrier.arrive $0xFFFF  }
0x59: {  	p0 =	sne.s32 s0, $0x0;
	_ =	strace $0x90000047  }
0x5a: {  	s0 =	sadd.s32 @!p0 $0x100000, s1;
	[bflag:$0x2] =	sbarrier.arrive $0xFFFF  }
0x5b: {  	[sflag:s0] =	ssyncadd.tile.s32 @!p0 $0x1;
	_ =	shalt  }
.Lfunc_end2:
_tile_overlayer_lowered:
.L_overlay_start_2:
0x5c: {  	(tag) =	ssettag $0x2  }
0x5d: {  	s0 =	rddreg [dreg:$0x0];
	s2 =	stileid.u32  }
0x5e: {  	s1 =	rddreg [dreg:$0x1];
	p0 =	sne.s32 s2, $0x0  }
0x5f: {  	s3 =	rddreg [dreg:$0x2];
	[bflag:$0x3] =	sbarrier.arrive $0xFFFF;
	s2 =	simm.s32 @!p0 $0x1C01  }
0x60: {  	[timem:s3], [sflag:s2] =	dma.local @!p0 [hbm:s0], s1  }
0x61: {  	s0 =	simm.s32 @!p0 $0x1  }
0x62: {  	_ =	swait.ge @!p0 [sflag:s0], s1  }
0x63: {  	s1 =	ssub.s32 @!p0 $0x0, s1;
	[sflag:s0] =	ssyncset.done @!p0 $0x0  }
0x64: {  	[sflag:s0] =	ssyncadd.s32 @!p0 s1  }
0x65: {  	[bflag:$0x3] =	sbarrier.arrive $0xFFFF  }
0x66: {  	_ =	shalt  }

</sc_bundles>
